<compile_context>
chip_gen: v7x
topology: tpu7x:2x2x1
jax: 0.10.2.dev20260603
libtpu: 0.0.44.dev20260713+nightly
codegen_flags: <defaults>
</compile_context>

<pallas_src>
import functools
import jax
import jax.numpy as jnp
from jax import lax
from jax.experimental import pallas as pl
from jax.experimental.pallas import tpu as pltpu
from jax.experimental.pallas import tpu_sc as plsc

HIDDEN = 2048
NUM_EXPERTS = 8
ROWS_BLK = 1024
N_TOK = 8192


def _stats_kernel(x_ref, wr_ref, br_ref, lt_ref, s_ref):
    i = pl.program_id(0)
    xb = x_ref[...]
    logits = jax.lax.dot_general(
        xb, wr_ref[...], (((1,), (0,)), ((), ())),
        preferred_element_type=jnp.float32,
    ) + br_ref[...]
    lt_ref[...] = jnp.transpose(logits)

    part = jnp.sum(xb, axis=0, keepdims=True)

    @pl.when(i == 0)
    def _():
        s_ref[...] = part

    @pl.when(i != 0)
    def _():
        s_ref[...] += part


def _make_sc_router():
    info = plsc.get_sparse_core_info()
    nc, ns, nl = info.num_cores, info.num_subcores, info.num_lanes
    nw = nc * ns
    tok_per_w = N_TOK // nw

    mesh = plsc.VectorSubcoreMesh(core_axis_name="c", subcore_axis_name="s")

    @functools.partial(
        pl.kernel, mesh=mesh,
        out_type=jax.ShapeDtypeStruct((N_TOK,), jnp.float32),
        scratch_types=[
            pltpu.VMEM((NUM_EXPERTS, tok_per_w), jnp.float32),
            pltpu.VMEM((tok_per_w,), jnp.float32),
        ],
    )
    def sc_router(lt_hbm, g_hbm, lt_v, g_v):
        wid = lax.axis_index("s") * nc + lax.axis_index("c")
        base = wid * tok_per_w
        pltpu.sync_copy(lt_hbm.at[:, pl.ds(base, tok_per_w)], lt_v)
        for c in range(tok_per_w // nl):
            sl = pl.ds(c * nl, nl)
            vs = [lt_v[e, sl] for e in range(NUM_EXPERTS)]
            m1 = vs[0]
            for e in range(1, NUM_EXPERTS):
                m1 = jnp.maximum(m1, vs[e])
            l2 = jnp.full((nl,), -1e30, jnp.float32)
            free = jnp.full((nl,), 1.0, jnp.float32)
            den = jnp.zeros((nl,), jnp.float32)
            for e in range(NUM_EXPERTS):
                d = vs[e] - m1
                den = den + jnp.exp(d)
                eqf = jnp.where(d >= 0.0, 1.0, 0.0)
                is_first = eqf * free
                free = free - is_first
                l2 = jnp.maximum(l2, d - is_first * 1e30)
            g_v[sl] = (1.0 + jnp.exp(l2)) / den
        pltpu.sync_copy(g_v, g_hbm.at[pl.ds(base, tok_per_w)])

    return sc_router


_sc_router = _make_sc_router()


def _write_kernel(g_ref, we_ref, be_ref, s_ref, y_ref, v_scr):
    i = pl.program_id(0)

    @pl.when(i == 0)
    def _():
        s_col = jnp.transpose(s_ref[...])
        v_scr[...] = jnp.sum(we_ref[...] * s_col, axis=0, keepdims=True) \
            + float(NUM_EXPERTS) * be_ref[...]

    y_ref[...] = g_ref[...] * v_scr[...]


def kernel(x, Wr, br, We, be):
    b, seq, h = x.shape
    n = b * seq
    xf = x.reshape(n, h)
    nblk = n // ROWS_BLK

    lt, s = pl.pallas_call(
        _stats_kernel,
        grid=(nblk,),
        in_specs=[
            pl.BlockSpec((ROWS_BLK, h), lambda i: (i, 0)),
            pl.BlockSpec((h, NUM_EXPERTS), lambda i: (0, 0)),
            pl.BlockSpec((1, NUM_EXPERTS), lambda i: (0, 0)),
        ],
        out_specs=[
            pl.BlockSpec((NUM_EXPERTS, ROWS_BLK), lambda i: (0, i)),
            pl.BlockSpec((1, h), lambda i: (0, 0)),
        ],
        out_shape=[
            jax.ShapeDtypeStruct((NUM_EXPERTS, n), jnp.float32),
            jax.ShapeDtypeStruct((1, h), jnp.float32),
        ],
    )(xf, Wr, br.reshape(1, NUM_EXPERTS))

    g = _sc_router(lt).reshape(n, 1)

    y = pl.pallas_call(
        _write_kernel,
        grid=(nblk,),
        in_specs=[
            pl.BlockSpec((ROWS_BLK, 1), lambda i: (i, 0)),
            pl.BlockSpec((h, h), lambda i: (0, 0)),
            pl.BlockSpec((1, h), lambda i: (0, 0)),
            pl.BlockSpec((1, h), lambda i: (0, 0)),
        ],
        out_specs=pl.BlockSpec((ROWS_BLK, h), lambda i: (i, 0)),
        out_shape=jax.ShapeDtypeStruct((n, h), jnp.float32),
        scratch_shapes=[pltpu.VMEM((1, h), jnp.float32)],
    )(g, We, be.reshape(1, h), s)

    return y.reshape(b, seq, h)

# --- scband reference (transcript-rebuilt; emitter-appended) ---
"""Pipeline reference for scband-expert-ffn-68384469286912 (READ-ONLY COPY).

The authoritative reference and input builder live on the scoring server;
editing this copy changes nothing except your own understanding.
"""

import jax, jax.numpy as jnp
import numpy as np

HIDDEN = 2048
NUM_EXPERTS = 8
TOPK = 2
BATCH = 4
SEQ = 2048


def setup_inputs(seed: int = 0) -> dict:
    key = jax.random.key(seed)
    k1, k2, k3, k4 = jax.random.split(key, 4)
    x = jax.random.normal(k1, (BATCH, SEQ, HIDDEN), dtype=jnp.float32)
    Wr = jax.random.normal(k2, (HIDDEN, NUM_EXPERTS), dtype=jnp.float32) * (1.0 / np.sqrt(HIDDEN))
    br = jnp.zeros((NUM_EXPERTS,), dtype=jnp.float32)
    # NOTE: the torch module builds ModuleList([expert for _ in range(num_experts)])
    # with the SAME module instance, so all experts share one set of weights.
    We = jax.random.normal(k3, (HIDDEN, HIDDEN), dtype=jnp.float32) * (1.0 / np.sqrt(HIDDEN))
    be = jax.random.normal(k4, (HIDDEN,), dtype=jnp.float32) * 0.01
    return {"x": x, "Wr": Wr, "br": br, "We": We, "be": be}


def reference(x, Wr, br, We, be):
    b = x.shape[0]
    hdim = x.shape[-1]
    xf = x.reshape(-1, hdim)                      # (b s) h
    logits = xf @ Wr + br                         # bs E
    S = jax.nn.softmax(logits, axis=-1)
    G, chosen_expert_index = jax.lax.top_k(S, TOPK)  # bs k, bs k
    P = jax.nn.one_hot(chosen_expert_index, NUM_EXPERTS, dtype=xf.dtype)  # bs k E
    expert_results = []
    for expert_num in range(NUM_EXPERTS):
        P_expert = P[..., expert_num]                           # bs k
        tokens_for_expert = jnp.einsum('bk,bh->kh', P_expert, xf)  # k h
        E_out = tokens_for_expert @ We + be                     # k h (shared expert weights)
        x_out = jnp.einsum('bk,kh->bh', G, E_out)               # bs h
        expert_results.append(x_out)
    expert_results_stack = jnp.stack(expert_results, axis=0)
    y = jnp.sum(expert_results_stack, axis=0)
    return y.reshape(b, SEQ, hdim)

if __name__ == "__main__":
    import jax
    _d = setup_inputs()
    print(jax.jit(kernel)(*tuple(_d.values())))

</pallas_src>

<mosaic_0001>
#map = affine_map<(d0, d1) -> (0, 0)>
#map1 = affine_map<(d0, d1) -> (0)>
module attributes {stable_mosaic.version = 14 : i64} {
  func.func @sc_router(%arg0: i32, %arg1: i32, %arg2: memref<8x8192xf32, #tpu.memory_space<hbm>>, %arg3: memref<8192xf32, #tpu.memory_space<hbm>>, %arg4: memref<8x256xf32, #tpu.memory_space<vmem>>, %arg5: memref<256xf32, #tpu.memory_space<vmem>>) attributes {dimension_semantics = [#tpu.dimension_semantics<core_parallel>, #tpu.dimension_semantics<subcore_parallel>], iteration_bounds = array<i64: 2, 16>, scalar_prefetch = 0 : i64, scratch_operands = 2 : i64, tpu.core_type = #tpu.core_type<sc_vector_subcore>, window_params = [{transform_indices = #map}, {transform_indices = #map1}]} {
    %mul3A = arith.constant 2 : i32
    %mul3A_0 = arith.muli %arg1, %mul3A : i32
    %add3A = arith.addi %mul3A_0, %arg0 : i32
    %mul3A_1 = arith.constant 256 : i32
    %mul3A_2 = arith.muli %add3A, %mul3A_1 : i32
    "tpu.region"() ({
      %run_scoped3A = tpu.sem_alloc : memref<!tpu.dma_semaphore, #tpu.memory_space<semaphore_mem>>
      %dma_start3A = arith.constant 0 : i32
      %dma_start3A_3289 = tpu.memref_slice %arg2[%dma_start3A, %mul3A_2] : memref<8x8192xf32, #tpu.memory_space<hbm>> -> memref<8x256xf32, #tpu.memory_space<hbm>>
      %dma_start3A_3290 = arith.constant 0 : i32
      %dma_start3A_3291 = tpu.memref_slice %arg2[%dma_start3A_3290, %mul3A_2] : memref<8x8192xf32, #tpu.memory_space<hbm>> -> memref<8x256xf32, #tpu.memory_space<hbm>>
      tpu.enqueue_dma source(%dma_start3A_3291 : memref<8x256xf32, #tpu.memory_space<hbm>>) target(%arg4 : memref<8x256xf32, #tpu.memory_space<vmem>>) target_semaphore(%run_scoped3A : memref<!tpu.dma_semaphore, #tpu.memory_space<semaphore_mem>>)
      %dma_wait3A = arith.constant 0 : i32
      %dma_wait3A_3292 = tpu.memref_slice %arg2[%dma_wait3A, %mul3A_2] : memref<8x8192xf32, #tpu.memory_space<hbm>> -> memref<8x256xf32, #tpu.memory_space<hbm>>
      %dma_wait3A_3293 = arith.constant 0 : i32
      %dma_wait3A_3294 = tpu.memref_slice %arg2[%dma_wait3A_3293, %mul3A_2] : memref<8x8192xf32, #tpu.memory_space<hbm>> -> memref<8x256xf32, #tpu.memory_space<hbm>>
      tpu.wait_dma2 semaphore(%run_scoped3A : memref<!tpu.dma_semaphore, #tpu.memory_space<semaphore_mem>>) src(%dma_wait3A_3294 : memref<8x256xf32, #tpu.memory_space<hbm>>) dst(%arg4 : memref<8x256xf32, #tpu.memory_space<vmem>>)
      tpu.yield
    }) : () -> ()
    %get3A = arith.constant 0 : i32
    %get3A_3 = arith.index_cast %get3A : i32 to index
    %get3A_4 = arith.constant 0 : index
    %get3A_5 = tpu.vector_load %arg4[%get3A_3, %get3A_4] {strides = array<i32>} : memref<8x256xf32, #tpu.memory_space<vmem>>, vector<1x16xf32>,
    %get3A_6 = vector.shape_cast %get3A_5 : vector<1x16xf32> to vector<16xf32>
    %get3A_7 = arith.constant 1 : i32
    %get3A_8 = arith.index_cast %get3A_7 : i32 to index
    %get3A_9 = arith.constant 0 : index
    %get3A_10 = tpu.vector_load %arg4[%get3A_8, %get3A_9] {strides = array<i32>} : memref<8x256xf32, #tpu.memory_space<vmem>>, vector<1x16xf32>,
    %get3A_11 = vector.shape_cast %get3A_10 : vector<1x16xf32> to vector<16xf32>
    %get3A_12 = arith.constant 2 : i32
    %get3A_13 = arith.index_cast %get3A_12 : i32 to index
    %get3A_14 = arith.constant 0 : index
    %get3A_15 = tpu.vector_load %arg4[%get3A_13, %get3A_14] {strides = array<i32>} : memref<8x256xf32, #tpu.memory_space<vmem>>, vector<1x16xf32>,
    %get3A_16 = vector.shape_cast %get3A_15 : vector<1x16xf32> to vector<16xf32>
    %get3A_17 = arith.constant 3 : i32
    %get3A_18 = arith.index_cast %get3A_17 : i32 to index
    %get3A_19 = arith.constant 0 : index
    %get3A_20 = tpu.vector_load %arg4[%get3A_18, %get3A_19] {strides = array<i32>} : memref<8x256xf32, #tpu.memory_space<vmem>>, vector<1x16xf32>,
    %get3A_21 = vector.shape_cast %get3A_20 : vector<1x16xf32> to vector<16xf32>
    %get3A_22 = arith.constant 4 : i32
    %get3A_23 = arith.index_cast %get3A_22 : i32 to index
    %get3A_24 = arith.constant 0 : index
    %get3A_25 = tpu.vector_load %arg4[%get3A_23, %get3A_24] {strides = array<i32>} : memref<8x256xf32, #tpu.memory_space<vmem>>, vector<1x16xf32>,
    %get3A_26 = vector.shape_cast %get3A_25 : vector<1x16xf32> to vector<16xf32>
    %get3A_27 = arith.constant 5 : i32
    %get3A_28 = arith.index_cast %get3A_27 : i32 to index
    %get3A_29 = arith.constant 0 : index
    %get3A_30 = tpu.vector_load %arg4[%get3A_28, %get3A_29] {strides = array<i32>} : memref<8x256xf32, #tpu.memory_space<vmem>>, vector<1x16xf32>,
    %get3A_31 = vector.shape_cast %get3A_30 : vector<1x16xf32> to vector<16xf32>
    %get3A_32 = arith.constant 6 : i32
    %get3A_33 = arith.index_cast %get3A_32 : i32 to index
    %get3A_34 = arith.constant 0 : index
    %get3A_35 = tpu.vector_load %arg4[%get3A_33, %get3A_34] {strides = array<i32>} : memref<8x256xf32, #tpu.memory_space<vmem>>, vector<1x16xf32>,
    %get3A_36 = vector.shape_cast %get3A_35 : vector<1x16xf32> to vector<16xf32>
    %get3A_37 = arith.constant 7 : i32
    %get3A_38 = arith.index_cast %get3A_37 : i32 to index
    %get3A_39 = arith.constant 0 : index
    %get3A_40 = tpu.vector_load %arg4[%get3A_38, %get3A_39] {strides = array<i32>} : memref<8x256xf32, #tpu.memory_space<vmem>>, vector<1x16xf32>,
    %get3A_41 = vector.shape_cast %get3A_40 : vector<1x16xf32> to vector<16xf32>
    %max3A = arith.maximumf %get3A_6, %get3A_11 : vector<16xf32>
    %max3A_42 = arith.maximumf %max3A, %get3A_16 : vector<16xf32>
    %max3A_43 = arith.maximumf %max3A_42, %get3A_21 : vector<16xf32>
    %max3A_44 = arith.maximumf %max3A_43, %get3A_26 : vector<16xf32>
    %max3A_45 = arith.maximumf %max3A_44, %get3A_31 : vector<16xf32>
    %max3A_46 = arith.maximumf %max3A_45, %get3A_36 : vector<16xf32>
    %max3A_47 = arith.maximumf %max3A_46, %get3A_41 : vector<16xf32>
    %broadcast_in_dim3A = arith.constant -1.000000e+30 : f32
    %broadcast_in_dim3A_48 = vector.broadcast %broadcast_in_dim3A : f32 to vector<16xf32>
    %broadcast_in_dim3A_49 = arith.constant 1.000000e+00 : f32
    %broadcast_in_dim3A_50 = vector.broadcast %broadcast_in_dim3A_49 : f32 to vector<16xf32>
    %broadcast_in_dim3A_51 = arith.constant 0.000000e+00 : f32
    %broadcast_in_dim3A_52 = vector.broadcast %broadcast_in_dim3A_51 : f32 to vector<16xf32>
    %sub3A = arith.subf %get3A_6, %max3A_47 : vector<16xf32>
    %exp3A = math.exp %sub3A : vector<16xf32>
    %add3A_53 = arith.addf %broadcast_in_dim3A_52, %exp3A : vector<16xf32>
    %ge3A = arith.constant 0.000000e+00 : f32
    %ge3A_54 = vector.broadcast %ge3A : f32 to vector<16xf32>
    %ge3A_55 = arith.cmpf oge, %sub3A, %ge3A_54 : vector<16xf32>
    %jit3A = arith.constant 1.000000e+00 : f32
    %jit3A_56 = arith.constant 0.000000e+00 : f32
    %broadcast_in_dim3A_57 = vector.broadcast %jit3A : f32 to vector<16xf32>
    %broadcast_in_dim3A_58 = vector.broadcast %jit3A_56 : f32 to vector<16xf32>
    %select_n3A = arith.select %ge3A_55, %broadcast_in_dim3A_57, %broadcast_in_dim3A_58 : vector<16xi1>, vector<16xf32>
    %mul3A_59 = arith.mulf %select_n3A, %broadcast_in_dim3A_50 : vector<16xf32>
    %sub3A_60 = arith.subf %broadcast_in_dim3A_50, %mul3A_59 : vector<16xf32>
    %mul3A_61 = arith.constant 1.000000e+30 : f32
    %mul3A_62 = vector.broadcast %mul3A_61 : f32 to vector<16xf32>
    %mul3A_63 = arith.mulf %mul3A_59, %mul3A_62 : vector<16xf32>
    %sub3A_64 = arith.subf %sub3A, %mul3A_63 : vector<16xf32>
    %max3A_65 = arith.maximumf %broadcast_in_dim3A_48, %sub3A_64 : vector<16xf32>
    %sub3A_66 = arith.subf %get3A_11, %max3A_47 : vector<16xf32>
    %exp3A_67 = math.exp %sub3A_66 : vector<16xf32>
    %add3A_68 = arith.addf %add3A_53, %exp3A_67 : vector<16xf32>
    %ge3A_69 = arith.constant 0.000000e+00 : f32
    %ge3A_70 = vector.broadcast %ge3A_69 : f32 to vector<16xf32>
    %ge3A_71 = arith.cmpf oge, %sub3A_66, %ge3A_70 : vector<16xf32>
    %jit3A_72 = arith.constant 1.000000e+00 : f32
    %jit3A_73 = arith.constant 0.000000e+00 : f32
    %broadcast_in_dim3A_74 = vector.broadcast %jit3A_72 : f32 to vector<16xf32>
    %broadcast_in_dim3A_75 = vector.broadcast %jit3A_73 : f32 to vector<16xf32>
    %select_n3A_76 = arith.select %ge3A_71, %broadcast_in_dim3A_74, %broadcast_in_dim3A_75 : vector<16xi1>, vector<16xf32>
    %mul3A_77 = arith.mulf %select_n3A_76, %sub3A_60 : vector<16xf32>
    %sub3A_78 = arith.subf %sub3A_60, %mul3A_77 : vector<16xf32>
    %mul3A_79 = arith.constant 1.000000e+30 : f32
    %mul3A_80 = vector.broadcast %mul3A_79 : f32 to vector<16xf32>
    %mul3A_81 = arith.mulf %mul3A_77, %mul3A_80 : vector<16xf32>
    %sub3A_82 = arith.subf %sub3A_66, %mul3A_81 : vector<16xf32>
    %max3A_83 = arith.maximumf %max3A_65, %sub3A_82 : vector<16xf32>
    %sub3A_84 = arith.subf %get3A_16, %max3A_47 : vector<16xf32>
    %exp3A_85 = math.exp %sub3A_84 : vector<16xf32>
    %add3A_86 = arith.addf %add3A_68, %exp3A_85 : vector<16xf32>
    %ge3A_87 = arith.constant 0.000000e+00 : f32
    %ge3A_88 = vector.broadcast %ge3A_87 : f32 to vector<16xf32>
    %ge3A_89 = arith.cmpf oge, %sub3A_84, %ge3A_88 : vector<16xf32>
    %jit3A_90 = arith.constant 1.000000e+00 : f32
    %jit3A_91 = arith.constant 0.000000e+00 : f32
    %broadcast_in_dim3A_92 = vector.broadcast %jit3A_90 : f32 to vector<16xf32>
    %broadcast_in_dim3A_93 = vector.broadcast %jit3A_91 : f32 to vector<16xf32>
    %select_n3A_94 = arith.select %ge3A_89, %broadcast_in_dim3A_92, %broadcast_in_dim3A_93 : vector<16xi1>, vector<16xf32>
    %mul3A_95 = arith.mulf %select_n3A_94, %sub3A_78 : vector<16xf32>
    %sub3A_96 = arith.subf %sub3A_78, %mul3A_95 : vector<16xf32>
    %mul3A_97 = arith.constant 1.000000e+30 : f32
    %mul3A_98 = vector.broadcast %mul3A_97 : f32 to vector<16xf32>
    %mul3A_99 = arith.mulf %mul3A_95, %mul3A_98 : vector<16xf32>
    %sub3A_100 = arith.subf %sub3A_84, %mul3A_99 : vector<16xf32>
    %max3A_101 = arith.maximumf %max3A_83, %sub3A_100 : vector<16xf32>
    %sub3A_102 = arith.subf %get3A_21, %max3A_47 : vector<16xf32>
    %exp3A_103 = math.exp %sub3A_102 : vector<16xf32>
    %add3A_104 = arith.addf %add3A_86, %exp3A_103 : vector<16xf32>
    %ge3A_105 = arith.constant 0.000000e+00 : f32
    %ge3A_106 = vector.broadcast %ge3A_105 : f32 to vector<16xf32>
    %ge3A_107 = arith.cmpf oge, %sub3A_102, %ge3A_106 : vector<16xf32>
    %jit3A_108 = arith.constant 1.000000e+00 : f32
    %jit3A_109 = arith.constant 0.000000e+00 : f32
    %broadcast_in_dim3A_110 = vector.broadcast %jit3A_108 : f32 to vector<16xf32>
    %broadcast_in_dim3A_111 = vector.broadcast %jit3A_109 : f32 to vector<16xf32>
    %select_n3A_112 = arith.select %ge3A_107, %broadcast_in_dim3A_110, %broadcast_in_dim3A_111 : vector<16xi1>, vector<16xf32>
    %mul3A_113 = arith.mulf %select_n3A_112, %sub3A_96 : vector<16xf32>
    %sub3A_114 = arith.subf %sub3A_96, %mul3A_113 : vector<16xf32>
    %mul3A_115 = arith.constant 1.000000e+30 : f32
    %mul3A_116 = vector.broadcast %mul3A_115 : f32 to vector<16xf32>
    %mul3A_117 = arith.mulf %mul3A_113, %mul3A_116 : vector<16xf32>
    %sub3A_118 = arith.subf %sub3A_102, %mul3A_117 : vector<16xf32>
    %max3A_119 = arith.maximumf %max3A_101, %sub3A_118 : vector<16xf32>
    %sub3A_120 = arith.subf %get3A_26, %max3A_47 : vector<16xf32>
    %exp3A_121 = math.exp %sub3A_120 : vector<16xf32>
    %add3A_122 = arith.addf %add3A_104, %exp3A_121 : vector<16xf32>
    %ge3A_123 = arith.constant 0.000000e+00 : f32
    %ge3A_124 = vector.broadcast %ge3A_123 : f32 to vector<16xf32>
    %ge3A_125 = arith.cmpf oge, %sub3A_120, %ge3A_124 : vector<16xf32>
    %jit3A_126 = arith.constant 1.000000e+00 : f32
    %jit3A_127 = arith.constant 0.000000e+00 : f32
    %broadcast_in_dim3A_128 = vector.broadcast %jit3A_126 : f32 to vector<16xf32>
    %broadcast_in_dim3A_129 = vector.broadcast %jit3A_127 : f32 to vector<16xf32>
    %select_n3A_130 = arith.select %ge3A_125, %broadcast_in_dim3A_128, %broadcast_in_dim3A_129 : vector<16xi1>, vector<16xf32>
    %mul3A_131 = arith.mulf %select_n3A_130, %sub3A_114 : vector<16xf32>
    %sub3A_132 = arith.subf %sub3A_114, %mul3A_131 : vector<16xf32>
    %mul3A_133 = arith.constant 1.000000e+30 : f32
    %mul3A_134 = vector.broadcast %mul3A_133 : f32 to vector<16xf32>
    %mul3A_135 = arith.mulf %mul3A_131, %mul3A_134 : vector<16xf32>
    %sub3A_136 = arith.subf %sub3A_120, %mul3A_135 : vector<16xf32>
    %max3A_137 = arith.maximumf %max3A_119, %sub3A_136 : vector<16xf32>
    %sub3A_138 = arith.subf %get3A_31, %max3A_47 : vector<16xf32>
    %exp3A_139 = math.exp %sub3A_138 : vector<16xf32>
    %add3A_140 = arith.addf %add3A_122, %exp3A_139 : vector<16xf32>
    %ge3A_141 = arith.constant 0.000000e+00 : f32
    %ge3A_142 = vector.broadcast %ge3A_141 : f32 to vector<16xf32>
    %ge3A_143 = arith.cmpf oge, %sub3A_138, %ge3A_142 : vector<16xf32>
    %jit3A_144 = arith.constant 1.000000e+00 : f32
    %jit3A_145 = arith.constant 0.000000e+00 : f32
    %broadcast_in_dim3A_146 = vector.broadcast %jit3A_144 : f32 to vector<16xf32>
    %broadcast_in_dim3A_147 = vector.broadcast %jit3A_145 : f32 to vector<16xf32>
    %select_n3A_148 = arith.select %ge3A_143, %broadcast_in_dim3A_146, %broadcast_in_dim3A_147 : vector<16xi1>, vector<16xf32>
    %mul3A_149 = arith.mulf %select_n3A_148, %sub3A_132 : vector<16xf32>
    %sub3A_150 = arith.subf %sub3A_132, %mul3A_149 : vector<16xf32>
    %mul3A_151 = arith.constant 1.000000e+30 : f32
    %mul3A_152 = vector.broadcast %mul3A_151 : f32 to vector<16xf32>
    %mul3A_153 = arith.mulf %mul3A_149, %mul3A_152 : vector<16xf32>
    %sub3A_154 = arith.subf %sub3A_138, %mul3A_153 : vector<16xf32>
    %max3A_155 = arith.maximumf %max3A_137, %sub3A_154 : vector<16xf32>
    %sub3A_156 = arith.subf %get3A_36, %max3A_47 : vector<16xf32>
    %exp3A_157 = math.exp %sub3A_156 : vector<16xf32>
    %add3A_158 = arith.addf %add3A_140, %exp3A_157 : vector<16xf32>
    %ge3A_159 = arith.constant 0.000000e+00 : f32
    %ge3A_160 = vector.broadcast %ge3A_159 : f32 to vector<16xf32>
    %ge3A_161 = arith.cmpf oge, %sub3A_156, %ge3A_160 : vector<16xf32>
    %jit3A_162 = arith.constant 1.000000e+00 : f32
    %jit3A_163 = arith.constant 0.000000e+00 : f32
    %broadcast_in_dim3A_164 = vector.broadcast %jit3A_162 : f32 to vector<16xf32>
    %broadcast_in_dim3A_165 = vector.broadcast %jit3A_163 : f32 to vector<16xf32>
    %select_n3A_166 = arith.select %ge3A_161, %broadcast_in_dim3A_164, %broadcast_in_dim3A_165 : vector<16xi1>, vector<16xf32>
    %mul3A_167 = arith.mulf %select_n3A_166, %sub3A_150 : vector<16xf32>
    %sub3A_168 = arith.subf %sub3A_150, %mul3A_167 : vector<16xf32>
    %mul3A_169 = arith.constant 1.000000e+30 : f32
    %mul3A_170 = vector.broadcast %mul3A_169 : f32 to vector<16xf32>
    %mul3A_171 = arith.mulf %mul3A_167, %mul3A_170 : vector<16xf32>
    %sub3A_172 = arith.subf %sub3A_156, %mul3A_171 : vector<16xf32>
    %max3A_173 = arith.maximumf %max3A_155, %sub3A_172 : vector<16xf32>
    %sub3A_174 = arith.subf %get3A_41, %max3A_47 : vector<16xf32>
    %exp3A_175 = math.exp %sub3A_174 : vector<16xf32>
    %add3A_176 = arith.addf %add3A_158, %exp3A_175 : vector<16xf32>
    %ge3A_177 = arith.constant 0.000000e+00 : f32
    %ge3A_178 = vector.broadcast %ge3A_177 : f32 to vector<16xf32>
    %ge3A_179 = arith.cmpf oge, %sub3A_174, %ge3A_178 : vector<16xf32>
    %jit3A_180 = arith.constant 1.000000e+00 : f32
    %jit3A_181 = arith.constant 0.000000e+00 : f32
    %broadcast_in_dim3A_182 = vector.broadcast %jit3A_180 : f32 to vector<16xf32>
    %broadcast_in_dim3A_183 = vector.broadcast %jit3A_181 : f32 to vector<16xf32>
    %select_n3A_184 = arith.select %ge3A_179, %broadcast_in_dim3A_182, %broadcast_in_dim3A_183 : vector<16xi1>, vector<16xf32>
    %mul3A_185 = arith.mulf %select_n3A_184, %sub3A_168 : vector<16xf32>
    %sub3A_186 = arith.subf %sub3A_168, %mul3A_185 : vector<16xf32>
    %mul3A_187 = arith.constant 1.000000e+30 : f32
    %mul3A_188 = vector.broadcast %mul3A_187 : f32 to vector<16xf32>
    %mul3A_189 = arith.mulf %mul3A_185, %mul3A_188 : vector<16xf32>
    %sub3A_190 = arith.subf %sub3A_174, %mul3A_189 : vector<16xf32>
    %max3A_191 = arith.maximumf %max3A_173, %sub3A_190 : vector<16xf32>
    %exp3A_192 = math.exp %max3A_191 : vector<16xf32>
    %add3A_193 = arith.constant 1.000000e+00 : f32
    %add3A_194 = vector.broadcast %add3A_193 : f32 to vector<16xf32>
    %add3A_195 = arith.addf %add3A_194, %exp3A_192 : vector<16xf32>
    %div3A = arith.divf %add3A_195, %add3A_176 : vector<16xf32>
    %swap3A = arith.constant 0 : index
    %swap3A_196 = tpu.vector_load %arg5[%swap3A] {strides = array<i32>} : memref<256xf32, #tpu.memory_space<vmem>>, vector<16xf32>,
    %swap3A_197 = vector.shape_cast %swap3A_196 : vector<16xf32> to vector<16xf32>
    %swap3A_198 = vector.shape_cast %div3A : vector<16xf32> to vector<16xf32>
    tpu.vector_store %arg5[%swap3A], %swap3A_198 {strides = array<i32>} : memref<256xf32, #tpu.memory_space<vmem>>, vector<16xf32>,
    %get3A_199 = arith.constant 0 : i32
    %get3A_200 = arith.index_cast %get3A_199 : i32 to index
    %get3A_201 = arith.constant 16 : index
    %get3A_202 = tpu.vector_load %arg4[%get3A_200, %get3A_201] {strides = array<i32>} : memref<8x256xf32, #tpu.memory_space<vmem>>, vector<1x16xf32>,
    %get3A_203 = vector.shape_cast %get3A_202 : vector<1x16xf32> to vector<16xf32>
    %get3A_204 = arith.constant 1 : i32
    %get3A_205 = arith.index_cast %get3A_204 : i32 to index
    %get3A_206 = arith.constant 16 : index
    %get3A_207 = tpu.vector_load %arg4[%get3A_205, %get3A_206] {strides = array<i32>} : memref<8x256xf32, #tpu.memory_space<vmem>>, vector<1x16xf32>,
    %get3A_208 = vector.shape_cast %get3A_207 : vector<1x16xf32> to vector<16xf32>
    %get3A_209 = arith.constant 2 : i32
    %get3A_210 = arith.index_cast %get3A_209 : i32 to index
    %get3A_211 = arith.constant 16 : index
    %get3A_212 = tpu.vector_load %arg4[%get3A_210, %get3A_211] {strides = array<i32>} : memref<8x256xf32, #tpu.memory_space<vmem>>, vector<1x16xf32>,
    %get3A_213 = vector.shape_cast %get3A_212 : vector<1x16xf32> to vector<16xf32>
    %get3A_214 = arith.constant 3 : i32
    %get3A_215 = arith.index_cast %get3A_214 : i32 to index
    %get3A_216 = arith.constant 16 : index
    %get3A_217 = tpu.vector_load %arg4[%get3A_215, %get3A_216] {strides = array<i32>} : memref<8x256xf32, #tpu.memory_space<vmem>>, vector<1x16xf32>,
    %get3A_218 = vector.shape_cast %get3A_217 : vector<1x16xf32> to vector<16xf32>
    %get3A_219 = arith.constant 4 : i32
    %get3A_220 = arith.index_cast %get3A_219 : i32 to index
    %get3A_221 = arith.constant 16 : index
    %get3A_222 = tpu.vector_load %arg4[%get3A_220, %get3A_221] {strides = array<i32>} : memref<8x256xf32, #tpu.memory_space<vmem>>, vector<1x16xf32>,
    %get3A_223 = vector.shape_cast %get3A_222 : vector<1x16xf32> to vector<16xf32>
    %get3A_224 = arith.constant 5 : i32
    %get3A_225 = arith.index_cast %get3A_224 : i32 to index
    %get3A_226 = arith.constant 16 : index
    %get3A_227 = tpu.vector_load %arg4[%get3A_225, %get3A_226] {strides = array<i32>} : memref<8x256xf32, #tpu.memory_space<vmem>>, vector<1x16xf32>,
    %get3A_228 = vector.shape_cast %get3A_227 : vector<1x16xf32> to vector<16xf32>
    %get3A_229 = arith.constant 6 : i32
    %get3A_230 = arith.index_cast %get3A_229 : i32 to index
    %get3A_231 = arith.constant 16 : index
    %get3A_232 = tpu.vector_load %arg4[%get3A_230, %get3A_231] {strides = array<i32>} : memref<8x256xf32, #tpu.memory_space<vmem>>, vector<1x16xf32>,
    %get3A_233 = vector.shape_cast %get3A_232 : vector<1x16xf32> to vector<16xf32>
    %get3A_234 = arith.constant 7 : i32
    %get3A_235 = arith.index_cast %get3A_234 : i32 to index
    %get3A_236 = arith.constant 16 : index
    %get3A_237 = tpu.vector_load %arg4[%get3A_235, %get3A_236] {strides = array<i32>} : memref<8x256xf32, #tpu.memory_space<vmem>>, vector<1x16xf32>,
    %get3A_238 = vector.shape_cast %get3A_237 : vector<1x16xf32> to vector<16xf32>
    %max3A_239 = arith.maximumf %get3A_203, %get3A_208 : vector<16xf32>
    %max3A_240 = arith.maximumf %max3A_239, %get3A_213 : vector<16xf32>
    %max3A_241 = arith.maximumf %max3A_240, %get3A_218 : vector<16xf32>
    %max3A_242 = arith.maximumf %max3A_241, %get3A_223 : vector<16xf32>
    %max3A_243 = arith.maximumf %max3A_242, %get3A_228 : vector<16xf32>
    %max3A_244 = arith.maximumf %max3A_243, %get3A_233 : vector<16xf32>
    %max3A_245 = arith.maximumf %max3A_244, %get3A_238 : vector<16xf32>
    %broadcast_in_dim3A_246 = arith.constant -1.000000e+30 : f32
    %broadcast_in_dim3A_247 = vector.broadcast %broadcast_in_dim3A_246 : f32 to vector<16xf32>
    %broadcast_in_dim3A_248 = arith.constant 1.000000e+00 : f32
    %broadcast_in_dim3A_249 = vector.broadcast %broadcast_in_dim3A_248 : f32 to vector<16xf32>
    %broadcast_in_dim3A_250 = arith.constant 0.000000e+00 : f32
    %broadcast_in_dim3A_251 = vector.broadcast %broadcast_in_dim3A_250 : f32 to vector<16xf32>
    %sub3A_252 = arith.subf %get3A_203, %max3A_245 : vector<16xf32>
    %exp3A_253 = math.exp %sub3A_252 : vector<16xf32>
    %add3A_254 = arith.addf %broadcast_in_dim3A_251, %exp3A_253 : vector<16xf32>
    %ge3A_255 = arith.constant 0.000000e+00 : f32
    %ge3A_256 = vector.broadcast %ge3A_255 : f32 to vector<16xf32>
    %ge3A_257 = arith.cmpf oge, %sub3A_252, %ge3A_256 : vector<16xf32>
    %jit3A_258 = arith.constant 1.000000e+00 : f32
    %jit3A_259 = arith.constant 0.000000e+00 : f32
    %broadcast_in_dim3A_260 = vector.broadcast %jit3A_258 : f32 to vector<16xf32>
    %broadcast_in_dim3A_261 = vector.broadcast %jit3A_259 : f32 to vector<16xf32>
    %select_n3A_262 = arith.select %ge3A_257, %broadcast_in_dim3A_260, %broadcast_in_dim3A_261 : vector<16xi1>, vector<16xf32>
    %mul3A_263 = arith.mulf %select_n3A_262, %broadcast_in_dim3A_249 : vector<16xf32>
    %sub3A_264 = arith.subf %broadcast_in_dim3A_249, %mul3A_263 : vector<16xf32>
    %mul3A_265 = arith.constant 1.000000e+30 : f32
    %mul3A_266 = vector.broadcast %mul3A_265 : f32 to vector<16xf32>
    %mul3A_267 = arith.mulf %mul3A_263, %mul3A_266 : vector<16xf32>
    %sub3A_268 = arith.subf %sub3A_252, %mul3A_267 : vector<16xf32>
    %max3A_269 = arith.maximumf %broadcast_in_dim3A_247, %sub3A_268 : vector<16xf32>
    %sub3A_270 = arith.subf %get3A_208, %max3A_245 : vector<16xf32>
    %exp3A_271 = math.exp %sub3A_270 : vector<16xf32>
    %add3A_272 = arith.addf %add3A_254, %exp3A_271 : vector<16xf32>
    %ge3A_273 = arith.constant 0.000000e+00 : f32
    %ge3A_274 = vector.broadcast %ge3A_273 : f32 to vector<16xf32>
    %ge3A_275 = arith.cmpf oge, %sub3A_270, %ge3A_274 : vector<16xf32>
    %jit3A_276 = arith.constant 1.000000e+00 : f32
    %jit3A_277 = arith.constant 0.000000e+00 : f32
    %broadcast_in_dim3A_278 = vector.broadcast %jit3A_276 : f32 to vector<16xf32>
    %broadcast_in_dim3A_279 = vector.broadcast %jit3A_277 : f32 to vector<16xf32>
    %select_n3A_280 = arith.select %ge3A_275, %broadcast_in_dim3A_278, %broadcast_in_dim3A_279 : vector<16xi1>, vector<16xf32>
    %mul3A_281 = arith.mulf %select_n3A_280, %sub3A_264 : vector<16xf32>
    %sub3A_282 = arith.subf %sub3A_264, %mul3A_281 : vector<16xf32>
    %mul3A_283 = arith.constant 1.000000e+30 : f32
    %mul3A_284 = vector.broadcast %mul3A_283 : f32 to vector<16xf32>
    %mul3A_285 = arith.mulf %mul3A_281, %mul3A_284 : vector<16xf32>
    %sub3A_286 = arith.subf %sub3A_270, %mul3A_285 : vector<16xf32>
    %max3A_287 = arith.maximumf %max3A_269, %sub3A_286 : vector<16xf32>
    %sub3A_288 = arith.subf %get3A_213, %max3A_245 : vector<16xf32>
    %exp3A_289 = math.exp %sub3A_288 : vector<16xf32>
    %add3A_290 = arith.addf %add3A_272, %exp3A_289 : vector<16xf32>
    %ge3A_291 = arith.constant 0.000000e+00 : f32
    %ge3A_292 = vector.broadcast %ge3A_291 : f32 to vector<16xf32>
    %ge3A_293 = arith.cmpf oge, %sub3A_288, %ge3A_292 : vector<16xf32>
    %jit3A_294 = arith.constant 1.000000e+00 : f32
    %jit3A_295 = arith.constant 0.000000e+00 : f32
    %broadcast_in_dim3A_296 = vector.broadcast %jit3A_294 : f32 to vector<16xf32>
    %broadcast_in_dim3A_297 = vector.broadcast %jit3A_295 : f32 to vector<16xf32>
    %select_n3A_298 = arith.select %ge3A_293, %broadcast_in_dim3A_296, %broadcast_in_dim3A_297 : vector<16xi1>, vector<16xf32>
    %mul3A_299 = arith.mulf %select_n3A_298, %sub3A_282 : vector<16xf32>
    %sub3A_300 = arith.subf %sub3A_282, %mul3A_299 : vector<16xf32>
    %mul3A_301 = arith.constant 1.000000e+30 : f32
    %mul3A_302 = vector.broadcast %mul3A_301 : f32 to vector<16xf32>
    %mul3A_303 = arith.mulf %mul3A_299, %mul3A_302 : vector<16xf32>
    %sub3A_304 = arith.subf %sub3A_288, %mul3A_303 : vector<16xf32>
    %max3A_305 = arith.maximumf %max3A_287, %sub3A_304 : vector<16xf32>
    %sub3A_306 = arith.subf %get3A_218, %max3A_245 : vector<16xf32>
    %exp3A_307 = math.exp %sub3A_306 : vector<16xf32>
    %add3A_308 = arith.addf %add3A_290, %exp3A_307 : vector<16xf32>
    %ge3A_309 = arith.constant 0.000000e+00 : f32
    %ge3A_310 = vector.broadcast %ge3A_309 : f32 to vector<16xf32>
    %ge3A_311 = arith.cmpf oge, %sub3A_306, %ge3A_310 : vector<16xf32>
    %jit3A_312 = arith.constant 1.000000e+00 : f32
    %jit3A_313 = arith.constant 0.000000e+00 : f32
    %broadcast_in_dim3A_314 = vector.broadcast %jit3A_312 : f32 to vector<16xf32>
    %broadcast_in_dim3A_315 = vector.broadcast %jit3A_313 : f32 to vector<16xf32>
    %select_n3A_316 = arith.select %ge3A_311, %broadcast_in_dim3A_314, %broadcast_in_dim3A_315 : vector<16xi1>, vector<16xf32>
    %mul3A_317 = arith.mulf %select_n3A_316, %sub3A_300 : vector<16xf32>
    %sub3A_318 = arith.subf %sub3A_300, %mul3A_317 : vector<16xf32>
    %mul3A_319 = arith.constant 1.000000e+30 : f32
    %mul3A_320 = vector.broadcast %mul3A_319 : f32 to vector<16xf32>
    %mul3A_321 = arith.mulf %mul3A_317, %mul3A_320 : vector<16xf32>
    %sub3A_322 = arith.subf %sub3A_306, %mul3A_321 : vector<16xf32>
    %max3A_323 = arith.maximumf %max3A_305, %sub3A_322 : vector<16xf32>
    %sub3A_324 = arith.subf %get3A_223, %max3A_245 : vector<16xf32>
    %exp3A_325 = math.exp %sub3A_324 : vector<16xf32>
    %add3A_326 = arith.addf %add3A_308, %exp3A_325 : vector<16xf32>
    %ge3A_327 = arith.constant 0.000000e+00 : f32
    %ge3A_328 = vector.broadcast %ge3A_327 : f32 to vector<16xf32>
    %ge3A_329 = arith.cmpf oge, %sub3A_324, %ge3A_328 : vector<16xf32>
    %jit3A_330 = arith.constant 1.000000e+00 : f32
    %jit3A_331 = arith.constant 0.000000e+00 : f32
    %broadcast_in_dim3A_332 = vector.broadcast %jit3A_330 : f32 to vector<16xf32>
    %broadcast_in_dim3A_333 = vector.broadcast %jit3A_331 : f32 to vector<16xf32>
    %select_n3A_334 = arith.select %ge3A_329, %broadcast_in_dim3A_332, %broadcast_in_dim3A_333 : vector<16xi1>, vector<16xf32>
    %mul3A_335 = arith.mulf %select_n3A_334, %sub3A_318 : vector<16xf32>
    %sub3A_336 = arith.subf %sub3A_318, %mul3A_335 : vector<16xf32>
    %mul3A_337 = arith.constant 1.000000e+30 : f32
    %mul3A_338 = vector.broadcast %mul3A_337 : f32 to vector<16xf32>
    %mul3A_339 = arith.mulf %mul3A_335, %mul3A_338 : vector<16xf32>
    %sub3A_340 = arith.subf %sub3A_324, %mul3A_339 : vector<16xf32>
    %max3A_341 = arith.maximumf %max3A_323, %sub3A_340 : vector<16xf32>
    %sub3A_342 = arith.subf %get3A_228, %max3A_245 : vector<16xf32>
    %exp3A_343 = math.exp %sub3A_342 : vector<16xf32>
    %add3A_344 = arith.addf %add3A_326, %exp3A_343 : vector<16xf32>
    %ge3A_345 = arith.constant 0.000000e+00 : f32
    %ge3A_346 = vector.broadcast %ge3A_345 : f32 to vector<16xf32>
    %ge3A_347 = arith.cmpf oge, %sub3A_342, %ge3A_346 : vector<16xf32>
    %jit3A_348 = arith.constant 1.000000e+00 : f32
    %jit3A_349 = arith.constant 0.000000e+00 : f32
    %broadcast_in_dim3A_350 = vector.broadcast %jit3A_348 : f32 to vector<16xf32>
    %broadcast_in_dim3A_351 = vector.broadcast %jit3A_349 : f32 to vector<16xf32>
    %select_n3A_352 = arith.select %ge3A_347, %broadcast_in_dim3A_350, %broadcast_in_dim3A_351 : vector<16xi1>, vector<16xf32>
    %mul3A_353 = arith.mulf %select_n3A_352, %sub3A_336 : vector<16xf32>
    %sub3A_354 = arith.subf %sub3A_336, %mul3A_353 : vector<16xf32>
    %mul3A_355 = arith.constant 1.000000e+30 : f32
    %mul3A_356 = vector.broadcast %mul3A_355 : f32 to vector<16xf32>
    %mul3A_357 = arith.mulf %mul3A_353, %mul3A_356 : vector<16xf32>
    %sub3A_358 = arith.subf %sub3A_342, %mul3A_357 : vector<16xf32>
    %max3A_359 = arith.maximumf %max3A_341, %sub3A_358 : vector<16xf32>
    %sub3A_360 = arith.subf %get3A_233, %max3A_245 : vector<16xf32>
    %exp3A_361 = math.exp %sub3A_360 : vector<16xf32>
    %add3A_362 = arith.addf %add3A_344, %exp3A_361 : vector<16xf32>
    %ge3A_363 = arith.constant 0.000000e+00 : f32
    %ge3A_364 = vector.broadcast %ge3A_363 : f32 to vector<16xf32>
    %ge3A_365 = arith.cmpf oge, %sub3A_360, %ge3A_364 : vector<16xf32>
    %jit3A_366 = arith.constant 1.000000e+00 : f32
    %jit3A_367 = arith.constant 0.000000e+00 : f32
    %broadcast_in_dim3A_368 = vector.broadcast %jit3A_366 : f32 to vector<16xf32>
    %broadcast_in_dim3A_369 = vector.broadcast %jit3A_367 : f32 to vector<16xf32>
    %select_n3A_370 = arith.select %ge3A_365, %broadcast_in_dim3A_368, %broadcast_in_dim3A_369 : vector<16xi1>, vector<16xf32>
    %mul3A_371 = arith.mulf %select_n3A_370, %sub3A_354 : vector<16xf32>
    %sub3A_372 = arith.subf %sub3A_354, %mul3A_371 : vector<16xf32>
    %mul3A_373 = arith.constant 1.000000e+30 : f32
    %mul3A_374 = vector.broadcast %mul3A_373 : f32 to vector<16xf32>
    %mul3A_375 = arith.mulf %mul3A_371, %mul3A_374 : vector<16xf32>
    %sub3A_376 = arith.subf %sub3A_360, %mul3A_375 : vector<16xf32>
    %max3A_377 = arith.maximumf %max3A_359, %sub3A_376 : vector<16xf32>
    %sub3A_378 = arith.subf %get3A_238, %max3A_245 : vector<16xf32>
    %exp3A_379 = math.exp %sub3A_378 : vector<16xf32>
    %add3A_380 = arith.addf %add3A_362, %exp3A_379 : vector<16xf32>
    %ge3A_381 = arith.constant 0.000000e+00 : f32
    %ge3A_382 = vector.broadcast %ge3A_381 : f32 to vector<16xf32>
    %ge3A_383 = arith.cmpf oge, %sub3A_378, %ge3A_382 : vector<16xf32>
    %jit3A_384 = arith.constant 1.000000e+00 : f32
    %jit3A_385 = arith.constant 0.000000e+00 : f32
    %broadcast_in_dim3A_386 = vector.broadcast %jit3A_384 : f32 to vector<16xf32>
    %broadcast_in_dim3A_387 = vector.broadcast %jit3A_385 : f32 to vector<16xf32>
    %select_n3A_388 = arith.select %ge3A_383, %broadcast_in_dim3A_386, %broadcast_in_dim3A_387 : vector<16xi1>, vector<16xf32>
    %mul3A_389 = arith.mulf %select_n3A_388, %sub3A_372 : vector<16xf32>
    %sub3A_390 = arith.subf %sub3A_372, %mul3A_389 : vector<16xf32>
    %mul3A_391 = arith.constant 1.000000e+30 : f32
    %mul3A_392 = vector.broadcast %mul3A_391 : f32 to vector<16xf32>
    %mul3A_393 = arith.mulf %mul3A_389, %mul3A_392 : vector<16xf32>
    %sub3A_394 = arith.subf %sub3A_378, %mul3A_393 : vector<16xf32>
    %max3A_395 = arith.maximumf %max3A_377, %sub3A_394 : vector<16xf32>
    %exp3A_396 = math.exp %max3A_395 : vector<16xf32>
    %add3A_397 = arith.constant 1.000000e+00 : f32
    %add3A_398 = vector.broadcast %add3A_397 : f32 to vector<16xf32>
    %add3A_399 = arith.addf %add3A_398, %exp3A_396 : vector<16xf32>
    %div3A_400 = arith.divf %add3A_399, %add3A_380 : vector<16xf32>
    %swap3A_401 = arith.constant 16 : index
    %swap3A_402 = tpu.vector_load %arg5[%swap3A_401] {strides = array<i32>} : memref<256xf32, #tpu.memory_space<vmem>>, vector<16xf32>,
    %swap3A_403 = vector.shape_cast %swap3A_402 : vector<16xf32> to vector<16xf32>
    %swap3A_404 = vector.shape_cast %div3A_400 : vector<16xf32> to vector<16xf32>
    tpu.vector_store %arg5[%swap3A_401], %swap3A_404 {strides = array<i32>} : memref<256xf32, #tpu.memory_space<vmem>>, vector<16xf32>,
    %get3A_405 = arith.constant 0 : i32
    %get3A_406 = arith.index_cast %get3A_405 : i32 to index
    %get3A_407 = arith.constant 32 : index
    %get3A_408 = tpu.vector_load %arg4[%get3A_406, %get3A_407] {strides = array<i32>} : memref<8x256xf32, #tpu.memory_space<vmem>>, vector<1x16xf32>,
    %get3A_409 = vector.shape_cast %get3A_408 : vector<1x16xf32> to vector<16xf32>
    %get3A_410 = arith.constant 1 : i32
    %get3A_411 = arith.index_cast %get3A_410 : i32 to index
    %get3A_412 = arith.constant 32 : index
    %get3A_413 = tpu.vector_load %arg4[%get3A_411, %get3A_412] {strides = array<i32>} : memref<8x256xf32, #tpu.memory_space<vmem>>, vector<1x16xf32>,
    %get3A_414 = vector.shape_cast %get3A_413 : vector<1x16xf32> to vector<16xf32>
    %get3A_415 = arith.constant 2 : i32
    %get3A_416 = arith.index_cast %get3A_415 : i32 to index
    %get3A_417 = arith.constant 32 : index
    %get3A_418 = tpu.vector_load %arg4[%get3A_416, %get3A_417] {strides = array<i32>} : memref<8x256xf32, #tpu.memory_space<vmem>>, vector<1x16xf32>,
    %get3A_419 = vector.shape_cast %get3A_418 : vector<1x16xf32> to vector<16xf32>
    %get3A_420 = arith.constant 3 : i32
    %get3A_421 = arith.index_cast %get3A_420 : i32 to index
    %get3A_422 = arith.constant 32 : index
    %get3A_423 = tpu.vector_load %arg4[%get3A_421, %get3A_422] {strides = array<i32>} : memref<8x256xf32, #tpu.memory_space<vmem>>, vector<1x16xf32>,
    %get3A_424 = vector.shape_cast %get3A_423 : vector<1x16xf32> to vector<16xf32>
    %get3A_425 = arith.constant 4 : i32
    %get3A_426 = arith.index_cast %get3A_425 : i32 to index
    %get3A_427 = arith.constant 32 : index
    %get3A_428 = tpu.vector_load %arg4[%get3A_426, %get3A_427] {strides = array<i32>} : memref<8x256xf32, #tpu.memory_space<vmem>>, vector<1x16xf32>,
    %get3A_429 = vector.shape_cast %get3A_428 : vector<1x16xf32> to vector<16xf32>
    %get3A_430 = arith.constant 5 : i32
    %get3A_431 = arith.index_cast %get3A_430 : i32 to index
    %get3A_432 = arith.constant 32 : index
    %get3A_433 = tpu.vector_load %arg4[%get3A_431, %get3A_432] {strides = array<i32>} : memref<8x256xf32, #tpu.memory_space<vmem>>, vector<1x16xf32>,
    %get3A_434 = vector.shape_cast %get3A_433 : vector<1x16xf32> to vector<16xf32>
    %get3A_435 = arith.constant 6 : i32
    %get3A_436 = arith.index_cast %get3A_435 : i32 to index
    %get3A_437 = arith.constant 32 : index
    %get3A_438 = tpu.vector_load %arg4[%get3A_436, %get3A_437] {strides = array<i32>} : memref<8x256xf32, #tpu.memory_space<vmem>>, vector<1x16xf32>,
    %get3A_439 = vector.shape_cast %get3A_438 : vector<1x16xf32> to vector<16xf32>
    %get3A_440 = arith.constant 7 : i32
    %get3A_441 = arith.index_cast %get3A_440 : i32 to index
    %get3A_442 = arith.constant 32 : index
    %get3A_443 = tpu.vector_load %arg4[%get3A_441, %get3A_442] {strides = array<i32>} : memref<8x256xf32, #tpu.memory_space<vmem>>, vector<1x16xf32>,
    %get3A_444 = vector.shape_cast %get3A_443 : vector<1x16xf32> to vector<16xf32>
    %max3A_445 = arith.maximumf %get3A_409, %get3A_414 : vector<16xf32>
    %max3A_446 = arith.maximumf %max3A_445, %get3A_419 : vector<16xf32>
    %max3A_447 = arith.maximumf %max3A_446, %get3A_424 : vector<16xf32>
    %max3A_448 = arith.maximumf %max3A_447, %get3A_429 : vector<16xf32>
    %max3A_449 = arith.maximumf %max3A_448, %get3A_434 : vector<16xf32>
    %max3A_450 = arith.maximumf %max3A_449, %get3A_439 : vector<16xf32>
    %max3A_451 = arith.maximumf %max3A_450, %get3A_444 : vector<16xf32>
    %broadcast_in_dim3A_452 = arith.constant -1.000000e+30 : f32
    %broadcast_in_dim3A_453 = vector.broadcast %broadcast_in_dim3A_452 : f32 to vector<16xf32>
    %broadcast_in_dim3A_454 = arith.constant 1.000000e+00 : f32
    %broadcast_in_dim3A_455 = vector.broadcast %broadcast_in_dim3A_454 : f32 to vector<16xf32>
    %broadcast_in_dim3A_456 = arith.constant 0.000000e+00 : f32
    %broadcast_in_dim3A_457 = vector.broadcast %broadcast_in_dim3A_456 : f32 to vector<16xf32>
    %sub3A_458 = arith.subf %get3A_409, %max3A_451 : vector<16xf32>
    %exp3A_459 = math.exp %sub3A_458 : vector<16xf32>
    %add3A_460 = arith.addf %broadcast_in_dim3A_457, %exp3A_459 : vector<16xf32>
    %ge3A_461 = arith.constant 0.000000e+00 : f32
    %ge3A_462 = vector.broadcast %ge3A_461 : f32 to vector<16xf32>
    %ge3A_463 = arith.cmpf oge, %sub3A_458, %ge3A_462 : vector<16xf32>
    %jit3A_464 = arith.constant 1.000000e+00 : f32
    %jit3A_465 = arith.constant 0.000000e+00 : f32
    %broadcast_in_dim3A_466 = vector.broadcast %jit3A_464 : f32 to vector<16xf32>
    %broadcast_in_dim3A_467 = vector.broadcast %jit3A_465 : f32 to vector<16xf32>
    %select_n3A_468 = arith.select %ge3A_463, %broadcast_in_dim3A_466, %broadcast_in_dim3A_467 : vector<16xi1>, vector<16xf32>
    %mul3A_469 = arith.mulf %select_n3A_468, %broadcast_in_dim3A_455 : vector<16xf32>
    %sub3A_470 = arith.subf %broadcast_in_dim3A_455, %mul3A_469 : vector<16xf32>
    %mul3A_471 = arith.constant 1.000000e+30 : f32
    %mul3A_472 = vector.broadcast %mul3A_471 : f32 to vector<16xf32>
    %mul3A_473 = arith.mulf %mul3A_469, %mul3A_472 : vector<16xf32>
    %sub3A_474 = arith.subf %sub3A_458, %mul3A_473 : vector<16xf32>
    %max3A_475 = arith.maximumf %broadcast_in_dim3A_453, %sub3A_474 : vector<16xf32>
    %sub3A_476 = arith.subf %get3A_414, %max3A_451 : vector<16xf32>
    %exp3A_477 = math.exp %sub3A_476 : vector<16xf32>
    %add3A_478 = arith.addf %add3A_460, %exp3A_477 : vector<16xf32>
    %ge3A_479 = arith.constant 0.000000e+00 : f32
    %ge3A_480 = vector.broadcast %ge3A_479 : f32 to vector<16xf32>
    %ge3A_481 = arith.cmpf oge, %sub3A_476, %ge3A_480 : vector<16xf32>
    %jit3A_482 = arith.constant 1.000000e+00 : f32
    %jit3A_483 = arith.constant 0.000000e+00 : f32
    %broadcast_in_dim3A_484 = vector.broadcast %jit3A_482 : f32 to vector<16xf32>
    %broadcast_in_dim3A_485 = vector.broadcast %jit3A_483 : f32 to vector<16xf32>
    %select_n3A_486 = arith.select %ge3A_481, %broadcast_in_dim3A_484, %broadcast_in_dim3A_485 : vector<16xi1>, vector<16xf32>
    %mul3A_487 = arith.mulf %select_n3A_486, %sub3A_470 : vector<16xf32>
    %sub3A_488 = arith.subf %sub3A_470, %mul3A_487 : vector<16xf32>
    %mul3A_489 = arith.constant 1.000000e+30 : f32
    %mul3A_490 = vector.broadcast %mul3A_489 : f32 to vector<16xf32>
    %mul3A_491 = arith.mulf %mul3A_487, %mul3A_490 : vector<16xf32>
    %sub3A_492 = arith.subf %sub3A_476, %mul3A_491 : vector<16xf32>
    %max3A_493 = arith.maximumf %max3A_475, %sub3A_492 : vector<16xf32>
    %sub3A_494 = arith.subf %get3A_419, %max3A_451 : vector<16xf32>
    %exp3A_495 = math.exp %sub3A_494 : vector<16xf32>
    %add3A_496 = arith.addf %add3A_478, %exp3A_495 : vector<16xf32>
    %ge3A_497 = arith.constant 0.000000e+00 : f32
    %ge3A_498 = vector.broadcast %ge3A_497 : f32 to vector<16xf32>
    %ge3A_499 = arith.cmpf oge, %sub3A_494, %ge3A_498 : vector<16xf32>
    %jit3A_500 = arith.constant 1.000000e+00 : f32
    %jit3A_501 = arith.constant 0.000000e+00 : f32
    %broadcast_in_dim3A_502 = vector.broadcast %jit3A_500 : f32 to vector<16xf32>
    %broadcast_in_dim3A_503 = vector.broadcast %jit3A_501 : f32 to vector<16xf32>
    %select_n3A_504 = arith.select %ge3A_499, %broadcast_in_dim3A_502, %broadcast_in_dim3A_503 : vector<16xi1>, vector<16xf32>
    %mul3A_505 = arith.mulf %select_n3A_504, %sub3A_488 : vector<16xf32>
    %sub3A_506 = arith.subf %sub3A_488, %mul3A_505 : vector<16xf32>
    %mul3A_507 = arith.constant 1.000000e+30 : f32
    %mul3A_508 = vector.broadcast %mul3A_507 : f32 to vector<16xf32>
    %mul3A_509 = arith.mulf %mul3A_505, %mul3A_508 : vector<16xf32>
    %sub3A_510 = arith.subf %sub3A_494, %mul3A_509 : vector<16xf32>
    %max3A_511 = arith.maximumf %max3A_493, %sub3A_510 : vector<16xf32>
    %sub3A_512 = arith.subf %get3A_424, %max3A_451 : vector<16xf32>
    %exp3A_513 = math.exp %sub3A_512 : vector<16xf32>
    %add3A_514 = arith.addf %add3A_496, %exp3A_513 : vector<16xf32>
    %ge3A_515 = arith.constant 0.000000e+00 : f32
    %ge3A_516 = vector.broadcast %ge3A_515 : f32 to vector<16xf32>
    %ge3A_517 = arith.cmpf oge, %sub3A_512, %ge3A_516 : vector<16xf32>
    %jit3A_518 = arith.constant 1.000000e+00 : f32
    %jit3A_519 = arith.constant 0.000000e+00 : f32
    %broadcast_in_dim3A_520 = vector.broadcast %jit3A_518 : f32 to vector<16xf32>
    %broadcast_in_dim3A_521 = vector.broadcast %jit3A_519 : f32 to vector<16xf32>
    %select_n3A_522 = arith.select %ge3A_517, %broadcast_in_dim3A_520, %broadcast_in_dim3A_521 : vector<16xi1>, vector<16xf32>
    %mul3A_523 = arith.mulf %select_n3A_522, %sub3A_506 : vector<16xf32>
    %sub3A_524 = arith.subf %sub3A_506, %mul3A_523 : vector<16xf32>
    %mul3A_525 = arith.constant 1.000000e+30 : f32
    %mul3A_526 = vector.broadcast %mul3A_525 : f32 to vector<16xf32>
    %mul3A_527 = arith.mulf %mul3A_523, %mul3A_526 : vector<16xf32>
    %sub3A_528 = arith.subf %sub3A_512, %mul3A_527 : vector<16xf32>
    %max3A_529 = arith.maximumf %max3A_511, %sub3A_528 : vector<16xf32>
    %sub3A_530 = arith.subf %get3A_429, %max3A_451 : vector<16xf32>
    %exp3A_531 = math.exp %sub3A_530 : vector<16xf32>
    %add3A_532 = arith.addf %add3A_514, %exp3A_531 : vector<16xf32>
    %ge3A_533 = arith.constant 0.000000e+00 : f32
    %ge3A_534 = vector.broadcast %ge3A_533 : f32 to vector<16xf32>
    %ge3A_535 = arith.cmpf oge, %sub3A_530, %ge3A_534 : vector<16xf32>
    %jit3A_536 = arith.constant 1.000000e+00 : f32
    %jit3A_537 = arith.constant 0.000000e+00 : f32
    %broadcast_in_dim3A_538 = vector.broadcast %jit3A_536 : f32 to vector<16xf32>
    %broadcast_in_dim3A_539 = vector.broadcast %jit3A_537 : f32 to vector<16xf32>
    %select_n3A_540 = arith.select %ge3A_535, %broadcast_in_dim3A_538, %broadcast_in_dim3A_539 : vector<16xi1>, vector<16xf32>
    %mul3A_541 = arith.mulf %select_n3A_540, %sub3A_524 : vector<16xf32>
    %sub3A_542 = arith.subf %sub3A_524, %mul3A_541 : vector<16xf32>
    %mul3A_543 = arith.constant 1.000000e+30 : f32
    %mul3A_544 = vector.broadcast %mul3A_543 : f32 to vector<16xf32>
    %mul3A_545 = arith.mulf %mul3A_541, %mul3A_544 : vector<16xf32>
    %sub3A_546 = arith.subf %sub3A_530, %mul3A_545 : vector<16xf32>
    %max3A_547 = arith.maximumf %max3A_529, %sub3A_546 : vector<16xf32>
    %sub3A_548 = arith.subf %get3A_434, %max3A_451 : vector<16xf32>
    %exp3A_549 = math.exp %sub3A_548 : vector<16xf32>
    %add3A_550 = arith.addf %add3A_532, %exp3A_549 : vector<16xf32>
    %ge3A_551 = arith.constant 0.000000e+00 : f32
    %ge3A_552 = vector.broadcast %ge3A_551 : f32 to vector<16xf32>
    %ge3A_553 = arith.cmpf oge, %sub3A_548, %ge3A_552 : vector<16xf32>
    %jit3A_554 = arith.constant 1.000000e+00 : f32
    %jit3A_555 = arith.constant 0.000000e+00 : f32
    %broadcast_in_dim3A_556 = vector.broadcast %jit3A_554 : f32 to vector<16xf32>
    %broadcast_in_dim3A_557 = vector.broadcast %jit3A_555 : f32 to vector<16xf32>
    %select_n3A_558 = arith.select %ge3A_553, %broadcast_in_dim3A_556, %broadcast_in_dim3A_557 : vector<16xi1>, vector<16xf32>
    %mul3A_559 = arith.mulf %select_n3A_558, %sub3A_542 : vector<16xf32>
    %sub3A_560 = arith.subf %sub3A_542, %mul3A_559 : vector<16xf32>
    %mul3A_561 = arith.constant 1.000000e+30 : f32
    %mul3A_562 = vector.broadcast %mul3A_561 : f32 to vector<16xf32>
    %mul3A_563 = arith.mulf %mul3A_559, %mul3A_562 : vector<16xf32>
    %sub3A_564 = arith.subf %sub3A_548, %mul3A_563 : vector<16xf32>
    %max3A_565 = arith.maximumf %max3A_547, %sub3A_564 : vector<16xf32>
    %sub3A_566 = arith.subf %get3A_439, %max3A_451 : vector<16xf32>
    %exp3A_567 = math.exp %sub3A_566 : vector<16xf32>
    %add3A_568 = arith.addf %add3A_550, %exp3A_567 : vector<16xf32>
    %ge3A_569 = arith.constant 0.000000e+00 : f32
    %ge3A_570 = vector.broadcast %ge3A_569 : f32 to vector<16xf32>
    %ge3A_571 = arith.cmpf oge, %sub3A_566, %ge3A_570 : vector<16xf32>
    %jit3A_572 = arith.constant 1.000000e+00 : f32
    %jit3A_573 = arith.constant 0.000000e+00 : f32
    %broadcast_in_dim3A_574 = vector.broadcast %jit3A_572 : f32 to vector<16xf32>
    %broadcast_in_dim3A_575 = vector.broadcast %jit3A_573 : f32 to vector<16xf32>
    %select_n3A_576 = arith.select %ge3A_571, %broadcast_in_dim3A_574, %broadcast_in_dim3A_575 : vector<16xi1>, vector<16xf32>
    %mul3A_577 = arith.mulf %select_n3A_576, %sub3A_560 : vector<16xf32>
    %sub3A_578 = arith.subf %sub3A_560, %mul3A_577 : vector<16xf32>
    %mul3A_579 = arith.constant 1.000000e+30 : f32
    %mul3A_580 = vector.broadcast %mul3A_579 : f32 to vector<16xf32>
    %mul3A_581 = arith.mulf %mul3A_577, %mul3A_580 : vector<16xf32>
    %sub3A_582 = arith.subf %sub3A_566, %mul3A_581 : vector<16xf32>
    %max3A_583 = arith.maximumf %max3A_565, %sub3A_582 : vector<16xf32>
    %sub3A_584 = arith.subf %get3A_444, %max3A_451 : vector<16xf32>
    %exp3A_585 = math.exp %sub3A_584 : vector<16xf32>
    %add3A_586 = arith.addf %add3A_568, %exp3A_585 : vector<16xf32>
    %ge3A_587 = arith.constant 0.000000e+00 : f32
    %ge3A_588 = vector.broadcast %ge3A_587 : f32 to vector<16xf32>
    %ge3A_589 = arith.cmpf oge, %sub3A_584, %ge3A_588 : vector<16xf32>
    %jit3A_590 = arith.constant 1.000000e+00 : f32
    %jit3A_591 = arith.constant 0.000000e+00 : f32
    %broadcast_in_dim3A_592 = vector.broadcast %jit3A_590 : f32 to vector<16xf32>
    %broadcast_in_dim3A_593 = vector.broadcast %jit3A_591 : f32 to vector<16xf32>
    %select_n3A_594 = arith.select %ge3A_589, %broadcast_in_dim3A_592, %broadcast_in_dim3A_593 : vector<16xi1>, vector<16xf32>
    %mul3A_595 = arith.mulf %select_n3A_594, %sub3A_578 : vector<16xf32>
    %sub3A_596 = arith.subf %sub3A_578, %mul3A_595 : vector<16xf32>
    %mul3A_597 = arith.constant 1.000000e+30 : f32
    %mul3A_598 = vector.broadcast %mul3A_597 : f32 to vector<16xf32>
    %mul3A_599 = arith.mulf %mul3A_595, %mul3A_598 : vector<16xf32>
    %sub3A_600 = arith.subf %sub3A_584, %mul3A_599 : vector<16xf32>
    %max3A_601 = arith.maximumf %max3A_583, %sub3A_600 : vector<16xf32>
    %exp3A_602 = math.exp %max3A_601 : vector<16xf32>
    %add3A_603 = arith.constant 1.000000e+00 : f32
    %add3A_604 = vector.broadcast %add3A_603 : f32 to vector<16xf32>
    %add3A_605 = arith.addf %add3A_604, %exp3A_602 : vector<16xf32>
    %div3A_606 = arith.divf %add3A_605, %add3A_586 : vector<16xf32>
    %swap3A_607 = arith.constant 32 : index
    %swap3A_608 = tpu.vector_load %arg5[%swap3A_607] {strides = array<i32>} : memref<256xf32, #tpu.memory_space<vmem>>, vector<16xf32>,
    %swap3A_609 = vector.shape_cast %swap3A_608 : vector<16xf32> to vector<16xf32>
    %swap3A_610 = vector.shape_cast %div3A_606 : vector<16xf32> to vector<16xf32>
    tpu.vector_store %arg5[%swap3A_607], %swap3A_610 {strides = array<i32>} : memref<256xf32, #tpu.memory_space<vmem>>, vector<16xf32>,
    %get3A_611 = arith.constant 0 : i32
    %get3A_612 = arith.index_cast %get3A_611 : i32 to index
    %get3A_613 = arith.constant 48 : index
    %get3A_614 = tpu.vector_load %arg4[%get3A_612, %get3A_613] {strides = array<i32>} : memref<8x256xf32, #tpu.memory_space<vmem>>, vector<1x16xf32>,
    %get3A_615 = vector.shape_cast %get3A_614 : vector<1x16xf32> to vector<16xf32>
    %get3A_616 = arith.constant 1 : i32
    %get3A_617 = arith.index_cast %get3A_616 : i32 to index
    %get3A_618 = arith.constant 48 : index
    %get3A_619 = tpu.vector_load %arg4[%get3A_617, %get3A_618] {strides = array<i32>} : memref<8x256xf32, #tpu.memory_space<vmem>>, vector<1x16xf32>,
    %get3A_620 = vector.shape_cast %get3A_619 : vector<1x16xf32> to vector<16xf32>
    %get3A_621 = arith.constant 2 : i32
    %get3A_622 = arith.index_cast %get3A_621 : i32 to index
    %get3A_623 = arith.constant 48 : index
    %get3A_624 = tpu.vector_load %arg4[%get3A_622, %get3A_623] {strides = array<i32>} : memref<8x256xf32, #tpu.memory_space<vmem>>, vector<1x16xf32>,
    %get3A_625 = vector.shape_cast %get3A_624 : vector<1x16xf32> to vector<16xf32>
    %get3A_626 = arith.constant 3 : i32
    %get3A_627 = arith.index_cast %get3A_626 : i32 to index
    %get3A_628 = arith.constant 48 : index
    %get3A_629 = tpu.vector_load %arg4[%get3A_627, %get3A_628] {strides = array<i32>} : memref<8x256xf32, #tpu.memory_space<vmem>>, vector<1x16xf32>,
    %get3A_630 = vector.shape_cast %get3A_629 : vector<1x16xf32> to vector<16xf32>
    %get3A_631 = arith.constant 4 : i32
    %get3A_632 = arith.index_cast %get3A_631 : i32 to index
    %get3A_633 = arith.constant 48 : index
    %get3A_634 = tpu.vector_load %arg4[%get3A_632, %get3A_633] {strides = array<i32>} : memref<8x256xf32, #tpu.memory_space<vmem>>, vector<1x16xf32>,
    %get3A_635 = vector.shape_cast %get3A_634 : vector<1x16xf32> to vector<16xf32>
    %get3A_636 = arith.constant 5 : i32
    %get3A_637 = arith.index_cast %get3A_636 : i32 to index
    %get3A_638 = arith.constant 48 : index
    %get3A_639 = tpu.vector_load %arg4[%get3A_637, %get3A_638] {strides = array<i32>} : memref<8x256xf32, #tpu.memory_space<vmem>>, vector<1x16xf32>,
    %get3A_640 = vector.shape_cast %get3A_639 : vector<1x16xf32> to vector<16xf32>
    %get3A_641 = arith.constant 6 : i32
    %get3A_642 = arith.index_cast %get3A_641 : i32 to index
    %get3A_643 = arith.constant 48 : index
    %get3A_644 = tpu.vector_load %arg4[%get3A_642, %get3A_643] {strides = array<i32>} : memref<8x256xf32, #tpu.memory_space<vmem>>, vector<1x16xf32>,
    %get3A_645 = vector.shape_cast %get3A_644 : vector<1x16xf32> to vector<16xf32>
    %get3A_646 = arith.constant 7 : i32
    %get3A_647 = arith.index_cast %get3A_646 : i32 to index
    %get3A_648 = arith.constant 48 : index
    %get3A_649 = tpu.vector_load %arg4[%get3A_647, %get3A_648] {strides = array<i32>} : memref<8x256xf32, #tpu.memory_space<vmem>>, vector<1x16xf32>,
    %get3A_650 = vector.shape_cast %get3A_649 : vector<1x16xf32> to vector<16xf32>
    %max3A_651 = arith.maximumf %get3A_615, %get3A_620 : vector<16xf32>
    %max3A_652 = arith.maximumf %max3A_651, %get3A_625 : vector<16xf32>
    %max3A_653 = arith.maximumf %max3A_652, %get3A_630 : vector<16xf32>
    %max3A_654 = arith.maximumf %max3A_653, %get3A_635 : vector<16xf32>
    %max3A_655 = arith.maximumf %max3A_654, %get3A_640 : vector<16xf32>
    %max3A_656 = arith.maximumf %max3A_655, %get3A_645 : vector<16xf32>
    %max3A_657 = arith.maximumf %max3A_656, %get3A_650 : vector<16xf32>
    %broadcast_in_dim3A_658 = arith.constant -1.000000e+30 : f32
    %broadcast_in_dim3A_659 = vector.broadcast %broadcast_in_dim3A_658 : f32 to vector<16xf32>
    %broadcast_in_dim3A_660 = arith.constant 1.000000e+00 : f32
    %broadcast_in_dim3A_661 = vector.broadcast %broadcast_in_dim3A_660 : f32 to vector<16xf32>
    %broadcast_in_dim3A_662 = arith.constant 0.000000e+00 : f32
    %broadcast_in_dim3A_663 = vector.broadcast %broadcast_in_dim3A_662 : f32 to vector<16xf32>
    %sub3A_664 = arith.subf %get3A_615, %max3A_657 : vector<16xf32>
    %exp3A_665 = math.exp %sub3A_664 : vector<16xf32>
    %add3A_666 = arith.addf %broadcast_in_dim3A_663, %exp3A_665 : vector<16xf32>
    %ge3A_667 = arith.constant 0.000000e+00 : f32
    %ge3A_668 = vector.broadcast %ge3A_667 : f32 to vector<16xf32>
    %ge3A_669 = arith.cmpf oge, %sub3A_664, %ge3A_668 : vector<16xf32>
    %jit3A_670 = arith.constant 1.000000e+00 : f32
    %jit3A_671 = arith.constant 0.000000e+00 : f32
    %broadcast_in_dim3A_672 = vector.broadcast %jit3A_670 : f32 to vector<16xf32>
    %broadcast_in_dim3A_673 = vector.broadcast %jit3A_671 : f32 to vector<16xf32>
    %select_n3A_674 = arith.select %ge3A_669, %broadcast_in_dim3A_672, %broadcast_in_dim3A_673 : vector<16xi1>, vector<16xf32>
    %mul3A_675 = arith.mulf %select_n3A_674, %broadcast_in_dim3A_661 : vector<16xf32>
    %sub3A_676 = arith.subf %broadcast_in_dim3A_661, %mul3A_675 : vector<16xf32>
    %mul3A_677 = arith.constant 1.000000e+30 : f32
    %mul3A_678 = vector.broadcast %mul3A_677 : f32 to vector<16xf32>
    %mul3A_679 = arith.mulf %mul3A_675, %mul3A_678 : vector<16xf32>
    %sub3A_680 = arith.subf %sub3A_664, %mul3A_679 : vector<16xf32>
    %max3A_681 = arith.maximumf %broadcast_in_dim3A_659, %sub3A_680 : vector<16xf32>
    %sub3A_682 = arith.subf %get3A_620, %max3A_657 : vector<16xf32>
    %exp3A_683 = math.exp %sub3A_682 : vector<16xf32>
    %add3A_684 = arith.addf %add3A_666, %exp3A_683 : vector<16xf32>
    %ge3A_685 = arith.constant 0.000000e+00 : f32
    %ge3A_686 = vector.broadcast %ge3A_685 : f32 to vector<16xf32>
    %ge3A_687 = arith.cmpf oge, %sub3A_682, %ge3A_686 : vector<16xf32>
    %jit3A_688 = arith.constant 1.000000e+00 : f32
    %jit3A_689 = arith.constant 0.000000e+00 : f32
    %broadcast_in_dim3A_690 = vector.broadcast %jit3A_688 : f32 to vector<16xf32>
    %broadcast_in_dim3A_691 = vector.broadcast %jit3A_689 : f32 to vector<16xf32>
    %select_n3A_692 = arith.select %ge3A_687, %broadcast_in_dim3A_690, %broadcast_in_dim3A_691 : vector<16xi1>, vector<16xf32>
    %mul3A_693 = arith.mulf %select_n3A_692, %sub3A_676 : vector<16xf32>
    %sub3A_694 = arith.subf %sub3A_676, %mul3A_693 : vector<16xf32>
    %mul3A_695 = arith.constant 1.000000e+30 : f32
    %mul3A_696 = vector.broadcast %mul3A_695 : f32 to vector<16xf32>
    %mul3A_697 = arith.mulf %mul3A_693, %mul3A_696 : vector<16xf32>
    %sub3A_698 = arith.subf %sub3A_682, %mul3A_697 : vector<16xf32>
    %max3A_699 = arith.maximumf %max3A_681, %sub3A_698 : vector<16xf32>
    %sub3A_700 = arith.subf %get3A_625, %max3A_657 : vector<16xf32>
    %exp3A_701 = math.exp %sub3A_700 : vector<16xf32>
    %add3A_702 = arith.addf %add3A_684, %exp3A_701 : vector<16xf32>
    %ge3A_703 = arith.constant 0.000000e+00 : f32
    %ge3A_704 = vector.broadcast %ge3A_703 : f32 to vector<16xf32>
    %ge3A_705 = arith.cmpf oge, %sub3A_700, %ge3A_704 : vector<16xf32>
    %jit3A_706 = arith.constant 1.000000e+00 : f32
    %jit3A_707 = arith.constant 0.000000e+00 : f32
    %broadcast_in_dim3A_708 = vector.broadcast %jit3A_706 : f32 to vector<16xf32>
    %broadcast_in_dim3A_709 = vector.broadcast %jit3A_707 : f32 to vector<16xf32>
    %select_n3A_710 = arith.select %ge3A_705, %broadcast_in_dim3A_708, %broadcast_in_dim3A_709 : vector<16xi1>, vector<16xf32>
    %mul3A_711 = arith.mulf %select_n3A_710, %sub3A_694 : vector<16xf32>
    %sub3A_712 = arith.subf %sub3A_694, %mul3A_711 : vector<16xf32>
    %mul3A_713 = arith.constant 1.000000e+30 : f32
    %mul3A_714 = vector.broadcast %mul3A_713 : f32 to vector<16xf32>
    %mul3A_715 = arith.mulf %mul3A_711, %mul3A_714 : vector<16xf32>
    %sub3A_716 = arith.subf %sub3A_700, %mul3A_715 : vector<16xf32>
    %max3A_717 = arith.maximumf %max3A_699, %sub3A_716 : vector<16xf32>
    %sub3A_718 = arith.subf %get3A_630, %max3A_657 : vector<16xf32>
    %exp3A_719 = math.exp %sub3A_718 : vector<16xf32>
    %add3A_720 = arith.addf %add3A_702, %exp3A_719 : vector<16xf32>
    %ge3A_721 = arith.constant 0.000000e+00 : f32
    %ge3A_722 = vector.broadcast %ge3A_721 : f32 to vector<16xf32>
    %ge3A_723 = arith.cmpf oge, %sub3A_718, %ge3A_722 : vector<16xf32>
    %jit3A_724 = arith.constant 1.000000e+00 : f32
    %jit3A_725 = arith.constant 0.000000e+00 : f32
    %broadcast_in_dim3A_726 = vector.broadcast %jit3A_724 : f32 to vector<16xf32>
    %broadcast_in_dim3A_727 = vector.broadcast %jit3A_725 : f32 to vector<16xf32>
    %select_n3A_728 = arith.select %ge3A_723, %broadcast_in_dim3A_726, %broadcast_in_dim3A_727 : vector<16xi1>, vector<16xf32>
    %mul3A_729 = arith.mulf %select_n3A_728, %sub3A_712 : vector<16xf32>
    %sub3A_730 = arith.subf %sub3A_712, %mul3A_729 : vector<16xf32>
    %mul3A_731 = arith.constant 1.000000e+30 : f32
    %mul3A_732 = vector.broadcast %mul3A_731 : f32 to vector<16xf32>
    %mul3A_733 = arith.mulf %mul3A_729, %mul3A_732 : vector<16xf32>
    %sub3A_734 = arith.subf %sub3A_718, %mul3A_733 : vector<16xf32>
    %max3A_735 = arith.maximumf %max3A_717, %sub3A_734 : vector<16xf32>
    %sub3A_736 = arith.subf %get3A_635, %max3A_657 : vector<16xf32>
    %exp3A_737 = math.exp %sub3A_736 : vector<16xf32>
    %add3A_738 = arith.addf %add3A_720, %exp3A_737 : vector<16xf32>
    %ge3A_739 = arith.constant 0.000000e+00 : f32
    %ge3A_740 = vector.broadcast %ge3A_739 : f32 to vector<16xf32>
    %ge3A_741 = arith.cmpf oge, %sub3A_736, %ge3A_740 : vector<16xf32>
    %jit3A_742 = arith.constant 1.000000e+00 : f32
    %jit3A_743 = arith.constant 0.000000e+00 : f32
    %broadcast_in_dim3A_744 = vector.broadcast %jit3A_742 : f32 to vector<16xf32>
    %broadcast_in_dim3A_745 = vector.broadcast %jit3A_743 : f32 to vector<16xf32>
    %select_n3A_746 = arith.select %ge3A_741, %broadcast_in_dim3A_744, %broadcast_in_dim3A_745 : vector<16xi1>, vector<16xf32>
    %mul3A_747 = arith.mulf %select_n3A_746, %sub3A_730 : vector<16xf32>
    %sub3A_748 = arith.subf %sub3A_730, %mul3A_747 : vector<16xf32>
    %mul3A_749 = arith.constant 1.000000e+30 : f32
    %mul3A_750 = vector.broadcast %mul3A_749 : f32 to vector<16xf32>
    %mul3A_751 = arith.mulf %mul3A_747, %mul3A_750 : vector<16xf32>
    %sub3A_752 = arith.subf %sub3A_736, %mul3A_751 : vector<16xf32>
    %max3A_753 = arith.maximumf %max3A_735, %sub3A_752 : vector<16xf32>
    %sub3A_754 = arith.subf %get3A_640, %max3A_657 : vector<16xf32>
    %exp3A_755 = math.exp %sub3A_754 : vector<16xf32>
    %add3A_756 = arith.addf %add3A_738, %exp3A_755 : vector<16xf32>
    %ge3A_757 = arith.constant 0.000000e+00 : f32
    %ge3A_758 = vector.broadcast %ge3A_757 : f32 to vector<16xf32>
    %ge3A_759 = arith.cmpf oge, %sub3A_754, %ge3A_758 : vector<16xf32>
    %jit3A_760 = arith.constant 1.000000e+00 : f32
    %jit3A_761 = arith.constant 0.000000e+00 : f32
    %broadcast_in_dim3A_762 = vector.broadcast %jit3A_760 : f32 to vector<16xf32>
    %broadcast_in_dim3A_763 = vector.broadcast %jit3A_761 : f32 to vector<16xf32>
    %select_n3A_764 = arith.select %ge3A_759, %broadcast_in_dim3A_762, %broadcast_in_dim3A_763 : vector<16xi1>, vector<16xf32>
    %mul3A_765 = arith.mulf %select_n3A_764, %sub3A_748 : vector<16xf32>
    %sub3A_766 = arith.subf %sub3A_748, %mul3A_765 : vector<16xf32>
    %mul3A_767 = arith.constant 1.000000e+30 : f32
    %mul3A_768 = vector.broadcast %mul3A_767 : f32 to vector<16xf32>
    %mul3A_769 = arith.mulf %mul3A_765, %mul3A_768 : vector<16xf32>
    %sub3A_770 = arith.subf %sub3A_754, %mul3A_769 : vector<16xf32>
    %max3A_771 = arith.maximumf %max3A_753, %sub3A_770 : vector<16xf32>
    %sub3A_772 = arith.subf %get3A_645, %max3A_657 : vector<16xf32>
    %exp3A_773 = math.exp %sub3A_772 : vector<16xf32>
    %add3A_774 = arith.addf %add3A_756, %exp3A_773 : vector<16xf32>
    %ge3A_775 = arith.constant 0.000000e+00 : f32
    %ge3A_776 = vector.broadcast %ge3A_775 : f32 to vector<16xf32>
    %ge3A_777 = arith.cmpf oge, %sub3A_772, %ge3A_776 : vector<16xf32>
    %jit3A_778 = arith.constant 1.000000e+00 : f32
    %jit3A_779 = arith.constant 0.000000e+00 : f32
    %broadcast_in_dim3A_780 = vector.broadcast %jit3A_778 : f32 to vector<16xf32>
    %broadcast_in_dim3A_781 = vector.broadcast %jit3A_779 : f32 to vector<16xf32>
    %select_n3A_782 = arith.select %ge3A_777, %broadcast_in_dim3A_780, %broadcast_in_dim3A_781 : vector<16xi1>, vector<16xf32>
    %mul3A_783 = arith.mulf %select_n3A_782, %sub3A_766 : vector<16xf32>
    %sub3A_784 = arith.subf %sub3A_766, %mul3A_783 : vector<16xf32>
    %mul3A_785 = arith.constant 1.000000e+30 : f32
    %mul3A_786 = vector.broadcast %mul3A_785 : f32 to vector<16xf32>
    %mul3A_787 = arith.mulf %mul3A_783, %mul3A_786 : vector<16xf32>
    %sub3A_788 = arith.subf %sub3A_772, %mul3A_787 : vector<16xf32>
    %max3A_789 = arith.maximumf %max3A_771, %sub3A_788 : vector<16xf32>
    %sub3A_790 = arith.subf %get3A_650, %max3A_657 : vector<16xf32>
    %exp3A_791 = math.exp %sub3A_790 : vector<16xf32>
    %add3A_792 = arith.addf %add3A_774, %exp3A_791 : vector<16xf32>
    %ge3A_793 = arith.constant 0.000000e+00 : f32
    %ge3A_794 = vector.broadcast %ge3A_793 : f32 to vector<16xf32>
    %ge3A_795 = arith.cmpf oge, %sub3A_790, %ge3A_794 : vector<16xf32>
    %jit3A_796 = arith.constant 1.000000e+00 : f32
    %jit3A_797 = arith.constant 0.000000e+00 : f32
    %broadcast_in_dim3A_798 = vector.broadcast %jit3A_796 : f32 to vector<16xf32>
    %broadcast_in_dim3A_799 = vector.broadcast %jit3A_797 : f32 to vector<16xf32>
    %select_n3A_800 = arith.select %ge3A_795, %broadcast_in_dim3A_798, %broadcast_in_dim3A_799 : vector<16xi1>, vector<16xf32>
    %mul3A_801 = arith.mulf %select_n3A_800, %sub3A_784 : vector<16xf32>
    %sub3A_802 = arith.subf %sub3A_784, %mul3A_801 : vector<16xf32>
    %mul3A_803 = arith.constant 1.000000e+30 : f32
    %mul3A_804 = vector.broadcast %mul3A_803 : f32 to vector<16xf32>
    %mul3A_805 = arith.mulf %mul3A_801, %mul3A_804 : vector<16xf32>
    %sub3A_806 = arith.subf %sub3A_790, %mul3A_805 : vector<16xf32>
    %max3A_807 = arith.maximumf %max3A_789, %sub3A_806 : vector<16xf32>
    %exp3A_808 = math.exp %max3A_807 : vector<16xf32>
    %add3A_809 = arith.constant 1.000000e+00 : f32
    %add3A_810 = vector.broadcast %add3A_809 : f32 to vector<16xf32>
    %add3A_811 = arith.addf %add3A_810, %exp3A_808 : vector<16xf32>
    %div3A_812 = arith.divf %add3A_811, %add3A_792 : vector<16xf32>
    %swap3A_813 = arith.constant 48 : index
    %swap3A_814 = tpu.vector_load %arg5[%swap3A_813] {strides = array<i32>} : memref<256xf32, #tpu.memory_space<vmem>>, vector<16xf32>,
    %swap3A_815 = vector.shape_cast %swap3A_814 : vector<16xf32> to vector<16xf32>
    %swap3A_816 = vector.shape_cast %div3A_812 : vector<16xf32> to vector<16xf32>
    tpu.vector_store %arg5[%swap3A_813], %swap3A_816 {strides = array<i32>} : memref<256xf32, #tpu.memory_space<vmem>>, vector<16xf32>,
    %get3A_817 = arith.constant 0 : i32
    %get3A_818 = arith.index_cast %get3A_817 : i32 to index
    %get3A_819 = arith.constant 64 : index
    %get3A_820 = tpu.vector_load %arg4[%get3A_818, %get3A_819] {strides = array<i32>} : memref<8x256xf32, #tpu.memory_space<vmem>>, vector<1x16xf32>,
    %get3A_821 = vector.shape_cast %get3A_820 : vector<1x16xf32> to vector<16xf32>
    %get3A_822 = arith.constant 1 : i32
    %get3A_823 = arith.index_cast %get3A_822 : i32 to index
    %get3A_824 = arith.constant 64 : index
    %get3A_825 = tpu.vector_load %arg4[%get3A_823, %get3A_824] {strides = array<i32>} : memref<8x256xf32, #tpu.memory_space<vmem>>, vector<1x16xf32>,
    %get3A_826 = vector.shape_cast %get3A_825 : vector<1x16xf32> to vector<16xf32>
    %get3A_827 = arith.constant 2 : i32
    %get3A_828 = arith.index_cast %get3A_827 : i32 to index
    %get3A_829 = arith.constant 64 : index
    %get3A_830 = tpu.vector_load %arg4[%get3A_828, %get3A_829] {strides = array<i32>} : memref<8x256xf32, #tpu.memory_space<vmem>>, vector<1x16xf32>,
    %get3A_831 = vector.shape_cast %get3A_830 : vector<1x16xf32> to vector<16xf32>
    %get3A_832 = arith.constant 3 : i32
    %get3A_833 = arith.index_cast %get3A_832 : i32 to index
    %get3A_834 = arith.constant 64 : index
    %get3A_835 = tpu.vector_load %arg4[%get3A_833, %get3A_834] {strides = array<i32>} : memref<8x256xf32, #tpu.memory_space<vmem>>, vector<1x16xf32>,
    %get3A_836 = vector.shape_cast %get3A_835 : vector<1x16xf32> to vector<16xf32>
    %get3A_837 = arith.constant 4 : i32
    %get3A_838 = arith.index_cast %get3A_837 : i32 to index
    %get3A_839 = arith.constant 64 : index
    %get3A_840 = tpu.vector_load %arg4[%get3A_838, %get3A_839] {strides = array<i32>} : memref<8x256xf32, #tpu.memory_space<vmem>>, vector<1x16xf32>,
    %get3A_841 = vector.shape_cast %get3A_840 : vector<1x16xf32> to vector<16xf32>
    %get3A_842 = arith.constant 5 : i32
    %get3A_843 = arith.index_cast %get3A_842 : i32 to index
    %get3A_844 = arith.constant 64 : index
    %get3A_845 = tpu.vector_load %arg4[%get3A_843, %get3A_844] {strides = array<i32>} : memref<8x256xf32, #tpu.memory_space<vmem>>, vector<1x16xf32>,
    %get3A_846 = vector.shape_cast %get3A_845 : vector<1x16xf32> to vector<16xf32>
    %get3A_847 = arith.constant 6 : i32
    %get3A_848 = arith.index_cast %get3A_847 : i32 to index
    %get3A_849 = arith.constant 64 : index
    %get3A_850 = tpu.vector_load %arg4[%get3A_848, %get3A_849] {strides = array<i32>} : memref<8x256xf32, #tpu.memory_space<vmem>>, vector<1x16xf32>,
    %get3A_851 = vector.shape_cast %get3A_850 : vector<1x16xf32> to vector<16xf32>
    %get3A_852 = arith.constant 7 : i32
    %get3A_853 = arith.index_cast %get3A_852 : i32 to index
    %get3A_854 = arith.constant 64 : index
    %get3A_855 = tpu.vector_load %arg4[%get3A_853, %get3A_854] {strides = array<i32>} : memref<8x256xf32, #tpu.memory_space<vmem>>, vector<1x16xf32>,
    %get3A_856 = vector.shape_cast %get3A_855 : vector<1x16xf32> to vector<16xf32>
    %max3A_857 = arith.maximumf %get3A_821, %get3A_826 : vector<16xf32>
    %max3A_858 = arith.maximumf %max3A_857, %get3A_831 : vector<16xf32>
    %max3A_859 = arith.maximumf %max3A_858, %get3A_836 : vector<16xf32>
    %max3A_860 = arith.maximumf %max3A_859, %get3A_841 : vector<16xf32>
    %max3A_861 = arith.maximumf %max3A_860, %get3A_846 : vector<16xf32>
    %max3A_862 = arith.maximumf %max3A_861, %get3A_851 : vector<16xf32>
    %max3A_863 = arith.maximumf %max3A_862, %get3A_856 : vector<16xf32>
    %broadcast_in_dim3A_864 = arith.constant -1.000000e+30 : f32
    %broadcast_in_dim3A_865 = vector.broadcast %broadcast_in_dim3A_864 : f32 to vector<16xf32>
    %broadcast_in_dim3A_866 = arith.constant 1.000000e+00 : f32
    %broadcast_in_dim3A_867 = vector.broadcast %broadcast_in_dim3A_866 : f32 to vector<16xf32>
    %broadcast_in_dim3A_868 = arith.constant 0.000000e+00 : f32
    %broadcast_in_dim3A_869 = vector.broadcast %broadcast_in_dim3A_868 : f32 to vector<16xf32>
    %sub3A_870 = arith.subf %get3A_821, %max3A_863 : vector<16xf32>
    %exp3A_871 = math.exp %sub3A_870 : vector<16xf32>
    %add3A_872 = arith.addf %broadcast_in_dim3A_869, %exp3A_871 : vector<16xf32>
    %ge3A_873 = arith.constant 0.000000e+00 : f32
    %ge3A_874 = vector.broadcast %ge3A_873 : f32 to vector<16xf32>
    %ge3A_875 = arith.cmpf oge, %sub3A_870, %ge3A_874 : vector<16xf32>
    %jit3A_876 = arith.constant 1.000000e+00 : f32
    %jit3A_877 = arith.constant 0.000000e+00 : f32
    %broadcast_in_dim3A_878 = vector.broadcast %jit3A_876 : f32 to vector<16xf32>
    %broadcast_in_dim3A_879 = vector.broadcast %jit3A_877 : f32 to vector<16xf32>
    %select_n3A_880 = arith.select %ge3A_875, %broadcast_in_dim3A_878, %broadcast_in_dim3A_879 : vector<16xi1>, vector<16xf32>
    %mul3A_881 = arith.mulf %select_n3A_880, %broadcast_in_dim3A_867 : vector<16xf32>
    %sub3A_882 = arith.subf %broadcast_in_dim3A_867, %mul3A_881 : vector<16xf32>
    %mul3A_883 = arith.constant 1.000000e+30 : f32
    %mul3A_884 = vector.broadcast %mul3A_883 : f32 to vector<16xf32>
    %mul3A_885 = arith.mulf %mul3A_881, %mul3A_884 : vector<16xf32>
    %sub3A_886 = arith.subf %sub3A_870, %mul3A_885 : vector<16xf32>
    %max3A_887 = arith.maximumf %broadcast_in_dim3A_865, %sub3A_886 : vector<16xf32>
    %sub3A_888 = arith.subf %get3A_826, %max3A_863 : vector<16xf32>
    %exp3A_889 = math.exp %sub3A_888 : vector<16xf32>
    %add3A_890 = arith.addf %add3A_872, %exp3A_889 : vector<16xf32>
    %ge3A_891 = arith.constant 0.000000e+00 : f32
    %ge3A_892 = vector.broadcast %ge3A_891 : f32 to vector<16xf32>
    %ge3A_893 = arith.cmpf oge, %sub3A_888, %ge3A_892 : vector<16xf32>
    %jit3A_894 = arith.constant 1.000000e+00 : f32
    %jit3A_895 = arith.constant 0.000000e+00 : f32
    %broadcast_in_dim3A_896 = vector.broadcast %jit3A_894 : f32 to vector<16xf32>
    %broadcast_in_dim3A_897 = vector.broadcast %jit3A_895 : f32 to vector<16xf32>
    %select_n3A_898 = arith.select %ge3A_893, %broadcast_in_dim3A_896, %broadcast_in_dim3A_897 : vector<16xi1>, vector<16xf32>
    %mul3A_899 = arith.mulf %select_n3A_898, %sub3A_882 : vector<16xf32>
    %sub3A_900 = arith.subf %sub3A_882, %mul3A_899 : vector<16xf32>
    %mul3A_901 = arith.constant 1.000000e+30 : f32
    %mul3A_902 = vector.broadcast %mul3A_901 : f32 to vector<16xf32>
    %mul3A_903 = arith.mulf %mul3A_899, %mul3A_902 : vector<16xf32>
    %sub3A_904 = arith.subf %sub3A_888, %mul3A_903 : vector<16xf32>
    %max3A_905 = arith.maximumf %max3A_887, %sub3A_904 : vector<16xf32>
    %sub3A_906 = arith.subf %get3A_831, %max3A_863 : vector<16xf32>
    %exp3A_907 = math.exp %sub3A_906 : vector<16xf32>
    %add3A_908 = arith.addf %add3A_890, %exp3A_907 : vector<16xf32>
    %ge3A_909 = arith.constant 0.000000e+00 : f32
    %ge3A_910 = vector.broadcast %ge3A_909 : f32 to vector<16xf32>
    %ge3A_911 = arith.cmpf oge, %sub3A_906, %ge3A_910 : vector<16xf32>
    %jit3A_912 = arith.constant 1.000000e+00 : f32
    %jit3A_913 = arith.constant 0.000000e+00 : f32
    %broadcast_in_dim3A_914 = vector.broadcast %jit3A_912 : f32 to vector<16xf32>
    %broadcast_in_dim3A_915 = vector.broadcast %jit3A_913 : f32 to vector<16xf32>
    %select_n3A_916 = arith.select %ge3A_911, %broadcast_in_dim3A_914, %broadcast_in_dim3A_915 : vector<16xi1>, vector<16xf32>
    %mul3A_917 = arith.mulf %select_n3A_916, %sub3A_900 : vector<16xf32>
    %sub3A_918 = arith.subf %sub3A_900, %mul3A_917 : vector<16xf32>
    %mul3A_919 = arith.constant 1.000000e+30 : f32
    %mul3A_920 = vector.broadcast %mul3A_919 : f32 to vector<16xf32>
    %mul3A_921 = arith.mulf %mul3A_917, %mul3A_920 : vector<16xf32>
    %sub3A_922 = arith.subf %sub3A_906, %mul3A_921 : vector<16xf32>
    %max3A_923 = arith.maximumf %max3A_905, %sub3A_922 : vector<16xf32>
    %sub3A_924 = arith.subf %get3A_836, %max3A_863 : vector<16xf32>
    %exp3A_925 = math.exp %sub3A_924 : vector<16xf32>
    %add3A_926 = arith.addf %add3A_908, %exp3A_925 : vector<16xf32>
    %ge3A_927 = arith.constant 0.000000e+00 : f32
    %ge3A_928 = vector.broadcast %ge3A_927 : f32 to vector<16xf32>
    %ge3A_929 = arith.cmpf oge, %sub3A_924, %ge3A_928 : vector<16xf32>
    %jit3A_930 = arith.constant 1.000000e+00 : f32
    %jit3A_931 = arith.constant 0.000000e+00 : f32
    %broadcast_in_dim3A_932 = vector.broadcast %jit3A_930 : f32 to vector<16xf32>
    %broadcast_in_dim3A_933 = vector.broadcast %jit3A_931 : f32 to vector<16xf32>
    %select_n3A_934 = arith.select %ge3A_929, %broadcast_in_dim3A_932, %broadcast_in_dim3A_933 : vector<16xi1>, vector<16xf32>
    %mul3A_935 = arith.mulf %select_n3A_934, %sub3A_918 : vector<16xf32>
    %sub3A_936 = arith.subf %sub3A_918, %mul3A_935 : vector<16xf32>
    %mul3A_937 = arith.constant 1.000000e+30 : f32
    %mul3A_938 = vector.broadcast %mul3A_937 : f32 to vector<16xf32>
    %mul3A_939 = arith.mulf %mul3A_935, %mul3A_938 : vector<16xf32>
    %sub3A_940 = arith.subf %sub3A_924, %mul3A_939 : vector<16xf32>
    %max3A_941 = arith.maximumf %max3A_923, %sub3A_940 : vector<16xf32>
    %sub3A_942 = arith.subf %get3A_841, %max3A_863 : vector<16xf32>
    %exp3A_943 = math.exp %sub3A_942 : vector<16xf32>
    %add3A_944 = arith.addf %add3A_926, %exp3A_943 : vector<16xf32>
    %ge3A_945 = arith.constant 0.000000e+00 : f32
    %ge3A_946 = vector.broadcast %ge3A_945 : f32 to vector<16xf32>
    %ge3A_947 = arith.cmpf oge, %sub3A_942, %ge3A_946 : vector<16xf32>
    %jit3A_948 = arith.constant 1.000000e+00 : f32
    %jit3A_949 = arith.constant 0.000000e+00 : f32
    %broadcast_in_dim3A_950 = vector.broadcast %jit3A_948 : f32 to vector<16xf32>
    %broadcast_in_dim3A_951 = vector.broadcast %jit3A_949 : f32 to vector<16xf32>
    %select_n3A_952 = arith.select %ge3A_947, %broadcast_in_dim3A_950, %broadcast_in_dim3A_951 : vector<16xi1>, vector<16xf32>
    %mul3A_953 = arith.mulf %select_n3A_952, %sub3A_936 : vector<16xf32>
    %sub3A_954 = arith.subf %sub3A_936, %mul3A_953 : vector<16xf32>
    %mul3A_955 = arith.constant 1.000000e+30 : f32
    %mul3A_956 = vector.broadcast %mul3A_955 : f32 to vector<16xf32>
    %mul3A_957 = arith.mulf %mul3A_953, %mul3A_956 : vector<16xf32>
    %sub3A_958 = arith.subf %sub3A_942, %mul3A_957 : vector<16xf32>
    %max3A_959 = arith.maximumf %max3A_941, %sub3A_958 : vector<16xf32>
    %sub3A_960 = arith.subf %get3A_846, %max3A_863 : vector<16xf32>
    %exp3A_961 = math.exp %sub3A_960 : vector<16xf32>
    %add3A_962 = arith.addf %add3A_944, %exp3A_961 : vector<16xf32>
    %ge3A_963 = arith.constant 0.000000e+00 : f32
    %ge3A_964 = vector.broadcast %ge3A_963 : f32 to vector<16xf32>
    %ge3A_965 = arith.cmpf oge, %sub3A_960, %ge3A_964 : vector<16xf32>
    %jit3A_966 = arith.constant 1.000000e+00 : f32
    %jit3A_967 = arith.constant 0.000000e+00 : f32
    %broadcast_in_dim3A_968 = vector.broadcast %jit3A_966 : f32 to vector<16xf32>
    %broadcast_in_dim3A_969 = vector.broadcast %jit3A_967 : f32 to vector<16xf32>
    %select_n3A_970 = arith.select %ge3A_965, %broadcast_in_dim3A_968, %broadcast_in_dim3A_969 : vector<16xi1>, vector<16xf32>
    %mul3A_971 = arith.mulf %select_n3A_970, %sub3A_954 : vector<16xf32>
    %sub3A_972 = arith.subf %sub3A_954, %mul3A_971 : vector<16xf32>
    %mul3A_973 = arith.constant 1.000000e+30 : f32
    %mul3A_974 = vector.broadcast %mul3A_973 : f32 to vector<16xf32>
    %mul3A_975 = arith.mulf %mul3A_971, %mul3A_974 : vector<16xf32>
    %sub3A_976 = arith.subf %sub3A_960, %mul3A_975 : vector<16xf32>
    %max3A_977 = arith.maximumf %max3A_959, %sub3A_976 : vector<16xf32>
    %sub3A_978 = arith.subf %get3A_851, %max3A_863 : vector<16xf32>
    %exp3A_979 = math.exp %sub3A_978 : vector<16xf32>
    %add3A_980 = arith.addf %add3A_962, %exp3A_979 : vector<16xf32>
    %ge3A_981 = arith.constant 0.000000e+00 : f32
    %ge3A_982 = vector.broadcast %ge3A_981 : f32 to vector<16xf32>
    %ge3A_983 = arith.cmpf oge, %sub3A_978, %ge3A_982 : vector<16xf32>
    %jit3A_984 = arith.constant 1.000000e+00 : f32
    %jit3A_985 = arith.constant 0.000000e+00 : f32
    %broadcast_in_dim3A_986 = vector.broadcast %jit3A_984 : f32 to vector<16xf32>
    %broadcast_in_dim3A_987 = vector.broadcast %jit3A_985 : f32 to vector<16xf32>
    %select_n3A_988 = arith.select %ge3A_983, %broadcast_in_dim3A_986, %broadcast_in_dim3A_987 : vector<16xi1>, vector<16xf32>
    %mul3A_989 = arith.mulf %select_n3A_988, %sub3A_972 : vector<16xf32>
    %sub3A_990 = arith.subf %sub3A_972, %mul3A_989 : vector<16xf32>
    %mul3A_991 = arith.constant 1.000000e+30 : f32
    %mul3A_992 = vector.broadcast %mul3A_991 : f32 to vector<16xf32>
    %mul3A_993 = arith.mulf %mul3A_989, %mul3A_992 : vector<16xf32>
    %sub3A_994 = arith.subf %sub3A_978, %mul3A_993 : vector<16xf32>
    %max3A_995 = arith.maximumf %max3A_977, %sub3A_994 : vector<16xf32>
    %sub3A_996 = arith.subf %get3A_856, %max3A_863 : vector<16xf32>
    %exp3A_997 = math.exp %sub3A_996 : vector<16xf32>
    %add3A_998 = arith.addf %add3A_980, %exp3A_997 : vector<16xf32>
    %ge3A_999 = arith.constant 0.000000e+00 : f32
    %ge3A_1000 = vector.broadcast %ge3A_999 : f32 to vector<16xf32>
    %ge3A_1001 = arith.cmpf oge, %sub3A_996, %ge3A_1000 : vector<16xf32>
    %jit3A_1002 = arith.constant 1.000000e+00 : f32
    %jit3A_1003 = arith.constant 0.000000e+00 : f32
    %broadcast_in_dim3A_1004 = vector.broadcast %jit3A_1002 : f32 to vector<16xf32>
    %broadcast_in_dim3A_1005 = vector.broadcast %jit3A_1003 : f32 to vector<16xf32>
    %select_n3A_1006 = arith.select %ge3A_1001, %broadcast_in_dim3A_1004, %broadcast_in_dim3A_1005 : vector<16xi1>, vector<16xf32>
    %mul3A_1007 = arith.mulf %select_n3A_1006, %sub3A_990 : vector<16xf32>
    %sub3A_1008 = arith.subf %sub3A_990, %mul3A_1007 : vector<16xf32>
    %mul3A_1009 = arith.constant 1.000000e+30 : f32
    %mul3A_1010 = vector.broadcast %mul3A_1009 : f32 to vector<16xf32>
    %mul3A_1011 = arith.mulf %mul3A_1007, %mul3A_1010 : vector<16xf32>
    %sub3A_1012 = arith.subf %sub3A_996, %mul3A_1011 : vector<16xf32>
    %max3A_1013 = arith.maximumf %max3A_995, %sub3A_1012 : vector<16xf32>
    %exp3A_1014 = math.exp %max3A_1013 : vector<16xf32>
    %add3A_1015 = arith.constant 1.000000e+00 : f32
    %add3A_1016 = vector.broadcast %add3A_1015 : f32 to vector<16xf32>
    %add3A_1017 = arith.addf %add3A_1016, %exp3A_1014 : vector<16xf32>
    %div3A_1018 = arith.divf %add3A_1017, %add3A_998 : vector<16xf32>
    %swap3A_1019 = arith.constant 64 : index
    %swap3A_1020 = tpu.vector_load %arg5[%swap3A_1019] {strides = array<i32>} : memref<256xf32, #tpu.memory_space<vmem>>, vector<16xf32>,
    %swap3A_1021 = vector.shape_cast %swap3A_1020 : vector<16xf32> to vector<16xf32>
    %swap3A_1022 = vector.shape_cast %div3A_1018 : vector<16xf32> to vector<16xf32>
    tpu.vector_store %arg5[%swap3A_1019], %swap3A_1022 {strides = array<i32>} : memref<256xf32, #tpu.memory_space<vmem>>, vector<16xf32>,
    %get3A_1023 = arith.constant 0 : i32
    %get3A_1024 = arith.index_cast %get3A_1023 : i32 to index
    %get3A_1025 = arith.constant 80 : index
    %get3A_1026 = tpu.vector_load %arg4[%get3A_1024, %get3A_1025] {strides = array<i32>} : memref<8x256xf32, #tpu.memory_space<vmem>>, vector<1x16xf32>,
    %get3A_1027 = vector.shape_cast %get3A_1026 : vector<1x16xf32> to vector<16xf32>
    %get3A_1028 = arith.constant 1 : i32
    %get3A_1029 = arith.index_cast %get3A_1028 : i32 to index
    %get3A_1030 = arith.constant 80 : index
    %get3A_1031 = tpu.vector_load %arg4[%get3A_1029, %get3A_1030] {strides = array<i32>} : memref<8x256xf32, #tpu.memory_space<vmem>>, vector<1x16xf32>,
    %get3A_1032 = vector.shape_cast %get3A_1031 : vector<1x16xf32> to vector<16xf32>
    %get3A_1033 = arith.constant 2 : i32
    %get3A_1034 = arith.index_cast %get3A_1033 : i32 to index
    %get3A_1035 = arith.constant 80 : index
    %get3A_1036 = tpu.vector_load %arg4[%get3A_1034, %get3A_1035] {strides = array<i32>} : memref<8x256xf32, #tpu.memory_space<vmem>>, vector<1x16xf32>,
    %get3A_1037 = vector.shape_cast %get3A_1036 : vector<1x16xf32> to vector<16xf32>
    %get3A_1038 = arith.constant 3 : i32
    %get3A_1039 = arith.index_cast %get3A_1038 : i32 to index
    %get3A_1040 = arith.constant 80 : index
    %get3A_1041 = tpu.vector_load %arg4[%get3A_1039, %get3A_1040] {strides = array<i32>} : memref<8x256xf32, #tpu.memory_space<vmem>>, vector<1x16xf32>,
    %get3A_1042 = vector.shape_cast %get3A_1041 : vector<1x16xf32> to vector<16xf32>
    %get3A_1043 = arith.constant 4 : i32
    %get3A_1044 = arith.index_cast %get3A_1043 : i32 to index
    %get3A_1045 = arith.constant 80 : index
    %get3A_1046 = tpu.vector_load %arg4[%get3A_1044, %get3A_1045] {strides = array<i32>} : memref<8x256xf32, #tpu.memory_space<vmem>>, vector<1x16xf32>,
    %get3A_1047 = vector.shape_cast %get3A_1046 : vector<1x16xf32> to vector<16xf32>
    %get3A_1048 = arith.constant 5 : i32
    %get3A_1049 = arith.index_cast %get3A_1048 : i32 to index
    %get3A_1050 = arith.constant 80 : index
    %get3A_1051 = tpu.vector_load %arg4[%get3A_1049, %get3A_1050] {strides = array<i32>} : memref<8x256xf32, #tpu.memory_space<vmem>>, vector<1x16xf32>,
    %get3A_1052 = vector.shape_cast %get3A_1051 : vector<1x16xf32> to vector<16xf32>
    %get3A_1053 = arith.constant 6 : i32
    %get3A_1054 = arith.index_cast %get3A_1053 : i32 to index
    %get3A_1055 = arith.constant 80 : index
    %get3A_1056 = tpu.vector_load %arg4[%get3A_1054, %get3A_1055] {strides = array<i32>} : memref<8x256xf32, #tpu.memory_space<vmem>>, vector<1x16xf32>,
    %get3A_1057 = vector.shape_cast %get3A_1056 : vector<1x16xf32> to vector<16xf32>
    %get3A_1058 = arith.constant 7 : i32
    %get3A_1059 = arith.index_cast %get3A_1058 : i32 to index
    %get3A_1060 = arith.constant 80 : index
    %get3A_1061 = tpu.vector_load %arg4[%get3A_1059, %get3A_1060] {strides = array<i32>} : memref<8x256xf32, #tpu.memory_space<vmem>>, vector<1x16xf32>,
    %get3A_1062 = vector.shape_cast %get3A_1061 : vector<1x16xf32> to vector<16xf32>
    %max3A_1063 = arith.maximumf %get3A_1027, %get3A_1032 : vector<16xf32>
    %max3A_1064 = arith.maximumf %max3A_1063, %get3A_1037 : vector<16xf32>
    %max3A_1065 = arith.maximumf %max3A_1064, %get3A_1042 : vector<16xf32>
    %max3A_1066 = arith.maximumf %max3A_1065, %get3A_1047 : vector<16xf32>
    %max3A_1067 = arith.maximumf %max3A_1066, %get3A_1052 : vector<16xf32>
    %max3A_1068 = arith.maximumf %max3A_1067, %get3A_1057 : vector<16xf32>
    %max3A_1069 = arith.maximumf %max3A_1068, %get3A_1062 : vector<16xf32>
    %broadcast_in_dim3A_1070 = arith.constant -1.000000e+30 : f32
    %broadcast_in_dim3A_1071 = vector.broadcast %broadcast_in_dim3A_1070 : f32 to vector<16xf32>
    %broadcast_in_dim3A_1072 = arith.constant 1.000000e+00 : f32
    %broadcast_in_dim3A_1073 = vector.broadcast %broadcast_in_dim3A_1072 : f32 to vector<16xf32>
    %broadcast_in_dim3A_1074 = arith.constant 0.000000e+00 : f32
    %broadcast_in_dim3A_1075 = vector.broadcast %broadcast_in_dim3A_1074 : f32 to vector<16xf32>
    %sub3A_1076 = arith.subf %get3A_1027, %max3A_1069 : vector<16xf32>
    %exp3A_1077 = math.exp %sub3A_1076 : vector<16xf32>
    %add3A_1078 = arith.addf %broadcast_in_dim3A_1075, %exp3A_1077 : vector<16xf32>
    %ge3A_1079 = arith.constant 0.000000e+00 : f32
    %ge3A_1080 = vector.broadcast %ge3A_1079 : f32 to vector<16xf32>
    %ge3A_1081 = arith.cmpf oge, %sub3A_1076, %ge3A_1080 : vector<16xf32>
    %jit3A_1082 = arith.constant 1.000000e+00 : f32
    %jit3A_1083 = arith.constant 0.000000e+00 : f32
    %broadcast_in_dim3A_1084 = vector.broadcast %jit3A_1082 : f32 to vector<16xf32>
    %broadcast_in_dim3A_1085 = vector.broadcast %jit3A_1083 : f32 to vector<16xf32>
    %select_n3A_1086 = arith.select %ge3A_1081, %broadcast_in_dim3A_1084, %broadcast_in_dim3A_1085 : vector<16xi1>, vector<16xf32>
    %mul3A_1087 = arith.mulf %select_n3A_1086, %broadcast_in_dim3A_1073 : vector<16xf32>
    %sub3A_1088 = arith.subf %broadcast_in_dim3A_1073, %mul3A_1087 : vector<16xf32>
    %mul3A_1089 = arith.constant 1.000000e+30 : f32
    %mul3A_1090 = vector.broadcast %mul3A_1089 : f32 to vector<16xf32>
    %mul3A_1091 = arith.mulf %mul3A_1087, %mul3A_1090 : vector<16xf32>
    %sub3A_1092 = arith.subf %sub3A_1076, %mul3A_1091 : vector<16xf32>
    %max3A_1093 = arith.maximumf %broadcast_in_dim3A_1071, %sub3A_1092 : vector<16xf32>
    %sub3A_1094 = arith.subf %get3A_1032, %max3A_1069 : vector<16xf32>
    %exp3A_1095 = math.exp %sub3A_1094 : vector<16xf32>
    %add3A_1096 = arith.addf %add3A_1078, %exp3A_1095 : vector<16xf32>
    %ge3A_1097 = arith.constant 0.000000e+00 : f32
    %ge3A_1098 = vector.broadcast %ge3A_1097 : f32 to vector<16xf32>
    %ge3A_1099 = arith.cmpf oge, %sub3A_1094, %ge3A_1098 : vector<16xf32>
    %jit3A_1100 = arith.constant 1.000000e+00 : f32
    %jit3A_1101 = arith.constant 0.000000e+00 : f32
    %broadcast_in_dim3A_1102 = vector.broadcast %jit3A_1100 : f32 to vector<16xf32>
    %broadcast_in_dim3A_1103 = vector.broadcast %jit3A_1101 : f32 to vector<16xf32>
    %select_n3A_1104 = arith.select %ge3A_1099, %broadcast_in_dim3A_1102, %broadcast_in_dim3A_1103 : vector<16xi1>, vector<16xf32>
    %mul3A_1105 = arith.mulf %select_n3A_1104, %sub3A_1088 : vector<16xf32>
    %sub3A_1106 = arith.subf %sub3A_1088, %mul3A_1105 : vector<16xf32>
    %mul3A_1107 = arith.constant 1.000000e+30 : f32
    %mul3A_1108 = vector.broadcast %mul3A_1107 : f32 to vector<16xf32>
    %mul3A_1109 = arith.mulf %mul3A_1105, %mul3A_1108 : vector<16xf32>
    %sub3A_1110 = arith.subf %sub3A_1094, %mul3A_1109 : vector<16xf32>
    %max3A_1111 = arith.maximumf %max3A_1093, %sub3A_1110 : vector<16xf32>
    %sub3A_1112 = arith.subf %get3A_1037, %max3A_1069 : vector<16xf32>
    %exp3A_1113 = math.exp %sub3A_1112 : vector<16xf32>
    %add3A_1114 = arith.addf %add3A_1096, %exp3A_1113 : vector<16xf32>
    %ge3A_1115 = arith.constant 0.000000e+00 : f32
    %ge3A_1116 = vector.broadcast %ge3A_1115 : f32 to vector<16xf32>
    %ge3A_1117 = arith.cmpf oge, %sub3A_1112, %ge3A_1116 : vector<16xf32>
    %jit3A_1118 = arith.constant 1.000000e+00 : f32
    %jit3A_1119 = arith.constant 0.000000e+00 : f32
    %broadcast_in_dim3A_1120 = vector.broadcast %jit3A_1118 : f32 to vector<16xf32>
    %broadcast_in_dim3A_1121 = vector.broadcast %jit3A_1119 : f32 to vector<16xf32>
    %select_n3A_1122 = arith.select %ge3A_1117, %broadcast_in_dim3A_1120, %broadcast_in_dim3A_1121 : vector<16xi1>, vector<16xf32>
    %mul3A_1123 = arith.mulf %select_n3A_1122, %sub3A_1106 : vector<16xf32>
    %sub3A_1124 = arith.subf %sub3A_1106, %mul3A_1123 : vector<16xf32>
    %mul3A_1125 = arith.constant 1.000000e+30 : f32
    %mul3A_1126 = vector.broadcast %mul3A_1125 : f32 to vector<16xf32>
    %mul3A_1127 = arith.mulf %mul3A_1123, %mul3A_1126 : vector<16xf32>
    %sub3A_1128 = arith.subf %sub3A_1112, %mul3A_1127 : vector<16xf32>
    %max3A_1129 = arith.maximumf %max3A_1111, %sub3A_1128 : vector<16xf32>
    %sub3A_1130 = arith.subf %get3A_1042, %max3A_1069 : vector<16xf32>
    %exp3A_1131 = math.exp %sub3A_1130 : vector<16xf32>
    %add3A_1132 = arith.addf %add3A_1114, %exp3A_1131 : vector<16xf32>
    %ge3A_1133 = arith.constant 0.000000e+00 : f32
    %ge3A_1134 = vector.broadcast %ge3A_1133 : f32 to vector<16xf32>
    %ge3A_1135 = arith.cmpf oge, %sub3A_1130, %ge3A_1134 : vector<16xf32>
    %jit3A_1136 = arith.constant 1.000000e+00 : f32
    %jit3A_1137 = arith.constant 0.000000e+00 : f32
    %broadcast_in_dim3A_1138 = vector.broadcast %jit3A_1136 : f32 to vector<16xf32>
    %broadcast_in_dim3A_1139 = vector.broadcast %jit3A_1137 : f32 to vector<16xf32>
    %select_n3A_1140 = arith.select %ge3A_1135, %broadcast_in_dim3A_1138, %broadcast_in_dim3A_1139 : vector<16xi1>, vector<16xf32>
    %mul3A_1141 = arith.mulf %select_n3A_1140, %sub3A_1124 : vector<16xf32>
    %sub3A_1142 = arith.subf %sub3A_1124, %mul3A_1141 : vector<16xf32>
    %mul3A_1143 = arith.constant 1.000000e+30 : f32
    %mul3A_1144 = vector.broadcast %mul3A_1143 : f32 to vector<16xf32>
    %mul3A_1145 = arith.mulf %mul3A_1141, %mul3A_1144 : vector<16xf32>
    %sub3A_1146 = arith.subf %sub3A_1130, %mul3A_1145 : vector<16xf32>
    %max3A_1147 = arith.maximumf %max3A_1129, %sub3A_1146 : vector<16xf32>
    %sub3A_1148 = arith.subf %get3A_1047, %max3A_1069 : vector<16xf32>
    %exp3A_1149 = math.exp %sub3A_1148 : vector<16xf32>
    %add3A_1150 = arith.addf %add3A_1132, %exp3A_1149 : vector<16xf32>
    %ge3A_1151 = arith.constant 0.000000e+00 : f32
    %ge3A_1152 = vector.broadcast %ge3A_1151 : f32 to vector<16xf32>
    %ge3A_1153 = arith.cmpf oge, %sub3A_1148, %ge3A_1152 : vector<16xf32>
    %jit3A_1154 = arith.constant 1.000000e+00 : f32
    %jit3A_1155 = arith.constant 0.000000e+00 : f32
    %broadcast_in_dim3A_1156 = vector.broadcast %jit3A_1154 : f32 to vector<16xf32>
    %broadcast_in_dim3A_1157 = vector.broadcast %jit3A_1155 : f32 to vector<16xf32>
    %select_n3A_1158 = arith.select %ge3A_1153, %broadcast_in_dim3A_1156, %broadcast_in_dim3A_1157 : vector<16xi1>, vector<16xf32>
    %mul3A_1159 = arith.mulf %select_n3A_1158, %sub3A_1142 : vector<16xf32>
    %sub3A_1160 = arith.subf %sub3A_1142, %mul3A_1159 : vector<16xf32>
    %mul3A_1161 = arith.constant 1.000000e+30 : f32
    %mul3A_1162 = vector.broadcast %mul3A_1161 : f32 to vector<16xf32>
    %mul3A_1163 = arith.mulf %mul3A_1159, %mul3A_1162 : vector<16xf32>
    %sub3A_1164 = arith.subf %sub3A_1148, %mul3A_1163 : vector<16xf32>
    %max3A_1165 = arith.maximumf %max3A_1147, %sub3A_1164 : vector<16xf32>
    %sub3A_1166 = arith.subf %get3A_1052, %max3A_1069 : vector<16xf32>
    %exp3A_1167 = math.exp %sub3A_1166 : vector<16xf32>
    %add3A_1168 = arith.addf %add3A_1150, %exp3A_1167 : vector<16xf32>
    %ge3A_1169 = arith.constant 0.000000e+00 : f32
    %ge3A_1170 = vector.broadcast %ge3A_1169 : f32 to vector<16xf32>
    %ge3A_1171 = arith.cmpf oge, %sub3A_1166, %ge3A_1170 : vector<16xf32>
    %jit3A_1172 = arith.constant 1.000000e+00 : f32
    %jit3A_1173 = arith.constant 0.000000e+00 : f32
    %broadcast_in_dim3A_1174 = vector.broadcast %jit3A_1172 : f32 to vector<16xf32>
    %broadcast_in_dim3A_1175 = vector.broadcast %jit3A_1173 : f32 to vector<16xf32>
    %select_n3A_1176 = arith.select %ge3A_1171, %broadcast_in_dim3A_1174, %broadcast_in_dim3A_1175 : vector<16xi1>, vector<16xf32>
    %mul3A_1177 = arith.mulf %select_n3A_1176, %sub3A_1160 : vector<16xf32>
    %sub3A_1178 = arith.subf %sub3A_1160, %mul3A_1177 : vector<16xf32>
    %mul3A_1179 = arith.constant 1.000000e+30 : f32
    %mul3A_1180 = vector.broadcast %mul3A_1179 : f32 to vector<16xf32>
    %mul3A_1181 = arith.mulf %mul3A_1177, %mul3A_1180 : vector<16xf32>
    %sub3A_1182 = arith.subf %sub3A_1166, %mul3A_1181 : vector<16xf32>
    %max3A_1183 = arith.maximumf %max3A_1165, %sub3A_1182 : vector<16xf32>
    %sub3A_1184 = arith.subf %get3A_1057, %max3A_1069 : vector<16xf32>
    %exp3A_1185 = math.exp %sub3A_1184 : vector<16xf32>
    %add3A_1186 = arith.addf %add3A_1168, %exp3A_1185 : vector<16xf32>
    %ge3A_1187 = arith.constant 0.000000e+00 : f32
    %ge3A_1188 = vector.broadcast %ge3A_1187 : f32 to vector<16xf32>
    %ge3A_1189 = arith.cmpf oge, %sub3A_1184, %ge3A_1188 : vector<16xf32>
    %jit3A_1190 = arith.constant 1.000000e+00 : f32
    %jit3A_1191 = arith.constant 0.000000e+00 : f32
    %broadcast_in_dim3A_1192 = vector.broadcast %jit3A_1190 : f32 to vector<16xf32>
    %broadcast_in_dim3A_1193 = vector.broadcast %jit3A_1191 : f32 to vector<16xf32>
    %select_n3A_1194 = arith.select %ge3A_1189, %broadcast_in_dim3A_1192, %broadcast_in_dim3A_1193 : vector<16xi1>, vector<16xf32>
    %mul3A_1195 = arith.mulf %select_n3A_1194, %sub3A_1178 : vector<16xf32>
    %sub3A_1196 = arith.subf %sub3A_1178, %mul3A_1195 : vector<16xf32>
    %mul3A_1197 = arith.constant 1.000000e+30 : f32
    %mul3A_1198 = vector.broadcast %mul3A_1197 : f32 to vector<16xf32>
    %mul3A_1199 = arith.mulf %mul3A_1195, %mul3A_1198 : vector<16xf32>
    %sub3A_1200 = arith.subf %sub3A_1184, %mul3A_1199 : vector<16xf32>
    %max3A_1201 = arith.maximumf %max3A_1183, %sub3A_1200 : vector<16xf32>
    %sub3A_1202 = arith.subf %get3A_1062, %max3A_1069 : vector<16xf32>
    %exp3A_1203 = math.exp %sub3A_1202 : vector<16xf32>
    %add3A_1204 = arith.addf %add3A_1186, %exp3A_1203 : vector<16xf32>
    %ge3A_1205 = arith.constant 0.000000e+00 : f32
    %ge3A_1206 = vector.broadcast %ge3A_1205 : f32 to vector<16xf32>
    %ge3A_1207 = arith.cmpf oge, %sub3A_1202, %ge3A_1206 : vector<16xf32>
    %jit3A_1208 = arith.constant 1.000000e+00 : f32
    %jit3A_1209 = arith.constant 0.000000e+00 : f32
    %broadcast_in_dim3A_1210 = vector.broadcast %jit3A_1208 : f32 to vector<16xf32>
    %broadcast_in_dim3A_1211 = vector.broadcast %jit3A_1209 : f32 to vector<16xf32>
    %select_n3A_1212 = arith.select %ge3A_1207, %broadcast_in_dim3A_1210, %broadcast_in_dim3A_1211 : vector<16xi1>, vector<16xf32>
    %mul3A_1213 = arith.mulf %select_n3A_1212, %sub3A_1196 : vector<16xf32>
    %sub3A_1214 = arith.subf %sub3A_1196, %mul3A_1213 : vector<16xf32>
    %mul3A_1215 = arith.constant 1.000000e+30 : f32
    %mul3A_1216 = vector.broadcast %mul3A_1215 : f32 to vector<16xf32>
    %mul3A_1217 = arith.mulf %mul3A_1213, %mul3A_1216 : vector<16xf32>
    %sub3A_1218 = arith.subf %sub3A_1202, %mul3A_1217 : vector<16xf32>
    %max3A_1219 = arith.maximumf %max3A_1201, %sub3A_1218 : vector<16xf32>
    %exp3A_1220 = math.exp %max3A_1219 : vector<16xf32>
    %add3A_1221 = arith.constant 1.000000e+00 : f32
    %add3A_1222 = vector.broadcast %add3A_1221 : f32 to vector<16xf32>
    %add3A_1223 = arith.addf %add3A_1222, %exp3A_1220 : vector<16xf32>
    %div3A_1224 = arith.divf %add3A_1223, %add3A_1204 : vector<16xf32>
    %swap3A_1225 = arith.constant 80 : index
    %swap3A_1226 = tpu.vector_load %arg5[%swap3A_1225] {strides = array<i32>} : memref<256xf32, #tpu.memory_space<vmem>>, vector<16xf32>,
    %swap3A_1227 = vector.shape_cast %swap3A_1226 : vector<16xf32> to vector<16xf32>
    %swap3A_1228 = vector.shape_cast %div3A_1224 : vector<16xf32> to vector<16xf32>
    tpu.vector_store %arg5[%swap3A_1225], %swap3A_1228 {strides = array<i32>} : memref<256xf32, #tpu.memory_space<vmem>>, vector<16xf32>,
    %get3A_1229 = arith.constant 0 : i32
    %get3A_1230 = arith.index_cast %get3A_1229 : i32 to index
    %get3A_1231 = arith.constant 96 : index
    %get3A_1232 = tpu.vector_load %arg4[%get3A_1230, %get3A_1231] {strides = array<i32>} : memref<8x256xf32, #tpu.memory_space<vmem>>, vector<1x16xf32>,
    %get3A_1233 = vector.shape_cast %get3A_1232 : vector<1x16xf32> to vector<16xf32>
    %get3A_1234 = arith.constant 1 : i32
    %get3A_1235 = arith.index_cast %get3A_1234 : i32 to index
    %get3A_1236 = arith.constant 96 : index
    %get3A_1237 = tpu.vector_load %arg4[%get3A_1235, %get3A_1236] {strides = array<i32>} : memref<8x256xf32, #tpu.memory_space<vmem>>, vector<1x16xf32>,
    %get3A_1238 = vector.shape_cast %get3A_1237 : vector<1x16xf32> to vector<16xf32>
    %get3A_1239 = arith.constant 2 : i32
    %get3A_1240 = arith.index_cast %get3A_1239 : i32 to index
    %get3A_1241 = arith.constant 96 : index
    %get3A_1242 = tpu.vector_load %arg4[%get3A_1240, %get3A_1241] {strides = array<i32>} : memref<8x256xf32, #tpu.memory_space<vmem>>, vector<1x16xf32>,
    %get3A_1243 = vector.shape_cast %get3A_1242 : vector<1x16xf32> to vector<16xf32>
    %get3A_1244 = arith.constant 3 : i32
    %get3A_1245 = arith.index_cast %get3A_1244 : i32 to index
    %get3A_1246 = arith.constant 96 : index
    %get3A_1247 = tpu.vector_load %arg4[%get3A_1245, %get3A_1246] {strides = array<i32>} : memref<8x256xf32, #tpu.memory_space<vmem>>, vector<1x16xf32>,
    %get3A_1248 = vector.shape_cast %get3A_1247 : vector<1x16xf32> to vector<16xf32>
    %get3A_1249 = arith.constant 4 : i32
    %get3A_1250 = arith.index_cast %get3A_1249 : i32 to index
    %get3A_1251 = arith.constant 96 : index
    %get3A_1252 = tpu.vector_load %arg4[%get3A_1250, %get3A_1251] {strides = array<i32>} : memref<8x256xf32, #tpu.memory_space<vmem>>, vector<1x16xf32>,
    %get3A_1253 = vector.shape_cast %get3A_1252 : vector<1x16xf32> to vector<16xf32>
    %get3A_1254 = arith.constant 5 : i32
    %get3A_1255 = arith.index_cast %get3A_1254 : i32 to index
    %get3A_1256 = arith.constant 96 : index
    %get3A_1257 = tpu.vector_load %arg4[%get3A_1255, %get3A_1256] {strides = array<i32>} : memref<8x256xf32, #tpu.memory_space<vmem>>, vector<1x16xf32>,
    %get3A_1258 = vector.shape_cast %get3A_1257 : vector<1x16xf32> to vector<16xf32>
    %get3A_1259 = arith.constant 6 : i32
    %get3A_1260 = arith.index_cast %get3A_1259 : i32 to index
    %get3A_1261 = arith.constant 96 : index
    %get3A_1262 = tpu.vector_load %arg4[%get3A_1260, %get3A_1261] {strides = array<i32>} : memref<8x256xf32, #tpu.memory_space<vmem>>, vector<1x16xf32>,
    %get3A_1263 = vector.shape_cast %get3A_1262 : vector<1x16xf32> to vector<16xf32>
    %get3A_1264 = arith.constant 7 : i32
    %get3A_1265 = arith.index_cast %get3A_1264 : i32 to index
    %get3A_1266 = arith.constant 96 : index
    %get3A_1267 = tpu.vector_load %arg4[%get3A_1265, %get3A_1266] {strides = array<i32>} : memref<8x256xf32, #tpu.memory_space<vmem>>, vector<1x16xf32>,
    %get3A_1268 = vector.shape_cast %get3A_1267 : vector<1x16xf32> to vector<16xf32>
    %max3A_1269 = arith.maximumf %get3A_1233, %get3A_1238 : vector<16xf32>
    %max3A_1270 = arith.maximumf %max3A_1269, %get3A_1243 : vector<16xf32>
    %max3A_1271 = arith.maximumf %max3A_1270, %get3A_1248 : vector<16xf32>
    %max3A_1272 = arith.maximumf %max3A_1271, %get3A_1253 : vector<16xf32>
    %max3A_1273 = arith.maximumf %max3A_1272, %get3A_1258 : vector<16xf32>
    %max3A_1274 = arith.maximumf %max3A_1273, %get3A_1263 : vector<16xf32>
    %max3A_1275 = arith.maximumf %max3A_1274, %get3A_1268 : vector<16xf32>
    %broadcast_in_dim3A_1276 = arith.constant -1.000000e+30 : f32
    %broadcast_in_dim3A_1277 = vector.broadcast %broadcast_in_dim3A_1276 : f32 to vector<16xf32>
    %broadcast_in_dim3A_1278 = arith.constant 1.000000e+00 : f32
    %broadcast_in_dim3A_1279 = vector.broadcast %broadcast_in_dim3A_1278 : f32 to vector<16xf32>
    %broadcast_in_dim3A_1280 = arith.constant 0.000000e+00 : f32
    %broadcast_in_dim3A_1281 = vector.broadcast %broadcast_in_dim3A_1280 : f32 to vector<16xf32>
    %sub3A_1282 = arith.subf %get3A_1233, %max3A_1275 : vector<16xf32>
    %exp3A_1283 = math.exp %sub3A_1282 : vector<16xf32>
    %add3A_1284 = arith.addf %broadcast_in_dim3A_1281, %exp3A_1283 : vector<16xf32>
    %ge3A_1285 = arith.constant 0.000000e+00 : f32
    %ge3A_1286 = vector.broadcast %ge3A_1285 : f32 to vector<16xf32>
    %ge3A_1287 = arith.cmpf oge, %sub3A_1282, %ge3A_1286 : vector<16xf32>
    %jit3A_1288 = arith.constant 1.000000e+00 : f32
    %jit3A_1289 = arith.constant 0.000000e+00 : f32
    %broadcast_in_dim3A_1290 = vector.broadcast %jit3A_1288 : f32 to vector<16xf32>
    %broadcast_in_dim3A_1291 = vector.broadcast %jit3A_1289 : f32 to vector<16xf32>
    %select_n3A_1292 = arith.select %ge3A_1287, %broadcast_in_dim3A_1290, %broadcast_in_dim3A_1291 : vector<16xi1>, vector<16xf32>
    %mul3A_1293 = arith.mulf %select_n3A_1292, %broadcast_in_dim3A_1279 : vector<16xf32>
    %sub3A_1294 = arith.subf %broadcast_in_dim3A_1279, %mul3A_1293 : vector<16xf32>
    %mul3A_1295 = arith.constant 1.000000e+30 : f32
    %mul3A_1296 = vector.broadcast %mul3A_1295 : f32 to vector<16xf32>
    %mul3A_1297 = arith.mulf %mul3A_1293, %mul3A_1296 : vector<16xf32>
    %sub3A_1298 = arith.subf %sub3A_1282, %mul3A_1297 : vector<16xf32>
    %max3A_1299 = arith.maximumf %broadcast_in_dim3A_1277, %sub3A_1298 : vector<16xf32>
    %sub3A_1300 = arith.subf %get3A_1238, %max3A_1275 : vector<16xf32>
    %exp3A_1301 = math.exp %sub3A_1300 : vector<16xf32>
    %add3A_1302 = arith.addf %add3A_1284, %exp3A_1301 : vector<16xf32>
    %ge3A_1303 = arith.constant 0.000000e+00 : f32
    %ge3A_1304 = vector.broadcast %ge3A_1303 : f32 to vector<16xf32>
    %ge3A_1305 = arith.cmpf oge, %sub3A_1300, %ge3A_1304 : vector<16xf32>
    %jit3A_1306 = arith.constant 1.000000e+00 : f32
    %jit3A_1307 = arith.constant 0.000000e+00 : f32
    %broadcast_in_dim3A_1308 = vector.broadcast %jit3A_1306 : f32 to vector<16xf32>
    %broadcast_in_dim3A_1309 = vector.broadcast %jit3A_1307 : f32 to vector<16xf32>
    %select_n3A_1310 = arith.select %ge3A_1305, %broadcast_in_dim3A_1308, %broadcast_in_dim3A_1309 : vector<16xi1>, vector<16xf32>
    %mul3A_1311 = arith.mulf %select_n3A_1310, %sub3A_1294 : vector<16xf32>
    %sub3A_1312 = arith.subf %sub3A_1294, %mul3A_1311 : vector<16xf32>
    %mul3A_1313 = arith.constant 1.000000e+30 : f32
    %mul3A_1314 = vector.broadcast %mul3A_1313 : f32 to vector<16xf32>
    %mul3A_1315 = arith.mulf %mul3A_1311, %mul3A_1314 : vector<16xf32>
    %sub3A_1316 = arith.subf %sub3A_1300, %mul3A_1315 : vector<16xf32>
    %max3A_1317 = arith.maximumf %max3A_1299, %sub3A_1316 : vector<16xf32>
    %sub3A_1318 = arith.subf %get3A_1243, %max3A_1275 : vector<16xf32>
    %exp3A_1319 = math.exp %sub3A_1318 : vector<16xf32>
    %add3A_1320 = arith.addf %add3A_1302, %exp3A_1319 : vector<16xf32>
    %ge3A_1321 = arith.constant 0.000000e+00 : f32
    %ge3A_1322 = vector.broadcast %ge3A_1321 : f32 to vector<16xf32>
    %ge3A_1323 = arith.cmpf oge, %sub3A_1318, %ge3A_1322 : vector<16xf32>
    %jit3A_1324 = arith.constant 1.000000e+00 : f32
    %jit3A_1325 = arith.constant 0.000000e+00 : f32
    %broadcast_in_dim3A_1326 = vector.broadcast %jit3A_1324 : f32 to vector<16xf32>
    %broadcast_in_dim3A_1327 = vector.broadcast %jit3A_1325 : f32 to vector<16xf32>
    %select_n3A_1328 = arith.select %ge3A_1323, %broadcast_in_dim3A_1326, %broadcast_in_dim3A_1327 : vector<16xi1>, vector<16xf32>
    %mul3A_1329 = arith.mulf %select_n3A_1328, %sub3A_1312 : vector<16xf32>
    %sub3A_1330 = arith.subf %sub3A_1312, %mul3A_1329 : vector<16xf32>
    %mul3A_1331 = arith.constant 1.000000e+30 : f32
    %mul3A_1332 = vector.broadcast %mul3A_1331 : f32 to vector<16xf32>
    %mul3A_1333 = arith.mulf %mul3A_1329, %mul3A_1332 : vector<16xf32>
    %sub3A_1334 = arith.subf %sub3A_1318, %mul3A_1333 : vector<16xf32>
    %max3A_1335 = arith.maximumf %max3A_1317, %sub3A_1334 : vector<16xf32>
    %sub3A_1336 = arith.subf %get3A_1248, %max3A_1275 : vector<16xf32>
    %exp3A_1337 = math.exp %sub3A_1336 : vector<16xf32>
    %add3A_1338 = arith.addf %add3A_1320, %exp3A_1337 : vector<16xf32>
    %ge3A_1339 = arith.constant 0.000000e+00 : f32
    %ge3A_1340 = vector.broadcast %ge3A_1339 : f32 to vector<16xf32>
    %ge3A_1341 = arith.cmpf oge, %sub3A_1336, %ge3A_1340 : vector<16xf32>
    %jit3A_1342 = arith.constant 1.000000e+00 : f32
    %jit3A_1343 = arith.constant 0.000000e+00 : f32
    %broadcast_in_dim3A_1344 = vector.broadcast %jit3A_1342 : f32 to vector<16xf32>
    %broadcast_in_dim3A_1345 = vector.broadcast %jit3A_1343 : f32 to vector<16xf32>
    %select_n3A_1346 = arith.select %ge3A_1341, %broadcast_in_dim3A_1344, %broadcast_in_dim3A_1345 : vector<16xi1>, vector<16xf32>
    %mul3A_1347 = arith.mulf %select_n3A_1346, %sub3A_1330 : vector<16xf32>
    %sub3A_1348 = arith.subf %sub3A_1330, %mul3A_1347 : vector<16xf32>
    %mul3A_1349 = arith.constant 1.000000e+30 : f32
    %mul3A_1350 = vector.broadcast %mul3A_1349 : f32 to vector<16xf32>
    %mul3A_1351 = arith.mulf %mul3A_1347, %mul3A_1350 : vector<16xf32>
    %sub3A_1352 = arith.subf %sub3A_1336, %mul3A_1351 : vector<16xf32>
    %max3A_1353 = arith.maximumf %max3A_1335, %sub3A_1352 : vector<16xf32>
    %sub3A_1354 = arith.subf %get3A_1253, %max3A_1275 : vector<16xf32>
    %exp3A_1355 = math.exp %sub3A_1354 : vector<16xf32>
    %add3A_1356 = arith.addf %add3A_1338, %exp3A_1355 : vector<16xf32>
    %ge3A_1357 = arith.constant 0.000000e+00 : f32
    %ge3A_1358 = vector.broadcast %ge3A_1357 : f32 to vector<16xf32>
    %ge3A_1359 = arith.cmpf oge, %sub3A_1354, %ge3A_1358 : vector<16xf32>
    %jit3A_1360 = arith.constant 1.000000e+00 : f32
    %jit3A_1361 = arith.constant 0.000000e+00 : f32
    %broadcast_in_dim3A_1362 = vector.broadcast %jit3A_1360 : f32 to vector<16xf32>
    %broadcast_in_dim3A_1363 = vector.broadcast %jit3A_1361 : f32 to vector<16xf32>
    %select_n3A_1364 = arith.select %ge3A_1359, %broadcast_in_dim3A_1362, %broadcast_in_dim3A_1363 : vector<16xi1>, vector<16xf32>
    %mul3A_1365 = arith.mulf %select_n3A_1364, %sub3A_1348 : vector<16xf32>
    %sub3A_1366 = arith.subf %sub3A_1348, %mul3A_1365 : vector<16xf32>
    %mul3A_1367 = arith.constant 1.000000e+30 : f32
    %mul3A_1368 = vector.broadcast %mul3A_1367 : f32 to vector<16xf32>
    %mul3A_1369 = arith.mulf %mul3A_1365, %mul3A_1368 : vector<16xf32>
    %sub3A_1370 = arith.subf %sub3A_1354, %mul3A_1369 : vector<16xf32>
    %max3A_1371 = arith.maximumf %max3A_1353, %sub3A_1370 : vector<16xf32>
    %sub3A_1372 = arith.subf %get3A_1258, %max3A_1275 : vector<16xf32>
    %exp3A_1373 = math.exp %sub3A_1372 : vector<16xf32>
    %add3A_1374 = arith.addf %add3A_1356, %exp3A_1373 : vector<16xf32>
    %ge3A_1375 = arith.constant 0.000000e+00 : f32
    %ge3A_1376 = vector.broadcast %ge3A_1375 : f32 to vector<16xf32>
    %ge3A_1377 = arith.cmpf oge, %sub3A_1372, %ge3A_1376 : vector<16xf32>
    %jit3A_1378 = arith.constant 1.000000e+00 : f32
    %jit3A_1379 = arith.constant 0.000000e+00 : f32
    %broadcast_in_dim3A_1380 = vector.broadcast %jit3A_1378 : f32 to vector<16xf32>
    %broadcast_in_dim3A_1381 = vector.broadcast %jit3A_1379 : f32 to vector<16xf32>
    %select_n3A_1382 = arith.select %ge3A_1377, %broadcast_in_dim3A_1380, %broadcast_in_dim3A_1381 : vector<16xi1>, vector<16xf32>
    %mul3A_1383 = arith.mulf %select_n3A_1382, %sub3A_1366 : vector<16xf32>
    %sub3A_1384 = arith.subf %sub3A_1366, %mul3A_1383 : vector<16xf32>
    %mul3A_1385 = arith.constant 1.000000e+30 : f32
    %mul3A_1386 = vector.broadcast %mul3A_1385 : f32 to vector<16xf32>
    %mul3A_1387 = arith.mulf %mul3A_1383, %mul3A_1386 : vector<16xf32>
    %sub3A_1388 = arith.subf %sub3A_1372, %mul3A_1387 : vector<16xf32>
    %max3A_1389 = arith.maximumf %max3A_1371, %sub3A_1388 : vector<16xf32>
    %sub3A_1390 = arith.subf %get3A_1263, %max3A_1275 : vector<16xf32>
    %exp3A_1391 = math.exp %sub3A_1390 : vector<16xf32>
    %add3A_1392 = arith.addf %add3A_1374, %exp3A_1391 : vector<16xf32>
    %ge3A_1393 = arith.constant 0.000000e+00 : f32
    %ge3A_1394 = vector.broadcast %ge3A_1393 : f32 to vector<16xf32>
    %ge3A_1395 = arith.cmpf oge, %sub3A_1390, %ge3A_1394 : vector<16xf32>
    %jit3A_1396 = arith.constant 1.000000e+00 : f32
    %jit3A_1397 = arith.constant 0.000000e+00 : f32
    %broadcast_in_dim3A_1398 = vector.broadcast %jit3A_1396 : f32 to vector<16xf32>
    %broadcast_in_dim3A_1399 = vector.broadcast %jit3A_1397 : f32 to vector<16xf32>
    %select_n3A_1400 = arith.select %ge3A_1395, %broadcast_in_dim3A_1398, %broadcast_in_dim3A_1399 : vector<16xi1>, vector<16xf32>
    %mul3A_1401 = arith.mulf %select_n3A_1400, %sub3A_1384 : vector<16xf32>
    %sub3A_1402 = arith.subf %sub3A_1384, %mul3A_1401 : vector<16xf32>
    %mul3A_1403 = arith.constant 1.000000e+30 : f32
    %mul3A_1404 = vector.broadcast %mul3A_1403 : f32 to vector<16xf32>
    %mul3A_1405 = arith.mulf %mul3A_1401, %mul3A_1404 : vector<16xf32>
    %sub3A_1406 = arith.subf %sub3A_1390, %mul3A_1405 : vector<16xf32>
    %max3A_1407 = arith.maximumf %max3A_1389, %sub3A_1406 : vector<16xf32>
    %sub3A_1408 = arith.subf %get3A_1268, %max3A_1275 : vector<16xf32>
    %exp3A_1409 = math.exp %sub3A_1408 : vector<16xf32>
    %add3A_1410 = arith.addf %add3A_1392, %exp3A_1409 : vector<16xf32>
    %ge3A_1411 = arith.constant 0.000000e+00 : f32
    %ge3A_1412 = vector.broadcast %ge3A_1411 : f32 to vector<16xf32>
    %ge3A_1413 = arith.cmpf oge, %sub3A_1408, %ge3A_1412 : vector<16xf32>
    %jit3A_1414 = arith.constant 1.000000e+00 : f32
    %jit3A_1415 = arith.constant 0.000000e+00 : f32
    %broadcast_in_dim3A_1416 = vector.broadcast %jit3A_1414 : f32 to vector<16xf32>
    %broadcast_in_dim3A_1417 = vector.broadcast %jit3A_1415 : f32 to vector<16xf32>
    %select_n3A_1418 = arith.select %ge3A_1413, %broadcast_in_dim3A_1416, %broadcast_in_dim3A_1417 : vector<16xi1>, vector<16xf32>
    %mul3A_1419 = arith.mulf %select_n3A_1418, %sub3A_1402 : vector<16xf32>
    %sub3A_1420 = arith.subf %sub3A_1402, %mul3A_1419 : vector<16xf32>
    %mul3A_1421 = arith.constant 1.000000e+30 : f32
    %mul3A_1422 = vector.broadcast %mul3A_1421 : f32 to vector<16xf32>
    %mul3A_1423 = arith.mulf %mul3A_1419, %mul3A_1422 : vector<16xf32>
    %sub3A_1424 = arith.subf %sub3A_1408, %mul3A_1423 : vector<16xf32>
    %max3A_1425 = arith.maximumf %max3A_1407, %sub3A_1424 : vector<16xf32>
    %exp3A_1426 = math.exp %max3A_1425 : vector<16xf32>
    %add3A_1427 = arith.constant 1.000000e+00 : f32
    %add3A_1428 = vector.broadcast %add3A_1427 : f32 to vector<16xf32>
    %add3A_1429 = arith.addf %add3A_1428, %exp3A_1426 : vector<16xf32>
    %div3A_1430 = arith.divf %add3A_1429, %add3A_1410 : vector<16xf32>
    %swap3A_1431 = arith.constant 96 : index
    %swap3A_1432 = tpu.vector_load %arg5[%swap3A_1431] {strides = array<i32>} : memref<256xf32, #tpu.memory_space<vmem>>, vector<16xf32>,
    %swap3A_1433 = vector.shape_cast %swap3A_1432 : vector<16xf32> to vector<16xf32>
    %swap3A_1434 = vector.shape_cast %div3A_1430 : vector<16xf32> to vector<16xf32>
    tpu.vector_store %arg5[%swap3A_1431], %swap3A_1434 {strides = array<i32>} : memref<256xf32, #tpu.memory_space<vmem>>, vector<16xf32>,
    %get3A_1435 = arith.constant 0 : i32
    %get3A_1436 = arith.index_cast %get3A_1435 : i32 to index
    %get3A_1437 = arith.constant 112 : index
    %get3A_1438 = tpu.vector_load %arg4[%get3A_1436, %get3A_1437] {strides = array<i32>} : memref<8x256xf32, #tpu.memory_space<vmem>>, vector<1x16xf32>,
    %get3A_1439 = vector.shape_cast %get3A_1438 : vector<1x16xf32> to vector<16xf32>
    %get3A_1440 = arith.constant 1 : i32
    %get3A_1441 = arith.index_cast %get3A_1440 : i32 to index
    %get3A_1442 = arith.constant 112 : index
    %get3A_1443 = tpu.vector_load %arg4[%get3A_1441, %get3A_1442] {strides = array<i32>} : memref<8x256xf32, #tpu.memory_space<vmem>>, vector<1x16xf32>,
    %get3A_1444 = vector.shape_cast %get3A_1443 : vector<1x16xf32> to vector<16xf32>
    %get3A_1445 = arith.constant 2 : i32
    %get3A_1446 = arith.index_cast %get3A_1445 : i32 to index
    %get3A_1447 = arith.constant 112 : index
    %get3A_1448 = tpu.vector_load %arg4[%get3A_1446, %get3A_1447] {strides = array<i32>} : memref<8x256xf32, #tpu.memory_space<vmem>>, vector<1x16xf32>,
    %get3A_1449 = vector.shape_cast %get3A_1448 : vector<1x16xf32> to vector<16xf32>
    %get3A_1450 = arith.constant 3 : i32
    %get3A_1451 = arith.index_cast %get3A_1450 : i32 to index
    %get3A_1452 = arith.constant 112 : index
    %get3A_1453 = tpu.vector_load %arg4[%get3A_1451, %get3A_1452] {strides = array<i32>} : memref<8x256xf32, #tpu.memory_space<vmem>>, vector<1x16xf32>,
    %get3A_1454 = vector.shape_cast %get3A_1453 : vector<1x16xf32> to vector<16xf32>
    %get3A_1455 = arith.constant 4 : i32
    %get3A_1456 = arith.index_cast %get3A_1455 : i32 to index
    %get3A_1457 = arith.constant 112 : index
    %get3A_1458 = tpu.vector_load %arg4[%get3A_1456, %get3A_1457] {strides = array<i32>} : memref<8x256xf32, #tpu.memory_space<vmem>>, vector<1x16xf32>,
    %get3A_1459 = vector.shape_cast %get3A_1458 : vector<1x16xf32> to vector<16xf32>
    %get3A_1460 = arith.constant 5 : i32
    %get3A_1461 = arith.index_cast %get3A_1460 : i32 to index
    %get3A_1462 = arith.constant 112 : index
    %get3A_1463 = tpu.vector_load %arg4[%get3A_1461, %get3A_1462] {strides = array<i32>} : memref<8x256xf32, #tpu.memory_space<vmem>>, vector<1x16xf32>,
    %get3A_1464 = vector.shape_cast %get3A_1463 : vector<1x16xf32> to vector<16xf32>
    %get3A_1465 = arith.constant 6 : i32
    %get3A_1466 = arith.index_cast %get3A_1465 : i32 to index
    %get3A_1467 = arith.constant 112 : index
    %get3A_1468 = tpu.vector_load %arg4[%get3A_1466, %get3A_1467] {strides = array<i32>} : memref<8x256xf32, #tpu.memory_space<vmem>>, vector<1x16xf32>,
    %get3A_1469 = vector.shape_cast %get3A_1468 : vector<1x16xf32> to vector<16xf32>
    %get3A_1470 = arith.constant 7 : i32
    %get3A_1471 = arith.index_cast %get3A_1470 : i32 to index
    %get3A_1472 = arith.constant 112 : index
    %get3A_1473 = tpu.vector_load %arg4[%get3A_1471, %get3A_1472] {strides = array<i32>} : memref<8x256xf32, #tpu.memory_space<vmem>>, vector<1x16xf32>,
    %get3A_1474 = vector.shape_cast %get3A_1473 : vector<1x16xf32> to vector<16xf32>
    %max3A_1475 = arith.maximumf %get3A_1439, %get3A_1444 : vector<16xf32>
    %max3A_1476 = arith.maximumf %max3A_1475, %get3A_1449 : vector<16xf32>
    %max3A_1477 = arith.maximumf %max3A_1476, %get3A_1454 : vector<16xf32>
    %max3A_1478 = arith.maximumf %max3A_1477, %get3A_1459 : vector<16xf32>
    %max3A_1479 = arith.maximumf %max3A_1478, %get3A_1464 : vector<16xf32>
    %max3A_1480 = arith.maximumf %max3A_1479, %get3A_1469 : vector<16xf32>
    %max3A_1481 = arith.maximumf %max3A_1480, %get3A_1474 : vector<16xf32>
    %broadcast_in_dim3A_1482 = arith.constant -1.000000e+30 : f32
    %broadcast_in_dim3A_1483 = vector.broadcast %broadcast_in_dim3A_1482 : f32 to vector<16xf32>
    %broadcast_in_dim3A_1484 = arith.constant 1.000000e+00 : f32
    %broadcast_in_dim3A_1485 = vector.broadcast %broadcast_in_dim3A_1484 : f32 to vector<16xf32>
    %broadcast_in_dim3A_1486 = arith.constant 0.000000e+00 : f32
    %broadcast_in_dim3A_1487 = vector.broadcast %broadcast_in_dim3A_1486 : f32 to vector<16xf32>
    %sub3A_1488 = arith.subf %get3A_1439, %max3A_1481 : vector<16xf32>
    %exp3A_1489 = math.exp %sub3A_1488 : vector<16xf32>
    %add3A_1490 = arith.addf %broadcast_in_dim3A_1487, %exp3A_1489 : vector<16xf32>
    %ge3A_1491 = arith.constant 0.000000e+00 : f32
    %ge3A_1492 = vector.broadcast %ge3A_1491 : f32 to vector<16xf32>
    %ge3A_1493 = arith.cmpf oge, %sub3A_1488, %ge3A_1492 : vector<16xf32>
    %jit3A_1494 = arith.constant 1.000000e+00 : f32
    %jit3A_1495 = arith.constant 0.000000e+00 : f32
    %broadcast_in_dim3A_1496 = vector.broadcast %jit3A_1494 : f32 to vector<16xf32>
    %broadcast_in_dim3A_1497 = vector.broadcast %jit3A_1495 : f32 to vector<16xf32>
    %select_n3A_1498 = arith.select %ge3A_1493, %broadcast_in_dim3A_1496, %broadcast_in_dim3A_1497 : vector<16xi1>, vector<16xf32>
    %mul3A_1499 = arith.mulf %select_n3A_1498, %broadcast_in_dim3A_1485 : vector<16xf32>
    %sub3A_1500 = arith.subf %broadcast_in_dim3A_1485, %mul3A_1499 : vector<16xf32>
    %mul3A_1501 = arith.constant 1.000000e+30 : f32
    %mul3A_1502 = vector.broadcast %mul3A_1501 : f32 to vector<16xf32>
    %mul3A_1503 = arith.mulf %mul3A_1499, %mul3A_1502 : vector<16xf32>
    %sub3A_1504 = arith.subf %sub3A_1488, %mul3A_1503 : vector<16xf32>
    %max3A_1505 = arith.maximumf %broadcast_in_dim3A_1483, %sub3A_1504 : vector<16xf32>
    %sub3A_1506 = arith.subf %get3A_1444, %max3A_1481 : vector<16xf32>
    %exp3A_1507 = math.exp %sub3A_1506 : vector<16xf32>
    %add3A_1508 = arith.addf %add3A_1490, %exp3A_1507 : vector<16xf32>
    %ge3A_1509 = arith.constant 0.000000e+00 : f32
    %ge3A_1510 = vector.broadcast %ge3A_1509 : f32 to vector<16xf32>
    %ge3A_1511 = arith.cmpf oge, %sub3A_1506, %ge3A_1510 : vector<16xf32>
    %jit3A_1512 = arith.constant 1.000000e+00 : f32
    %jit3A_1513 = arith.constant 0.000000e+00 : f32
    %broadcast_in_dim3A_1514 = vector.broadcast %jit3A_1512 : f32 to vector<16xf32>
    %broadcast_in_dim3A_1515 = vector.broadcast %jit3A_1513 : f32 to vector<16xf32>
    %select_n3A_1516 = arith.select %ge3A_1511, %broadcast_in_dim3A_1514, %broadcast_in_dim3A_1515 : vector<16xi1>, vector<16xf32>
    %mul3A_1517 = arith.mulf %select_n3A_1516, %sub3A_1500 : vector<16xf32>
    %sub3A_1518 = arith.subf %sub3A_1500, %mul3A_1517 : vector<16xf32>
    %mul3A_1519 = arith.constant 1.000000e+30 : f32
    %mul3A_1520 = vector.broadcast %mul3A_1519 : f32 to vector<16xf32>
    %mul3A_1521 = arith.mulf %mul3A_1517, %mul3A_1520 : vector<16xf32>
    %sub3A_1522 = arith.subf %sub3A_1506, %mul3A_1521 : vector<16xf32>
    %max3A_1523 = arith.maximumf %max3A_1505, %sub3A_1522 : vector<16xf32>
    %sub3A_1524 = arith.subf %get3A_1449, %max3A_1481 : vector<16xf32>
    %exp3A_1525 = math.exp %sub3A_1524 : vector<16xf32>
    %add3A_1526 = arith.addf %add3A_1508, %exp3A_1525 : vector<16xf32>
    %ge3A_1527 = arith.constant 0.000000e+00 : f32
    %ge3A_1528 = vector.broadcast %ge3A_1527 : f32 to vector<16xf32>
    %ge3A_1529 = arith.cmpf oge, %sub3A_1524, %ge3A_1528 : vector<16xf32>
    %jit3A_1530 = arith.constant 1.000000e+00 : f32
    %jit3A_1531 = arith.constant 0.000000e+00 : f32
    %broadcast_in_dim3A_1532 = vector.broadcast %jit3A_1530 : f32 to vector<16xf32>
    %broadcast_in_dim3A_1533 = vector.broadcast %jit3A_1531 : f32 to vector<16xf32>
    %select_n3A_1534 = arith.select %ge3A_1529, %broadcast_in_dim3A_1532, %broadcast_in_dim3A_1533 : vector<16xi1>, vector<16xf32>
    %mul3A_1535 = arith.mulf %select_n3A_1534, %sub3A_1518 : vector<16xf32>
    %sub3A_1536 = arith.subf %sub3A_1518, %mul3A_1535 : vector<16xf32>
    %mul3A_1537 = arith.constant 1.000000e+30 : f32
    %mul3A_1538 = vector.broadcast %mul3A_1537 : f32 to vector<16xf32>
    %mul3A_1539 = arith.mulf %mul3A_1535, %mul3A_1538 : vector<16xf32>
    %sub3A_1540 = arith.subf %sub3A_1524, %mul3A_1539 : vector<16xf32>
    %max3A_1541 = arith.maximumf %max3A_1523, %sub3A_1540 : vector<16xf32>
    %sub3A_1542 = arith.subf %get3A_1454, %max3A_1481 : vector<16xf32>
    %exp3A_1543 = math.exp %sub3A_1542 : vector<16xf32>
    %add3A_1544 = arith.addf %add3A_1526, %exp3A_1543 : vector<16xf32>
    %ge3A_1545 = arith.constant 0.000000e+00 : f32
    %ge3A_1546 = vector.broadcast %ge3A_1545 : f32 to vector<16xf32>
    %ge3A_1547 = arith.cmpf oge, %sub3A_1542, %ge3A_1546 : vector<16xf32>
    %jit3A_1548 = arith.constant 1.000000e+00 : f32
    %jit3A_1549 = arith.constant 0.000000e+00 : f32
    %broadcast_in_dim3A_1550 = vector.broadcast %jit3A_1548 : f32 to vector<16xf32>
    %broadcast_in_dim3A_1551 = vector.broadcast %jit3A_1549 : f32 to vector<16xf32>
    %select_n3A_1552 = arith.select %ge3A_1547, %broadcast_in_dim3A_1550, %broadcast_in_dim3A_1551 : vector<16xi1>, vector<16xf32>
    %mul3A_1553 = arith.mulf %select_n3A_1552, %sub3A_1536 : vector<16xf32>
    %sub3A_1554 = arith.subf %sub3A_1536, %mul3A_1553 : vector<16xf32>
    %mul3A_1555 = arith.constant 1.000000e+30 : f32
    %mul3A_1556 = vector.broadcast %mul3A_1555 : f32 to vector<16xf32>
    %mul3A_1557 = arith.mulf %mul3A_1553, %mul3A_1556 : vector<16xf32>
    %sub3A_1558 = arith.subf %sub3A_1542, %mul3A_1557 : vector<16xf32>
    %max3A_1559 = arith.maximumf %max3A_1541, %sub3A_1558 : vector<16xf32>
    %sub3A_1560 = arith.subf %get3A_1459, %max3A_1481 : vector<16xf32>
    %exp3A_1561 = math.exp %sub3A_1560 : vector<16xf32>
    %add3A_1562 = arith.addf %add3A_1544, %exp3A_1561 : vector<16xf32>
    %ge3A_1563 = arith.constant 0.000000e+00 : f32
    %ge3A_1564 = vector.broadcast %ge3A_1563 : f32 to vector<16xf32>
    %ge3A_1565 = arith.cmpf oge, %sub3A_1560, %ge3A_1564 : vector<16xf32>
    %jit3A_1566 = arith.constant 1.000000e+00 : f32
    %jit3A_1567 = arith.constant 0.000000e+00 : f32
    %broadcast_in_dim3A_1568 = vector.broadcast %jit3A_1566 : f32 to vector<16xf32>
    %broadcast_in_dim3A_1569 = vector.broadcast %jit3A_1567 : f32 to vector<16xf32>
    %select_n3A_1570 = arith.select %ge3A_1565, %broadcast_in_dim3A_1568, %broadcast_in_dim3A_1569 : vector<16xi1>, vector<16xf32>
    %mul3A_1571 = arith.mulf %select_n3A_1570, %sub3A_1554 : vector<16xf32>
    %sub3A_1572 = arith.subf %sub3A_1554, %mul3A_1571 : vector<16xf32>
    %mul3A_1573 = arith.constant 1.000000e+30 : f32
    %mul3A_1574 = vector.broadcast %mul3A_1573 : f32 to vector<16xf32>
    %mul3A_1575 = arith.mulf %mul3A_1571, %mul3A_1574 : vector<16xf32>
    %sub3A_1576 = arith.subf %sub3A_1560, %mul3A_1575 : vector<16xf32>
    %max3A_1577 = arith.maximumf %max3A_1559, %sub3A_1576 : vector<16xf32>
    %sub3A_1578 = arith.subf %get3A_1464, %max3A_1481 : vector<16xf32>
    %exp3A_1579 = math.exp %sub3A_1578 : vector<16xf32>
    %add3A_1580 = arith.addf %add3A_1562, %exp3A_1579 : vector<16xf32>
    %ge3A_1581 = arith.constant 0.000000e+00 : f32
    %ge3A_1582 = vector.broadcast %ge3A_1581 : f32 to vector<16xf32>
    %ge3A_1583 = arith.cmpf oge, %sub3A_1578, %ge3A_1582 : vector<16xf32>
    %jit3A_1584 = arith.constant 1.000000e+00 : f32
    %jit3A_1585 = arith.constant 0.000000e+00 : f32
    %broadcast_in_dim3A_1586 = vector.broadcast %jit3A_1584 : f32 to vector<16xf32>
    %broadcast_in_dim3A_1587 = vector.broadcast %jit3A_1585 : f32 to vector<16xf32>
    %select_n3A_1588 = arith.select %ge3A_1583, %broadcast_in_dim3A_1586, %broadcast_in_dim3A_1587 : vector<16xi1>, vector<16xf32>
    %mul3A_1589 = arith.mulf %select_n3A_1588, %sub3A_1572 : vector<16xf32>
    %sub3A_1590 = arith.subf %sub3A_1572, %mul3A_1589 : vector<16xf32>
    %mul3A_1591 = arith.constant 1.000000e+30 : f32
    %mul3A_1592 = vector.broadcast %mul3A_1591 : f32 to vector<16xf32>
    %mul3A_1593 = arith.mulf %mul3A_1589, %mul3A_1592 : vector<16xf32>
    %sub3A_1594 = arith.subf %sub3A_1578, %mul3A_1593 : vector<16xf32>
    %max3A_1595 = arith.maximumf %max3A_1577, %sub3A_1594 : vector<16xf32>
    %sub3A_1596 = arith.subf %get3A_1469, %max3A_1481 : vector<16xf32>
    %exp3A_1597 = math.exp %sub3A_1596 : vector<16xf32>
    %add3A_1598 = arith.addf %add3A_1580, %exp3A_1597 : vector<16xf32>
    %ge3A_1599 = arith.constant 0.000000e+00 : f32
    %ge3A_1600 = vector.broadcast %ge3A_1599 : f32 to vector<16xf32>
    %ge3A_1601 = arith.cmpf oge, %sub3A_1596, %ge3A_1600 : vector<16xf32>
    %jit3A_1602 = arith.constant 1.000000e+00 : f32
    %jit3A_1603 = arith.constant 0.000000e+00 : f32
    %broadcast_in_dim3A_1604 = vector.broadcast %jit3A_1602 : f32 to vector<16xf32>
    %broadcast_in_dim3A_1605 = vector.broadcast %jit3A_1603 : f32 to vector<16xf32>
    %select_n3A_1606 = arith.select %ge3A_1601, %broadcast_in_dim3A_1604, %broadcast_in_dim3A_1605 : vector<16xi1>, vector<16xf32>
    %mul3A_1607 = arith.mulf %select_n3A_1606, %sub3A_1590 : vector<16xf32>
    %sub3A_1608 = arith.subf %sub3A_1590, %mul3A_1607 : vector<16xf32>
    %mul3A_1609 = arith.constant 1.000000e+30 : f32
    %mul3A_1610 = vector.broadcast %mul3A_1609 : f32 to vector<16xf32>
    %mul3A_1611 = arith.mulf %mul3A_1607, %mul3A_1610 : vector<16xf32>
    %sub3A_1612 = arith.subf %sub3A_1596, %mul3A_1611 : vector<16xf32>
    %max3A_1613 = arith.maximumf %max3A_1595, %sub3A_1612 : vector<16xf32>
    %sub3A_1614 = arith.subf %get3A_1474, %max3A_1481 : vector<16xf32>
    %exp3A_1615 = math.exp %sub3A_1614 : vector<16xf32>
    %add3A_1616 = arith.addf %add3A_1598, %exp3A_1615 : vector<16xf32>
    %ge3A_1617 = arith.constant 0.000000e+00 : f32
    %ge3A_1618 = vector.broadcast %ge3A_1617 : f32 to vector<16xf32>
    %ge3A_1619 = arith.cmpf oge, %sub3A_1614, %ge3A_1618 : vector<16xf32>
    %jit3A_1620 = arith.constant 1.000000e+00 : f32
    %jit3A_1621 = arith.constant 0.000000e+00 : f32
    %broadcast_in_dim3A_1622 = vector.broadcast %jit3A_1620 : f32 to vector<16xf32>
    %broadcast_in_dim3A_1623 = vector.broadcast %jit3A_1621 : f32 to vector<16xf32>
    %select_n3A_1624 = arith.select %ge3A_1619, %broadcast_in_dim3A_1622, %broadcast_in_dim3A_1623 : vector<16xi1>, vector<16xf32>
    %mul3A_1625 = arith.mulf %select_n3A_1624, %sub3A_1608 : vector<16xf32>
    %sub3A_1626 = arith.subf %sub3A_1608, %mul3A_1625 : vector<16xf32>
    %mul3A_1627 = arith.constant 1.000000e+30 : f32
    %mul3A_1628 = vector.broadcast %mul3A_1627 : f32 to vector<16xf32>
    %mul3A_1629 = arith.mulf %mul3A_1625, %mul3A_1628 : vector<16xf32>
    %sub3A_1630 = arith.subf %sub3A_1614, %mul3A_1629 : vector<16xf32>
    %max3A_1631 = arith.maximumf %max3A_1613, %sub3A_1630 : vector<16xf32>
    %exp3A_1632 = math.exp %max3A_1631 : vector<16xf32>
    %add3A_1633 = arith.constant 1.000000e+00 : f32
    %add3A_1634 = vector.broadcast %add3A_1633 : f32 to vector<16xf32>
    %add3A_1635 = arith.addf %add3A_1634, %exp3A_1632 : vector<16xf32>
    %div3A_1636 = arith.divf %add3A_1635, %add3A_1616 : vector<16xf32>
    %swap3A_1637 = arith.constant 112 : index
    %swap3A_1638 = tpu.vector_load %arg5[%swap3A_1637] {strides = array<i32>} : memref<256xf32, #tpu.memory_space<vmem>>, vector<16xf32>,
    %swap3A_1639 = vector.shape_cast %swap3A_1638 : vector<16xf32> to vector<16xf32>
    %swap3A_1640 = vector.shape_cast %div3A_1636 : vector<16xf32> to vector<16xf32>
    tpu.vector_store %arg5[%swap3A_1637], %swap3A_1640 {strides = array<i32>} : memref<256xf32, #tpu.memory_space<vmem>>, vector<16xf32>,
    %get3A_1641 = arith.constant 0 : i32
    %get3A_1642 = arith.index_cast %get3A_1641 : i32 to index
    %get3A_1643 = arith.constant 128 : index
    %get3A_1644 = tpu.vector_load %arg4[%get3A_1642, %get3A_1643] {strides = array<i32>} : memref<8x256xf32, #tpu.memory_space<vmem>>, vector<1x16xf32>,
    %get3A_1645 = vector.shape_cast %get3A_1644 : vector<1x16xf32> to vector<16xf32>
    %get3A_1646 = arith.constant 1 : i32
    %get3A_1647 = arith.index_cast %get3A_1646 : i32 to index
    %get3A_1648 = arith.constant 128 : index
    %get3A_1649 = tpu.vector_load %arg4[%get3A_1647, %get3A_1648] {strides = array<i32>} : memref<8x256xf32, #tpu.memory_space<vmem>>, vector<1x16xf32>,
    %get3A_1650 = vector.shape_cast %get3A_1649 : vector<1x16xf32> to vector<16xf32>
    %get3A_1651 = arith.constant 2 : i32
    %get3A_1652 = arith.index_cast %get3A_1651 : i32 to index
    %get3A_1653 = arith.constant 128 : index
    %get3A_1654 = tpu.vector_load %arg4[%get3A_1652, %get3A_1653] {strides = array<i32>} : memref<8x256xf32, #tpu.memory_space<vmem>>, vector<1x16xf32>,
    %get3A_1655 = vector.shape_cast %get3A_1654 : vector<1x16xf32> to vector<16xf32>
    %get3A_1656 = arith.constant 3 : i32
    %get3A_1657 = arith.index_cast %get3A_1656 : i32 to index
    %get3A_1658 = arith.constant 128 : index
    %get3A_1659 = tpu.vector_load %arg4[%get3A_1657, %get3A_1658] {strides = array<i32>} : memref<8x256xf32, #tpu.memory_space<vmem>>, vector<1x16xf32>,
    %get3A_1660 = vector.shape_cast %get3A_1659 : vector<1x16xf32> to vector<16xf32>
    %get3A_1661 = arith.constant 4 : i32
    %get3A_1662 = arith.index_cast %get3A_1661 : i32 to index
    %get3A_1663 = arith.constant 128 : index
    %get3A_1664 = tpu.vector_load %arg4[%get3A_1662, %get3A_1663] {strides = array<i32>} : memref<8x256xf32, #tpu.memory_space<vmem>>, vector<1x16xf32>,
    %get3A_1665 = vector.shape_cast %get3A_1664 : vector<1x16xf32> to vector<16xf32>
    %get3A_1666 = arith.constant 5 : i32
    %get3A_1667 = arith.index_cast %get3A_1666 : i32 to index
    %get3A_1668 = arith.constant 128 : index
    %get3A_1669 = tpu.vector_load %arg4[%get3A_1667, %get3A_1668] {strides = array<i32>} : memref<8x256xf32, #tpu.memory_space<vmem>>, vector<1x16xf32>,
    %get3A_1670 = vector.shape_cast %get3A_1669 : vector<1x16xf32> to vector<16xf32>
    %get3A_1671 = arith.constant 6 : i32
    %get3A_1672 = arith.index_cast %get3A_1671 : i32 to index
    %get3A_1673 = arith.constant 128 : index
    %get3A_1674 = tpu.vector_load %arg4[%get3A_1672, %get3A_1673] {strides = array<i32>} : memref<8x256xf32, #tpu.memory_space<vmem>>, vector<1x16xf32>,
    %get3A_1675 = vector.shape_cast %get3A_1674 : vector<1x16xf32> to vector<16xf32>
    %get3A_1676 = arith.constant 7 : i32
    %get3A_1677 = arith.index_cast %get3A_1676 : i32 to index
    %get3A_1678 = arith.constant 128 : index
    %get3A_1679 = tpu.vector_load %arg4[%get3A_1677, %get3A_1678] {strides = array<i32>} : memref<8x256xf32, #tpu.memory_space<vmem>>, vector<1x16xf32>,
    %get3A_1680 = vector.shape_cast %get3A_1679 : vector<1x16xf32> to vector<16xf32>
    %max3A_1681 = arith.maximumf %get3A_1645, %get3A_1650 : vector<16xf32>
    %max3A_1682 = arith.maximumf %max3A_1681, %get3A_1655 : vector<16xf32>
    %max3A_1683 = arith.maximumf %max3A_1682, %get3A_1660 : vector<16xf32>
    %max3A_1684 = arith.maximumf %max3A_1683, %get3A_1665 : vector<16xf32>
    %max3A_1685 = arith.maximumf %max3A_1684, %get3A_1670 : vector<16xf32>
    %max3A_1686 = arith.maximumf %max3A_1685, %get3A_1675 : vector<16xf32>
    %max3A_1687 = arith.maximumf %max3A_1686, %get3A_1680 : vector<16xf32>
    %broadcast_in_dim3A_1688 = arith.constant -1.000000e+30 : f32
    %broadcast_in_dim3A_1689 = vector.broadcast %broadcast_in_dim3A_1688 : f32 to vector<16xf32>
    %broadcast_in_dim3A_1690 = arith.constant 1.000000e+00 : f32
    %broadcast_in_dim3A_1691 = vector.broadcast %broadcast_in_dim3A_1690 : f32 to vector<16xf32>
    %broadcast_in_dim3A_1692 = arith.constant 0.000000e+00 : f32
    %broadcast_in_dim3A_1693 = vector.broadcast %broadcast_in_dim3A_1692 : f32 to vector<16xf32>
    %sub3A_1694 = arith.subf %get3A_1645, %max3A_1687 : vector<16xf32>
    %exp3A_1695 = math.exp %sub3A_1694 : vector<16xf32>
    %add3A_1696 = arith.addf %broadcast_in_dim3A_1693, %exp3A_1695 : vector<16xf32>
    %ge3A_1697 = arith.constant 0.000000e+00 : f32
    %ge3A_1698 = vector.broadcast %ge3A_1697 : f32 to vector<16xf32>
    %ge3A_1699 = arith.cmpf oge, %sub3A_1694, %ge3A_1698 : vector<16xf32>
    %jit3A_1700 = arith.constant 1.000000e+00 : f32
    %jit3A_1701 = arith.constant 0.000000e+00 : f32
    %broadcast_in_dim3A_1702 = vector.broadcast %jit3A_1700 : f32 to vector<16xf32>
    %broadcast_in_dim3A_1703 = vector.broadcast %jit3A_1701 : f32 to vector<16xf32>
    %select_n3A_1704 = arith.select %ge3A_1699, %broadcast_in_dim3A_1702, %broadcast_in_dim3A_1703 : vector<16xi1>, vector<16xf32>
    %mul3A_1705 = arith.mulf %select_n3A_1704, %broadcast_in_dim3A_1691 : vector<16xf32>
    %sub3A_1706 = arith.subf %broadcast_in_dim3A_1691, %mul3A_1705 : vector<16xf32>
    %mul3A_1707 = arith.constant 1.000000e+30 : f32
    %mul3A_1708 = vector.broadcast %mul3A_1707 : f32 to vector<16xf32>
    %mul3A_1709 = arith.mulf %mul3A_1705, %mul3A_1708 : vector<16xf32>
    %sub3A_1710 = arith.subf %sub3A_1694, %mul3A_1709 : vector<16xf32>
    %max3A_1711 = arith.maximumf %broadcast_in_dim3A_1689, %sub3A_1710 : vector<16xf32>
    %sub3A_1712 = arith.subf %get3A_1650, %max3A_1687 : vector<16xf32>
    %exp3A_1713 = math.exp %sub3A_1712 : vector<16xf32>
    %add3A_1714 = arith.addf %add3A_1696, %exp3A_1713 : vector<16xf32>
    %ge3A_1715 = arith.constant 0.000000e+00 : f32
    %ge3A_1716 = vector.broadcast %ge3A_1715 : f32 to vector<16xf32>
    %ge3A_1717 = arith.cmpf oge, %sub3A_1712, %ge3A_1716 : vector<16xf32>
    %jit3A_1718 = arith.constant 1.000000e+00 : f32
    %jit3A_1719 = arith.constant 0.000000e+00 : f32
    %broadcast_in_dim3A_1720 = vector.broadcast %jit3A_1718 : f32 to vector<16xf32>
    %broadcast_in_dim3A_1721 = vector.broadcast %jit3A_1719 : f32 to vector<16xf32>
    %select_n3A_1722 = arith.select %ge3A_1717, %broadcast_in_dim3A_1720, %broadcast_in_dim3A_1721 : vector<16xi1>, vector<16xf32>
    %mul3A_1723 = arith.mulf %select_n3A_1722, %sub3A_1706 : vector<16xf32>
    %sub3A_1724 = arith.subf %sub3A_1706, %mul3A_1723 : vector<16xf32>
    %mul3A_1725 = arith.constant 1.000000e+30 : f32
    %mul3A_1726 = vector.broadcast %mul3A_1725 : f32 to vector<16xf32>
    %mul3A_1727 = arith.mulf %mul3A_1723, %mul3A_1726 : vector<16xf32>
    %sub3A_1728 = arith.subf %sub3A_1712, %mul3A_1727 : vector<16xf32>
    %max3A_1729 = arith.maximumf %max3A_1711, %sub3A_1728 : vector<16xf32>
    %sub3A_1730 = arith.subf %get3A_1655, %max3A_1687 : vector<16xf32>
    %exp3A_1731 = math.exp %sub3A_1730 : vector<16xf32>
    %add3A_1732 = arith.addf %add3A_1714, %exp3A_1731 : vector<16xf32>
    %ge3A_1733 = arith.constant 0.000000e+00 : f32
    %ge3A_1734 = vector.broadcast %ge3A_1733 : f32 to vector<16xf32>
    %ge3A_1735 = arith.cmpf oge, %sub3A_1730, %ge3A_1734 : vector<16xf32>
    %jit3A_1736 = arith.constant 1.000000e+00 : f32
    %jit3A_1737 = arith.constant 0.000000e+00 : f32
    %broadcast_in_dim3A_1738 = vector.broadcast %jit3A_1736 : f32 to vector<16xf32>
    %broadcast_in_dim3A_1739 = vector.broadcast %jit3A_1737 : f32 to vector<16xf32>
    %select_n3A_1740 = arith.select %ge3A_1735, %broadcast_in_dim3A_1738, %broadcast_in_dim3A_1739 : vector<16xi1>, vector<16xf32>
    %mul3A_1741 = arith.mulf %select_n3A_1740, %sub3A_1724 : vector<16xf32>
    %sub3A_1742 = arith.subf %sub3A_1724, %mul3A_1741 : vector<16xf32>
    %mul3A_1743 = arith.constant 1.000000e+30 : f32
    %mul3A_1744 = vector.broadcast %mul3A_1743 : f32 to vector<16xf32>
    %mul3A_1745 = arith.mulf %mul3A_1741, %mul3A_1744 : vector<16xf32>
    %sub3A_1746 = arith.subf %sub3A_1730, %mul3A_1745 : vector<16xf32>
    %max3A_1747 = arith.maximumf %max3A_1729, %sub3A_1746 : vector<16xf32>
    %sub3A_1748 = arith.subf %get3A_1660, %max3A_1687 : vector<16xf32>
    %exp3A_1749 = math.exp %sub3A_1748 : vector<16xf32>
    %add3A_1750 = arith.addf %add3A_1732, %exp3A_1749 : vector<16xf32>
    %ge3A_1751 = arith.constant 0.000000e+00 : f32
    %ge3A_1752 = vector.broadcast %ge3A_1751 : f32 to vector<16xf32>
    %ge3A_1753 = arith.cmpf oge, %sub3A_1748, %ge3A_1752 : vector<16xf32>
    %jit3A_1754 = arith.constant 1.000000e+00 : f32
    %jit3A_1755 = arith.constant 0.000000e+00 : f32
    %broadcast_in_dim3A_1756 = vector.broadcast %jit3A_1754 : f32 to vector<16xf32>
    %broadcast_in_dim3A_1757 = vector.broadcast %jit3A_1755 : f32 to vector<16xf32>
    %select_n3A_1758 = arith.select %ge3A_1753, %broadcast_in_dim3A_1756, %broadcast_in_dim3A_1757 : vector<16xi1>, vector<16xf32>
    %mul3A_1759 = arith.mulf %select_n3A_1758, %sub3A_1742 : vector<16xf32>
    %sub3A_1760 = arith.subf %sub3A_1742, %mul3A_1759 : vector<16xf32>
    %mul3A_1761 = arith.constant 1.000000e+30 : f32
    %mul3A_1762 = vector.broadcast %mul3A_1761 : f32 to vector<16xf32>
    %mul3A_1763 = arith.mulf %mul3A_1759, %mul3A_1762 : vector<16xf32>
    %sub3A_1764 = arith.subf %sub3A_1748, %mul3A_1763 : vector<16xf32>
    %max3A_1765 = arith.maximumf %max3A_1747, %sub3A_1764 : vector<16xf32>
    %sub3A_1766 = arith.subf %get3A_1665, %max3A_1687 : vector<16xf32>
    %exp3A_1767 = math.exp %sub3A_1766 : vector<16xf32>
    %add3A_1768 = arith.addf %add3A_1750, %exp3A_1767 : vector<16xf32>
    %ge3A_1769 = arith.constant 0.000000e+00 : f32
    %ge3A_1770 = vector.broadcast %ge3A_1769 : f32 to vector<16xf32>
    %ge3A_1771 = arith.cmpf oge, %sub3A_1766, %ge3A_1770 : vector<16xf32>
    %jit3A_1772 = arith.constant 1.000000e+00 : f32
    %jit3A_1773 = arith.constant 0.000000e+00 : f32
    %broadcast_in_dim3A_1774 = vector.broadcast %jit3A_1772 : f32 to vector<16xf32>
    %broadcast_in_dim3A_1775 = vector.broadcast %jit3A_1773 : f32 to vector<16xf32>
    %select_n3A_1776 = arith.select %ge3A_1771, %broadcast_in_dim3A_1774, %broadcast_in_dim3A_1775 : vector<16xi1>, vector<16xf32>
    %mul3A_1777 = arith.mulf %select_n3A_1776, %sub3A_1760 : vector<16xf32>
    %sub3A_1778 = arith.subf %sub3A_1760, %mul3A_1777 : vector<16xf32>
    %mul3A_1779 = arith.constant 1.000000e+30 : f32
    %mul3A_1780 = vector.broadcast %mul3A_1779 : f32 to vector<16xf32>
    %mul3A_1781 = arith.mulf %mul3A_1777, %mul3A_1780 : vector<16xf32>
    %sub3A_1782 = arith.subf %sub3A_1766, %mul3A_1781 : vector<16xf32>
    %max3A_1783 = arith.maximumf %max3A_1765, %sub3A_1782 : vector<16xf32>
    %sub3A_1784 = arith.subf %get3A_1670, %max3A_1687 : vector<16xf32>
    %exp3A_1785 = math.exp %sub3A_1784 : vector<16xf32>
    %add3A_1786 = arith.addf %add3A_1768, %exp3A_1785 : vector<16xf32>
    %ge3A_1787 = arith.constant 0.000000e+00 : f32
    %ge3A_1788 = vector.broadcast %ge3A_1787 : f32 to vector<16xf32>
    %ge3A_1789 = arith.cmpf oge, %sub3A_1784, %ge3A_1788 : vector<16xf32>
    %jit3A_1790 = arith.constant 1.000000e+00 : f32
    %jit3A_1791 = arith.constant 0.000000e+00 : f32
    %broadcast_in_dim3A_1792 = vector.broadcast %jit3A_1790 : f32 to vector<16xf32>
    %broadcast_in_dim3A_1793 = vector.broadcast %jit3A_1791 : f32 to vector<16xf32>
    %select_n3A_1794 = arith.select %ge3A_1789, %broadcast_in_dim3A_1792, %broadcast_in_dim3A_1793 : vector<16xi1>, vector<16xf32>
    %mul3A_1795 = arith.mulf %select_n3A_1794, %sub3A_1778 : vector<16xf32>
    %sub3A_1796 = arith.subf %sub3A_1778, %mul3A_1795 : vector<16xf32>
    %mul3A_1797 = arith.constant 1.000000e+30 : f32
    %mul3A_1798 = vector.broadcast %mul3A_1797 : f32 to vector<16xf32>
    %mul3A_1799 = arith.mulf %mul3A_1795, %mul3A_1798 : vector<16xf32>
    %sub3A_1800 = arith.subf %sub3A_1784, %mul3A_1799 : vector<16xf32>
    %max3A_1801 = arith.maximumf %max3A_1783, %sub3A_1800 : vector<16xf32>
    %sub3A_1802 = arith.subf %get3A_1675, %max3A_1687 : vector<16xf32>
    %exp3A_1803 = math.exp %sub3A_1802 : vector<16xf32>
    %add3A_1804 = arith.addf %add3A_1786, %exp3A_1803 : vector<16xf32>
    %ge3A_1805 = arith.constant 0.000000e+00 : f32
    %ge3A_1806 = vector.broadcast %ge3A_1805 : f32 to vector<16xf32>
    %ge3A_1807 = arith.cmpf oge, %sub3A_1802, %ge3A_1806 : vector<16xf32>
    %jit3A_1808 = arith.constant 1.000000e+00 : f32
    %jit3A_1809 = arith.constant 0.000000e+00 : f32
    %broadcast_in_dim3A_1810 = vector.broadcast %jit3A_1808 : f32 to vector<16xf32>
    %broadcast_in_dim3A_1811 = vector.broadcast %jit3A_1809 : f32 to vector<16xf32>
    %select_n3A_1812 = arith.select %ge3A_1807, %broadcast_in_dim3A_1810, %broadcast_in_dim3A_1811 : vector<16xi1>, vector<16xf32>
    %mul3A_1813 = arith.mulf %select_n3A_1812, %sub3A_1796 : vector<16xf32>
    %sub3A_1814 = arith.subf %sub3A_1796, %mul3A_1813 : vector<16xf32>
    %mul3A_1815 = arith.constant 1.000000e+30 : f32
    %mul3A_1816 = vector.broadcast %mul3A_1815 : f32 to vector<16xf32>
    %mul3A_1817 = arith.mulf %mul3A_1813, %mul3A_1816 : vector<16xf32>
    %sub3A_1818 = arith.subf %sub3A_1802, %mul3A_1817 : vector<16xf32>
    %max3A_1819 = arith.maximumf %max3A_1801, %sub3A_1818 : vector<16xf32>
    %sub3A_1820 = arith.subf %get3A_1680, %max3A_1687 : vector<16xf32>
    %exp3A_1821 = math.exp %sub3A_1820 : vector<16xf32>
    %add3A_1822 = arith.addf %add3A_1804, %exp3A_1821 : vector<16xf32>
    %ge3A_1823 = arith.constant 0.000000e+00 : f32
    %ge3A_1824 = vector.broadcast %ge3A_1823 : f32 to vector<16xf32>
    %ge3A_1825 = arith.cmpf oge, %sub3A_1820, %ge3A_1824 : vector<16xf32>
    %jit3A_1826 = arith.constant 1.000000e+00 : f32
    %jit3A_1827 = arith.constant 0.000000e+00 : f32
    %broadcast_in_dim3A_1828 = vector.broadcast %jit3A_1826 : f32 to vector<16xf32>
    %broadcast_in_dim3A_1829 = vector.broadcast %jit3A_1827 : f32 to vector<16xf32>
    %select_n3A_1830 = arith.select %ge3A_1825, %broadcast_in_dim3A_1828, %broadcast_in_dim3A_1829 : vector<16xi1>, vector<16xf32>
    %mul3A_1831 = arith.mulf %select_n3A_1830, %sub3A_1814 : vector<16xf32>
    %sub3A_1832 = arith.subf %sub3A_1814, %mul3A_1831 : vector<16xf32>
    %mul3A_1833 = arith.constant 1.000000e+30 : f32
    %mul3A_1834 = vector.broadcast %mul3A_1833 : f32 to vector<16xf32>
    %mul3A_1835 = arith.mulf %mul3A_1831, %mul3A_1834 : vector<16xf32>
    %sub3A_1836 = arith.subf %sub3A_1820, %mul3A_1835 : vector<16xf32>
    %max3A_1837 = arith.maximumf %max3A_1819, %sub3A_1836 : vector<16xf32>
    %exp3A_1838 = math.exp %max3A_1837 : vector<16xf32>
    %add3A_1839 = arith.constant 1.000000e+00 : f32
    %add3A_1840 = vector.broadcast %add3A_1839 : f32 to vector<16xf32>
    %add3A_1841 = arith.addf %add3A_1840, %exp3A_1838 : vector<16xf32>
    %div3A_1842 = arith.divf %add3A_1841, %add3A_1822 : vector<16xf32>
    %swap3A_1843 = arith.constant 128 : index
    %swap3A_1844 = tpu.vector_load %arg5[%swap3A_1843] {strides = array<i32>} : memref<256xf32, #tpu.memory_space<vmem>>, vector<16xf32>,
    %swap3A_1845 = vector.shape_cast %swap3A_1844 : vector<16xf32> to vector<16xf32>
    %swap3A_1846 = vector.shape_cast %div3A_1842 : vector<16xf32> to vector<16xf32>
    tpu.vector_store %arg5[%swap3A_1843], %swap3A_1846 {strides = array<i32>} : memref<256xf32, #tpu.memory_space<vmem>>, vector<16xf32>,
    %get3A_1847 = arith.constant 0 : i32
    %get3A_1848 = arith.index_cast %get3A_1847 : i32 to index
    %get3A_1849 = arith.constant 144 : index
    %get3A_1850 = tpu.vector_load %arg4[%get3A_1848, %get3A_1849] {strides = array<i32>} : memref<8x256xf32, #tpu.memory_space<vmem>>, vector<1x16xf32>,
    %get3A_1851 = vector.shape_cast %get3A_1850 : vector<1x16xf32> to vector<16xf32>
    %get3A_1852 = arith.constant 1 : i32
    %get3A_1853 = arith.index_cast %get3A_1852 : i32 to index
    %get3A_1854 = arith.constant 144 : index
    %get3A_1855 = tpu.vector_load %arg4[%get3A_1853, %get3A_1854] {strides = array<i32>} : memref<8x256xf32, #tpu.memory_space<vmem>>, vector<1x16xf32>,
    %get3A_1856 = vector.shape_cast %get3A_1855 : vector<1x16xf32> to vector<16xf32>
    %get3A_1857 = arith.constant 2 : i32
    %get3A_1858 = arith.index_cast %get3A_1857 : i32 to index
    %get3A_1859 = arith.constant 144 : index
    %get3A_1860 = tpu.vector_load %arg4[%get3A_1858, %get3A_1859] {strides = array<i32>} : memref<8x256xf32, #tpu.memory_space<vmem>>, vector<1x16xf32>,
    %get3A_1861 = vector.shape_cast %get3A_1860 : vector<1x16xf32> to vector<16xf32>
    %get3A_1862 = arith.constant 3 : i32
    %get3A_1863 = arith.index_cast %get3A_1862 : i32 to index
    %get3A_1864 = arith.constant 144 : index
    %get3A_1865 = tpu.vector_load %arg4[%get3A_1863, %get3A_1864] {strides = array<i32>} : memref<8x256xf32, #tpu.memory_space<vmem>>, vector<1x16xf32>,
    %get3A_1866 = vector.shape_cast %get3A_1865 : vector<1x16xf32> to vector<16xf32>
    %get3A_1867 = arith.constant 4 : i32
    %get3A_1868 = arith.index_cast %get3A_1867 : i32 to index
    %get3A_1869 = arith.constant 144 : index
    %get3A_1870 = tpu.vector_load %arg4[%get3A_1868, %get3A_1869] {strides = array<i32>} : memref<8x256xf32, #tpu.memory_space<vmem>>, vector<1x16xf32>,
    %get3A_1871 = vector.shape_cast %get3A_1870 : vector<1x16xf32> to vector<16xf32>
    %get3A_1872 = arith.constant 5 : i32
    %get3A_1873 = arith.index_cast %get3A_1872 : i32 to index
    %get3A_1874 = arith.constant 144 : index
    %get3A_1875 = tpu.vector_load %arg4[%get3A_1873, %get3A_1874] {strides = array<i32>} : memref<8x256xf32, #tpu.memory_space<vmem>>, vector<1x16xf32>,
    %get3A_1876 = vector.shape_cast %get3A_1875 : vector<1x16xf32> to vector<16xf32>
    %get3A_1877 = arith.constant 6 : i32
    %get3A_1878 = arith.index_cast %get3A_1877 : i32 to index
    %get3A_1879 = arith.constant 144 : index
    %get3A_1880 = tpu.vector_load %arg4[%get3A_1878, %get3A_1879] {strides = array<i32>} : memref<8x256xf32, #tpu.memory_space<vmem>>, vector<1x16xf32>,
    %get3A_1881 = vector.shape_cast %get3A_1880 : vector<1x16xf32> to vector<16xf32>
    %get3A_1882 = arith.constant 7 : i32
    %get3A_1883 = arith.index_cast %get3A_1882 : i32 to index
    %get3A_1884 = arith.constant 144 : index
    %get3A_1885 = tpu.vector_load %arg4[%get3A_1883, %get3A_1884] {strides = array<i32>} : memref<8x256xf32, #tpu.memory_space<vmem>>, vector<1x16xf32>,
    %get3A_1886 = vector.shape_cast %get3A_1885 : vector<1x16xf32> to vector<16xf32>
    %max3A_1887 = arith.maximumf %get3A_1851, %get3A_1856 : vector<16xf32>
    %max3A_1888 = arith.maximumf %max3A_1887, %get3A_1861 : vector<16xf32>
    %max3A_1889 = arith.maximumf %max3A_1888, %get3A_1866 : vector<16xf32>
    %max3A_1890 = arith.maximumf %max3A_1889, %get3A_1871 : vector<16xf32>
    %max3A_1891 = arith.maximumf %max3A_1890, %get3A_1876 : vector<16xf32>
    %max3A_1892 = arith.maximumf %max3A_1891, %get3A_1881 : vector<16xf32>
    %max3A_1893 = arith.maximumf %max3A_1892, %get3A_1886 : vector<16xf32>
    %broadcast_in_dim3A_1894 = arith.constant -1.000000e+30 : f32
    %broadcast_in_dim3A_1895 = vector.broadcast %broadcast_in_dim3A_1894 : f32 to vector<16xf32>
    %broadcast_in_dim3A_1896 = arith.constant 1.000000e+00 : f32
    %broadcast_in_dim3A_1897 = vector.broadcast %broadcast_in_dim3A_1896 : f32 to vector<16xf32>
    %broadcast_in_dim3A_1898 = arith.constant 0.000000e+00 : f32
    %broadcast_in_dim3A_1899 = vector.broadcast %broadcast_in_dim3A_1898 : f32 to vector<16xf32>
    %sub3A_1900 = arith.subf %get3A_1851, %max3A_1893 : vector<16xf32>
    %exp3A_1901 = math.exp %sub3A_1900 : vector<16xf32>
    %add3A_1902 = arith.addf %broadcast_in_dim3A_1899, %exp3A_1901 : vector<16xf32>
    %ge3A_1903 = arith.constant 0.000000e+00 : f32
    %ge3A_1904 = vector.broadcast %ge3A_1903 : f32 to vector<16xf32>
    %ge3A_1905 = arith.cmpf oge, %sub3A_1900, %ge3A_1904 : vector<16xf32>
    %jit3A_1906 = arith.constant 1.000000e+00 : f32
    %jit3A_1907 = arith.constant 0.000000e+00 : f32
    %broadcast_in_dim3A_1908 = vector.broadcast %jit3A_1906 : f32 to vector<16xf32>
    %broadcast_in_dim3A_1909 = vector.broadcast %jit3A_1907 : f32 to vector<16xf32>
    %select_n3A_1910 = arith.select %ge3A_1905, %broadcast_in_dim3A_1908, %broadcast_in_dim3A_1909 : vector<16xi1>, vector<16xf32>
    %mul3A_1911 = arith.mulf %select_n3A_1910, %broadcast_in_dim3A_1897 : vector<16xf32>
    %sub3A_1912 = arith.subf %broadcast_in_dim3A_1897, %mul3A_1911 : vector<16xf32>
    %mul3A_1913 = arith.constant 1.000000e+30 : f32
    %mul3A_1914 = vector.broadcast %mul3A_1913 : f32 to vector<16xf32>
    %mul3A_1915 = arith.mulf %mul3A_1911, %mul3A_1914 : vector<16xf32>
    %sub3A_1916 = arith.subf %sub3A_1900, %mul3A_1915 : vector<16xf32>
    %max3A_1917 = arith.maximumf %broadcast_in_dim3A_1895, %sub3A_1916 : vector<16xf32>
    %sub3A_1918 = arith.subf %get3A_1856, %max3A_1893 : vector<16xf32>
    %exp3A_1919 = math.exp %sub3A_1918 : vector<16xf32>
    %add3A_1920 = arith.addf %add3A_1902, %exp3A_1919 : vector<16xf32>
    %ge3A_1921 = arith.constant 0.000000e+00 : f32
    %ge3A_1922 = vector.broadcast %ge3A_1921 : f32 to vector<16xf32>
    %ge3A_1923 = arith.cmpf oge, %sub3A_1918, %ge3A_1922 : vector<16xf32>
    %jit3A_1924 = arith.constant 1.000000e+00 : f32
    %jit3A_1925 = arith.constant 0.000000e+00 : f32
    %broadcast_in_dim3A_1926 = vector.broadcast %jit3A_1924 : f32 to vector<16xf32>
    %broadcast_in_dim3A_1927 = vector.broadcast %jit3A_1925 : f32 to vector<16xf32>
    %select_n3A_1928 = arith.select %ge3A_1923, %broadcast_in_dim3A_1926, %broadcast_in_dim3A_1927 : vector<16xi1>, vector<16xf32>
    %mul3A_1929 = arith.mulf %select_n3A_1928, %sub3A_1912 : vector<16xf32>
    %sub3A_1930 = arith.subf %sub3A_1912, %mul3A_1929 : vector<16xf32>
    %mul3A_1931 = arith.constant 1.000000e+30 : f32
    %mul3A_1932 = vector.broadcast %mul3A_1931 : f32 to vector<16xf32>
    %mul3A_1933 = arith.mulf %mul3A_1929, %mul3A_1932 : vector<16xf32>
    %sub3A_1934 = arith.subf %sub3A_1918, %mul3A_1933 : vector<16xf32>
    %max3A_1935 = arith.maximumf %max3A_1917, %sub3A_1934 : vector<16xf32>
    %sub3A_1936 = arith.subf %get3A_1861, %max3A_1893 : vector<16xf32>
    %exp3A_1937 = math.exp %sub3A_1936 : vector<16xf32>
    %add3A_1938 = arith.addf %add3A_1920, %exp3A_1937 : vector<16xf32>
    %ge3A_1939 = arith.constant 0.000000e+00 : f32
    %ge3A_1940 = vector.broadcast %ge3A_1939 : f32 to vector<16xf32>
    %ge3A_1941 = arith.cmpf oge, %sub3A_1936, %ge3A_1940 : vector<16xf32>
    %jit3A_1942 = arith.constant 1.000000e+00 : f32
    %jit3A_1943 = arith.constant 0.000000e+00 : f32
    %broadcast_in_dim3A_1944 = vector.broadcast %jit3A_1942 : f32 to vector<16xf32>
    %broadcast_in_dim3A_1945 = vector.broadcast %jit3A_1943 : f32 to vector<16xf32>
    %select_n3A_1946 = arith.select %ge3A_1941, %broadcast_in_dim3A_1944, %broadcast_in_dim3A_1945 : vector<16xi1>, vector<16xf32>
    %mul3A_1947 = arith.mulf %select_n3A_1946, %sub3A_1930 : vector<16xf32>
    %sub3A_1948 = arith.subf %sub3A_1930, %mul3A_1947 : vector<16xf32>
    %mul3A_1949 = arith.constant 1.000000e+30 : f32
    %mul3A_1950 = vector.broadcast %mul3A_1949 : f32 to vector<16xf32>
    %mul3A_1951 = arith.mulf %mul3A_1947, %mul3A_1950 : vector<16xf32>
    %sub3A_1952 = arith.subf %sub3A_1936, %mul3A_1951 : vector<16xf32>
    %max3A_1953 = arith.maximumf %max3A_1935, %sub3A_1952 : vector<16xf32>
    %sub3A_1954 = arith.subf %get3A_1866, %max3A_1893 : vector<16xf32>
    %exp3A_1955 = math.exp %sub3A_1954 : vector<16xf32>
    %add3A_1956 = arith.addf %add3A_1938, %exp3A_1955 : vector<16xf32>
    %ge3A_1957 = arith.constant 0.000000e+00 : f32
    %ge3A_1958 = vector.broadcast %ge3A_1957 : f32 to vector<16xf32>
    %ge3A_1959 = arith.cmpf oge, %sub3A_1954, %ge3A_1958 : vector<16xf32>
    %jit3A_1960 = arith.constant 1.000000e+00 : f32
    %jit3A_1961 = arith.constant 0.000000e+00 : f32
    %broadcast_in_dim3A_1962 = vector.broadcast %jit3A_1960 : f32 to vector<16xf32>
    %broadcast_in_dim3A_1963 = vector.broadcast %jit3A_1961 : f32 to vector<16xf32>
    %select_n3A_1964 = arith.select %ge3A_1959, %broadcast_in_dim3A_1962, %broadcast_in_dim3A_1963 : vector<16xi1>, vector<16xf32>
    %mul3A_1965 = arith.mulf %select_n3A_1964, %sub3A_1948 : vector<16xf32>
    %sub3A_1966 = arith.subf %sub3A_1948, %mul3A_1965 : vector<16xf32>
    %mul3A_1967 = arith.constant 1.000000e+30 : f32
    %mul3A_1968 = vector.broadcast %mul3A_1967 : f32 to vector<16xf32>
    %mul3A_1969 = arith.mulf %mul3A_1965, %mul3A_1968 : vector<16xf32>
    %sub3A_1970 = arith.subf %sub3A_1954, %mul3A_1969 : vector<16xf32>
    %max3A_1971 = arith.maximumf %max3A_1953, %sub3A_1970 : vector<16xf32>
    %sub3A_1972 = arith.subf %get3A_1871, %max3A_1893 : vector<16xf32>
    %exp3A_1973 = math.exp %sub3A_1972 : vector<16xf32>
    %add3A_1974 = arith.addf %add3A_1956, %exp3A_1973 : vector<16xf32>
    %ge3A_1975 = arith.constant 0.000000e+00 : f32
    %ge3A_1976 = vector.broadcast %ge3A_1975 : f32 to vector<16xf32>
    %ge3A_1977 = arith.cmpf oge, %sub3A_1972, %ge3A_1976 : vector<16xf32>
    %jit3A_1978 = arith.constant 1.000000e+00 : f32
    %jit3A_1979 = arith.constant 0.000000e+00 : f32
    %broadcast_in_dim3A_1980 = vector.broadcast %jit3A_1978 : f32 to vector<16xf32>
    %broadcast_in_dim3A_1981 = vector.broadcast %jit3A_1979 : f32 to vector<16xf32>
    %select_n3A_1982 = arith.select %ge3A_1977, %broadcast_in_dim3A_1980, %broadcast_in_dim3A_1981 : vector<16xi1>, vector<16xf32>
    %mul3A_1983 = arith.mulf %select_n3A_1982, %sub3A_1966 : vector<16xf32>
    %sub3A_1984 = arith.subf %sub3A_1966, %mul3A_1983 : vector<16xf32>
    %mul3A_1985 = arith.constant 1.000000e+30 : f32
    %mul3A_1986 = vector.broadcast %mul3A_1985 : f32 to vector<16xf32>
    %mul3A_1987 = arith.mulf %mul3A_1983, %mul3A_1986 : vector<16xf32>
    %sub3A_1988 = arith.subf %sub3A_1972, %mul3A_1987 : vector<16xf32>
    %max3A_1989 = arith.maximumf %max3A_1971, %sub3A_1988 : vector<16xf32>
    %sub3A_1990 = arith.subf %get3A_1876, %max3A_1893 : vector<16xf32>
    %exp3A_1991 = math.exp %sub3A_1990 : vector<16xf32>
    %add3A_1992 = arith.addf %add3A_1974, %exp3A_1991 : vector<16xf32>
    %ge3A_1993 = arith.constant 0.000000e+00 : f32
    %ge3A_1994 = vector.broadcast %ge3A_1993 : f32 to vector<16xf32>
    %ge3A_1995 = arith.cmpf oge, %sub3A_1990, %ge3A_1994 : vector<16xf32>
    %jit3A_1996 = arith.constant 1.000000e+00 : f32
    %jit3A_1997 = arith.constant 0.000000e+00 : f32
    %broadcast_in_dim3A_1998 = vector.broadcast %jit3A_1996 : f32 to vector<16xf32>
    %broadcast_in_dim3A_1999 = vector.broadcast %jit3A_1997 : f32 to vector<16xf32>
    %select_n3A_2000 = arith.select %ge3A_1995, %broadcast_in_dim3A_1998, %broadcast_in_dim3A_1999 : vector<16xi1>, vector<16xf32>
    %mul3A_2001 = arith.mulf %select_n3A_2000, %sub3A_1984 : vector<16xf32>
    %sub3A_2002 = arith.subf %sub3A_1984, %mul3A_2001 : vector<16xf32>
    %mul3A_2003 = arith.constant 1.000000e+30 : f32
    %mul3A_2004 = vector.broadcast %mul3A_2003 : f32 to vector<16xf32>
    %mul3A_2005 = arith.mulf %mul3A_2001, %mul3A_2004 : vector<16xf32>
    %sub3A_2006 = arith.subf %sub3A_1990, %mul3A_2005 : vector<16xf32>
    %max3A_2007 = arith.maximumf %max3A_1989, %sub3A_2006 : vector<16xf32>
    %sub3A_2008 = arith.subf %get3A_1881, %max3A_1893 : vector<16xf32>
    %exp3A_2009 = math.exp %sub3A_2008 : vector<16xf32>
    %add3A_2010 = arith.addf %add3A_1992, %exp3A_2009 : vector<16xf32>
    %ge3A_2011 = arith.constant 0.000000e+00 : f32
    %ge3A_2012 = vector.broadcast %ge3A_2011 : f32 to vector<16xf32>
    %ge3A_2013 = arith.cmpf oge, %sub3A_2008, %ge3A_2012 : vector<16xf32>
    %jit3A_2014 = arith.constant 1.000000e+00 : f32
    %jit3A_2015 = arith.constant 0.000000e+00 : f32
    %broadcast_in_dim3A_2016 = vector.broadcast %jit3A_2014 : f32 to vector<16xf32>
    %broadcast_in_dim3A_2017 = vector.broadcast %jit3A_2015 : f32 to vector<16xf32>
    %select_n3A_2018 = arith.select %ge3A_2013, %broadcast_in_dim3A_2016, %broadcast_in_dim3A_2017 : vector<16xi1>, vector<16xf32>
    %mul3A_2019 = arith.mulf %select_n3A_2018, %sub3A_2002 : vector<16xf32>
    %sub3A_2020 = arith.subf %sub3A_2002, %mul3A_2019 : vector<16xf32>
    %mul3A_2021 = arith.constant 1.000000e+30 : f32
    %mul3A_2022 = vector.broadcast %mul3A_2021 : f32 to vector<16xf32>
    %mul3A_2023 = arith.mulf %mul3A_2019, %mul3A_2022 : vector<16xf32>
    %sub3A_2024 = arith.subf %sub3A_2008, %mul3A_2023 : vector<16xf32>
    %max3A_2025 = arith.maximumf %max3A_2007, %sub3A_2024 : vector<16xf32>
    %sub3A_2026 = arith.subf %get3A_1886, %max3A_1893 : vector<16xf32>
    %exp3A_2027 = math.exp %sub3A_2026 : vector<16xf32>
    %add3A_2028 = arith.addf %add3A_2010, %exp3A_2027 : vector<16xf32>
    %ge3A_2029 = arith.constant 0.000000e+00 : f32
    %ge3A_2030 = vector.broadcast %ge3A_2029 : f32 to vector<16xf32>
    %ge3A_2031 = arith.cmpf oge, %sub3A_2026, %ge3A_2030 : vector<16xf32>
    %jit3A_2032 = arith.constant 1.000000e+00 : f32
    %jit3A_2033 = arith.constant 0.000000e+00 : f32
    %broadcast_in_dim3A_2034 = vector.broadcast %jit3A_2032 : f32 to vector<16xf32>
    %broadcast_in_dim3A_2035 = vector.broadcast %jit3A_2033 : f32 to vector<16xf32>
    %select_n3A_2036 = arith.select %ge3A_2031, %broadcast_in_dim3A_2034, %broadcast_in_dim3A_2035 : vector<16xi1>, vector<16xf32>
    %mul3A_2037 = arith.mulf %select_n3A_2036, %sub3A_2020 : vector<16xf32>
    %sub3A_2038 = arith.subf %sub3A_2020, %mul3A_2037 : vector<16xf32>
    %mul3A_2039 = arith.constant 1.000000e+30 : f32
    %mul3A_2040 = vector.broadcast %mul3A_2039 : f32 to vector<16xf32>
    %mul3A_2041 = arith.mulf %mul3A_2037, %mul3A_2040 : vector<16xf32>
    %sub3A_2042 = arith.subf %sub3A_2026, %mul3A_2041 : vector<16xf32>
    %max3A_2043 = arith.maximumf %max3A_2025, %sub3A_2042 : vector<16xf32>
    %exp3A_2044 = math.exp %max3A_2043 : vector<16xf32>
    %add3A_2045 = arith.constant 1.000000e+00 : f32
    %add3A_2046 = vector.broadcast %add3A_2045 : f32 to vector<16xf32>
    %add3A_2047 = arith.addf %add3A_2046, %exp3A_2044 : vector<16xf32>
    %div3A_2048 = arith.divf %add3A_2047, %add3A_2028 : vector<16xf32>
    %swap3A_2049 = arith.constant 144 : index
    %swap3A_2050 = tpu.vector_load %arg5[%swap3A_2049] {strides = array<i32>} : memref<256xf32, #tpu.memory_space<vmem>>, vector<16xf32>,
    %swap3A_2051 = vector.shape_cast %swap3A_2050 : vector<16xf32> to vector<16xf32>
    %swap3A_2052 = vector.shape_cast %div3A_2048 : vector<16xf32> to vector<16xf32>
    tpu.vector_store %arg5[%swap3A_2049], %swap3A_2052 {strides = array<i32>} : memref<256xf32, #tpu.memory_space<vmem>>, vector<16xf32>,
    %get3A_2053 = arith.constant 0 : i32
    %get3A_2054 = arith.index_cast %get3A_2053 : i32 to index
    %get3A_2055 = arith.constant 160 : index
    %get3A_2056 = tpu.vector_load %arg4[%get3A_2054, %get3A_2055] {strides = array<i32>} : memref<8x256xf32, #tpu.memory_space<vmem>>, vector<1x16xf32>,
    %get3A_2057 = vector.shape_cast %get3A_2056 : vector<1x16xf32> to vector<16xf32>
    %get3A_2058 = arith.constant 1 : i32
    %get3A_2059 = arith.index_cast %get3A_2058 : i32 to index
    %get3A_2060 = arith.constant 160 : index
    %get3A_2061 = tpu.vector_load %arg4[%get3A_2059, %get3A_2060] {strides = array<i32>} : memref<8x256xf32, #tpu.memory_space<vmem>>, vector<1x16xf32>,
    %get3A_2062 = vector.shape_cast %get3A_2061 : vector<1x16xf32> to vector<16xf32>
    %get3A_2063 = arith.constant 2 : i32
    %get3A_2064 = arith.index_cast %get3A_2063 : i32 to index
    %get3A_2065 = arith.constant 160 : index
    %get3A_2066 = tpu.vector_load %arg4[%get3A_2064, %get3A_2065] {strides = array<i32>} : memref<8x256xf32, #tpu.memory_space<vmem>>, vector<1x16xf32>,
    %get3A_2067 = vector.shape_cast %get3A_2066 : vector<1x16xf32> to vector<16xf32>
    %get3A_2068 = arith.constant 3 : i32
    %get3A_2069 = arith.index_cast %get3A_2068 : i32 to index
    %get3A_2070 = arith.constant 160 : index
    %get3A_2071 = tpu.vector_load %arg4[%get3A_2069, %get3A_2070] {strides = array<i32>} : memref<8x256xf32, #tpu.memory_space<vmem>>, vector<1x16xf32>,
    %get3A_2072 = vector.shape_cast %get3A_2071 : vector<1x16xf32> to vector<16xf32>
    %get3A_2073 = arith.constant 4 : i32
    %get3A_2074 = arith.index_cast %get3A_2073 : i32 to index
    %get3A_2075 = arith.constant 160 : index
    %get3A_2076 = tpu.vector_load %arg4[%get3A_2074, %get3A_2075] {strides = array<i32>} : memref<8x256xf32, #tpu.memory_space<vmem>>, vector<1x16xf32>,
    %get3A_2077 = vector.shape_cast %get3A_2076 : vector<1x16xf32> to vector<16xf32>
    %get3A_2078 = arith.constant 5 : i32
    %get3A_2079 = arith.index_cast %get3A_2078 : i32 to index
    %get3A_2080 = arith.constant 160 : index
    %get3A_2081 = tpu.vector_load %arg4[%get3A_2079, %get3A_2080] {strides = array<i32>} : memref<8x256xf32, #tpu.memory_space<vmem>>, vector<1x16xf32>,
    %get3A_2082 = vector.shape_cast %get3A_2081 : vector<1x16xf32> to vector<16xf32>
    %get3A_2083 = arith.constant 6 : i32
    %get3A_2084 = arith.index_cast %get3A_2083 : i32 to index
    %get3A_2085 = arith.constant 160 : index
    %get3A_2086 = tpu.vector_load %arg4[%get3A_2084, %get3A_2085] {strides = array<i32>} : memref<8x256xf32, #tpu.memory_space<vmem>>, vector<1x16xf32>,
    %get3A_2087 = vector.shape_cast %get3A_2086 : vector<1x16xf32> to vector<16xf32>
    %get3A_2088 = arith.constant 7 : i32
    %get3A_2089 = arith.index_cast %get3A_2088 : i32 to index
    %get3A_2090 = arith.constant 160 : index
    %get3A_2091 = tpu.vector_load %arg4[%get3A_2089, %get3A_2090] {strides = array<i32>} : memref<8x256xf32, #tpu.memory_space<vmem>>, vector<1x16xf32>,
    %get3A_2092 = vector.shape_cast %get3A_2091 : vector<1x16xf32> to vector<16xf32>
    %max3A_2093 = arith.maximumf %get3A_2057, %get3A_2062 : vector<16xf32>
    %max3A_2094 = arith.maximumf %max3A_2093, %get3A_2067 : vector<16xf32>
    %max3A_2095 = arith.maximumf %max3A_2094, %get3A_2072 : vector<16xf32>
    %max3A_2096 = arith.maximumf %max3A_2095, %get3A_2077 : vector<16xf32>
    %max3A_2097 = arith.maximumf %max3A_2096, %get3A_2082 : vector<16xf32>
    %max3A_2098 = arith.maximumf %max3A_2097, %get3A_2087 : vector<16xf32>
    %max3A_2099 = arith.maximumf %max3A_2098, %get3A_2092 : vector<16xf32>
    %broadcast_in_dim3A_2100 = arith.constant -1.000000e+30 : f32
    %broadcast_in_dim3A_2101 = vector.broadcast %broadcast_in_dim3A_2100 : f32 to vector<16xf32>
    %broadcast_in_dim3A_2102 = arith.constant 1.000000e+00 : f32
    %broadcast_in_dim3A_2103 = vector.broadcast %broadcast_in_dim3A_2102 : f32 to vector<16xf32>
    %broadcast_in_dim3A_2104 = arith.constant 0.000000e+00 : f32
    %broadcast_in_dim3A_2105 = vector.broadcast %broadcast_in_dim3A_2104 : f32 to vector<16xf32>
    %sub3A_2106 = arith.subf %get3A_2057, %max3A_2099 : vector<16xf32>
    %exp3A_2107 = math.exp %sub3A_2106 : vector<16xf32>
    %add3A_2108 = arith.addf %broadcast_in_dim3A_2105, %exp3A_2107 : vector<16xf32>
    %ge3A_2109 = arith.constant 0.000000e+00 : f32
    %ge3A_2110 = vector.broadcast %ge3A_2109 : f32 to vector<16xf32>
    %ge3A_2111 = arith.cmpf oge, %sub3A_2106, %ge3A_2110 : vector<16xf32>
    %jit3A_2112 = arith.constant 1.000000e+00 : f32
    %jit3A_2113 = arith.constant 0.000000e+00 : f32
    %broadcast_in_dim3A_2114 = vector.broadcast %jit3A_2112 : f32 to vector<16xf32>
    %broadcast_in_dim3A_2115 = vector.broadcast %jit3A_2113 : f32 to vector<16xf32>
    %select_n3A_2116 = arith.select %ge3A_2111, %broadcast_in_dim3A_2114, %broadcast_in_dim3A_2115 : vector<16xi1>, vector<16xf32>
    %mul3A_2117 = arith.mulf %select_n3A_2116, %broadcast_in_dim3A_2103 : vector<16xf32>
    %sub3A_2118 = arith.subf %broadcast_in_dim3A_2103, %mul3A_2117 : vector<16xf32>
    %mul3A_2119 = arith.constant 1.000000e+30 : f32
    %mul3A_2120 = vector.broadcast %mul3A_2119 : f32 to vector<16xf32>
    %mul3A_2121 = arith.mulf %mul3A_2117, %mul3A_2120 : vector<16xf32>
    %sub3A_2122 = arith.subf %sub3A_2106, %mul3A_2121 : vector<16xf32>
    %max3A_2123 = arith.maximumf %broadcast_in_dim3A_2101, %sub3A_2122 : vector<16xf32>
    %sub3A_2124 = arith.subf %get3A_2062, %max3A_2099 : vector<16xf32>
    %exp3A_2125 = math.exp %sub3A_2124 : vector<16xf32>
    %add3A_2126 = arith.addf %add3A_2108, %exp3A_2125 : vector<16xf32>
    %ge3A_2127 = arith.constant 0.000000e+00 : f32
    %ge3A_2128 = vector.broadcast %ge3A_2127 : f32 to vector<16xf32>
    %ge3A_2129 = arith.cmpf oge, %sub3A_2124, %ge3A_2128 : vector<16xf32>
    %jit3A_2130 = arith.constant 1.000000e+00 : f32
    %jit3A_2131 = arith.constant 0.000000e+00 : f32
    %broadcast_in_dim3A_2132 = vector.broadcast %jit3A_2130 : f32 to vector<16xf32>
    %broadcast_in_dim3A_2133 = vector.broadcast %jit3A_2131 : f32 to vector<16xf32>
    %select_n3A_2134 = arith.select %ge3A_2129, %broadcast_in_dim3A_2132, %broadcast_in_dim3A_2133 : vector<16xi1>, vector<16xf32>
    %mul3A_2135 = arith.mulf %select_n3A_2134, %sub3A_2118 : vector<16xf32>
    %sub3A_2136 = arith.subf %sub3A_2118, %mul3A_2135 : vector<16xf32>
    %mul3A_2137 = arith.constant 1.000000e+30 : f32
    %mul3A_2138 = vector.broadcast %mul3A_2137 : f32 to vector<16xf32>
    %mul3A_2139 = arith.mulf %mul3A_2135, %mul3A_2138 : vector<16xf32>
    %sub3A_2140 = arith.subf %sub3A_2124, %mul3A_2139 : vector<16xf32>
    %max3A_2141 = arith.maximumf %max3A_2123, %sub3A_2140 : vector<16xf32>
    %sub3A_2142 = arith.subf %get3A_2067, %max3A_2099 : vector<16xf32>
    %exp3A_2143 = math.exp %sub3A_2142 : vector<16xf32>
    %add3A_2144 = arith.addf %add3A_2126, %exp3A_2143 : vector<16xf32>
    %ge3A_2145 = arith.constant 0.000000e+00 : f32
    %ge3A_2146 = vector.broadcast %ge3A_2145 : f32 to vector<16xf32>
    %ge3A_2147 = arith.cmpf oge, %sub3A_2142, %ge3A_2146 : vector<16xf32>
    %jit3A_2148 = arith.constant 1.000000e+00 : f32
    %jit3A_2149 = arith.constant 0.000000e+00 : f32
    %broadcast_in_dim3A_2150 = vector.broadcast %jit3A_2148 : f32 to vector<16xf32>
    %broadcast_in_dim3A_2151 = vector.broadcast %jit3A_2149 : f32 to vector<16xf32>
    %select_n3A_2152 = arith.select %ge3A_2147, %broadcast_in_dim3A_2150, %broadcast_in_dim3A_2151 : vector<16xi1>, vector<16xf32>
    %mul3A_2153 = arith.mulf %select_n3A_2152, %sub3A_2136 : vector<16xf32>
    %sub3A_2154 = arith.subf %sub3A_2136, %mul3A_2153 : vector<16xf32>
    %mul3A_2155 = arith.constant 1.000000e+30 : f32
    %mul3A_2156 = vector.broadcast %mul3A_2155 : f32 to vector<16xf32>
    %mul3A_2157 = arith.mulf %mul3A_2153, %mul3A_2156 : vector<16xf32>
    %sub3A_2158 = arith.subf %sub3A_2142, %mul3A_2157 : vector<16xf32>
    %max3A_2159 = arith.maximumf %max3A_2141, %sub3A_2158 : vector<16xf32>
    %sub3A_2160 = arith.subf %get3A_2072, %max3A_2099 : vector<16xf32>
    %exp3A_2161 = math.exp %sub3A_2160 : vector<16xf32>
    %add3A_2162 = arith.addf %add3A_2144, %exp3A_2161 : vector<16xf32>
    %ge3A_2163 = arith.constant 0.000000e+00 : f32
    %ge3A_2164 = vector.broadcast %ge3A_2163 : f32 to vector<16xf32>
    %ge3A_2165 = arith.cmpf oge, %sub3A_2160, %ge3A_2164 : vector<16xf32>
    %jit3A_2166 = arith.constant 1.000000e+00 : f32
    %jit3A_2167 = arith.constant 0.000000e+00 : f32
    %broadcast_in_dim3A_2168 = vector.broadcast %jit3A_2166 : f32 to vector<16xf32>
    %broadcast_in_dim3A_2169 = vector.broadcast %jit3A_2167 : f32 to vector<16xf32>
    %select_n3A_2170 = arith.select %ge3A_2165, %broadcast_in_dim3A_2168, %broadcast_in_dim3A_2169 : vector<16xi1>, vector<16xf32>
    %mul3A_2171 = arith.mulf %select_n3A_2170, %sub3A_2154 : vector<16xf32>
    %sub3A_2172 = arith.subf %sub3A_2154, %mul3A_2171 : vector<16xf32>
    %mul3A_2173 = arith.constant 1.000000e+30 : f32
    %mul3A_2174 = vector.broadcast %mul3A_2173 : f32 to vector<16xf32>
    %mul3A_2175 = arith.mulf %mul3A_2171, %mul3A_2174 : vector<16xf32>
    %sub3A_2176 = arith.subf %sub3A_2160, %mul3A_2175 : vector<16xf32>
    %max3A_2177 = arith.maximumf %max3A_2159, %sub3A_2176 : vector<16xf32>
    %sub3A_2178 = arith.subf %get3A_2077, %max3A_2099 : vector<16xf32>
    %exp3A_2179 = math.exp %sub3A_2178 : vector<16xf32>
    %add3A_2180 = arith.addf %add3A_2162, %exp3A_2179 : vector<16xf32>
    %ge3A_2181 = arith.constant 0.000000e+00 : f32
    %ge3A_2182 = vector.broadcast %ge3A_2181 : f32 to vector<16xf32>
    %ge3A_2183 = arith.cmpf oge, %sub3A_2178, %ge3A_2182 : vector<16xf32>
    %jit3A_2184 = arith.constant 1.000000e+00 : f32
    %jit3A_2185 = arith.constant 0.000000e+00 : f32
    %broadcast_in_dim3A_2186 = vector.broadcast %jit3A_2184 : f32 to vector<16xf32>
    %broadcast_in_dim3A_2187 = vector.broadcast %jit3A_2185 : f32 to vector<16xf32>
    %select_n3A_2188 = arith.select %ge3A_2183, %broadcast_in_dim3A_2186, %broadcast_in_dim3A_2187 : vector<16xi1>, vector<16xf32>
    %mul3A_2189 = arith.mulf %select_n3A_2188, %sub3A_2172 : vector<16xf32>
    %sub3A_2190 = arith.subf %sub3A_2172, %mul3A_2189 : vector<16xf32>
    %mul3A_2191 = arith.constant 1.000000e+30 : f32
    %mul3A_2192 = vector.broadcast %mul3A_2191 : f32 to vector<16xf32>
    %mul3A_2193 = arith.mulf %mul3A_2189, %mul3A_2192 : vector<16xf32>
    %sub3A_2194 = arith.subf %sub3A_2178, %mul3A_2193 : vector<16xf32>
    %max3A_2195 = arith.maximumf %max3A_2177, %sub3A_2194 : vector<16xf32>
    %sub3A_2196 = arith.subf %get3A_2082, %max3A_2099 : vector<16xf32>
    %exp3A_2197 = math.exp %sub3A_2196 : vector<16xf32>
    %add3A_2198 = arith.addf %add3A_2180, %exp3A_2197 : vector<16xf32>
    %ge3A_2199 = arith.constant 0.000000e+00 : f32
    %ge3A_2200 = vector.broadcast %ge3A_2199 : f32 to vector<16xf32>
    %ge3A_2201 = arith.cmpf oge, %sub3A_2196, %ge3A_2200 : vector<16xf32>
    %jit3A_2202 = arith.constant 1.000000e+00 : f32
    %jit3A_2203 = arith.constant 0.000000e+00 : f32
    %broadcast_in_dim3A_2204 = vector.broadcast %jit3A_2202 : f32 to vector<16xf32>
    %broadcast_in_dim3A_2205 = vector.broadcast %jit3A_2203 : f32 to vector<16xf32>
    %select_n3A_2206 = arith.select %ge3A_2201, %broadcast_in_dim3A_2204, %broadcast_in_dim3A_2205 : vector<16xi1>, vector<16xf32>
    %mul3A_2207 = arith.mulf %select_n3A_2206, %sub3A_2190 : vector<16xf32>
    %sub3A_2208 = arith.subf %sub3A_2190, %mul3A_2207 : vector<16xf32>
    %mul3A_2209 = arith.constant 1.000000e+30 : f32
    %mul3A_2210 = vector.broadcast %mul3A_2209 : f32 to vector<16xf32>
    %mul3A_2211 = arith.mulf %mul3A_2207, %mul3A_2210 : vector<16xf32>
    %sub3A_2212 = arith.subf %sub3A_2196, %mul3A_2211 : vector<16xf32>
    %max3A_2213 = arith.maximumf %max3A_2195, %sub3A_2212 : vector<16xf32>
    %sub3A_2214 = arith.subf %get3A_2087, %max3A_2099 : vector<16xf32>
    %exp3A_2215 = math.exp %sub3A_2214 : vector<16xf32>
    %add3A_2216 = arith.addf %add3A_2198, %exp3A_2215 : vector<16xf32>
    %ge3A_2217 = arith.constant 0.000000e+00 : f32
    %ge3A_2218 = vector.broadcast %ge3A_2217 : f32 to vector<16xf32>
    %ge3A_2219 = arith.cmpf oge, %sub3A_2214, %ge3A_2218 : vector<16xf32>
    %jit3A_2220 = arith.constant 1.000000e+00 : f32
    %jit3A_2221 = arith.constant 0.000000e+00 : f32
    %broadcast_in_dim3A_2222 = vector.broadcast %jit3A_2220 : f32 to vector<16xf32>
    %broadcast_in_dim3A_2223 = vector.broadcast %jit3A_2221 : f32 to vector<16xf32>
    %select_n3A_2224 = arith.select %ge3A_2219, %broadcast_in_dim3A_2222, %broadcast_in_dim3A_2223 : vector<16xi1>, vector<16xf32>
    %mul3A_2225 = arith.mulf %select_n3A_2224, %sub3A_2208 : vector<16xf32>
    %sub3A_2226 = arith.subf %sub3A_2208, %mul3A_2225 : vector<16xf32>
    %mul3A_2227 = arith.constant 1.000000e+30 : f32
    %mul3A_2228 = vector.broadcast %mul3A_2227 : f32 to vector<16xf32>
    %mul3A_2229 = arith.mulf %mul3A_2225, %mul3A_2228 : vector<16xf32>
    %sub3A_2230 = arith.subf %sub3A_2214, %mul3A_2229 : vector<16xf32>
    %max3A_2231 = arith.maximumf %max3A_2213, %sub3A_2230 : vector<16xf32>
    %sub3A_2232 = arith.subf %get3A_2092, %max3A_2099 : vector<16xf32>
    %exp3A_2233 = math.exp %sub3A_2232 : vector<16xf32>
    %add3A_2234 = arith.addf %add3A_2216, %exp3A_2233 : vector<16xf32>
    %ge3A_2235 = arith.constant 0.000000e+00 : f32
    %ge3A_2236 = vector.broadcast %ge3A_2235 : f32 to vector<16xf32>
    %ge3A_2237 = arith.cmpf oge, %sub3A_2232, %ge3A_2236 : vector<16xf32>
    %jit3A_2238 = arith.constant 1.000000e+00 : f32
    %jit3A_2239 = arith.constant 0.000000e+00 : f32
    %broadcast_in_dim3A_2240 = vector.broadcast %jit3A_2238 : f32 to vector<16xf32>
    %broadcast_in_dim3A_2241 = vector.broadcast %jit3A_2239 : f32 to vector<16xf32>
    %select_n3A_2242 = arith.select %ge3A_2237, %broadcast_in_dim3A_2240, %broadcast_in_dim3A_2241 : vector<16xi1>, vector<16xf32>
    %mul3A_2243 = arith.mulf %select_n3A_2242, %sub3A_2226 : vector<16xf32>
    %sub3A_2244 = arith.subf %sub3A_2226, %mul3A_2243 : vector<16xf32>
    %mul3A_2245 = arith.constant 1.000000e+30 : f32
    %mul3A_2246 = vector.broadcast %mul3A_2245 : f32 to vector<16xf32>
    %mul3A_2247 = arith.mulf %mul3A_2243, %mul3A_2246 : vector<16xf32>
    %sub3A_2248 = arith.subf %sub3A_2232, %mul3A_2247 : vector<16xf32>
    %max3A_2249 = arith.maximumf %max3A_2231, %sub3A_2248 : vector<16xf32>
    %exp3A_2250 = math.exp %max3A_2249 : vector<16xf32>
    %add3A_2251 = arith.constant 1.000000e+00 : f32
    %add3A_2252 = vector.broadcast %add3A_2251 : f32 to vector<16xf32>
    %add3A_2253 = arith.addf %add3A_2252, %exp3A_2250 : vector<16xf32>
    %div3A_2254 = arith.divf %add3A_2253, %add3A_2234 : vector<16xf32>
    %swap3A_2255 = arith.constant 160 : index
    %swap3A_2256 = tpu.vector_load %arg5[%swap3A_2255] {strides = array<i32>} : memref<256xf32, #tpu.memory_space<vmem>>, vector<16xf32>,
    %swap3A_2257 = vector.shape_cast %swap3A_2256 : vector<16xf32> to vector<16xf32>
    %swap3A_2258 = vector.shape_cast %div3A_2254 : vector<16xf32> to vector<16xf32>
    tpu.vector_store %arg5[%swap3A_2255], %swap3A_2258 {strides = array<i32>} : memref<256xf32, #tpu.memory_space<vmem>>, vector<16xf32>,
    %get3A_2259 = arith.constant 0 : i32
    %get3A_2260 = arith.index_cast %get3A_2259 : i32 to index
    %get3A_2261 = arith.constant 176 : index
    %get3A_2262 = tpu.vector_load %arg4[%get3A_2260, %get3A_2261] {strides = array<i32>} : memref<8x256xf32, #tpu.memory_space<vmem>>, vector<1x16xf32>,
    %get3A_2263 = vector.shape_cast %get3A_2262 : vector<1x16xf32> to vector<16xf32>
    %get3A_2264 = arith.constant 1 : i32
    %get3A_2265 = arith.index_cast %get3A_2264 : i32 to index
    %get3A_2266 = arith.constant 176 : index
    %get3A_2267 = tpu.vector_load %arg4[%get3A_2265, %get3A_2266] {strides = array<i32>} : memref<8x256xf32, #tpu.memory_space<vmem>>, vector<1x16xf32>,
    %get3A_2268 = vector.shape_cast %get3A_2267 : vector<1x16xf32> to vector<16xf32>
    %get3A_2269 = arith.constant 2 : i32
    %get3A_2270 = arith.index_cast %get3A_2269 : i32 to index
    %get3A_2271 = arith.constant 176 : index
    %get3A_2272 = tpu.vector_load %arg4[%get3A_2270, %get3A_2271] {strides = array<i32>} : memref<8x256xf32, #tpu.memory_space<vmem>>, vector<1x16xf32>,
    %get3A_2273 = vector.shape_cast %get3A_2272 : vector<1x16xf32> to vector<16xf32>
    %get3A_2274 = arith.constant 3 : i32
    %get3A_2275 = arith.index_cast %get3A_2274 : i32 to index
    %get3A_2276 = arith.constant 176 : index
    %get3A_2277 = tpu.vector_load %arg4[%get3A_2275, %get3A_2276] {strides = array<i32>} : memref<8x256xf32, #tpu.memory_space<vmem>>, vector<1x16xf32>,
    %get3A_2278 = vector.shape_cast %get3A_2277 : vector<1x16xf32> to vector<16xf32>
    %get3A_2279 = arith.constant 4 : i32
    %get3A_2280 = arith.index_cast %get3A_2279 : i32 to index
    %get3A_2281 = arith.constant 176 : index
    %get3A_2282 = tpu.vector_load %arg4[%get3A_2280, %get3A_2281] {strides = array<i32>} : memref<8x256xf32, #tpu.memory_space<vmem>>, vector<1x16xf32>,
    %get3A_2283 = vector.shape_cast %get3A_2282 : vector<1x16xf32> to vector<16xf32>
    %get3A_2284 = arith.constant 5 : i32
    %get3A_2285 = arith.index_cast %get3A_2284 : i32 to index
    %get3A_2286 = arith.constant 176 : index
    %get3A_2287 = tpu.vector_load %arg4[%get3A_2285, %get3A_2286] {strides = array<i32>} : memref<8x256xf32, #tpu.memory_space<vmem>>, vector<1x16xf32>,
    %get3A_2288 = vector.shape_cast %get3A_2287 : vector<1x16xf32> to vector<16xf32>
    %get3A_2289 = arith.constant 6 : i32
    %get3A_2290 = arith.index_cast %get3A_2289 : i32 to index
    %get3A_2291 = arith.constant 176 : index
    %get3A_2292 = tpu.vector_load %arg4[%get3A_2290, %get3A_2291] {strides = array<i32>} : memref<8x256xf32, #tpu.memory_space<vmem>>, vector<1x16xf32>,
    %get3A_2293 = vector.shape_cast %get3A_2292 : vector<1x16xf32> to vector<16xf32>
    %get3A_2294 = arith.constant 7 : i32
    %get3A_2295 = arith.index_cast %get3A_2294 : i32 to index
    %get3A_2296 = arith.constant 176 : index
    %get3A_2297 = tpu.vector_load %arg4[%get3A_2295, %get3A_2296] {strides = array<i32>} : memref<8x256xf32, #tpu.memory_space<vmem>>, vector<1x16xf32>,
    %get3A_2298 = vector.shape_cast %get3A_2297 : vector<1x16xf32> to vector<16xf32>
    %max3A_2299 = arith.maximumf %get3A_2263, %get3A_2268 : vector<16xf32>
    %max3A_2300 = arith.maximumf %max3A_2299, %get3A_2273 : vector<16xf32>
    %max3A_2301 = arith.maximumf %max3A_2300, %get3A_2278 : vector<16xf32>
    %max3A_2302 = arith.maximumf %max3A_2301, %get3A_2283 : vector<16xf32>
    %max3A_2303 = arith.maximumf %max3A_2302, %get3A_2288 : vector<16xf32>
    %max3A_2304 = arith.maximumf %max3A_2303, %get3A_2293 : vector<16xf32>
    %max3A_2305 = arith.maximumf %max3A_2304, %get3A_2298 : vector<16xf32>
    %broadcast_in_dim3A_2306 = arith.constant -1.000000e+30 : f32
    %broadcast_in_dim3A_2307 = vector.broadcast %broadcast_in_dim3A_2306 : f32 to vector<16xf32>
    %broadcast_in_dim3A_2308 = arith.constant 1.000000e+00 : f32
    %broadcast_in_dim3A_2309 = vector.broadcast %broadcast_in_dim3A_2308 : f32 to vector<16xf32>
    %broadcast_in_dim3A_2310 = arith.constant 0.000000e+00 : f32
    %broadcast_in_dim3A_2311 = vector.broadcast %broadcast_in_dim3A_2310 : f32 to vector<16xf32>
    %sub3A_2312 = arith.subf %get3A_2263, %max3A_2305 : vector<16xf32>
    %exp3A_2313 = math.exp %sub3A_2312 : vector<16xf32>
    %add3A_2314 = arith.addf %broadcast_in_dim3A_2311, %exp3A_2313 : vector<16xf32>
    %ge3A_2315 = arith.constant 0.000000e+00 : f32
    %ge3A_2316 = vector.broadcast %ge3A_2315 : f32 to vector<16xf32>
    %ge3A_2317 = arith.cmpf oge, %sub3A_2312, %ge3A_2316 : vector<16xf32>
    %jit3A_2318 = arith.constant 1.000000e+00 : f32
    %jit3A_2319 = arith.constant 0.000000e+00 : f32
    %broadcast_in_dim3A_2320 = vector.broadcast %jit3A_2318 : f32 to vector<16xf32>
    %broadcast_in_dim3A_2321 = vector.broadcast %jit3A_2319 : f32 to vector<16xf32>
    %select_n3A_2322 = arith.select %ge3A_2317, %broadcast_in_dim3A_2320, %broadcast_in_dim3A_2321 : vector<16xi1>, vector<16xf32>
    %mul3A_2323 = arith.mulf %select_n3A_2322, %broadcast_in_dim3A_2309 : vector<16xf32>
    %sub3A_2324 = arith.subf %broadcast_in_dim3A_2309, %mul3A_2323 : vector<16xf32>
    %mul3A_2325 = arith.constant 1.000000e+30 : f32
    %mul3A_2326 = vector.broadcast %mul3A_2325 : f32 to vector<16xf32>
    %mul3A_2327 = arith.mulf %mul3A_2323, %mul3A_2326 : vector<16xf32>
    %sub3A_2328 = arith.subf %sub3A_2312, %mul3A_2327 : vector<16xf32>
    %max3A_2329 = arith.maximumf %broadcast_in_dim3A_2307, %sub3A_2328 : vector<16xf32>
    %sub3A_2330 = arith.subf %get3A_2268, %max3A_2305 : vector<16xf32>
    %exp3A_2331 = math.exp %sub3A_2330 : vector<16xf32>
    %add3A_2332 = arith.addf %add3A_2314, %exp3A_2331 : vector<16xf32>
    %ge3A_2333 = arith.constant 0.000000e+00 : f32
    %ge3A_2334 = vector.broadcast %ge3A_2333 : f32 to vector<16xf32>
    %ge3A_2335 = arith.cmpf oge, %sub3A_2330, %ge3A_2334 : vector<16xf32>
    %jit3A_2336 = arith.constant 1.000000e+00 : f32
    %jit3A_2337 = arith.constant 0.000000e+00 : f32
    %broadcast_in_dim3A_2338 = vector.broadcast %jit3A_2336 : f32 to vector<16xf32>
    %broadcast_in_dim3A_2339 = vector.broadcast %jit3A_2337 : f32 to vector<16xf32>
    %select_n3A_2340 = arith.select %ge3A_2335, %broadcast_in_dim3A_2338, %broadcast_in_dim3A_2339 : vector<16xi1>, vector<16xf32>
    %mul3A_2341 = arith.mulf %select_n3A_2340, %sub3A_2324 : vector<16xf32>
    %sub3A_2342 = arith.subf %sub3A_2324, %mul3A_2341 : vector<16xf32>
    %mul3A_2343 = arith.constant 1.000000e+30 : f32
    %mul3A_2344 = vector.broadcast %mul3A_2343 : f32 to vector<16xf32>
    %mul3A_2345 = arith.mulf %mul3A_2341, %mul3A_2344 : vector<16xf32>
    %sub3A_2346 = arith.subf %sub3A_2330, %mul3A_2345 : vector<16xf32>
    %max3A_2347 = arith.maximumf %max3A_2329, %sub3A_2346 : vector<16xf32>
    %sub3A_2348 = arith.subf %get3A_2273, %max3A_2305 : vector<16xf32>
    %exp3A_2349 = math.exp %sub3A_2348 : vector<16xf32>
    %add3A_2350 = arith.addf %add3A_2332, %exp3A_2349 : vector<16xf32>
    %ge3A_2351 = arith.constant 0.000000e+00 : f32
    %ge3A_2352 = vector.broadcast %ge3A_2351 : f32 to vector<16xf32>
    %ge3A_2353 = arith.cmpf oge, %sub3A_2348, %ge3A_2352 : vector<16xf32>
    %jit3A_2354 = arith.constant 1.000000e+00 : f32
    %jit3A_2355 = arith.constant 0.000000e+00 : f32
    %broadcast_in_dim3A_2356 = vector.broadcast %jit3A_2354 : f32 to vector<16xf32>
    %broadcast_in_dim3A_2357 = vector.broadcast %jit3A_2355 : f32 to vector<16xf32>
    %select_n3A_2358 = arith.select %ge3A_2353, %broadcast_in_dim3A_2356, %broadcast_in_dim3A_2357 : vector<16xi1>, vector<16xf32>
    %mul3A_2359 = arith.mulf %select_n3A_2358, %sub3A_2342 : vector<16xf32>
    %sub3A_2360 = arith.subf %sub3A_2342, %mul3A_2359 : vector<16xf32>
    %mul3A_2361 = arith.constant 1.000000e+30 : f32
    %mul3A_2362 = vector.broadcast %mul3A_2361 : f32 to vector<16xf32>
    %mul3A_2363 = arith.mulf %mul3A_2359, %mul3A_2362 : vector<16xf32>
    %sub3A_2364 = arith.subf %sub3A_2348, %mul3A_2363 : vector<16xf32>
    %max3A_2365 = arith.maximumf %max3A_2347, %sub3A_2364 : vector<16xf32>
    %sub3A_2366 = arith.subf %get3A_2278, %max3A_2305 : vector<16xf32>
    %exp3A_2367 = math.exp %sub3A_2366 : vector<16xf32>
    %add3A_2368 = arith.addf %add3A_2350, %exp3A_2367 : vector<16xf32>
    %ge3A_2369 = arith.constant 0.000000e+00 : f32
    %ge3A_2370 = vector.broadcast %ge3A_2369 : f32 to vector<16xf32>
    %ge3A_2371 = arith.cmpf oge, %sub3A_2366, %ge3A_2370 : vector<16xf32>
    %jit3A_2372 = arith.constant 1.000000e+00 : f32
    %jit3A_2373 = arith.constant 0.000000e+00 : f32
    %broadcast_in_dim3A_2374 = vector.broadcast %jit3A_2372 : f32 to vector<16xf32>
    %broadcast_in_dim3A_2375 = vector.broadcast %jit3A_2373 : f32 to vector<16xf32>
    %select_n3A_2376 = arith.select %ge3A_2371, %broadcast_in_dim3A_2374, %broadcast_in_dim3A_2375 : vector<16xi1>, vector<16xf32>
    %mul3A_2377 = arith.mulf %select_n3A_2376, %sub3A_2360 : vector<16xf32>
    %sub3A_2378 = arith.subf %sub3A_2360, %mul3A_2377 : vector<16xf32>
    %mul3A_2379 = arith.constant 1.000000e+30 : f32
    %mul3A_2380 = vector.broadcast %mul3A_2379 : f32 to vector<16xf32>
    %mul3A_2381 = arith.mulf %mul3A_2377, %mul3A_2380 : vector<16xf32>
    %sub3A_2382 = arith.subf %sub3A_2366, %mul3A_2381 : vector<16xf32>
    %max3A_2383 = arith.maximumf %max3A_2365, %sub3A_2382 : vector<16xf32>
    %sub3A_2384 = arith.subf %get3A_2283, %max3A_2305 : vector<16xf32>
    %exp3A_2385 = math.exp %sub3A_2384 : vector<16xf32>
    %add3A_2386 = arith.addf %add3A_2368, %exp3A_2385 : vector<16xf32>
    %ge3A_2387 = arith.constant 0.000000e+00 : f32
    %ge3A_2388 = vector.broadcast %ge3A_2387 : f32 to vector<16xf32>
    %ge3A_2389 = arith.cmpf oge, %sub3A_2384, %ge3A_2388 : vector<16xf32>
    %jit3A_2390 = arith.constant 1.000000e+00 : f32
    %jit3A_2391 = arith.constant 0.000000e+00 : f32
    %broadcast_in_dim3A_2392 = vector.broadcast %jit3A_2390 : f32 to vector<16xf32>
    %broadcast_in_dim3A_2393 = vector.broadcast %jit3A_2391 : f32 to vector<16xf32>
    %select_n3A_2394 = arith.select %ge3A_2389, %broadcast_in_dim3A_2392, %broadcast_in_dim3A_2393 : vector<16xi1>, vector<16xf32>
    %mul3A_2395 = arith.mulf %select_n3A_2394, %sub3A_2378 : vector<16xf32>
    %sub3A_2396 = arith.subf %sub3A_2378, %mul3A_2395 : vector<16xf32>
    %mul3A_2397 = arith.constant 1.000000e+30 : f32
    %mul3A_2398 = vector.broadcast %mul3A_2397 : f32 to vector<16xf32>
    %mul3A_2399 = arith.mulf %mul3A_2395, %mul3A_2398 : vector<16xf32>
    %sub3A_2400 = arith.subf %sub3A_2384, %mul3A_2399 : vector<16xf32>
    %max3A_2401 = arith.maximumf %max3A_2383, %sub3A_2400 : vector<16xf32>
    %sub3A_2402 = arith.subf %get3A_2288, %max3A_2305 : vector<16xf32>
    %exp3A_2403 = math.exp %sub3A_2402 : vector<16xf32>
    %add3A_2404 = arith.addf %add3A_2386, %exp3A_2403 : vector<16xf32>
    %ge3A_2405 = arith.constant 0.000000e+00 : f32
    %ge3A_2406 = vector.broadcast %ge3A_2405 : f32 to vector<16xf32>
    %ge3A_2407 = arith.cmpf oge, %sub3A_2402, %ge3A_2406 : vector<16xf32>
    %jit3A_2408 = arith.constant 1.000000e+00 : f32
    %jit3A_2409 = arith.constant 0.000000e+00 : f32
    %broadcast_in_dim3A_2410 = vector.broadcast %jit3A_2408 : f32 to vector<16xf32>
    %broadcast_in_dim3A_2411 = vector.broadcast %jit3A_2409 : f32 to vector<16xf32>
    %select_n3A_2412 = arith.select %ge3A_2407, %broadcast_in_dim3A_2410, %broadcast_in_dim3A_2411 : vector<16xi1>, vector<16xf32>
    %mul3A_2413 = arith.mulf %select_n3A_2412, %sub3A_2396 : vector<16xf32>
    %sub3A_2414 = arith.subf %sub3A_2396, %mul3A_2413 : vector<16xf32>
    %mul3A_2415 = arith.constant 1.000000e+30 : f32
    %mul3A_2416 = vector.broadcast %mul3A_2415 : f32 to vector<16xf32>
    %mul3A_2417 = arith.mulf %mul3A_2413, %mul3A_2416 : vector<16xf32>
    %sub3A_2418 = arith.subf %sub3A_2402, %mul3A_2417 : vector<16xf32>
    %max3A_2419 = arith.maximumf %max3A_2401, %sub3A_2418 : vector<16xf32>
    %sub3A_2420 = arith.subf %get3A_2293, %max3A_2305 : vector<16xf32>
    %exp3A_2421 = math.exp %sub3A_2420 : vector<16xf32>
    %add3A_2422 = arith.addf %add3A_2404, %exp3A_2421 : vector<16xf32>
    %ge3A_2423 = arith.constant 0.000000e+00 : f32
    %ge3A_2424 = vector.broadcast %ge3A_2423 : f32 to vector<16xf32>
    %ge3A_2425 = arith.cmpf oge, %sub3A_2420, %ge3A_2424 : vector<16xf32>
    %jit3A_2426 = arith.constant 1.000000e+00 : f32
    %jit3A_2427 = arith.constant 0.000000e+00 : f32
    %broadcast_in_dim3A_2428 = vector.broadcast %jit3A_2426 : f32 to vector<16xf32>
    %broadcast_in_dim3A_2429 = vector.broadcast %jit3A_2427 : f32 to vector<16xf32>
    %select_n3A_2430 = arith.select %ge3A_2425, %broadcast_in_dim3A_2428, %broadcast_in_dim3A_2429 : vector<16xi1>, vector<16xf32>
    %mul3A_2431 = arith.mulf %select_n3A_2430, %sub3A_2414 : vector<16xf32>
    %sub3A_2432 = arith.subf %sub3A_2414, %mul3A_2431 : vector<16xf32>
    %mul3A_2433 = arith.constant 1.000000e+30 : f32
    %mul3A_2434 = vector.broadcast %mul3A_2433 : f32 to vector<16xf32>
    %mul3A_2435 = arith.mulf %mul3A_2431, %mul3A_2434 : vector<16xf32>
    %sub3A_2436 = arith.subf %sub3A_2420, %mul3A_2435 : vector<16xf32>
    %max3A_2437 = arith.maximumf %max3A_2419, %sub3A_2436 : vector<16xf32>
    %sub3A_2438 = arith.subf %get3A_2298, %max3A_2305 : vector<16xf32>
    %exp3A_2439 = math.exp %sub3A_2438 : vector<16xf32>
    %add3A_2440 = arith.addf %add3A_2422, %exp3A_2439 : vector<16xf32>
    %ge3A_2441 = arith.constant 0.000000e+00 : f32
    %ge3A_2442 = vector.broadcast %ge3A_2441 : f32 to vector<16xf32>
    %ge3A_2443 = arith.cmpf oge, %sub3A_2438, %ge3A_2442 : vector<16xf32>
    %jit3A_2444 = arith.constant 1.000000e+00 : f32
    %jit3A_2445 = arith.constant 0.000000e+00 : f32
    %broadcast_in_dim3A_2446 = vector.broadcast %jit3A_2444 : f32 to vector<16xf32>
    %broadcast_in_dim3A_2447 = vector.broadcast %jit3A_2445 : f32 to vector<16xf32>
    %select_n3A_2448 = arith.select %ge3A_2443, %broadcast_in_dim3A_2446, %broadcast_in_dim3A_2447 : vector<16xi1>, vector<16xf32>
    %mul3A_2449 = arith.mulf %select_n3A_2448, %sub3A_2432 : vector<16xf32>
    %sub3A_2450 = arith.subf %sub3A_2432, %mul3A_2449 : vector<16xf32>
    %mul3A_2451 = arith.constant 1.000000e+30 : f32
    %mul3A_2452 = vector.broadcast %mul3A_2451 : f32 to vector<16xf32>
    %mul3A_2453 = arith.mulf %mul3A_2449, %mul3A_2452 : vector<16xf32>
    %sub3A_2454 = arith.subf %sub3A_2438, %mul3A_2453 : vector<16xf32>
    %max3A_2455 = arith.maximumf %max3A_2437, %sub3A_2454 : vector<16xf32>
    %exp3A_2456 = math.exp %max3A_2455 : vector<16xf32>
    %add3A_2457 = arith.constant 1.000000e+00 : f32
    %add3A_2458 = vector.broadcast %add3A_2457 : f32 to vector<16xf32>
    %add3A_2459 = arith.addf %add3A_2458, %exp3A_2456 : vector<16xf32>
    %div3A_2460 = arith.divf %add3A_2459, %add3A_2440 : vector<16xf32>
    %swap3A_2461 = arith.constant 176 : index
    %swap3A_2462 = tpu.vector_load %arg5[%swap3A_2461] {strides = array<i32>} : memref<256xf32, #tpu.memory_space<vmem>>, vector<16xf32>,
    %swap3A_2463 = vector.shape_cast %swap3A_2462 : vector<16xf32> to vector<16xf32>
    %swap3A_2464 = vector.shape_cast %div3A_2460 : vector<16xf32> to vector<16xf32>
    tpu.vector_store %arg5[%swap3A_2461], %swap3A_2464 {strides = array<i32>} : memref<256xf32, #tpu.memory_space<vmem>>, vector<16xf32>,
    %get3A_2465 = arith.constant 0 : i32
    %get3A_2466 = arith.index_cast %get3A_2465 : i32 to index
    %get3A_2467 = arith.constant 192 : index
    %get3A_2468 = tpu.vector_load %arg4[%get3A_2466, %get3A_2467] {strides = array<i32>} : memref<8x256xf32, #tpu.memory_space<vmem>>, vector<1x16xf32>,
    %get3A_2469 = vector.shape_cast %get3A_2468 : vector<1x16xf32> to vector<16xf32>
    %get3A_2470 = arith.constant 1 : i32
    %get3A_2471 = arith.index_cast %get3A_2470 : i32 to index
    %get3A_2472 = arith.constant 192 : index
    %get3A_2473 = tpu.vector_load %arg4[%get3A_2471, %get3A_2472] {strides = array<i32>} : memref<8x256xf32, #tpu.memory_space<vmem>>, vector<1x16xf32>,
    %get3A_2474 = vector.shape_cast %get3A_2473 : vector<1x16xf32> to vector<16xf32>
    %get3A_2475 = arith.constant 2 : i32
    %get3A_2476 = arith.index_cast %get3A_2475 : i32 to index
    %get3A_2477 = arith.constant 192 : index
    %get3A_2478 = tpu.vector_load %arg4[%get3A_2476, %get3A_2477] {strides = array<i32>} : memref<8x256xf32, #tpu.memory_space<vmem>>, vector<1x16xf32>,
    %get3A_2479 = vector.shape_cast %get3A_2478 : vector<1x16xf32> to vector<16xf32>
    %get3A_2480 = arith.constant 3 : i32
    %get3A_2481 = arith.index_cast %get3A_2480 : i32 to index
    %get3A_2482 = arith.constant 192 : index
    %get3A_2483 = tpu.vector_load %arg4[%get3A_2481, %get3A_2482] {strides = array<i32>} : memref<8x256xf32, #tpu.memory_space<vmem>>, vector<1x16xf32>,
    %get3A_2484 = vector.shape_cast %get3A_2483 : vector<1x16xf32> to vector<16xf32>
    %get3A_2485 = arith.constant 4 : i32
    %get3A_2486 = arith.index_cast %get3A_2485 : i32 to index
    %get3A_2487 = arith.constant 192 : index
    %get3A_2488 = tpu.vector_load %arg4[%get3A_2486, %get3A_2487] {strides = array<i32>} : memref<8x256xf32, #tpu.memory_space<vmem>>, vector<1x16xf32>,
    %get3A_2489 = vector.shape_cast %get3A_2488 : vector<1x16xf32> to vector<16xf32>
    %get3A_2490 = arith.constant 5 : i32
    %get3A_2491 = arith.index_cast %get3A_2490 : i32 to index
    %get3A_2492 = arith.constant 192 : index
    %get3A_2493 = tpu.vector_load %arg4[%get3A_2491, %get3A_2492] {strides = array<i32>} : memref<8x256xf32, #tpu.memory_space<vmem>>, vector<1x16xf32>,
    %get3A_2494 = vector.shape_cast %get3A_2493 : vector<1x16xf32> to vector<16xf32>
    %get3A_2495 = arith.constant 6 : i32
    %get3A_2496 = arith.index_cast %get3A_2495 : i32 to index
    %get3A_2497 = arith.constant 192 : index
    %get3A_2498 = tpu.vector_load %arg4[%get3A_2496, %get3A_2497] {strides = array<i32>} : memref<8x256xf32, #tpu.memory_space<vmem>>, vector<1x16xf32>,
    %get3A_2499 = vector.shape_cast %get3A_2498 : vector<1x16xf32> to vector<16xf32>
    %get3A_2500 = arith.constant 7 : i32
    %get3A_2501 = arith.index_cast %get3A_2500 : i32 to index
    %get3A_2502 = arith.constant 192 : index
    %get3A_2503 = tpu.vector_load %arg4[%get3A_2501, %get3A_2502] {strides = array<i32>} : memref<8x256xf32, #tpu.memory_space<vmem>>, vector<1x16xf32>,
    %get3A_2504 = vector.shape_cast %get3A_2503 : vector<1x16xf32> to vector<16xf32>
    %max3A_2505 = arith.maximumf %get3A_2469, %get3A_2474 : vector<16xf32>
    %max3A_2506 = arith.maximumf %max3A_2505, %get3A_2479 : vector<16xf32>
    %max3A_2507 = arith.maximumf %max3A_2506, %get3A_2484 : vector<16xf32>
    %max3A_2508 = arith.maximumf %max3A_2507, %get3A_2489 : vector<16xf32>
    %max3A_2509 = arith.maximumf %max3A_2508, %get3A_2494 : vector<16xf32>
    %max3A_2510 = arith.maximumf %max3A_2509, %get3A_2499 : vector<16xf32>
    %max3A_2511 = arith.maximumf %max3A_2510, %get3A_2504 : vector<16xf32>
    %broadcast_in_dim3A_2512 = arith.constant -1.000000e+30 : f32
    %broadcast_in_dim3A_2513 = vector.broadcast %broadcast_in_dim3A_2512 : f32 to vector<16xf32>
    %broadcast_in_dim3A_2514 = arith.constant 1.000000e+00 : f32
    %broadcast_in_dim3A_2515 = vector.broadcast %broadcast_in_dim3A_2514 : f32 to vector<16xf32>
    %broadcast_in_dim3A_2516 = arith.constant 0.000000e+00 : f32
    %broadcast_in_dim3A_2517 = vector.broadcast %broadcast_in_dim3A_2516 : f32 to vector<16xf32>
    %sub3A_2518 = arith.subf %get3A_2469, %max3A_2511 : vector<16xf32>
    %exp3A_2519 = math.exp %sub3A_2518 : vector<16xf32>
    %add3A_2520 = arith.addf %broadcast_in_dim3A_2517, %exp3A_2519 : vector<16xf32>
    %ge3A_2521 = arith.constant 0.000000e+00 : f32
    %ge3A_2522 = vector.broadcast %ge3A_2521 : f32 to vector<16xf32>
    %ge3A_2523 = arith.cmpf oge, %sub3A_2518, %ge3A_2522 : vector<16xf32>
    %jit3A_2524 = arith.constant 1.000000e+00 : f32
    %jit3A_2525 = arith.constant 0.000000e+00 : f32
    %broadcast_in_dim3A_2526 = vector.broadcast %jit3A_2524 : f32 to vector<16xf32>
    %broadcast_in_dim3A_2527 = vector.broadcast %jit3A_2525 : f32 to vector<16xf32>
    %select_n3A_2528 = arith.select %ge3A_2523, %broadcast_in_dim3A_2526, %broadcast_in_dim3A_2527 : vector<16xi1>, vector<16xf32>
    %mul3A_2529 = arith.mulf %select_n3A_2528, %broadcast_in_dim3A_2515 : vector<16xf32>
    %sub3A_2530 = arith.subf %broadcast_in_dim3A_2515, %mul3A_2529 : vector<16xf32>
    %mul3A_2531 = arith.constant 1.000000e+30 : f32
    %mul3A_2532 = vector.broadcast %mul3A_2531 : f32 to vector<16xf32>
    %mul3A_2533 = arith.mulf %mul3A_2529, %mul3A_2532 : vector<16xf32>
    %sub3A_2534 = arith.subf %sub3A_2518, %mul3A_2533 : vector<16xf32>
    %max3A_2535 = arith.maximumf %broadcast_in_dim3A_2513, %sub3A_2534 : vector<16xf32>
    %sub3A_2536 = arith.subf %get3A_2474, %max3A_2511 : vector<16xf32>
    %exp3A_2537 = math.exp %sub3A_2536 : vector<16xf32>
    %add3A_2538 = arith.addf %add3A_2520, %exp3A_2537 : vector<16xf32>
    %ge3A_2539 = arith.constant 0.000000e+00 : f32
    %ge3A_2540 = vector.broadcast %ge3A_2539 : f32 to vector<16xf32>
    %ge3A_2541 = arith.cmpf oge, %sub3A_2536, %ge3A_2540 : vector<16xf32>
    %jit3A_2542 = arith.constant 1.000000e+00 : f32
    %jit3A_2543 = arith.constant 0.000000e+00 : f32
    %broadcast_in_dim3A_2544 = vector.broadcast %jit3A_2542 : f32 to vector<16xf32>
    %broadcast_in_dim3A_2545 = vector.broadcast %jit3A_2543 : f32 to vector<16xf32>
    %select_n3A_2546 = arith.select %ge3A_2541, %broadcast_in_dim3A_2544, %broadcast_in_dim3A_2545 : vector<16xi1>, vector<16xf32>
    %mul3A_2547 = arith.mulf %select_n3A_2546, %sub3A_2530 : vector<16xf32>
    %sub3A_2548 = arith.subf %sub3A_2530, %mul3A_2547 : vector<16xf32>
    %mul3A_2549 = arith.constant 1.000000e+30 : f32
    %mul3A_2550 = vector.broadcast %mul3A_2549 : f32 to vector<16xf32>
    %mul3A_2551 = arith.mulf %mul3A_2547, %mul3A_2550 : vector<16xf32>
    %sub3A_2552 = arith.subf %sub3A_2536, %mul3A_2551 : vector<16xf32>
    %max3A_2553 = arith.maximumf %max3A_2535, %sub3A_2552 : vector<16xf32>
    %sub3A_2554 = arith.subf %get3A_2479, %max3A_2511 : vector<16xf32>
    %exp3A_2555 = math.exp %sub3A_2554 : vector<16xf32>
    %add3A_2556 = arith.addf %add3A_2538, %exp3A_2555 : vector<16xf32>
    %ge3A_2557 = arith.constant 0.000000e+00 : f32
    %ge3A_2558 = vector.broadcast %ge3A_2557 : f32 to vector<16xf32>
    %ge3A_2559 = arith.cmpf oge, %sub3A_2554, %ge3A_2558 : vector<16xf32>
    %jit3A_2560 = arith.constant 1.000000e+00 : f32
    %jit3A_2561 = arith.constant 0.000000e+00 : f32
    %broadcast_in_dim3A_2562 = vector.broadcast %jit3A_2560 : f32 to vector<16xf32>
    %broadcast_in_dim3A_2563 = vector.broadcast %jit3A_2561 : f32 to vector<16xf32>
    %select_n3A_2564 = arith.select %ge3A_2559, %broadcast_in_dim3A_2562, %broadcast_in_dim3A_2563 : vector<16xi1>, vector<16xf32>
    %mul3A_2565 = arith.mulf %select_n3A_2564, %sub3A_2548 : vector<16xf32>
    %sub3A_2566 = arith.subf %sub3A_2548, %mul3A_2565 : vector<16xf32>
    %mul3A_2567 = arith.constant 1.000000e+30 : f32
    %mul3A_2568 = vector.broadcast %mul3A_2567 : f32 to vector<16xf32>
    %mul3A_2569 = arith.mulf %mul3A_2565, %mul3A_2568 : vector<16xf32>
    %sub3A_2570 = arith.subf %sub3A_2554, %mul3A_2569 : vector<16xf32>
    %max3A_2571 = arith.maximumf %max3A_2553, %sub3A_2570 : vector<16xf32>
    %sub3A_2572 = arith.subf %get3A_2484, %max3A_2511 : vector<16xf32>
    %exp3A_2573 = math.exp %sub3A_2572 : vector<16xf32>
    %add3A_2574 = arith.addf %add3A_2556, %exp3A_2573 : vector<16xf32>
    %ge3A_2575 = arith.constant 0.000000e+00 : f32
    %ge3A_2576 = vector.broadcast %ge3A_2575 : f32 to vector<16xf32>
    %ge3A_2577 = arith.cmpf oge, %sub3A_2572, %ge3A_2576 : vector<16xf32>
    %jit3A_2578 = arith.constant 1.000000e+00 : f32
    %jit3A_2579 = arith.constant 0.000000e+00 : f32
    %broadcast_in_dim3A_2580 = vector.broadcast %jit3A_2578 : f32 to vector<16xf32>
    %broadcast_in_dim3A_2581 = vector.broadcast %jit3A_2579 : f32 to vector<16xf32>
    %select_n3A_2582 = arith.select %ge3A_2577, %broadcast_in_dim3A_2580, %broadcast_in_dim3A_2581 : vector<16xi1>, vector<16xf32>
    %mul3A_2583 = arith.mulf %select_n3A_2582, %sub3A_2566 : vector<16xf32>
    %sub3A_2584 = arith.subf %sub3A_2566, %mul3A_2583 : vector<16xf32>
    %mul3A_2585 = arith.constant 1.000000e+30 : f32
    %mul3A_2586 = vector.broadcast %mul3A_2585 : f32 to vector<16xf32>
    %mul3A_2587 = arith.mulf %mul3A_2583, %mul3A_2586 : vector<16xf32>
    %sub3A_2588 = arith.subf %sub3A_2572, %mul3A_2587 : vector<16xf32>
    %max3A_2589 = arith.maximumf %max3A_2571, %sub3A_2588 : vector<16xf32>
    %sub3A_2590 = arith.subf %get3A_2489, %max3A_2511 : vector<16xf32>
    %exp3A_2591 = math.exp %sub3A_2590 : vector<16xf32>
    %add3A_2592 = arith.addf %add3A_2574, %exp3A_2591 : vector<16xf32>
    %ge3A_2593 = arith.constant 0.000000e+00 : f32
    %ge3A_2594 = vector.broadcast %ge3A_2593 : f32 to vector<16xf32>
    %ge3A_2595 = arith.cmpf oge, %sub3A_2590, %ge3A_2594 : vector<16xf32>
    %jit3A_2596 = arith.constant 1.000000e+00 : f32
    %jit3A_2597 = arith.constant 0.000000e+00 : f32
    %broadcast_in_dim3A_2598 = vector.broadcast %jit3A_2596 : f32 to vector<16xf32>
    %broadcast_in_dim3A_2599 = vector.broadcast %jit3A_2597 : f32 to vector<16xf32>
    %select_n3A_2600 = arith.select %ge3A_2595, %broadcast_in_dim3A_2598, %broadcast_in_dim3A_2599 : vector<16xi1>, vector<16xf32>
    %mul3A_2601 = arith.mulf %select_n3A_2600, %sub3A_2584 : vector<16xf32>
    %sub3A_2602 = arith.subf %sub3A_2584, %mul3A_2601 : vector<16xf32>
    %mul3A_2603 = arith.constant 1.000000e+30 : f32
    %mul3A_2604 = vector.broadcast %mul3A_2603 : f32 to vector<16xf32>
    %mul3A_2605 = arith.mulf %mul3A_2601, %mul3A_2604 : vector<16xf32>
    %sub3A_2606 = arith.subf %sub3A_2590, %mul3A_2605 : vector<16xf32>
    %max3A_2607 = arith.maximumf %max3A_2589, %sub3A_2606 : vector<16xf32>
    %sub3A_2608 = arith.subf %get3A_2494, %max3A_2511 : vector<16xf32>
    %exp3A_2609 = math.exp %sub3A_2608 : vector<16xf32>
    %add3A_2610 = arith.addf %add3A_2592, %exp3A_2609 : vector<16xf32>
    %ge3A_2611 = arith.constant 0.000000e+00 : f32
    %ge3A_2612 = vector.broadcast %ge3A_2611 : f32 to vector<16xf32>
    %ge3A_2613 = arith.cmpf oge, %sub3A_2608, %ge3A_2612 : vector<16xf32>
    %jit3A_2614 = arith.constant 1.000000e+00 : f32
    %jit3A_2615 = arith.constant 0.000000e+00 : f32
    %broadcast_in_dim3A_2616 = vector.broadcast %jit3A_2614 : f32 to vector<16xf32>
    %broadcast_in_dim3A_2617 = vector.broadcast %jit3A_2615 : f32 to vector<16xf32>
    %select_n3A_2618 = arith.select %ge3A_2613, %broadcast_in_dim3A_2616, %broadcast_in_dim3A_2617 : vector<16xi1>, vector<16xf32>
    %mul3A_2619 = arith.mulf %select_n3A_2618, %sub3A_2602 : vector<16xf32>
    %sub3A_2620 = arith.subf %sub3A_2602, %mul3A_2619 : vector<16xf32>
    %mul3A_2621 = arith.constant 1.000000e+30 : f32
    %mul3A_2622 = vector.broadcast %mul3A_2621 : f32 to vector<16xf32>
    %mul3A_2623 = arith.mulf %mul3A_2619, %mul3A_2622 : vector<16xf32>
    %sub3A_2624 = arith.subf %sub3A_2608, %mul3A_2623 : vector<16xf32>
    %max3A_2625 = arith.maximumf %max3A_2607, %sub3A_2624 : vector<16xf32>
    %sub3A_2626 = arith.subf %get3A_2499, %max3A_2511 : vector<16xf32>
    %exp3A_2627 = math.exp %sub3A_2626 : vector<16xf32>
    %add3A_2628 = arith.addf %add3A_2610, %exp3A_2627 : vector<16xf32>
    %ge3A_2629 = arith.constant 0.000000e+00 : f32
    %ge3A_2630 = vector.broadcast %ge3A_2629 : f32 to vector<16xf32>
    %ge3A_2631 = arith.cmpf oge, %sub3A_2626, %ge3A_2630 : vector<16xf32>
    %jit3A_2632 = arith.constant 1.000000e+00 : f32
    %jit3A_2633 = arith.constant 0.000000e+00 : f32
    %broadcast_in_dim3A_2634 = vector.broadcast %jit3A_2632 : f32 to vector<16xf32>
    %broadcast_in_dim3A_2635 = vector.broadcast %jit3A_2633 : f32 to vector<16xf32>
    %select_n3A_2636 = arith.select %ge3A_2631, %broadcast_in_dim3A_2634, %broadcast_in_dim3A_2635 : vector<16xi1>, vector<16xf32>
    %mul3A_2637 = arith.mulf %select_n3A_2636, %sub3A_2620 : vector<16xf32>
    %sub3A_2638 = arith.subf %sub3A_2620, %mul3A_2637 : vector<16xf32>
    %mul3A_2639 = arith.constant 1.000000e+30 : f32
    %mul3A_2640 = vector.broadcast %mul3A_2639 : f32 to vector<16xf32>
    %mul3A_2641 = arith.mulf %mul3A_2637, %mul3A_2640 : vector<16xf32>
    %sub3A_2642 = arith.subf %sub3A_2626, %mul3A_2641 : vector<16xf32>
    %max3A_2643 = arith.maximumf %max3A_2625, %sub3A_2642 : vector<16xf32>
    %sub3A_2644 = arith.subf %get3A_2504, %max3A_2511 : vector<16xf32>
    %exp3A_2645 = math.exp %sub3A_2644 : vector<16xf32>
    %add3A_2646 = arith.addf %add3A_2628, %exp3A_2645 : vector<16xf32>
    %ge3A_2647 = arith.constant 0.000000e+00 : f32
    %ge3A_2648 = vector.broadcast %ge3A_2647 : f32 to vector<16xf32>
    %ge3A_2649 = arith.cmpf oge, %sub3A_2644, %ge3A_2648 : vector<16xf32>
    %jit3A_2650 = arith.constant 1.000000e+00 : f32
    %jit3A_2651 = arith.constant 0.000000e+00 : f32
    %broadcast_in_dim3A_2652 = vector.broadcast %jit3A_2650 : f32 to vector<16xf32>
    %broadcast_in_dim3A_2653 = vector.broadcast %jit3A_2651 : f32 to vector<16xf32>
    %select_n3A_2654 = arith.select %ge3A_2649, %broadcast_in_dim3A_2652, %broadcast_in_dim3A_2653 : vector<16xi1>, vector<16xf32>
    %mul3A_2655 = arith.mulf %select_n3A_2654, %sub3A_2638 : vector<16xf32>
    %sub3A_2656 = arith.subf %sub3A_2638, %mul3A_2655 : vector<16xf32>
    %mul3A_2657 = arith.constant 1.000000e+30 : f32
    %mul3A_2658 = vector.broadcast %mul3A_2657 : f32 to vector<16xf32>
    %mul3A_2659 = arith.mulf %mul3A_2655, %mul3A_2658 : vector<16xf32>
    %sub3A_2660 = arith.subf %sub3A_2644, %mul3A_2659 : vector<16xf32>
    %max3A_2661 = arith.maximumf %max3A_2643, %sub3A_2660 : vector<16xf32>
    %exp3A_2662 = math.exp %max3A_2661 : vector<16xf32>
    %add3A_2663 = arith.constant 1.000000e+00 : f32
    %add3A_2664 = vector.broadcast %add3A_2663 : f32 to vector<16xf32>
    %add3A_2665 = arith.addf %add3A_2664, %exp3A_2662 : vector<16xf32>
    %div3A_2666 = arith.divf %add3A_2665, %add3A_2646 : vector<16xf32>
    %swap3A_2667 = arith.constant 192 : index
    %swap3A_2668 = tpu.vector_load %arg5[%swap3A_2667] {strides = array<i32>} : memref<256xf32, #tpu.memory_space<vmem>>, vector<16xf32>,
    %swap3A_2669 = vector.shape_cast %swap3A_2668 : vector<16xf32> to vector<16xf32>
    %swap3A_2670 = vector.shape_cast %div3A_2666 : vector<16xf32> to vector<16xf32>
    tpu.vector_store %arg5[%swap3A_2667], %swap3A_2670 {strides = array<i32>} : memref<256xf32, #tpu.memory_space<vmem>>, vector<16xf32>,
    %get3A_2671 = arith.constant 0 : i32
    %get3A_2672 = arith.index_cast %get3A_2671 : i32 to index
    %get3A_2673 = arith.constant 208 : index
    %get3A_2674 = tpu.vector_load %arg4[%get3A_2672, %get3A_2673] {strides = array<i32>} : memref<8x256xf32, #tpu.memory_space<vmem>>, vector<1x16xf32>,
    %get3A_2675 = vector.shape_cast %get3A_2674 : vector<1x16xf32> to vector<16xf32>
    %get3A_2676 = arith.constant 1 : i32
    %get3A_2677 = arith.index_cast %get3A_2676 : i32 to index
    %get3A_2678 = arith.constant 208 : index
    %get3A_2679 = tpu.vector_load %arg4[%get3A_2677, %get3A_2678] {strides = array<i32>} : memref<8x256xf32, #tpu.memory_space<vmem>>, vector<1x16xf32>,
    %get3A_2680 = vector.shape_cast %get3A_2679 : vector<1x16xf32> to vector<16xf32>
    %get3A_2681 = arith.constant 2 : i32
    %get3A_2682 = arith.index_cast %get3A_2681 : i32 to index
    %get3A_2683 = arith.constant 208 : index
    %get3A_2684 = tpu.vector_load %arg4[%get3A_2682, %get3A_2683] {strides = array<i32>} : memref<8x256xf32, #tpu.memory_space<vmem>>, vector<1x16xf32>,
    %get3A_2685 = vector.shape_cast %get3A_2684 : vector<1x16xf32> to vector<16xf32>
    %get3A_2686 = arith.constant 3 : i32
    %get3A_2687 = arith.index_cast %get3A_2686 : i32 to index
    %get3A_2688 = arith.constant 208 : index
    %get3A_2689 = tpu.vector_load %arg4[%get3A_2687, %get3A_2688] {strides = array<i32>} : memref<8x256xf32, #tpu.memory_space<vmem>>, vector<1x16xf32>,
    %get3A_2690 = vector.shape_cast %get3A_2689 : vector<1x16xf32> to vector<16xf32>
    %get3A_2691 = arith.constant 4 : i32
    %get3A_2692 = arith.index_cast %get3A_2691 : i32 to index
    %get3A_2693 = arith.constant 208 : index
    %get3A_2694 = tpu.vector_load %arg4[%get3A_2692, %get3A_2693] {strides = array<i32>} : memref<8x256xf32, #tpu.memory_space<vmem>>, vector<1x16xf32>,
    %get3A_2695 = vector.shape_cast %get3A_2694 : vector<1x16xf32> to vector<16xf32>
    %get3A_2696 = arith.constant 5 : i32
    %get3A_2697 = arith.index_cast %get3A_2696 : i32 to index
    %get3A_2698 = arith.constant 208 : index
    %get3A_2699 = tpu.vector_load %arg4[%get3A_2697, %get3A_2698] {strides = array<i32>} : memref<8x256xf32, #tpu.memory_space<vmem>>, vector<1x16xf32>,
    %get3A_2700 = vector.shape_cast %get3A_2699 : vector<1x16xf32> to vector<16xf32>
    %get3A_2701 = arith.constant 6 : i32
    %get3A_2702 = arith.index_cast %get3A_2701 : i32 to index
    %get3A_2703 = arith.constant 208 : index
    %get3A_2704 = tpu.vector_load %arg4[%get3A_2702, %get3A_2703] {strides = array<i32>} : memref<8x256xf32, #tpu.memory_space<vmem>>, vector<1x16xf32>,
    %get3A_2705 = vector.shape_cast %get3A_2704 : vector<1x16xf32> to vector<16xf32>
    %get3A_2706 = arith.constant 7 : i32
    %get3A_2707 = arith.index_cast %get3A_2706 : i32 to index
    %get3A_2708 = arith.constant 208 : index
    %get3A_2709 = tpu.vector_load %arg4[%get3A_2707, %get3A_2708] {strides = array<i32>} : memref<8x256xf32, #tpu.memory_space<vmem>>, vector<1x16xf32>,
    %get3A_2710 = vector.shape_cast %get3A_2709 : vector<1x16xf32> to vector<16xf32>
    %max3A_2711 = arith.maximumf %get3A_2675, %get3A_2680 : vector<16xf32>
    %max3A_2712 = arith.maximumf %max3A_2711, %get3A_2685 : vector<16xf32>
    %max3A_2713 = arith.maximumf %max3A_2712, %get3A_2690 : vector<16xf32>
    %max3A_2714 = arith.maximumf %max3A_2713, %get3A_2695 : vector<16xf32>
    %max3A_2715 = arith.maximumf %max3A_2714, %get3A_2700 : vector<16xf32>
    %max3A_2716 = arith.maximumf %max3A_2715, %get3A_2705 : vector<16xf32>
    %max3A_2717 = arith.maximumf %max3A_2716, %get3A_2710 : vector<16xf32>
    %broadcast_in_dim3A_2718 = arith.constant -1.000000e+30 : f32
    %broadcast_in_dim3A_2719 = vector.broadcast %broadcast_in_dim3A_2718 : f32 to vector<16xf32>
    %broadcast_in_dim3A_2720 = arith.constant 1.000000e+00 : f32
    %broadcast_in_dim3A_2721 = vector.broadcast %broadcast_in_dim3A_2720 : f32 to vector<16xf32>
    %broadcast_in_dim3A_2722 = arith.constant 0.000000e+00 : f32
    %broadcast_in_dim3A_2723 = vector.broadcast %broadcast_in_dim3A_2722 : f32 to vector<16xf32>
    %sub3A_2724 = arith.subf %get3A_2675, %max3A_2717 : vector<16xf32>
    %exp3A_2725 = math.exp %sub3A_2724 : vector<16xf32>
    %add3A_2726 = arith.addf %broadcast_in_dim3A_2723, %exp3A_2725 : vector<16xf32>
    %ge3A_2727 = arith.constant 0.000000e+00 : f32
    %ge3A_2728 = vector.broadcast %ge3A_2727 : f32 to vector<16xf32>
    %ge3A_2729 = arith.cmpf oge, %sub3A_2724, %ge3A_2728 : vector<16xf32>
    %jit3A_2730 = arith.constant 1.000000e+00 : f32
    %jit3A_2731 = arith.constant 0.000000e+00 : f32
    %broadcast_in_dim3A_2732 = vector.broadcast %jit3A_2730 : f32 to vector<16xf32>
    %broadcast_in_dim3A_2733 = vector.broadcast %jit3A_2731 : f32 to vector<16xf32>
    %select_n3A_2734 = arith.select %ge3A_2729, %broadcast_in_dim3A_2732, %broadcast_in_dim3A_2733 : vector<16xi1>, vector<16xf32>
    %mul3A_2735 = arith.mulf %select_n3A_2734, %broadcast_in_dim3A_2721 : vector<16xf32>
    %sub3A_2736 = arith.subf %broadcast_in_dim3A_2721, %mul3A_2735 : vector<16xf32>
    %mul3A_2737 = arith.constant 1.000000e+30 : f32
    %mul3A_2738 = vector.broadcast %mul3A_2737 : f32 to vector<16xf32>
    %mul3A_2739 = arith.mulf %mul3A_2735, %mul3A_2738 : vector<16xf32>
    %sub3A_2740 = arith.subf %sub3A_2724, %mul3A_2739 : vector<16xf32>
    %max3A_2741 = arith.maximumf %broadcast_in_dim3A_2719, %sub3A_2740 : vector<16xf32>
    %sub3A_2742 = arith.subf %get3A_2680, %max3A_2717 : vector<16xf32>
    %exp3A_2743 = math.exp %sub3A_2742 : vector<16xf32>
    %add3A_2744 = arith.addf %add3A_2726, %exp3A_2743 : vector<16xf32>
    %ge3A_2745 = arith.constant 0.000000e+00 : f32
    %ge3A_2746 = vector.broadcast %ge3A_2745 : f32 to vector<16xf32>
    %ge3A_2747 = arith.cmpf oge, %sub3A_2742, %ge3A_2746 : vector<16xf32>
    %jit3A_2748 = arith.constant 1.000000e+00 : f32
    %jit3A_2749 = arith.constant 0.000000e+00 : f32
    %broadcast_in_dim3A_2750 = vector.broadcast %jit3A_2748 : f32 to vector<16xf32>
    %broadcast_in_dim3A_2751 = vector.broadcast %jit3A_2749 : f32 to vector<16xf32>
    %select_n3A_2752 = arith.select %ge3A_2747, %broadcast_in_dim3A_2750, %broadcast_in_dim3A_2751 : vector<16xi1>, vector<16xf32>
    %mul3A_2753 = arith.mulf %select_n3A_2752, %sub3A_2736 : vector<16xf32>
    %sub3A_2754 = arith.subf %sub3A_2736, %mul3A_2753 : vector<16xf32>
    %mul3A_2755 = arith.constant 1.000000e+30 : f32
    %mul3A_2756 = vector.broadcast %mul3A_2755 : f32 to vector<16xf32>
    %mul3A_2757 = arith.mulf %mul3A_2753, %mul3A_2756 : vector<16xf32>
    %sub3A_2758 = arith.subf %sub3A_2742, %mul3A_2757 : vector<16xf32>
    %max3A_2759 = arith.maximumf %max3A_2741, %sub3A_2758 : vector<16xf32>
    %sub3A_2760 = arith.subf %get3A_2685, %max3A_2717 : vector<16xf32>
    %exp3A_2761 = math.exp %sub3A_2760 : vector<16xf32>
    %add3A_2762 = arith.addf %add3A_2744, %exp3A_2761 : vector<16xf32>
    %ge3A_2763 = arith.constant 0.000000e+00 : f32
    %ge3A_2764 = vector.broadcast %ge3A_2763 : f32 to vector<16xf32>
    %ge3A_2765 = arith.cmpf oge, %sub3A_2760, %ge3A_2764 : vector<16xf32>
    %jit3A_2766 = arith.constant 1.000000e+00 : f32
    %jit3A_2767 = arith.constant 0.000000e+00 : f32
    %broadcast_in_dim3A_2768 = vector.broadcast %jit3A_2766 : f32 to vector<16xf32>
    %broadcast_in_dim3A_2769 = vector.broadcast %jit3A_2767 : f32 to vector<16xf32>
    %select_n3A_2770 = arith.select %ge3A_2765, %broadcast_in_dim3A_2768, %broadcast_in_dim3A_2769 : vector<16xi1>, vector<16xf32>
    %mul3A_2771 = arith.mulf %select_n3A_2770, %sub3A_2754 : vector<16xf32>
    %sub3A_2772 = arith.subf %sub3A_2754, %mul3A_2771 : vector<16xf32>
    %mul3A_2773 = arith.constant 1.000000e+30 : f32
    %mul3A_2774 = vector.broadcast %mul3A_2773 : f32 to vector<16xf32>
    %mul3A_2775 = arith.mulf %mul3A_2771, %mul3A_2774 : vector<16xf32>
    %sub3A_2776 = arith.subf %sub3A_2760, %mul3A_2775 : vector<16xf32>
    %max3A_2777 = arith.maximumf %max3A_2759, %sub3A_2776 : vector<16xf32>
    %sub3A_2778 = arith.subf %get3A_2690, %max3A_2717 : vector<16xf32>
    %exp3A_2779 = math.exp %sub3A_2778 : vector<16xf32>
    %add3A_2780 = arith.addf %add3A_2762, %exp3A_2779 : vector<16xf32>
    %ge3A_2781 = arith.constant 0.000000e+00 : f32
    %ge3A_2782 = vector.broadcast %ge3A_2781 : f32 to vector<16xf32>
    %ge3A_2783 = arith.cmpf oge, %sub3A_2778, %ge3A_2782 : vector<16xf32>
    %jit3A_2784 = arith.constant 1.000000e+00 : f32
    %jit3A_2785 = arith.constant 0.000000e+00 : f32
    %broadcast_in_dim3A_2786 = vector.broadcast %jit3A_2784 : f32 to vector<16xf32>
    %broadcast_in_dim3A_2787 = vector.broadcast %jit3A_2785 : f32 to vector<16xf32>
    %select_n3A_2788 = arith.select %ge3A_2783, %broadcast_in_dim3A_2786, %broadcast_in_dim3A_2787 : vector<16xi1>, vector<16xf32>
    %mul3A_2789 = arith.mulf %select_n3A_2788, %sub3A_2772 : vector<16xf32>
    %sub3A_2790 = arith.subf %sub3A_2772, %mul3A_2789 : vector<16xf32>
    %mul3A_2791 = arith.constant 1.000000e+30 : f32
    %mul3A_2792 = vector.broadcast %mul3A_2791 : f32 to vector<16xf32>
    %mul3A_2793 = arith.mulf %mul3A_2789, %mul3A_2792 : vector<16xf32>
    %sub3A_2794 = arith.subf %sub3A_2778, %mul3A_2793 : vector<16xf32>
    %max3A_2795 = arith.maximumf %max3A_2777, %sub3A_2794 : vector<16xf32>
    %sub3A_2796 = arith.subf %get3A_2695, %max3A_2717 : vector<16xf32>
    %exp3A_2797 = math.exp %sub3A_2796 : vector<16xf32>
    %add3A_2798 = arith.addf %add3A_2780, %exp3A_2797 : vector<16xf32>
    %ge3A_2799 = arith.constant 0.000000e+00 : f32
    %ge3A_2800 = vector.broadcast %ge3A_2799 : f32 to vector<16xf32>
    %ge3A_2801 = arith.cmpf oge, %sub3A_2796, %ge3A_2800 : vector<16xf32>
    %jit3A_2802 = arith.constant 1.000000e+00 : f32
    %jit3A_2803 = arith.constant 0.000000e+00 : f32
    %broadcast_in_dim3A_2804 = vector.broadcast %jit3A_2802 : f32 to vector<16xf32>
    %broadcast_in_dim3A_2805 = vector.broadcast %jit3A_2803 : f32 to vector<16xf32>
    %select_n3A_2806 = arith.select %ge3A_2801, %broadcast_in_dim3A_2804, %broadcast_in_dim3A_2805 : vector<16xi1>, vector<16xf32>
    %mul3A_2807 = arith.mulf %select_n3A_2806, %sub3A_2790 : vector<16xf32>
    %sub3A_2808 = arith.subf %sub3A_2790, %mul3A_2807 : vector<16xf32>
    %mul3A_2809 = arith.constant 1.000000e+30 : f32
    %mul3A_2810 = vector.broadcast %mul3A_2809 : f32 to vector<16xf32>
    %mul3A_2811 = arith.mulf %mul3A_2807, %mul3A_2810 : vector<16xf32>
    %sub3A_2812 = arith.subf %sub3A_2796, %mul3A_2811 : vector<16xf32>
    %max3A_2813 = arith.maximumf %max3A_2795, %sub3A_2812 : vector<16xf32>
    %sub3A_2814 = arith.subf %get3A_2700, %max3A_2717 : vector<16xf32>
    %exp3A_2815 = math.exp %sub3A_2814 : vector<16xf32>
    %add3A_2816 = arith.addf %add3A_2798, %exp3A_2815 : vector<16xf32>
    %ge3A_2817 = arith.constant 0.000000e+00 : f32
    %ge3A_2818 = vector.broadcast %ge3A_2817 : f32 to vector<16xf32>
    %ge3A_2819 = arith.cmpf oge, %sub3A_2814, %ge3A_2818 : vector<16xf32>
    %jit3A_2820 = arith.constant 1.000000e+00 : f32
    %jit3A_2821 = arith.constant 0.000000e+00 : f32
    %broadcast_in_dim3A_2822 = vector.broadcast %jit3A_2820 : f32 to vector<16xf32>
    %broadcast_in_dim3A_2823 = vector.broadcast %jit3A_2821 : f32 to vector<16xf32>
    %select_n3A_2824 = arith.select %ge3A_2819, %broadcast_in_dim3A_2822, %broadcast_in_dim3A_2823 : vector<16xi1>, vector<16xf32>
    %mul3A_2825 = arith.mulf %select_n3A_2824, %sub3A_2808 : vector<16xf32>
    %sub3A_2826 = arith.subf %sub3A_2808, %mul3A_2825 : vector<16xf32>
    %mul3A_2827 = arith.constant 1.000000e+30 : f32
    %mul3A_2828 = vector.broadcast %mul3A_2827 : f32 to vector<16xf32>
    %mul3A_2829 = arith.mulf %mul3A_2825, %mul3A_2828 : vector<16xf32>
    %sub3A_2830 = arith.subf %sub3A_2814, %mul3A_2829 : vector<16xf32>
    %max3A_2831 = arith.maximumf %max3A_2813, %sub3A_2830 : vector<16xf32>
    %sub3A_2832 = arith.subf %get3A_2705, %max3A_2717 : vector<16xf32>
    %exp3A_2833 = math.exp %sub3A_2832 : vector<16xf32>
    %add3A_2834 = arith.addf %add3A_2816, %exp3A_2833 : vector<16xf32>
    %ge3A_2835 = arith.constant 0.000000e+00 : f32
    %ge3A_2836 = vector.broadcast %ge3A_2835 : f32 to vector<16xf32>
    %ge3A_2837 = arith.cmpf oge, %sub3A_2832, %ge3A_2836 : vector<16xf32>
    %jit3A_2838 = arith.constant 1.000000e+00 : f32
    %jit3A_2839 = arith.constant 0.000000e+00 : f32
    %broadcast_in_dim3A_2840 = vector.broadcast %jit3A_2838 : f32 to vector<16xf32>
    %broadcast_in_dim3A_2841 = vector.broadcast %jit3A_2839 : f32 to vector<16xf32>
    %select_n3A_2842 = arith.select %ge3A_2837, %broadcast_in_dim3A_2840, %broadcast_in_dim3A_2841 : vector<16xi1>, vector<16xf32>
    %mul3A_2843 = arith.mulf %select_n3A_2842, %sub3A_2826 : vector<16xf32>
    %sub3A_2844 = arith.subf %sub3A_2826, %mul3A_2843 : vector<16xf32>
    %mul3A_2845 = arith.constant 1.000000e+30 : f32
    %mul3A_2846 = vector.broadcast %mul3A_2845 : f32 to vector<16xf32>
    %mul3A_2847 = arith.mulf %mul3A_2843, %mul3A_2846 : vector<16xf32>
    %sub3A_2848 = arith.subf %sub3A_2832, %mul3A_2847 : vector<16xf32>
    %max3A_2849 = arith.maximumf %max3A_2831, %sub3A_2848 : vector<16xf32>
    %sub3A_2850 = arith.subf %get3A_2710, %max3A_2717 : vector<16xf32>
    %exp3A_2851 = math.exp %sub3A_2850 : vector<16xf32>
    %add3A_2852 = arith.addf %add3A_2834, %exp3A_2851 : vector<16xf32>
    %ge3A_2853 = arith.constant 0.000000e+00 : f32
    %ge3A_2854 = vector.broadcast %ge3A_2853 : f32 to vector<16xf32>
    %ge3A_2855 = arith.cmpf oge, %sub3A_2850, %ge3A_2854 : vector<16xf32>
    %jit3A_2856 = arith.constant 1.000000e+00 : f32
    %jit3A_2857 = arith.constant 0.000000e+00 : f32
    %broadcast_in_dim3A_2858 = vector.broadcast %jit3A_2856 : f32 to vector<16xf32>
    %broadcast_in_dim3A_2859 = vector.broadcast %jit3A_2857 : f32 to vector<16xf32>
    %select_n3A_2860 = arith.select %ge3A_2855, %broadcast_in_dim3A_2858, %broadcast_in_dim3A_2859 : vector<16xi1>, vector<16xf32>
    %mul3A_2861 = arith.mulf %select_n3A_2860, %sub3A_2844 : vector<16xf32>
    %sub3A_2862 = arith.subf %sub3A_2844, %mul3A_2861 : vector<16xf32>
    %mul3A_2863 = arith.constant 1.000000e+30 : f32
    %mul3A_2864 = vector.broadcast %mul3A_2863 : f32 to vector<16xf32>
    %mul3A_2865 = arith.mulf %mul3A_2861, %mul3A_2864 : vector<16xf32>
    %sub3A_2866 = arith.subf %sub3A_2850, %mul3A_2865 : vector<16xf32>
    %max3A_2867 = arith.maximumf %max3A_2849, %sub3A_2866 : vector<16xf32>
    %exp3A_2868 = math.exp %max3A_2867 : vector<16xf32>
    %add3A_2869 = arith.constant 1.000000e+00 : f32
    %add3A_2870 = vector.broadcast %add3A_2869 : f32 to vector<16xf32>
    %add3A_2871 = arith.addf %add3A_2870, %exp3A_2868 : vector<16xf32>
    %div3A_2872 = arith.divf %add3A_2871, %add3A_2852 : vector<16xf32>
    %swap3A_2873 = arith.constant 208 : index
    %swap3A_2874 = tpu.vector_load %arg5[%swap3A_2873] {strides = array<i32>} : memref<256xf32, #tpu.memory_space<vmem>>, vector<16xf32>,
    %swap3A_2875 = vector.shape_cast %swap3A_2874 : vector<16xf32> to vector<16xf32>
    %swap3A_2876 = vector.shape_cast %div3A_2872 : vector<16xf32> to vector<16xf32>
    tpu.vector_store %arg5[%swap3A_2873], %swap3A_2876 {strides = array<i32>} : memref<256xf32, #tpu.memory_space<vmem>>, vector<16xf32>,
    %get3A_2877 = arith.constant 0 : i32
    %get3A_2878 = arith.index_cast %get3A_2877 : i32 to index
    %get3A_2879 = arith.constant 224 : index
    %get3A_2880 = tpu.vector_load %arg4[%get3A_2878, %get3A_2879] {strides = array<i32>} : memref<8x256xf32, #tpu.memory_space<vmem>>, vector<1x16xf32>,
    %get3A_2881 = vector.shape_cast %get3A_2880 : vector<1x16xf32> to vector<16xf32>
    %get3A_2882 = arith.constant 1 : i32
    %get3A_2883 = arith.index_cast %get3A_2882 : i32 to index
    %get3A_2884 = arith.constant 224 : index
    %get3A_2885 = tpu.vector_load %arg4[%get3A_2883, %get3A_2884] {strides = array<i32>} : memref<8x256xf32, #tpu.memory_space<vmem>>, vector<1x16xf32>,
    %get3A_2886 = vector.shape_cast %get3A_2885 : vector<1x16xf32> to vector<16xf32>
    %get3A_2887 = arith.constant 2 : i32
    %get3A_2888 = arith.index_cast %get3A_2887 : i32 to index
    %get3A_2889 = arith.constant 224 : index
    %get3A_2890 = tpu.vector_load %arg4[%get3A_2888, %get3A_2889] {strides = array<i32>} : memref<8x256xf32, #tpu.memory_space<vmem>>, vector<1x16xf32>,
    %get3A_2891 = vector.shape_cast %get3A_2890 : vector<1x16xf32> to vector<16xf32>
    %get3A_2892 = arith.constant 3 : i32
    %get3A_2893 = arith.index_cast %get3A_2892 : i32 to index
    %get3A_2894 = arith.constant 224 : index
    %get3A_2895 = tpu.vector_load %arg4[%get3A_2893, %get3A_2894] {strides = array<i32>} : memref<8x256xf32, #tpu.memory_space<vmem>>, vector<1x16xf32>,
    %get3A_2896 = vector.shape_cast %get3A_2895 : vector<1x16xf32> to vector<16xf32>
    %get3A_2897 = arith.constant 4 : i32
    %get3A_2898 = arith.index_cast %get3A_2897 : i32 to index
    %get3A_2899 = arith.constant 224 : index
    %get3A_2900 = tpu.vector_load %arg4[%get3A_2898, %get3A_2899] {strides = array<i32>} : memref<8x256xf32, #tpu.memory_space<vmem>>, vector<1x16xf32>,
    %get3A_2901 = vector.shape_cast %get3A_2900 : vector<1x16xf32> to vector<16xf32>
    %get3A_2902 = arith.constant 5 : i32
    %get3A_2903 = arith.index_cast %get3A_2902 : i32 to index
    %get3A_2904 = arith.constant 224 : index
    %get3A_2905 = tpu.vector_load %arg4[%get3A_2903, %get3A_2904] {strides = array<i32>} : memref<8x256xf32, #tpu.memory_space<vmem>>, vector<1x16xf32>,
    %get3A_2906 = vector.shape_cast %get3A_2905 : vector<1x16xf32> to vector<16xf32>
    %get3A_2907 = arith.constant 6 : i32
    %get3A_2908 = arith.index_cast %get3A_2907 : i32 to index
    %get3A_2909 = arith.constant 224 : index
    %get3A_2910 = tpu.vector_load %arg4[%get3A_2908, %get3A_2909] {strides = array<i32>} : memref<8x256xf32, #tpu.memory_space<vmem>>, vector<1x16xf32>,
    %get3A_2911 = vector.shape_cast %get3A_2910 : vector<1x16xf32> to vector<16xf32>
    %get3A_2912 = arith.constant 7 : i32
    %get3A_2913 = arith.index_cast %get3A_2912 : i32 to index
    %get3A_2914 = arith.constant 224 : index
    %get3A_2915 = tpu.vector_load %arg4[%get3A_2913, %get3A_2914] {strides = array<i32>} : memref<8x256xf32, #tpu.memory_space<vmem>>, vector<1x16xf32>,
    %get3A_2916 = vector.shape_cast %get3A_2915 : vector<1x16xf32> to vector<16xf32>
    %max3A_2917 = arith.maximumf %get3A_2881, %get3A_2886 : vector<16xf32>
    %max3A_2918 = arith.maximumf %max3A_2917, %get3A_2891 : vector<16xf32>
    %max3A_2919 = arith.maximumf %max3A_2918, %get3A_2896 : vector<16xf32>
    %max3A_2920 = arith.maximumf %max3A_2919, %get3A_2901 : vector<16xf32>
    %max3A_2921 = arith.maximumf %max3A_2920, %get3A_2906 : vector<16xf32>
    %max3A_2922 = arith.maximumf %max3A_2921, %get3A_2911 : vector<16xf32>
    %max3A_2923 = arith.maximumf %max3A_2922, %get3A_2916 : vector<16xf32>
    %broadcast_in_dim3A_2924 = arith.constant -1.000000e+30 : f32
    %broadcast_in_dim3A_2925 = vector.broadcast %broadcast_in_dim3A_2924 : f32 to vector<16xf32>
    %broadcast_in_dim3A_2926 = arith.constant 1.000000e+00 : f32
    %broadcast_in_dim3A_2927 = vector.broadcast %broadcast_in_dim3A_2926 : f32 to vector<16xf32>
    %broadcast_in_dim3A_2928 = arith.constant 0.000000e+00 : f32
    %broadcast_in_dim3A_2929 = vector.broadcast %broadcast_in_dim3A_2928 : f32 to vector<16xf32>
    %sub3A_2930 = arith.subf %get3A_2881, %max3A_2923 : vector<16xf32>
    %exp3A_2931 = math.exp %sub3A_2930 : vector<16xf32>
    %add3A_2932 = arith.addf %broadcast_in_dim3A_2929, %exp3A_2931 : vector<16xf32>
    %ge3A_2933 = arith.constant 0.000000e+00 : f32
    %ge3A_2934 = vector.broadcast %ge3A_2933 : f32 to vector<16xf32>
    %ge3A_2935 = arith.cmpf oge, %sub3A_2930, %ge3A_2934 : vector<16xf32>
    %jit3A_2936 = arith.constant 1.000000e+00 : f32
    %jit3A_2937 = arith.constant 0.000000e+00 : f32
    %broadcast_in_dim3A_2938 = vector.broadcast %jit3A_2936 : f32 to vector<16xf32>
    %broadcast_in_dim3A_2939 = vector.broadcast %jit3A_2937 : f32 to vector<16xf32>
    %select_n3A_2940 = arith.select %ge3A_2935, %broadcast_in_dim3A_2938, %broadcast_in_dim3A_2939 : vector<16xi1>, vector<16xf32>
    %mul3A_2941 = arith.mulf %select_n3A_2940, %broadcast_in_dim3A_2927 : vector<16xf32>
    %sub3A_2942 = arith.subf %broadcast_in_dim3A_2927, %mul3A_2941 : vector<16xf32>
    %mul3A_2943 = arith.constant 1.000000e+30 : f32
    %mul3A_2944 = vector.broadcast %mul3A_2943 : f32 to vector<16xf32>
    %mul3A_2945 = arith.mulf %mul3A_2941, %mul3A_2944 : vector<16xf32>
    %sub3A_2946 = arith.subf %sub3A_2930, %mul3A_2945 : vector<16xf32>
    %max3A_2947 = arith.maximumf %broadcast_in_dim3A_2925, %sub3A_2946 : vector<16xf32>
    %sub3A_2948 = arith.subf %get3A_2886, %max3A_2923 : vector<16xf32>
    %exp3A_2949 = math.exp %sub3A_2948 : vector<16xf32>
    %add3A_2950 = arith.addf %add3A_2932, %exp3A_2949 : vector<16xf32>
    %ge3A_2951 = arith.constant 0.000000e+00 : f32
    %ge3A_2952 = vector.broadcast %ge3A_2951 : f32 to vector<16xf32>
    %ge3A_2953 = arith.cmpf oge, %sub3A_2948, %ge3A_2952 : vector<16xf32>
    %jit3A_2954 = arith.constant 1.000000e+00 : f32
    %jit3A_2955 = arith.constant 0.000000e+00 : f32
    %broadcast_in_dim3A_2956 = vector.broadcast %jit3A_2954 : f32 to vector<16xf32>
    %broadcast_in_dim3A_2957 = vector.broadcast %jit3A_2955 : f32 to vector<16xf32>
    %select_n3A_2958 = arith.select %ge3A_2953, %broadcast_in_dim3A_2956, %broadcast_in_dim3A_2957 : vector<16xi1>, vector<16xf32>
    %mul3A_2959 = arith.mulf %select_n3A_2958, %sub3A_2942 : vector<16xf32>
    %sub3A_2960 = arith.subf %sub3A_2942, %mul3A_2959 : vector<16xf32>
    %mul3A_2961 = arith.constant 1.000000e+30 : f32
    %mul3A_2962 = vector.broadcast %mul3A_2961 : f32 to vector<16xf32>
    %mul3A_2963 = arith.mulf %mul3A_2959, %mul3A_2962 : vector<16xf32>
    %sub3A_2964 = arith.subf %sub3A_2948, %mul3A_2963 : vector<16xf32>
    %max3A_2965 = arith.maximumf %max3A_2947, %sub3A_2964 : vector<16xf32>
    %sub3A_2966 = arith.subf %get3A_2891, %max3A_2923 : vector<16xf32>
    %exp3A_2967 = math.exp %sub3A_2966 : vector<16xf32>
    %add3A_2968 = arith.addf %add3A_2950, %exp3A_2967 : vector<16xf32>
    %ge3A_2969 = arith.constant 0.000000e+00 : f32
    %ge3A_2970 = vector.broadcast %ge3A_2969 : f32 to vector<16xf32>
    %ge3A_2971 = arith.cmpf oge, %sub3A_2966, %ge3A_2970 : vector<16xf32>
    %jit3A_2972 = arith.constant 1.000000e+00 : f32
    %jit3A_2973 = arith.constant 0.000000e+00 : f32
    %broadcast_in_dim3A_2974 = vector.broadcast %jit3A_2972 : f32 to vector<16xf32>
    %broadcast_in_dim3A_2975 = vector.broadcast %jit3A_2973 : f32 to vector<16xf32>
    %select_n3A_2976 = arith.select %ge3A_2971, %broadcast_in_dim3A_2974, %broadcast_in_dim3A_2975 : vector<16xi1>, vector<16xf32>
    %mul3A_2977 = arith.mulf %select_n3A_2976, %sub3A_2960 : vector<16xf32>
    %sub3A_2978 = arith.subf %sub3A_2960, %mul3A_2977 : vector<16xf32>
    %mul3A_2979 = arith.constant 1.000000e+30 : f32
    %mul3A_2980 = vector.broadcast %mul3A_2979 : f32 to vector<16xf32>
    %mul3A_2981 = arith.mulf %mul3A_2977, %mul3A_2980 : vector<16xf32>
    %sub3A_2982 = arith.subf %sub3A_2966, %mul3A_2981 : vector<16xf32>
    %max3A_2983 = arith.maximumf %max3A_2965, %sub3A_2982 : vector<16xf32>
    %sub3A_2984 = arith.subf %get3A_2896, %max3A_2923 : vector<16xf32>
    %exp3A_2985 = math.exp %sub3A_2984 : vector<16xf32>
    %add3A_2986 = arith.addf %add3A_2968, %exp3A_2985 : vector<16xf32>
    %ge3A_2987 = arith.constant 0.000000e+00 : f32
    %ge3A_2988 = vector.broadcast %ge3A_2987 : f32 to vector<16xf32>
    %ge3A_2989 = arith.cmpf oge, %sub3A_2984, %ge3A_2988 : vector<16xf32>
    %jit3A_2990 = arith.constant 1.000000e+00 : f32
    %jit3A_2991 = arith.constant 0.000000e+00 : f32
    %broadcast_in_dim3A_2992 = vector.broadcast %jit3A_2990 : f32 to vector<16xf32>
    %broadcast_in_dim3A_2993 = vector.broadcast %jit3A_2991 : f32 to vector<16xf32>
    %select_n3A_2994 = arith.select %ge3A_2989, %broadcast_in_dim3A_2992, %broadcast_in_dim3A_2993 : vector<16xi1>, vector<16xf32>
    %mul3A_2995 = arith.mulf %select_n3A_2994, %sub3A_2978 : vector<16xf32>
    %sub3A_2996 = arith.subf %sub3A_2978, %mul3A_2995 : vector<16xf32>
    %mul3A_2997 = arith.constant 1.000000e+30 : f32
    %mul3A_2998 = vector.broadcast %mul3A_2997 : f32 to vector<16xf32>
    %mul3A_2999 = arith.mulf %mul3A_2995, %mul3A_2998 : vector<16xf32>
    %sub3A_3000 = arith.subf %sub3A_2984, %mul3A_2999 : vector<16xf32>
    %max3A_3001 = arith.maximumf %max3A_2983, %sub3A_3000 : vector<16xf32>
    %sub3A_3002 = arith.subf %get3A_2901, %max3A_2923 : vector<16xf32>
    %exp3A_3003 = math.exp %sub3A_3002 : vector<16xf32>
    %add3A_3004 = arith.addf %add3A_2986, %exp3A_3003 : vector<16xf32>
    %ge3A_3005 = arith.constant 0.000000e+00 : f32
    %ge3A_3006 = vector.broadcast %ge3A_3005 : f32 to vector<16xf32>
    %ge3A_3007 = arith.cmpf oge, %sub3A_3002, %ge3A_3006 : vector<16xf32>
    %jit3A_3008 = arith.constant 1.000000e+00 : f32
    %jit3A_3009 = arith.constant 0.000000e+00 : f32
    %broadcast_in_dim3A_3010 = vector.broadcast %jit3A_3008 : f32 to vector<16xf32>
    %broadcast_in_dim3A_3011 = vector.broadcast %jit3A_3009 : f32 to vector<16xf32>
    %select_n3A_3012 = arith.select %ge3A_3007, %broadcast_in_dim3A_3010, %broadcast_in_dim3A_3011 : vector<16xi1>, vector<16xf32>
    %mul3A_3013 = arith.mulf %select_n3A_3012, %sub3A_2996 : vector<16xf32>
    %sub3A_3014 = arith.subf %sub3A_2996, %mul3A_3013 : vector<16xf32>
    %mul3A_3015 = arith.constant 1.000000e+30 : f32
    %mul3A_3016 = vector.broadcast %mul3A_3015 : f32 to vector<16xf32>
    %mul3A_3017 = arith.mulf %mul3A_3013, %mul3A_3016 : vector<16xf32>
    %sub3A_3018 = arith.subf %sub3A_3002, %mul3A_3017 : vector<16xf32>
    %max3A_3019 = arith.maximumf %max3A_3001, %sub3A_3018 : vector<16xf32>
    %sub3A_3020 = arith.subf %get3A_2906, %max3A_2923 : vector<16xf32>
    %exp3A_3021 = math.exp %sub3A_3020 : vector<16xf32>
    %add3A_3022 = arith.addf %add3A_3004, %exp3A_3021 : vector<16xf32>
    %ge3A_3023 = arith.constant 0.000000e+00 : f32
    %ge3A_3024 = vector.broadcast %ge3A_3023 : f32 to vector<16xf32>
    %ge3A_3025 = arith.cmpf oge, %sub3A_3020, %ge3A_3024 : vector<16xf32>
    %jit3A_3026 = arith.constant 1.000000e+00 : f32
    %jit3A_3027 = arith.constant 0.000000e+00 : f32
    %broadcast_in_dim3A_3028 = vector.broadcast %jit3A_3026 : f32 to vector<16xf32>
    %broadcast_in_dim3A_3029 = vector.broadcast %jit3A_3027 : f32 to vector<16xf32>
    %select_n3A_3030 = arith.select %ge3A_3025, %broadcast_in_dim3A_3028, %broadcast_in_dim3A_3029 : vector<16xi1>, vector<16xf32>
    %mul3A_3031 = arith.mulf %select_n3A_3030, %sub3A_3014 : vector<16xf32>
    %sub3A_3032 = arith.subf %sub3A_3014, %mul3A_3031 : vector<16xf32>
    %mul3A_3033 = arith.constant 1.000000e+30 : f32
    %mul3A_3034 = vector.broadcast %mul3A_3033 : f32 to vector<16xf32>
    %mul3A_3035 = arith.mulf %mul3A_3031, %mul3A_3034 : vector<16xf32>
    %sub3A_3036 = arith.subf %sub3A_3020, %mul3A_3035 : vector<16xf32>
    %max3A_3037 = arith.maximumf %max3A_3019, %sub3A_3036 : vector<16xf32>
    %sub3A_3038 = arith.subf %get3A_2911, %max3A_2923 : vector<16xf32>
    %exp3A_3039 = math.exp %sub3A_3038 : vector<16xf32>
    %add3A_3040 = arith.addf %add3A_3022, %exp3A_3039 : vector<16xf32>
    %ge3A_3041 = arith.constant 0.000000e+00 : f32
    %ge3A_3042 = vector.broadcast %ge3A_3041 : f32 to vector<16xf32>
    %ge3A_3043 = arith.cmpf oge, %sub3A_3038, %ge3A_3042 : vector<16xf32>
    %jit3A_3044 = arith.constant 1.000000e+00 : f32
    %jit3A_3045 = arith.constant 0.000000e+00 : f32
    %broadcast_in_dim3A_3046 = vector.broadcast %jit3A_3044 : f32 to vector<16xf32>
    %broadcast_in_dim3A_3047 = vector.broadcast %jit3A_3045 : f32 to vector<16xf32>
    %select_n3A_3048 = arith.select %ge3A_3043, %broadcast_in_dim3A_3046, %broadcast_in_dim3A_3047 : vector<16xi1>, vector<16xf32>
    %mul3A_3049 = arith.mulf %select_n3A_3048, %sub3A_3032 : vector<16xf32>
    %sub3A_3050 = arith.subf %sub3A_3032, %mul3A_3049 : vector<16xf32>
    %mul3A_3051 = arith.constant 1.000000e+30 : f32
    %mul3A_3052 = vector.broadcast %mul3A_3051 : f32 to vector<16xf32>
    %mul3A_3053 = arith.mulf %mul3A_3049, %mul3A_3052 : vector<16xf32>
    %sub3A_3054 = arith.subf %sub3A_3038, %mul3A_3053 : vector<16xf32>
    %max3A_3055 = arith.maximumf %max3A_3037, %sub3A_3054 : vector<16xf32>
    %sub3A_3056 = arith.subf %get3A_2916, %max3A_2923 : vector<16xf32>
    %exp3A_3057 = math.exp %sub3A_3056 : vector<16xf32>
    %add3A_3058 = arith.addf %add3A_3040, %exp3A_3057 : vector<16xf32>
    %ge3A_3059 = arith.constant 0.000000e+00 : f32
    %ge3A_3060 = vector.broadcast %ge3A_3059 : f32 to vector<16xf32>
    %ge3A_3061 = arith.cmpf oge, %sub3A_3056, %ge3A_3060 : vector<16xf32>
    %jit3A_3062 = arith.constant 1.000000e+00 : f32
    %jit3A_3063 = arith.constant 0.000000e+00 : f32
    %broadcast_in_dim3A_3064 = vector.broadcast %jit3A_3062 : f32 to vector<16xf32>
    %broadcast_in_dim3A_3065 = vector.broadcast %jit3A_3063 : f32 to vector<16xf32>
    %select_n3A_3066 = arith.select %ge3A_3061, %broadcast_in_dim3A_3064, %broadcast_in_dim3A_3065 : vector<16xi1>, vector<16xf32>
    %mul3A_3067 = arith.mulf %select_n3A_3066, %sub3A_3050 : vector<16xf32>
    %sub3A_3068 = arith.subf %sub3A_3050, %mul3A_3067 : vector<16xf32>
    %mul3A_3069 = arith.constant 1.000000e+30 : f32
    %mul3A_3070 = vector.broadcast %mul3A_3069 : f32 to vector<16xf32>
    %mul3A_3071 = arith.mulf %mul3A_3067, %mul3A_3070 : vector<16xf32>
    %sub3A_3072 = arith.subf %sub3A_3056, %mul3A_3071 : vector<16xf32>
    %max3A_3073 = arith.maximumf %max3A_3055, %sub3A_3072 : vector<16xf32>
    %exp3A_3074 = math.exp %max3A_3073 : vector<16xf32>
    %add3A_3075 = arith.constant 1.000000e+00 : f32
    %add3A_3076 = vector.broadcast %add3A_3075 : f32 to vector<16xf32>
    %add3A_3077 = arith.addf %add3A_3076, %exp3A_3074 : vector<16xf32>
    %div3A_3078 = arith.divf %add3A_3077, %add3A_3058 : vector<16xf32>
    %swap3A_3079 = arith.constant 224 : index
    %swap3A_3080 = tpu.vector_load %arg5[%swap3A_3079] {strides = array<i32>} : memref<256xf32, #tpu.memory_space<vmem>>, vector<16xf32>,
    %swap3A_3081 = vector.shape_cast %swap3A_3080 : vector<16xf32> to vector<16xf32>
    %swap3A_3082 = vector.shape_cast %div3A_3078 : vector<16xf32> to vector<16xf32>
    tpu.vector_store %arg5[%swap3A_3079], %swap3A_3082 {strides = array<i32>} : memref<256xf32, #tpu.memory_space<vmem>>, vector<16xf32>,
    %get3A_3083 = arith.constant 0 : i32
    %get3A_3084 = arith.index_cast %get3A_3083 : i32 to index
    %get3A_3085 = arith.constant 240 : index
    %get3A_3086 = tpu.vector_load %arg4[%get3A_3084, %get3A_3085] {strides = array<i32>} : memref<8x256xf32, #tpu.memory_space<vmem>>, vector<1x16xf32>,
    %get3A_3087 = vector.shape_cast %get3A_3086 : vector<1x16xf32> to vector<16xf32>
    %get3A_3088 = arith.constant 1 : i32
    %get3A_3089 = arith.index_cast %get3A_3088 : i32 to index
    %get3A_3090 = arith.constant 240 : index
    %get3A_3091 = tpu.vector_load %arg4[%get3A_3089, %get3A_3090] {strides = array<i32>} : memref<8x256xf32, #tpu.memory_space<vmem>>, vector<1x16xf32>,
    %get3A_3092 = vector.shape_cast %get3A_3091 : vector<1x16xf32> to vector<16xf32>
    %get3A_3093 = arith.constant 2 : i32
    %get3A_3094 = arith.index_cast %get3A_3093 : i32 to index
    %get3A_3095 = arith.constant 240 : index
    %get3A_3096 = tpu.vector_load %arg4[%get3A_3094, %get3A_3095] {strides = array<i32>} : memref<8x256xf32, #tpu.memory_space<vmem>>, vector<1x16xf32>,
    %get3A_3097 = vector.shape_cast %get3A_3096 : vector<1x16xf32> to vector<16xf32>
    %get3A_3098 = arith.constant 3 : i32
    %get3A_3099 = arith.index_cast %get3A_3098 : i32 to index
    %get3A_3100 = arith.constant 240 : index
    %get3A_3101 = tpu.vector_load %arg4[%get3A_3099, %get3A_3100] {strides = array<i32>} : memref<8x256xf32, #tpu.memory_space<vmem>>, vector<1x16xf32>,
    %get3A_3102 = vector.shape_cast %get3A_3101 : vector<1x16xf32> to vector<16xf32>
    %get3A_3103 = arith.constant 4 : i32
    %get3A_3104 = arith.index_cast %get3A_3103 : i32 to index
    %get3A_3105 = arith.constant 240 : index
    %get3A_3106 = tpu.vector_load %arg4[%get3A_3104, %get3A_3105] {strides = array<i32>} : memref<8x256xf32, #tpu.memory_space<vmem>>, vector<1x16xf32>,
    %get3A_3107 = vector.shape_cast %get3A_3106 : vector<1x16xf32> to vector<16xf32>
    %get3A_3108 = arith.constant 5 : i32
    %get3A_3109 = arith.index_cast %get3A_3108 : i32 to index
    %get3A_3110 = arith.constant 240 : index
    %get3A_3111 = tpu.vector_load %arg4[%get3A_3109, %get3A_3110] {strides = array<i32>} : memref<8x256xf32, #tpu.memory_space<vmem>>, vector<1x16xf32>,
    %get3A_3112 = vector.shape_cast %get3A_3111 : vector<1x16xf32> to vector<16xf32>
    %get3A_3113 = arith.constant 6 : i32
    %get3A_3114 = arith.index_cast %get3A_3113 : i32 to index
    %get3A_3115 = arith.constant 240 : index
    %get3A_3116 = tpu.vector_load %arg4[%get3A_3114, %get3A_3115] {strides = array<i32>} : memref<8x256xf32, #tpu.memory_space<vmem>>, vector<1x16xf32>,
    %get3A_3117 = vector.shape_cast %get3A_3116 : vector<1x16xf32> to vector<16xf32>
    %get3A_3118 = arith.constant 7 : i32
    %get3A_3119 = arith.index_cast %get3A_3118 : i32 to index
    %get3A_3120 = arith.constant 240 : index
    %get3A_3121 = tpu.vector_load %arg4[%get3A_3119, %get3A_3120] {strides = array<i32>} : memref<8x256xf32, #tpu.memory_space<vmem>>, vector<1x16xf32>,
    %get3A_3122 = vector.shape_cast %get3A_3121 : vector<1x16xf32> to vector<16xf32>
    %max3A_3123 = arith.maximumf %get3A_3087, %get3A_3092 : vector<16xf32>
    %max3A_3124 = arith.maximumf %max3A_3123, %get3A_3097 : vector<16xf32>
    %max3A_3125 = arith.maximumf %max3A_3124, %get3A_3102 : vector<16xf32>
    %max3A_3126 = arith.maximumf %max3A_3125, %get3A_3107 : vector<16xf32>
    %max3A_3127 = arith.maximumf %max3A_3126, %get3A_3112 : vector<16xf32>
    %max3A_3128 = arith.maximumf %max3A_3127, %get3A_3117 : vector<16xf32>
    %max3A_3129 = arith.maximumf %max3A_3128, %get3A_3122 : vector<16xf32>
    %broadcast_in_dim3A_3130 = arith.constant -1.000000e+30 : f32
    %broadcast_in_dim3A_3131 = vector.broadcast %broadcast_in_dim3A_3130 : f32 to vector<16xf32>
    %broadcast_in_dim3A_3132 = arith.constant 1.000000e+00 : f32
    %broadcast_in_dim3A_3133 = vector.broadcast %broadcast_in_dim3A_3132 : f32 to vector<16xf32>
    %broadcast_in_dim3A_3134 = arith.constant 0.000000e+00 : f32
    %broadcast_in_dim3A_3135 = vector.broadcast %broadcast_in_dim3A_3134 : f32 to vector<16xf32>
    %sub3A_3136 = arith.subf %get3A_3087, %max3A_3129 : vector<16xf32>
    %exp3A_3137 = math.exp %sub3A_3136 : vector<16xf32>
    %add3A_3138 = arith.addf %broadcast_in_dim3A_3135, %exp3A_3137 : vector<16xf32>
    %ge3A_3139 = arith.constant 0.000000e+00 : f32
    %ge3A_3140 = vector.broadcast %ge3A_3139 : f32 to vector<16xf32>
    %ge3A_3141 = arith.cmpf oge, %sub3A_3136, %ge3A_3140 : vector<16xf32>
    %jit3A_3142 = arith.constant 1.000000e+00 : f32
    %jit3A_3143 = arith.constant 0.000000e+00 : f32
    %broadcast_in_dim3A_3144 = vector.broadcast %jit3A_3142 : f32 to vector<16xf32>
    %broadcast_in_dim3A_3145 = vector.broadcast %jit3A_3143 : f32 to vector<16xf32>
    %select_n3A_3146 = arith.select %ge3A_3141, %broadcast_in_dim3A_3144, %broadcast_in_dim3A_3145 : vector<16xi1>, vector<16xf32>
    %mul3A_3147 = arith.mulf %select_n3A_3146, %broadcast_in_dim3A_3133 : vector<16xf32>
    %sub3A_3148 = arith.subf %broadcast_in_dim3A_3133, %mul3A_3147 : vector<16xf32>
    %mul3A_3149 = arith.constant 1.000000e+30 : f32
    %mul3A_3150 = vector.broadcast %mul3A_3149 : f32 to vector<16xf32>
    %mul3A_3151 = arith.mulf %mul3A_3147, %mul3A_3150 : vector<16xf32>
    %sub3A_3152 = arith.subf %sub3A_3136, %mul3A_3151 : vector<16xf32>
    %max3A_3153 = arith.maximumf %broadcast_in_dim3A_3131, %sub3A_3152 : vector<16xf32>
    %sub3A_3154 = arith.subf %get3A_3092, %max3A_3129 : vector<16xf32>
    %exp3A_3155 = math.exp %sub3A_3154 : vector<16xf32>
    %add3A_3156 = arith.addf %add3A_3138, %exp3A_3155 : vector<16xf32>
    %ge3A_3157 = arith.constant 0.000000e+00 : f32
    %ge3A_3158 = vector.broadcast %ge3A_3157 : f32 to vector<16xf32>
    %ge3A_3159 = arith.cmpf oge, %sub3A_3154, %ge3A_3158 : vector<16xf32>
    %jit3A_3160 = arith.constant 1.000000e+00 : f32
    %jit3A_3161 = arith.constant 0.000000e+00 : f32
    %broadcast_in_dim3A_3162 = vector.broadcast %jit3A_3160 : f32 to vector<16xf32>
    %broadcast_in_dim3A_3163 = vector.broadcast %jit3A_3161 : f32 to vector<16xf32>
    %select_n3A_3164 = arith.select %ge3A_3159, %broadcast_in_dim3A_3162, %broadcast_in_dim3A_3163 : vector<16xi1>, vector<16xf32>
    %mul3A_3165 = arith.mulf %select_n3A_3164, %sub3A_3148 : vector<16xf32>
    %sub3A_3166 = arith.subf %sub3A_3148, %mul3A_3165 : vector<16xf32>
    %mul3A_3167 = arith.constant 1.000000e+30 : f32
    %mul3A_3168 = vector.broadcast %mul3A_3167 : f32 to vector<16xf32>
    %mul3A_3169 = arith.mulf %mul3A_3165, %mul3A_3168 : vector<16xf32>
    %sub3A_3170 = arith.subf %sub3A_3154, %mul3A_3169 : vector<16xf32>
    %max3A_3171 = arith.maximumf %max3A_3153, %sub3A_3170 : vector<16xf32>
    %sub3A_3172 = arith.subf %get3A_3097, %max3A_3129 : vector<16xf32>
    %exp3A_3173 = math.exp %sub3A_3172 : vector<16xf32>
    %add3A_3174 = arith.addf %add3A_3156, %exp3A_3173 : vector<16xf32>
    %ge3A_3175 = arith.constant 0.000000e+00 : f32
    %ge3A_3176 = vector.broadcast %ge3A_3175 : f32 to vector<16xf32>
    %ge3A_3177 = arith.cmpf oge, %sub3A_3172, %ge3A_3176 : vector<16xf32>
    %jit3A_3178 = arith.constant 1.000000e+00 : f32
    %jit3A_3179 = arith.constant 0.000000e+00 : f32
    %broadcast_in_dim3A_3180 = vector.broadcast %jit3A_3178 : f32 to vector<16xf32>
    %broadcast_in_dim3A_3181 = vector.broadcast %jit3A_3179 : f32 to vector<16xf32>
    %select_n3A_3182 = arith.select %ge3A_3177, %broadcast_in_dim3A_3180, %broadcast_in_dim3A_3181 : vector<16xi1>, vector<16xf32>
    %mul3A_3183 = arith.mulf %select_n3A_3182, %sub3A_3166 : vector<16xf32>
    %sub3A_3184 = arith.subf %sub3A_3166, %mul3A_3183 : vector<16xf32>
    %mul3A_3185 = arith.constant 1.000000e+30 : f32
    %mul3A_3186 = vector.broadcast %mul3A_3185 : f32 to vector<16xf32>
    %mul3A_3187 = arith.mulf %mul3A_3183, %mul3A_3186 : vector<16xf32>
    %sub3A_3188 = arith.subf %sub3A_3172, %mul3A_3187 : vector<16xf32>
    %max3A_3189 = arith.maximumf %max3A_3171, %sub3A_3188 : vector<16xf32>
    %sub3A_3190 = arith.subf %get3A_3102, %max3A_3129 : vector<16xf32>
    %exp3A_3191 = math.exp %sub3A_3190 : vector<16xf32>
    %add3A_3192 = arith.addf %add3A_3174, %exp3A_3191 : vector<16xf32>
    %ge3A_3193 = arith.constant 0.000000e+00 : f32
    %ge3A_3194 = vector.broadcast %ge3A_3193 : f32 to vector<16xf32>
    %ge3A_3195 = arith.cmpf oge, %sub3A_3190, %ge3A_3194 : vector<16xf32>
    %jit3A_3196 = arith.constant 1.000000e+00 : f32
    %jit3A_3197 = arith.constant 0.000000e+00 : f32
    %broadcast_in_dim3A_3198 = vector.broadcast %jit3A_3196 : f32 to vector<16xf32>
    %broadcast_in_dim3A_3199 = vector.broadcast %jit3A_3197 : f32 to vector<16xf32>
    %select_n3A_3200 = arith.select %ge3A_3195, %broadcast_in_dim3A_3198, %broadcast_in_dim3A_3199 : vector<16xi1>, vector<16xf32>
    %mul3A_3201 = arith.mulf %select_n3A_3200, %sub3A_3184 : vector<16xf32>
    %sub3A_3202 = arith.subf %sub3A_3184, %mul3A_3201 : vector<16xf32>
    %mul3A_3203 = arith.constant 1.000000e+30 : f32
    %mul3A_3204 = vector.broadcast %mul3A_3203 : f32 to vector<16xf32>
    %mul3A_3205 = arith.mulf %mul3A_3201, %mul3A_3204 : vector<16xf32>
    %sub3A_3206 = arith.subf %sub3A_3190, %mul3A_3205 : vector<16xf32>
    %max3A_3207 = arith.maximumf %max3A_3189, %sub3A_3206 : vector<16xf32>
    %sub3A_3208 = arith.subf %get3A_3107, %max3A_3129 : vector<16xf32>
    %exp3A_3209 = math.exp %sub3A_3208 : vector<16xf32>
    %add3A_3210 = arith.addf %add3A_3192, %exp3A_3209 : vector<16xf32>
    %ge3A_3211 = arith.constant 0.000000e+00 : f32
    %ge3A_3212 = vector.broadcast %ge3A_3211 : f32 to vector<16xf32>
    %ge3A_3213 = arith.cmpf oge, %sub3A_3208, %ge3A_3212 : vector<16xf32>
    %jit3A_3214 = arith.constant 1.000000e+00 : f32
    %jit3A_3215 = arith.constant 0.000000e+00 : f32
    %broadcast_in_dim3A_3216 = vector.broadcast %jit3A_3214 : f32 to vector<16xf32>
    %broadcast_in_dim3A_3217 = vector.broadcast %jit3A_3215 : f32 to vector<16xf32>
    %select_n3A_3218 = arith.select %ge3A_3213, %broadcast_in_dim3A_3216, %broadcast_in_dim3A_3217 : vector<16xi1>, vector<16xf32>
    %mul3A_3219 = arith.mulf %select_n3A_3218, %sub3A_3202 : vector<16xf32>
    %sub3A_3220 = arith.subf %sub3A_3202, %mul3A_3219 : vector<16xf32>
    %mul3A_3221 = arith.constant 1.000000e+30 : f32
    %mul3A_3222 = vector.broadcast %mul3A_3221 : f32 to vector<16xf32>
    %mul3A_3223 = arith.mulf %mul3A_3219, %mul3A_3222 : vector<16xf32>
    %sub3A_3224 = arith.subf %sub3A_3208, %mul3A_3223 : vector<16xf32>
    %max3A_3225 = arith.maximumf %max3A_3207, %sub3A_3224 : vector<16xf32>
    %sub3A_3226 = arith.subf %get3A_3112, %max3A_3129 : vector<16xf32>
    %exp3A_3227 = math.exp %sub3A_3226 : vector<16xf32>
    %add3A_3228 = arith.addf %add3A_3210, %exp3A_3227 : vector<16xf32>
    %ge3A_3229 = arith.constant 0.000000e+00 : f32
    %ge3A_3230 = vector.broadcast %ge3A_3229 : f32 to vector<16xf32>
    %ge3A_3231 = arith.cmpf oge, %sub3A_3226, %ge3A_3230 : vector<16xf32>
    %jit3A_3232 = arith.constant 1.000000e+00 : f32
    %jit3A_3233 = arith.constant 0.000000e+00 : f32
    %broadcast_in_dim3A_3234 = vector.broadcast %jit3A_3232 : f32 to vector<16xf32>
    %broadcast_in_dim3A_3235 = vector.broadcast %jit3A_3233 : f32 to vector<16xf32>
    %select_n3A_3236 = arith.select %ge3A_3231, %broadcast_in_dim3A_3234, %broadcast_in_dim3A_3235 : vector<16xi1>, vector<16xf32>
    %mul3A_3237 = arith.mulf %select_n3A_3236, %sub3A_3220 : vector<16xf32>
    %sub3A_3238 = arith.subf %sub3A_3220, %mul3A_3237 : vector<16xf32>
    %mul3A_3239 = arith.constant 1.000000e+30 : f32
    %mul3A_3240 = vector.broadcast %mul3A_3239 : f32 to vector<16xf32>
    %mul3A_3241 = arith.mulf %mul3A_3237, %mul3A_3240 : vector<16xf32>
    %sub3A_3242 = arith.subf %sub3A_3226, %mul3A_3241 : vector<16xf32>
    %max3A_3243 = arith.maximumf %max3A_3225, %sub3A_3242 : vector<16xf32>
    %sub3A_3244 = arith.subf %get3A_3117, %max3A_3129 : vector<16xf32>
    %exp3A_3245 = math.exp %sub3A_3244 : vector<16xf32>
    %add3A_3246 = arith.addf %add3A_3228, %exp3A_3245 : vector<16xf32>
    %ge3A_3247 = arith.constant 0.000000e+00 : f32
    %ge3A_3248 = vector.broadcast %ge3A_3247 : f32 to vector<16xf32>
    %ge3A_3249 = arith.cmpf oge, %sub3A_3244, %ge3A_3248 : vector<16xf32>
    %jit3A_3250 = arith.constant 1.000000e+00 : f32
    %jit3A_3251 = arith.constant 0.000000e+00 : f32
    %broadcast_in_dim3A_3252 = vector.broadcast %jit3A_3250 : f32 to vector<16xf32>
    %broadcast_in_dim3A_3253 = vector.broadcast %jit3A_3251 : f32 to vector<16xf32>
    %select_n3A_3254 = arith.select %ge3A_3249, %broadcast_in_dim3A_3252, %broadcast_in_dim3A_3253 : vector<16xi1>, vector<16xf32>
    %mul3A_3255 = arith.mulf %select_n3A_3254, %sub3A_3238 : vector<16xf32>
    %sub3A_3256 = arith.subf %sub3A_3238, %mul3A_3255 : vector<16xf32>
    %mul3A_3257 = arith.constant 1.000000e+30 : f32
    %mul3A_3258 = vector.broadcast %mul3A_3257 : f32 to vector<16xf32>
    %mul3A_3259 = arith.mulf %mul3A_3255, %mul3A_3258 : vector<16xf32>
    %sub3A_3260 = arith.subf %sub3A_3244, %mul3A_3259 : vector<16xf32>
    %max3A_3261 = arith.maximumf %max3A_3243, %sub3A_3260 : vector<16xf32>
    %sub3A_3262 = arith.subf %get3A_3122, %max3A_3129 : vector<16xf32>
    %exp3A_3263 = math.exp %sub3A_3262 : vector<16xf32>
    %add3A_3264 = arith.addf %add3A_3246, %exp3A_3263 : vector<16xf32>
    %ge3A_3265 = arith.constant 0.000000e+00 : f32
    %ge3A_3266 = vector.broadcast %ge3A_3265 : f32 to vector<16xf32>
    %ge3A_3267 = arith.cmpf oge, %sub3A_3262, %ge3A_3266 : vector<16xf32>
    %jit3A_3268 = arith.constant 1.000000e+00 : f32
    %jit3A_3269 = arith.constant 0.000000e+00 : f32
    %broadcast_in_dim3A_3270 = vector.broadcast %jit3A_3268 : f32 to vector<16xf32>
    %broadcast_in_dim3A_3271 = vector.broadcast %jit3A_3269 : f32 to vector<16xf32>
    %select_n3A_3272 = arith.select %ge3A_3267, %broadcast_in_dim3A_3270, %broadcast_in_dim3A_3271 : vector<16xi1>, vector<16xf32>
    %mul3A_3273 = arith.mulf %select_n3A_3272, %sub3A_3256 : vector<16xf32>
    %sub3A_3274 = arith.subf %sub3A_3256, %mul3A_3273 : vector<16xf32>
    %mul3A_3275 = arith.constant 1.000000e+30 : f32
    %mul3A_3276 = vector.broadcast %mul3A_3275 : f32 to vector<16xf32>
    %mul3A_3277 = arith.mulf %mul3A_3273, %mul3A_3276 : vector<16xf32>
    %sub3A_3278 = arith.subf %sub3A_3262, %mul3A_3277 : vector<16xf32>
    %max3A_3279 = arith.maximumf %max3A_3261, %sub3A_3278 : vector<16xf32>
    %exp3A_3280 = math.exp %max3A_3279 : vector<16xf32>
    %add3A_3281 = arith.constant 1.000000e+00 : f32
    %add3A_3282 = vector.broadcast %add3A_3281 : f32 to vector<16xf32>
    %add3A_3283 = arith.addf %add3A_3282, %exp3A_3280 : vector<16xf32>
    %div3A_3284 = arith.divf %add3A_3283, %add3A_3264 : vector<16xf32>
    %swap3A_3285 = arith.constant 240 : index
    %swap3A_3286 = tpu.vector_load %arg5[%swap3A_3285] {strides = array<i32>} : memref<256xf32, #tpu.memory_space<vmem>>, vector<16xf32>,
    %swap3A_3287 = vector.shape_cast %swap3A_3286 : vector<16xf32> to vector<16xf32>
    %swap3A_3288 = vector.shape_cast %div3A_3284 : vector<16xf32> to vector<16xf32>
    tpu.vector_store %arg5[%swap3A_3285], %swap3A_3288 {strides = array<i32>} : memref<256xf32, #tpu.memory_space<vmem>>, vector<16xf32>,
    "tpu.region"() ({
      %run_scoped3A = tpu.sem_alloc : memref<!tpu.dma_semaphore, #tpu.memory_space<semaphore_mem>>
      %dma_start3A = tpu.memref_slice %arg3[%mul3A_2] : memref<8192xf32, #tpu.memory_space<hbm>> -> memref<256xf32, #tpu.memory_space<hbm>>
      %dma_start3A_3289 = tpu.memref_slice %arg3[%mul3A_2] : memref<8192xf32, #tpu.memory_space<hbm>> -> memref<256xf32, #tpu.memory_space<hbm>>
      tpu.enqueue_dma source(%arg5 : memref<256xf32, #tpu.memory_space<vmem>>) target(%dma_start3A_3289 : memref<256xf32, #tpu.memory_space<hbm>>) target_semaphore(%run_scoped3A : memref<!tpu.dma_semaphore, #tpu.memory_space<semaphore_mem>>)
      %dma_wait3A = tpu.memref_slice %arg3[%mul3A_2] : memref<8192xf32, #tpu.memory_space<hbm>> -> memref<256xf32, #tpu.memory_space<hbm>>
      %dma_wait3A_3290 = tpu.memref_slice %arg3[%mul3A_2] : memref<8192xf32, #tpu.memory_space<hbm>> -> memref<256xf32, #tpu.memory_space<hbm>>
      tpu.wait_dma2 semaphore(%run_scoped3A : memref<!tpu.dma_semaphore, #tpu.memory_space<semaphore_mem>>) src(%arg5 : memref<256xf32, #tpu.memory_space<vmem>>) dst(%dma_wait3A_3290 : memref<256xf32, #tpu.memory_space<hbm>>)
      tpu.yield
    }) : () -> ()
    return
  }
}

module attributes {stable_mosaic.version = 14 : i64} {
  func.func @_write_kernel(%arg0: i32, %arg1: memref<1024x1xf32, #tpu.memory_space<vmem>>, %arg2: memref<2048x2048xf32, #tpu.memory_space<vmem>>, %arg3: memref<1x2048xf32, #tpu.memory_space<vmem>>, %arg4: memref<1x2048xf32, #tpu.memory_space<vmem>>, %arg5: memref<1024x2048xf32, #tpu.memory_space<vmem>>, %arg6: memref<1x2048xf32, #tpu.memory_space<vmem>>) attributes {dimension_semantics = [#tpu.dimension_semantics<arbitrary>], iteration_bounds = array<i64: 8>, scalar_prefetch = 0 : i64, scratch_operands = 1 : i64, tpu.core_type = #tpu.core_type<tc>, window_params = [{transform_indices = @transform_0, window_bounds = array<i64: 1024, 1>}, {pipeline_mode = #tpu.pipeline_mode<synchronous>, transform_indices = @transform_1, window_bounds = array<i64: 2048, 2048>}, {pipeline_mode = #tpu.pipeline_mode<synchronous>, transform_indices = @transform_2, window_bounds = array<i64: 1, 2048>}, {pipeline_mode = #tpu.pipeline_mode<synchronous>, transform_indices = @transform_3, window_bounds = array<i64: 1, 2048>}, {transform_indices = @transform_4, window_bounds = array<i64: 1024, 2048>}]} {
    %eq3A = arith.constant 0 : i32
    %eq3A_0 = arith.cmpi eq, %arg0, %eq3A : i32
    %convert_element_type3A = arith.extui %eq3A_0 : i1 to i32
    %cond3A = arith.constant 0 : i32
    %cond3A_1 = arith.cmpi ne, %convert_element_type3A, %cond3A : i32
    scf.if %cond3A_1 {
      %get3A_11 = arith.constant 0 : index
      %get3A_12 = arith.constant 0 : index
      %get3A_13 = vector.load %arg4[%get3A_11, %get3A_12] : memref<1x2048xf32, #tpu.memory_space<vmem>>, vector<1x2048xf32>
      %transpose3A = tpu.transpose %get3A_13, [1, 0] : vector<1x2048xf32> -> vector<2048x1xf32>
      %get3A_14 = arith.constant 0 : index
      %get3A_15 = arith.constant 0 : index
      %get3A_16 = vector.load %arg2[%get3A_14, %get3A_15] : memref<2048x2048xf32, #tpu.memory_space<vmem>>, vector<2048x2048xf32>
      %mul3A_17 = vector.broadcast %transpose3A : vector<2048x1xf32> to vector<2048x2048xf32>
      %mul3A_18 = arith.mulf %get3A_16, %mul3A_17 : vector<2048x2048xf32>
      %reduce_sum3A = arith.constant dense<0.000000e+00> : vector<2048xf32>
      %reduce_sum3A_19 = vector.multi_reduction <add>, %mul3A_18, %reduce_sum3A [0] : vector<2048x2048xf32> to vector<2048xf32>
      %broadcast_in_dim3A = vector.shape_cast %reduce_sum3A_19 : vector<2048xf32> to vector<1x2048xf32>
      %get3A_20 = arith.constant 0 : index
      %get3A_21 = arith.constant 0 : index
      %get3A_22 = vector.load %arg3[%get3A_20, %get3A_21] : memref<1x2048xf32, #tpu.memory_space<vmem>>, vector<1x2048xf32>
      %mul3A_23 = arith.constant 8.000000e+00 : f32
      %mul3A_24 = vector.broadcast %mul3A_23 : f32 to vector<1x2048xf32>
      %mul3A_25 = arith.mulf %mul3A_24, %get3A_22 : vector<1x2048xf32>
      %add3A = arith.addf %broadcast_in_dim3A, %mul3A_25 : vector<1x2048xf32>
      %swap3A_26 = arith.constant 0 : index
      %swap3A_27 = arith.constant 0 : index
      %swap3A_28 = vector.load %arg6[%swap3A_26, %swap3A_27] : memref<1x2048xf32, #tpu.memory_space<vmem>>, vector<1x2048xf32>
      tpu.vector_store %arg6[%swap3A_26, %swap3A_27], %add3A {strides = array<i32>} : memref<1x2048xf32, #tpu.memory_space<vmem>>, vector<1x2048xf32>,
    } else {
    }
    %get3A = arith.constant 0 : index
    %get3A_2 = arith.constant 0 : index
    %get3A_3 = vector.load %arg1[%get3A, %get3A_2] : memref<1024x1xf32, #tpu.memory_space<vmem>>, vector<1024x1xf32>
    %get3A_4 = arith.constant 0 : index
    %get3A_5 = arith.constant 0 : index
    %get3A_6 = vector.load %arg6[%get3A_4, %get3A_5] : memref<1x2048xf32, #tpu.memory_space<vmem>>, vector<1x2048xf32>
    %mul3A = vector.broadcast %get3A_3 : vector<1024x1xf32> to vector<1024x2048xf32>
    %mul3A_7 = vector.broadcast %get3A_6 : vector<1x2048xf32> to vector<1024x2048xf32>
    %mul3A_8 = arith.mulf %mul3A, %mul3A_7 : vector<1024x2048xf32>
    %swap3A = arith.constant 0 : index
    %swap3A_9 = arith.constant 0 : index
    %swap3A_10 = vector.load %arg5[%swap3A, %swap3A_9] : memref<1024x2048xf32, #tpu.memory_space<vmem>>, vector<1024x2048xf32>
    tpu.vector_store %arg5[%swap3A, %swap3A_9], %mul3A_8 {strides = array<i32>} : memref<1024x2048xf32, #tpu.memory_space<vmem>>, vector<1024x2048xf32>,
    return
  }
  func.func @transform_0(%arg0: i32) -> (i32, i32) {
    %c0_i32 = arith.constant 0 : i32
    %c0_i32_0 = arith.constant 0 : i32
    return %arg0, %c0_i32 : i32, i32
  }
  func.func @transform_1(%arg0: i32) -> (i32, i32) {
    %c0_i32 = arith.constant 0 : i32
    %c0_i32_0 = arith.constant 0 : i32
    %c0_i32_1 = arith.constant 0 : i32
    return %c0_i32, %c0_i32_0 : i32, i32
  }
  func.func @transform_2(%arg0: i32) -> (i32, i32) {
    %c0_i32 = arith.constant 0 : i32
    %c0_i32_0 = arith.constant 0 : i32
    %c0_i32_1 = arith.constant 0 : i32
    return %c0_i32, %c0_i32_0 : i32, i32
  }
  func.func @transform_3(%arg0: i32) -> (i32, i32) {
    %c0_i32 = arith.constant 0 : i32
    %c0_i32_0 = arith.constant 0 : i32
    %c0_i32_1 = arith.constant 0 : i32
    return %c0_i32, %c0_i32_0 : i32, i32
  }
  func.func @transform_4(%arg0: i32) -> (i32, i32) {
    %c0_i32 = arith.constant 0 : i32
    %c0_i32_0 = arith.constant 0 : i32
    return %arg0, %c0_i32 : i32, i32
  }
}

module attributes {stable_mosaic.version = 14 : i64} {
  func.func @_stats_kernel(%arg0: i32, %arg1: memref<1024x2048xf32, #tpu.memory_space<vmem>>, %arg2: memref<2048x8xf32, #tpu.memory_space<vmem>>, %arg3: memref<1x8xf32, #tpu.memory_space<vmem>>, %arg4: memref<8x1024xf32, #tpu.memory_space<vmem>>, %arg5: memref<1x2048xf32, #tpu.memory_space<vmem>>) attributes {dimension_semantics = [#tpu.dimension_semantics<arbitrary>], iteration_bounds = array<i64: 8>, scalar_prefetch = 0 : i64, scratch_operands = 0 : i64, tpu.core_type = #tpu.core_type<tc>, window_params = [{transform_indices = @transform_0, window_bounds = array<i64: 1024, 2048>}, {pipeline_mode = #tpu.pipeline_mode<synchronous>, transform_indices = @transform_1, window_bounds = array<i64: 2048, 8>}, {pipeline_mode = #tpu.pipeline_mode<synchronous>, transform_indices = @transform_2, window_bounds = array<i64: 1, 8>}, {transform_indices = @transform_3, window_bounds = array<i64: 8, 1024>}, {pipeline_mode = #tpu.pipeline_mode<synchronous>, transform_indices = @transform_4, window_bounds = array<i64: 1, 2048>}]} {
    %get3A = arith.constant 0 : index
    %get3A_0 = arith.constant 0 : index
    %get3A_1 = vector.load %arg1[%get3A, %get3A_0] : memref<1024x2048xf32, #tpu.memory_space<vmem>>, vector<1024x2048xf32>
    %get3A_2 = arith.constant 0 : index
    %get3A_3 = arith.constant 0 : index
    %get3A_4 = vector.load %arg2[%get3A_2, %get3A_3] : memref<2048x8xf32, #tpu.memory_space<vmem>>, vector<2048x8xf32>
    %dot_general3A = arith.constant dense<0.000000e+00> : vector<1024x8xf32>
    %dot_general3A_5 = tpu.matmul %get3A_1, %get3A_4, %dot_general3A {dimension_numbers = #tpu.dot_dimension_numbers<[1], [0], [0], [1], [0, 0, 1, 1], [], []>, transpose_lhs_hint = false} : vector<1024x2048xf32>, vector<2048x8xf32>, vector<1024x8xf32> -> vector<1024x8xf32>
    %get3A_6 = arith.constant 0 : index
    %get3A_7 = arith.constant 0 : index
    %get3A_8 = vector.load %arg3[%get3A_6, %get3A_7] : memref<1x8xf32, #tpu.memory_space<vmem>>, vector<1x8xf32>
    %add3A = vector.broadcast %get3A_8 : vector<1x8xf32> to vector<1024x8xf32>
    %add3A_9 = arith.addf %dot_general3A_5, %add3A : vector<1024x8xf32>
    %transpose3A = tpu.transpose %add3A_9, [1, 0] : vector<1024x8xf32> -> vector<8x1024xf32>
    %swap3A = arith.constant 0 : index
    %swap3A_10 = arith.constant 0 : index
    %swap3A_11 = vector.load %arg4[%swap3A, %swap3A_10] : memref<8x1024xf32, #tpu.memory_space<vmem>>, vector<8x1024xf32>
    tpu.vector_store %arg4[%swap3A, %swap3A_10], %transpose3A {strides = array<i32>} : memref<8x1024xf32, #tpu.memory_space<vmem>>, vector<8x1024xf32>,
    %reduce_sum3A = arith.constant dense<0.000000e+00> : vector<2048xf32>
    %reduce_sum3A_12 = vector.multi_reduction <add>, %get3A_1, %reduce_sum3A [0] : vector<1024x2048xf32> to vector<2048xf32>
    %broadcast_in_dim3A = vector.shape_cast %reduce_sum3A_12 : vector<2048xf32> to vector<1x2048xf32>
    %eq3A = arith.constant 0 : i32
    %eq3A_13 = arith.cmpi eq, %arg0, %eq3A : i32
    %convert_element_type3A = arith.extui %eq3A_13 : i1 to i32
    %cond3A = arith.constant 0 : i32
    %cond3A_14 = arith.cmpi ne, %convert_element_type3A, %cond3A : i32
    scf.if %cond3A_14 {
      %swap3A_19 = arith.constant 0 : index
      %swap3A_20 = arith.constant 0 : index
      %swap3A_21 = vector.load %arg5[%swap3A_19, %swap3A_20] : memref<1x2048xf32, #tpu.memory_space<vmem>>, vector<1x2048xf32>
      tpu.vector_store %arg5[%swap3A_19, %swap3A_20], %broadcast_in_dim3A {strides = array<i32>} : memref<1x2048xf32, #tpu.memory_space<vmem>>, vector<1x2048xf32>,
    } else {
    }
    %ne3A = arith.constant 0 : i32
    %ne3A_15 = arith.cmpi ne, %arg0, %ne3A : i32
    %convert_element_type3A_16 = arith.extui %ne3A_15 : i1 to i32
    %cond3A_17 = arith.constant 0 : i32
    %cond3A_18 = arith.cmpi ne, %convert_element_type3A_16, %cond3A_17 : i32
    scf.if %cond3A_18 {
      %get3A_19 = arith.constant 0 : index
      %get3A_20 = arith.constant 0 : index
      %get3A_21 = vector.load %arg5[%get3A_19, %get3A_20] : memref<1x2048xf32, #tpu.memory_space<vmem>>, vector<1x2048xf32>
      %add3A_22 = arith.addf %get3A_21, %broadcast_in_dim3A : vector<1x2048xf32>
      %swap3A_23 = arith.constant 0 : index
      %swap3A_24 = arith.constant 0 : index
      %swap3A_25 = vector.load %arg5[%swap3A_23, %swap3A_24] : memref<1x2048xf32, #tpu.memory_space<vmem>>, vector<1x2048xf32>
      tpu.vector_store %arg5[%swap3A_23, %swap3A_24], %add3A_22 {strides = array<i32>} : memref<1x2048xf32, #tpu.memory_space<vmem>>, vector<1x2048xf32>,
    } else {
    }
    return
  }
  func.func @transform_0(%arg0: i32) -> (i32, i32) {
    %c0_i32 = arith.constant 0 : i32
    %c0_i32_0 = arith.constant 0 : i32
    return %arg0, %c0_i32 : i32, i32
  }
  func.func @transform_1(%arg0: i32) -> (i32, i32) {
    %c0_i32 = arith.constant 0 : i32
    %c0_i32_0 = arith.constant 0 : i32
    %c0_i32_1 = arith.constant 0 : i32
    return %c0_i32, %c0_i32_0 : i32, i32
  }
  func.func @transform_2(%arg0: i32) -> (i32, i32) {
    %c0_i32 = arith.constant 0 : i32
    %c0_i32_0 = arith.constant 0 : i32
    %c0_i32_1 = arith.constant 0 : i32
    return %c0_i32, %c0_i32_0 : i32, i32
  }
  func.func @transform_3(%arg0: i32) -> (i32, i32) {
    %c0_i32 = arith.constant 0 : i32
    %c0_i32_0 = arith.constant 0 : i32
    return %c0_i32, %arg0 : i32, i32
  }
  func.func @transform_4(%arg0: i32) -> (i32, i32) {
    %c0_i32 = arith.constant 0 : i32
    %c0_i32_0 = arith.constant 0 : i32
    %c0_i32_1 = arith.constant 0 : i32
    return %c0_i32, %c0_i32_0 : i32, i32
  }
}

</mosaic_0001>

<sc_bundles>
// kernel: kernel.5.cloned.1.call-start
scs
__scs_entry_jumppad:
0x0: {  	(pc) =	sbr.rel $0x88, $3  }
0x1: {  	(tag) =	ssettag $0x0;
	lr =	simm.s32 $0x1  }
0x2: {  	[smem:$0x3F9C] =	sst lr;
	_ =	strace $0xD0000000  }
0x3: {  	_ = 	snop  }
0x4: {  	_ = 	snop  }
0x5: {  	_ = 	snop  }
0x6: {  	_ = 	snop  }
0x7: {  	_ = 	snop  }
__scs_overlays_trampoline_lowered:
0x8: {  	[smem:$0x3FAB] =	sst s0  }
0x9: {  	[smem:$0x3FAC] =	sst s1  }
0xa: {  	[smem:$0x3FAD] =	sst s2  }
0xb: {  	[smem:$0x3FAE] =	sst s3  }
0xc: {  	[smem:$0x3FAF] =	sst s4  }
0xd: {  	[smem:$0x3FB0] =	sst s5  }
0xe: {  	[smem:$0x3FB1] =	sst s6  }
0xf: {  	[smem:$0x3FB2] =	sst s7  }
0x10: {  	[smem:$0x3FB3] =	sst s8  }
0x11: {  	[smem:$0x3FB4] =	sst s9;
	s0 =	simm.s32 @!p0 $0x0  }
0x12: {  	s1 =	sld [smem:$0x3F9A];
	s0 =	simm.s32 @p0 $0x1  }
0x13: {  	[smem:$0x3FB5] =	sst s0;
	s0 =	simm.s32 @!p1 $0x0  }
0x14: {  	s2 =	sld [smem:$0x3F99];
	s0 =	simm.s32 @p1 $0x1  }
0x15: {  	[smem:$0x3FB6] =	sst s0;
	s0 =	simm.s32 @!p2 $0x0  }
0x16: {  	s3 =	sld [smem:$0x3FDB];
	s0 =	simm.s32 @p2 $0x1  }
0x17: {  	s4 =	simm.s32 $0x1BF5;
	[smem:$0x3FB8] =	sst s0  }
0x18: {  	s0 =	sld [smem:$0x3F9B];
	_ =	swait.ge [sflag:s4], $0x0  }
0x19: {  	s7 =	sld [smem:$0x3F9C]  }
0x1a: {  	s8 =	sadd.s32 $0xFFFFE003, lr  }
0x1b: {  	s9 =	sadd.s32 $0xFFFFFEF7, lr;
	s5 =	simm.s32 $0xFFFFFFFF;
	p2 =	slt.u32 s8, $0xFFFFF086  }
0x1c: {  	p1 =	slt.u32 s9, $0xF7A;
	s5 =	simm.s32 @!p2 $0x0  }
0x1d: {  	s5 =	simm.s32 @p1 $0x1;
	p0 =	seq.s32 s7, s2  }
0x1e: {  	s7 =	smul.u32 @!p0 $0xF7A, s2;
	p2 =	seq.s32 @!p0 s5, $0x0  }
0x1f: {  	s9 =	smul.u32 $0xF7A, s1;
	s8 =	simm.s32 @!p0 $0x1BF5;
	p2 =	por !p2, p0  }
0x20: {  	[sflag:s8] =	ssyncset.s32 @!p0 $0xFFFFF086;
	s6 =	sadd.s32 @!p0 s3, s7;
	s7 =	simm.s32 @!p0 $0x108  }
0x21: {  	s3 =	sadd.s32 s3, s9;
	s6 =	sadd.s32 @!p0 $0x88, s6;
	s7 =	simm.s32 @p2 $0x1082  }
0x22: {  	[simem:s7], [sflag:s8] =	dma.local @!p0 [hbm:s6], $0xF7A  }
0x23: {  	s9 =	sor.u32 $0xD0000000, s2;
	s6 =	simm.s32 $0x108;
	_ =	swait.ge @!p0 [sflag:s8], $0x0  }
0x24: {  	s3 =	sadd.s32 $0x88, s3;
	s6 =	simm.s32 @!p1 $0x1082;
	[sflag:s4] =	ssyncset.s32 $0xFFFFF086  }
0x25: {  	[simem:s6], [sflag:s4] =	dma.local [hbm:s3], $0xF7A  }
0x26: {  	[smem:$0x3F9C] =	sst s1;
	(tag) =	ssettag s2;
	_ =	strace s9  }
0x27: {  	s1 =	sld [smem:$0x3FAC]  }
0x28: {  	s2 =	sld [smem:$0x3FAD]  }
0x29: {  	s4 =	sld [smem:$0x3FAF]  }
0x2a: {  	p0 =	seq.s32 s5, $0x0;
	s5 =	sld [smem:$0x3FB0]  }
0x2b: {  	s6 =	sld [smem:$0x3FB1]  }
0x2c: {  	s7 =	sld [smem:$0x3FB2]  }
0x2d: {  	s3 =	simm.s32 $0x108;
	s8 =	sld [smem:$0x3FB3]  }
0x2e: {  	s3 =	simm.s32 @!p0 $0x1082;
	s9 =	sld [smem:$0x3FB4]  }
0x2f: {  	lr =	sadd.s32 s0, s3;
	s0 =	sld [smem:$0x3FAB]  }
0x30: {  	s3 =	sld [smem:$0x3FAE]  }
0x31: {  	[smem:$0x3FB7] =	sst s10  }
0x32: {  	s10 =	sld [smem:$0x3FB5];
	_ =	sdelay $0x3  }
0x33: {  	p0 =	seq.s32 s10, $0x1;
	s10 =	sld [smem:$0x3FB7];
	_ =	sdelay $0x3  }
0x34: {  	[smem:$0x3FB7] =	sst s10  }
0x35: {  	s10 =	sld [smem:$0x3FB6];
	_ =	sdelay $0x3  }
0x36: {  	p1 =	seq.s32 s10, $0x1;
	s10 =	sld [smem:$0x3FB7];
	_ =	sdelay $0x3  }
0x37: {  	[smem:$0x3FB7] =	sst s10  }
0x38: {  	s10 =	sld [smem:$0x3FB8]  }
0x39: {  	_ = 	snop;
	(pc) =	sbr.ind lr, $3  }
0x3a: {  	_ = 	snop  }
0x3b: {  	_ = 	snop  }
0x3c: {  	p2 =	seq.s32 s10, $0x1;
	s10 =	sld [smem:$0x3FB7]  }
0x3d: {  	_ =	shalt  }
0x3e: {  	_ =	shalt  }
0x3f: {  	_ =	shalt  }
0x40: {  	_ =	shalt  }
0x41: {  	_ =	shalt  }
0x42: {  	_ =	shalt  }
0x43: {  	_ =	shalt  }
0x44: {  	_ =	shalt  }
0x45: {  	_ =	shalt  }
0x46: {  	_ =	shalt  }
0x47: {  	_ =	shalt  }
0x48: {  	_ =	shalt  }
0x49: {  	_ =	shalt  }
0x4a: {  	_ =	shalt  }
0x4b: {  	_ =	shalt  }
0x4c: {  	_ =	shalt  }
0x4d: {  	_ =	shalt  }
0x4e: {  	_ =	shalt  }
0x4f: {  	_ =	shalt  }
0x50: {  	_ =	shalt  }
0x51: {  	_ =	shalt  }
0x52: {  	_ =	shalt  }
0x53: {  	_ =	shalt  }
0x54: {  	_ =	shalt  }
0x55: {  	_ =	shalt  }
0x56: {  	_ =	shalt  }
0x57: {  	_ =	shalt  }
0x58: {  	_ =	shalt  }
0x59: {  	_ =	shalt  }
0x5a: {  	_ =	shalt  }
0x5b: {  	_ =	shalt  }
0x5c: {  	_ =	shalt  }
0x5d: {  	_ =	shalt  }
0x5e: {  	_ =	shalt  }
0x5f: {  	_ =	shalt  }
0x60: {  	_ =	shalt  }
0x61: {  	_ =	shalt  }
0x62: {  	_ =	shalt  }
0x63: {  	_ =	shalt  }
0x64: {  	_ =	shalt  }
0x65: {  	_ =	shalt  }
0x66: {  	_ =	shalt  }
0x67: {  	_ =	shalt  }
0x68: {  	_ =	shalt  }
0x69: {  	_ =	shalt  }
0x6a: {  	_ =	shalt  }
0x6b: {  	_ =	shalt  }
0x6c: {  	_ =	shalt  }
0x6d: {  	_ =	shalt  }
0x6e: {  	_ =	shalt  }
0x6f: {  	_ =	shalt  }
0x70: {  	_ =	shalt  }
0x71: {  	_ =	shalt  }
0x72: {  	_ =	shalt  }
0x73: {  	_ =	shalt  }
0x74: {  	_ =	shalt  }
0x75: {  	_ =	shalt  }
0x76: {  	_ =	shalt  }
0x77: {  	_ =	shalt  }
0x78: {  	_ =	shalt  }
0x79: {  	_ =	shalt  }
0x7a: {  	_ =	shalt  }
0x7b: {  	_ =	shalt  }
0x7c: {  	_ =	shalt  }
0x7d: {  	_ =	shalt  }
0x7e: {  	_ =	shalt  }
0x7f: {  	_ =	shalt  }
0x80: {  	_ =	shalt  }
0x81: {  	_ =	shalt  }
0x82: {  	_ =	shalt  }
0x83: {  	_ =	shalt  }
0x84: {  	_ =	shalt  }
0x85: {  	_ =	shalt  }
0x86: {  	_ =	shalt  }
0x87: {  	_ =	shalt  }
.Lfunc_end0:
.L_simem_size_0:
called_computation_lowered:
.L_overlay_start_0:
0x88: {  	s2 =	sld [smem:$0x3FD9]  }
0x89: {  	s3 =	sld [smem:$0x3FFE];
	_ =	sdelay $0x1  }
0x8a: {  	s1 =	srdreg.scid  }
0x8b: {  	s0 =	sand.u32 $0x1, s1  }
0x8c: {  	s17 =	sshll.u32 s0, $0xA;
	s2 =	sadd.s32 s3, s2  }
0x8d: {  	s2 =	sadd.s32 s2, s17  }
0x8e: {  	[smem:$0x3FC3] =	sst s2  }
0x8f: {  	_ = 	snop  }
0x90: {  	s2 =	sld [smem:$0x3FD0];
	(tm) =	ssettm $0x1  }
0x91: {  	s18 =	sld [smem:$0x3FFB];
	_ =	sdelay $0x3  }
0x92: {  	_ =	strace s18  }
0x93: {  	s3 =	sld [smem:$0x3FFC];
	_ =	sdelay $0x3  }
0x94: {  	_ =	strace s3  }
0x95: {  	s3 =	sld [smem:$0x3FFD];
	_ =	sdelay $0x3  }
0x96: {  	_ =	strace s3  }
0x97: {  	_ =	strace $0x8FFFFFFF  }
0x98: {  	s19 =	sld [smem:$0x3FDB];
	_ =	sdelay $0x1  }
0x99: {  	s4 =	simm.s32 $_scs_section_size  }
0x9a: {  	s5 =	simm.s32 $_size__tile_overlayer_lowered;
	s6 =	simm.s32 $_tile_overlayer_lowered  }
0x9b: {  	s22 =	simm.s32 $0x1BFF;
	s21 =	sshll.u32 s6, $0x1;
	s3 =	sadd.s32 s4, s19  }
0x9c: {  	s7 =	simm.s32 $0x0;
	s20 =	sshll.u32 s5, $0x1;
	s5 =	sadd.s32 s21, s3  }
0x9d: {  	[timem:s7], [sflag:s22] =	dma.local [hbm:s5], s20  }
0x9e: {  	_ =	swait.ge [sflag:s22], s20  }
0x9f: {  	s4 =	ssub.s32 $0x0, s20;
	[sflag:s22] =	ssyncset.done $0x0  }
0xa0: {  	[sflag:s22] =	ssyncadd.s32 s4;
	_ =	sdelay $0x1  }
0xa1: {  	s23 =	simm.s32 $0x1B8B  }
0xa2: {  	_ =	swait.ge [sflag:s23], $0x1  }
0xa3: {  	[sflag:s23] =	ssyncset.done $0x0  }
0xa4: {  	s25 =	simm.s32 $0x1B8E;
	s24 =	sld [smem:$0x3FFE];
	[sflag:s23] =	ssyncadd.s32 $0xFFFFFFFF  }
0xa5: {  	s26 =	simm.s32 $execute0_lowered;
	[smem:$0x3FD2] =	sst s25  }
0xa6: {  	s5 =	sshll.u32 s26, $0x1;
	_ =	strace $0x80000046;
	[dreg:$0x1] =	wrdreg $0xFFFFFFFF  }
0xa7: {  	s28 =	simm.s32 $_size_execute0_lowered;
	s3 =	sadd.s32 s3, s5;
	[dreg:$0x0] =	wrdreg $0x0  }
0xa8: {  	s5 =	sshll.u32 s28, $0x1;
	[dreg:$0x2] =	wrdreg s3  }
0xa9: {  	[dreg:$0x3] =	wrdreg s5  }
0xaa: {  	[dreg:$0x4] =	wrdreg $0xC0  }
0xab: {  	_ =	task [dreg:s7], $0x5FFFF  }
0xac: {  	[dreg:$0x1] =	wrdreg $0xFFFFFFFF  }
0xad: {  	[dreg:$0x0] =	wrdreg $0x60  }
0xae: {  	[dreg:$0x2] =	wrdreg s2  }
0xaf: {  	[dreg:$0x3] =	wrdreg s24  }
0xb0: {  	[dreg:$0x4] =	wrdreg $0x9  }
0xb1: {  	_ =	task.clear_ibuf [dreg:s7], $0x5FFFF;
	_ =	strace $0x90000046  }
0xb2: {  	s29 =	simm.s32 $0x9;
	_ =	strace $0x80000048  }
0xb3: {  	_ =	swait.ge [sflag:s29], $0x1  }
0xb4: {  	[sflag:s29] =	ssyncadd.s32 $0xFFFFFFFF  }
0xb5: {  	_ =	strace $0x90000048  }
0xb6: {  	_ =	sfence  }
0xb7: {  	s30 =	sld [smem:$0x0];
	_ =	sdelay $0x2  }
0xb8: {  	s31 =	sshll.u32 s1, $0xD;
	s1 =	sshrl.u32 s1, $0x2  }
0xb9: {  	s3 =	sand.u32 $0x4000, s31;
	s1 =	sadd.s32 s1, s30  }
0xba: {  	s0 =	sor.u32 s3, s0;
	s1 =	sshll.u32 s1, $0x11  }
0xbb: {  	s0 =	sor.u32 s1, s0  }
0xbc: {  	s0 =	sadd.s32 $0x8F2B, s0  }
0xbd: {  	[sflag:s0] =	ssyncadd.remote.s32 $0x1  }
0xbe: {  	_ =	sfence.sel $0xFFFF  }
0xbf: {  	[dreg:$0x0] =	wrdreg $0xFFFFFFFF;
	(pc) =	sbr.abs _section_cstart, $3  }
0xc0: {  	[dreg:$0x1] =	wrdreg $0xFFFFFFFF  }
0xc1: {  	_ =	task.clear_ibuf [dreg:s7], $0x2FFFF;
	_ =	strace $0x9FFFFFFF  }
0xc2: {  	(tm) =	ssettm $0x7FFFFFFF  }
0xc3: {  	_ =	shalt  }
tec
execute0_lowered:
.L_overlay_start_1:
0x0: {  	(tag) =	ssettag $0x1  }
0x1: {  	s1 =	srdreg.scid;
	s3 =	rddreg [dreg:$0x0]  }
0x2: {  	s0 =	stileid.u32;
	s5 =	rddreg [dreg:$0x1]  }
0x3: {  	s2 =	simm.s32 $0x0;
	s4 =	sand.u32 $0x1, s1;
	s1 =	rddreg [dreg:$0x2]  }
0x4: {  	s6 =	sshll.u32 s0, $0x9;
	[smem:$0x7FF] =	sst s2;
	s7 =	sshll.u32 s4, $0x8  }
0x5: {  	s4 =	ssub.s32 $0x2, s4;
	_ =	strace $0x80000047;
	s6 =	sor.u32 s7, s6  }
0x6: {  	s31 =	sshrl.u32 s4, $0x1;
	s7 =	sshrl.u32 s6, $0x3;
	s3 =	sadd.s32 s3, s6  }
0x7: {  	s6 =	simm.s32 $0x1;
	s5 =	sadd.s32 s7, s5;
	s7 =	ssub.s32 s4, s31  }
0x8: {  	v0 =	vimm.f32 $0.0e+00;
	s4 =	sadd.s32 $0x1C00, s5;
	s5 =	smax.u32 s7, $0x1;
	s7 =	simm.s32 $0x800  }
.LBB2_1:
0x9: {  	[tilespmem:s2], [sflag:$0x1] =	stream.linear.gather [hbm4b:s3+s2], $0x800, $0x38;
	[tilespmem:$0x900] =	vst v63  }
0xa: {  	_ =	swait.ge [sflag:s6], $0x800  }
0xb: {  	[sflag:s6] =	ssyncset.done $0x0  }
0xc: {  	[sflag:s6] =	ssyncadd.s32 $0xFFFFF800  }
0xd: {  	v1 =	vld [tilespmem:$0x0]  }
0xe: {  	v2 =	vld [tilespmem:$0x80]  }
0xf: {  	v3 =	vld [tilespmem:$0x100]  }
0x10: {  	v4 =	vld [tilespmem:$0x180]  }
0x11: {  	v5 =	vld [tilespmem:$0x200]  }
0x12: {  	v6 =	vld [tilespmem:$0x280]  }
0x13: {  	v7 =	vld [tilespmem:$0x300];
	v8 =	vmax.f32 v1, v2  }
0x14: {  	v9 =	vld [tilespmem:$0x380];
	v8 =	vmax.f32 v8, v3  }
0x15: {  	v8 =	vmax.f32 v8, v4  }
0x16: {  	v8 =	vmax.f32 v8, v5  }
0x17: {  	v8 =	vmax.f32 v8, v6  }
0x18: {  	v8 =	vmax.f32 v8, v7  }
0x19: {  	v8 =	vmax.f32 v8, v9  }
0x1a: {  	v1 =	vsub.f32 v1, v8;
	_ =	sdelay $0x1  }
0x1b: {  	v2 =	vsub.f32 v2, v8;
	vm0 =	vge.f32 v1, $0.0e+00  }
0x1c: {  	v62 =	vsel vm0, $0x3F800000, v0  }
0x1d: {  	vm9 =	vge.f32 v2, $0.0e+00;
	v11 =	vsub.f32 $1.000000000e+00, v62  }
0x1e: {  	v13 =	vsel vm9, $0x3F800000, v0  }
0x1f: {  	v3 =	vsub.f32 v3, v8;
	v63 =	vmul.f32 v11, v13  }
0x20: {  	v10 =	vmul.f32 $1.442695020e+00, v1  }
0x21: {  	vm10 =	vge.f32 v3, $0.0e+00;
	v11 =	vsub.f32 v11, v63  }
0x22: {  	v12 =	vmul.f32 $1.442695020e+00, v2;
	v19 =	vsel vm10, $0x3F800000, v0;
	(erf) = vpow2.f32 v10  }
0x23: {  	v4 =	vsub.f32 v4, v8;
	v13 =	vmul.f32 v11, v19  }
0x24: {  	v18 =	vmul.f32 $1.442695020e+00, v3;
	(erf) = vpow2.f32 v12  }
0x25: {  	v14 =	vmul.f32 $1.442695020e+00, v4;
	vm11 =	vge.f32 v4, $0.0e+00;
	v11 =	vsub.f32 v11, v13  }
0x26: {  	v5 =	vsub.f32 v5, v8;
	v20 =	vsel vm11, $0x3F800000, v0;
	(erf) = vpow2.f32 v18  }
0x27: {  	v6 =	vsub.f32 v6, v8;
	(erf) = vpow2.f32 v14;
	v14 =	vmul.f32 v11, v20  }
0x28: {  	v7 =	vsub.f32 v7, v8;
	v8 =	vsub.f32 v9, v8;
	v16 =	vmul.f32 $1.442695020e+00, v5  }
0x29: {  	vm12 =	vge.f32 v5, $0.0e+00;
	v12 =	vmul.f32 $1.000000020e+30, v63;
	v11 =	vsub.f32 v11, v14  }
0x2a: {  	vm13 =	vge.f32 v6, $0.0e+00;
	v22 =	vsel vm12, $0x3F800000, v0;
	(erf) = vpow2.f32 v16  }
0x2b: {  	v10 =	vmul.f32 $1.000000020e+30, v62;
	v2 =	vsub.f32 v2, v12;
	v15 =	vpop (erf);
	v12 =	vmul.f32 v11, v22  }
0x2c: {  	v25 =	vmul.f32 $1.442695020e+00, v6;
	v28 =	vmul.f32 $1.442695020e+00, v7;
	v15 =	vadd.f32 $0.0e+00, v15  }
0x2d: {  	v1 =	vsub.f32 v1, v10;
	v24 =	vmul.f32 $1.000000020e+30, v13;
	v21 =	vpop (erf);
	v11 =	vsub.f32 v11, v12  }
0x2e: {  	v29 =	vld [tilespmem:$0x10];
	vm14 =	vge.f32 v7, $0.0e+00;
	v26 =	vsel vm13, $0x3F800000, v0;
	v10 =	vadd.f32 v15, v21  }
0x2f: {  	v30 =	vld [tilespmem:$0x90];
	v1 =	vmax.f32 v1, $-1.000000020e+30;
	v3 =	vsub.f32 v3, v24;
	v23 =	vpop (erf);
	v15 =	vmul.f32 v11, v26  }
0x30: {  	v1 =	vmax.f32 v1, v2;
	(erf) = vpow2.f32 v25;
	v2 =	vadd.f32 v10, v23  }
0x31: {  	v32 =	vld [tilespmem:$0x110];
	v33 =	vmul.f32 $1.442695020e+00, v8;
	vm15 =	vge.f32 v8, $0.0e+00;
	v27 =	vpop (erf);
	v11 =	vsub.f32 v11, v15  }
0x32: {  	v31 =	vsel vm14, $0x3F800000, v0;
	v14 =	vmul.f32 $1.000000020e+30, v14;
	v2 =	vadd.f32 v2, v27  }
0x33: {  	v17 =	vld [tilespmem:$0x190];
	(erf) = vpow2.f32 v28;
	v1 =	vmax.f32 v1, v3;
	v3 =	vpop (erf);
	v10 =	vmul.f32 v11, v31  }
0x34: {  	v34 =	vld [tilespmem:$0x210];
	v18 =	vmax.f32 v29, v30;
	v2 =	vadd.f32 v2, v3;
	v3 =	vmul.f32 $1.000000020e+30, v12  }
0x35: {  	v35 =	vld [tilespmem:$0x290];
	v4 =	vsub.f32 v4, v14;
	(erf) = vpow2.f32 v33;
	v11 =	vsub.f32 v11, v10  }
0x36: {  	v37 =	vld [tilespmem:$0x310];
	v36 =	vsel vm15, $0x3F800000, v0;
	v18 =	vmax.f32 v18, v32;
	v3 =	vsub.f32 v5, v3  }
0x37: {  	v38 =	vld [tilespmem:$0x390];
	v1 =	vmax.f32 v1, v4;
	v15 =	vmul.f32 $1.000000020e+30, v15;
	v5 =	vmul.f32 v11, v36  }
0x38: {  	v39 =	vmax.f32 v18, v17;
	v1 =	vmax.f32 v1, v3;
	v3 =	vmul.f32 $1.000000020e+30, v10  }
0x39: {  	v40 =	vpop (erf);
	v6 =	vsub.f32 v6, v15;
	v10 =	vmax.f32 v39, v34;
	v5 =	vmul.f32 $1.000000020e+30, v5  }
0x3a: {  	v2 =	vadd.f32 v2, v40;
	v41 =	vmax.f32 v10, v35;
	v3 =	vsub.f32 v7, v3  }
0x3b: {  	v1 =	vmax.f32 v1, v6;
	v42 =	vmax.f32 v41, v37;
	v5 =	vsub.f32 v8, v5  }
0x3c: {  	v43 =	vpop (erf);
	v1 =	vmax.f32 v1, v3;
	v3 =	vmax.f32 v42, v38  }
0x3d: {  	v2 =	vadd.f32 v2, v43;
	v44 =	vsub.f32 v29, v3;
	v1 =	vmax.f32 v1, v5  }
0x3e: {  	v45 =	vpop (erf);
	v1 =	vmul.f32 $1.442695020e+00, v1  }
0x3f: {  	v2 =	vadd.f32 v2, v45;
	v46 =	vsub.f32 v30, v3;
	vm4 =	vge.f32 v44, $0.0e+00  }
0x40: {  	v47 =	vsel vm4, $0x3F800000, v0;
	(erf) = vpow2.f32 v1;
	v1 =	vmul.f32 $1.442695020e+00, v44  }
0x41: {  	vm5 =	vge.f32 v46, $0.0e+00;
	(erf) = vrcp.f32 v2;
	v2 =	vsub.f32 $1.000000000e+00, v47  }
0x42: {  	(erf) = vpow2.f32 v1;
	v1 =	vsel vm5, $0x3F800000, v0  }
0x43: {  	v25 =	vld [tilespmem:$0x20];
	v49 =	vsub.f32 v32, v3;
	v48 =	vmul.f32 v2, v1  }
0x44: {  	v27 =	vld [tilespmem:$0xA0];
	v1 =	vmul.f32 $1.442695020e+00, v46  }
0x45: {  	vm6 =	vge.f32 v49, $0.0e+00;
	v50 =	vsub.f32 v2, v48  }
0x46: {  	(erf) = vpow2.f32 v1;
	v1 =	vsel vm6, $0x3F800000, v0  }
0x47: {  	v53 =	vsub.f32 v17, v3;
	v52 =	vmul.f32 v50, v1;
	_ =	sdelay $0x1  }
0x48: {  	v19 =	vmax.f32 v25, v27;
	vm7 =	vge.f32 v53, $0.0e+00;
	v10 =	vsub.f32 v50, v52  }
0x49: {  	v4 =	vsub.f32 v34, v3;
	v51 =	vmul.f32 $1.442695020e+00, v49;
	v54 =	vsel vm7, $0x3F800000, v0  }
0x4a: {  	v12 =	vsub.f32 v35, v3;
	v16 =	vsub.f32 v37, v3;
	v13 =	vmul.f32 v10, v54  }
0x4b: {  	v3 =	vsub.f32 v38, v3;
	v56 =	vmul.f32 $1.442695020e+00, v53;
	(erf) = vpow2.f32 v51  }
0x4c: {  	v30 =	vld [tilespmem:$0x120];
	vm8 =	vge.f32 v4, $0.0e+00;
	v58 =	vmul.f32 $1.442695020e+00, v4;
	v57 =	vsub.f32 v10, v13  }
0x4d: {  	v32 =	vld [tilespmem:$0x1A0];
	v21 =	vmul.f32 $1.442695020e+00, v12;
	v24 =	vmul.f32 $1.442695020e+00, v16;
	v59 =	vsel vm8, $0x3F800000, v0;
	v2 =	vpop (erf)  }
0x4e: {  	v34 =	vld [tilespmem:$0x220];
	vm9 =	vge.f32 v12, $0.0e+00;
	v1 =	vpop (erf);
	(erf) = vpow2.f32 v56;
	v10 =	vmul.f32 v57, v59  }
0x4f: {  	vm10 =	vge.f32 v16, $0.0e+00;
	v29 =	vmul.f32 $1.442695020e+00, v3;
	v55 =	vpop (erf);
	(erf) = vpow2.f32 v58  }
0x50: {  	vm11 =	vge.f32 v3, $0.0e+00;
	v22 =	vsel vm9, $0x3F800000, v0;
	v62 =	vsub.f32 v57, v10  }
0x51: {  	v26 =	vsel vm10, $0x3F800000, v0;
	v7 =	vmul.f32 $1.000000020e+30, v47;
	v19 =	vmax.f32 v19, v30  }
0x52: {  	v35 =	vsel vm11, $0x3F800000, v0;
	v40 =	vmax.f32 v19, v32;
	v23 =	vmul.f32 v62, v22  }
0x53: {  	v5 =	vsub.f32 v44, v7;
	v41 =	vmax.f32 v40, v34;
	v8 =	vmul.f32 $1.000000020e+30, v48;
	v60 =	vpop (erf)  }
0x54: {  	v17 =	vadd.f32 $0.0e+00, v55;
	v63 =	vpop (erf);
	(erf) = vpow2.f32 v21;
	v7 =	vsub.f32 v62, v23  }
0x55: {  	v5 =	vmax.f32 v5, $-1.000000020e+30;
	v6 =	vsub.f32 v46, v8;
	v61 =	vmul.f32 $1.000000020e+30, v52  }
0x56: {  	v17 =	vadd.f32 v17, v60;
	(erf) = vpow2.f32 v24;
	v9 =	vmul.f32 v7, v26  }
0x57: {  	v5 =	vmax.f32 v5, v6;
	v6 =	vsub.f32 v49, v61;
	v13 =	vmul.f32 $1.000000020e+30, v13;
	v28 =	vpop (erf)  }
0x58: {  	v36 =	vld [tilespmem:$0x2A0];
	v8 =	vadd.f32 v17, v63;
	v33 =	vpop (erf);
	(erf) = vpow2.f32 v29;
	v7 =	vsub.f32 v7, v9  }
0x59: {  	v5 =	vmax.f32 v5, v6;
	v13 =	vsub.f32 v53, v13;
	v31 =	vmul.f32 $1.000000020e+30, v10  }
0x5a: {  	v37 =	vld [tilespmem:$0x320];
	v6 =	vadd.f32 v8, v28;
	v17 =	vmul.f32 $1.000000020e+30, v23;
	v7 =	vmul.f32 v7, v35  }
0x5b: {  	v39 =	vld [tilespmem:$0x3A0];
	v5 =	vmax.f32 v5, v13;
	v4 =	vsub.f32 v4, v31;
	v38 =	vmul.f32 $1.000000020e+30, v9  }
0x5c: {  	v6 =	vadd.f32 v6, v33;
	v12 =	vsub.f32 v12, v17;
	v7 =	vmul.f32 $1.000000020e+30, v7  }
0x5d: {  	v42 =	vmax.f32 v41, v36;
	v4 =	vmax.f32 v5, v4;
	v20 =	vpop (erf);
	v5 =	vsub.f32 v16, v38  }
0x5e: {  	v6 =	vadd.f32 v6, v20;
	v4 =	vmax.f32 v4, v12;
	v3 =	vsub.f32 v3, v7  }
0x5f: {  	v44 =	vmax.f32 v42, v37;
	v43 =	vpop (erf);
	v4 =	vmax.f32 v4, v5  }
0x60: {  	v6 =	vadd.f32 v6, v43;
	v5 =	vmax.f32 v44, v39;
	v3 =	vmax.f32 v4, v3  }
0x61: {  	v45 =	vpop (erf);
	v46 =	vsub.f32 v25, v5;
	v3 =	vmul.f32 $1.442695020e+00, v3  }
0x62: {  	v47 =	vsub.f32 v27, v5;
	v4 =	vadd.f32 v6, v45  }
0x63: {  	vm12 =	vge.f32 v46, $0.0e+00;
	(erf) = vpow2.f32 v3;
	v3 =	vmul.f32 $1.442695020e+00, v46  }
0x64: {  	v48 =	vsel vm12, $0x3F800000, v0;
	(erf) = vrcp.f32 v4  }
0x65: {  	vm13 =	vge.f32 v47, $0.0e+00;
	(erf) = vpow2.f32 v3;
	v3 =	vsub.f32 $1.000000000e+00, v48  }
0x66: {  	v50 =	vsel vm13, $0x3F800000, v0  }
0x67: {  	v51 =	vsub.f32 v30, v5;
	v12 =	vmul.f32 v3, v50;
	_ =	sdelay $0x1  }
0x68: {  	vm14 =	vge.f32 v51, $0.0e+00;
	v53 =	vsub.f32 v3, v12  }
0x69: {  	v10 =	vsub.f32 v32, v5;
	v49 =	vmul.f32 $1.442695020e+00, v47;
	v3 =	vsel vm14, $0x3F800000, v0  }
0x6a: {  	v52 =	vmul.f32 $1.442695020e+00, v51;
	v54 =	vmul.f32 v53, v3  }
0x6b: {  	v55 =	vmul.f32 $1.442695020e+00, v10;
	(erf) = vpow2.f32 v49;
	v4 =	vpop (erf)  }
0x6c: {  	vm15 =	vge.f32 v10, $0.0e+00;
	(erf) = vpow2.f32 v52;
	v3 =	vpop (erf);
	v16 =	vsub.f32 v53, v54  }
0x6d: {  	v15 =	vsub.f32 v34, v5;
	v57 =	vsel vm15, $0x3F800000, v0;
	v56 =	vpop (erf);
	(erf) = vpow2.f32 v55  }
0x6e: {  	v13 =	vsub.f32 v36, v5;
	v18 =	vmul.f32 v16, v57  }
0x6f: {  	v8 =	vsub.f32 v37, v5;
	v5 =	vsub.f32 v39, v5;
	v59 =	vmul.f32 $1.442695020e+00, v15  }
0x70: {  	vm4 =	vge.f32 v15, $0.0e+00;
	v12 =	vmul.f32 $1.000000020e+30, v12;
	v16 =	vsub.f32 v16, v18  }
0x71: {  	vm5 =	vge.f32 v13, $0.0e+00;
	v21 =	vmul.f32 $1.442695020e+00, v13;
	v60 =	vsel vm4, $0x3F800000, v0  }
0x72: {  	v11 =	vmul.f32 $1.000000020e+30, v48;
	v6 =	vsub.f32 v47, v12;
	v12 =	vmul.f32 v16, v60  }
0x73: {  	v26 =	vld [tilespmem:$0xB0];
	v24 =	vmul.f32 $1.442695020e+00, v8;
	vm6 =	vge.f32 v8, $0.0e+00;
	v19 =	vadd.f32 $0.0e+00, v56  }
0x74: {  	v25 =	vld [tilespmem:$0x30];
	v22 =	vsel vm5, $0x3F800000, v0;
	v7 =	vsub.f32 v46, v11;
	v58 =	vpop (erf);
	v16 =	vsub.f32 v16, v12  }
0x75: {  	v28 =	vld [tilespmem:$0x130];
	v63 =	vmul.f32 $1.000000020e+30, v54;
	(erf) = vpow2.f32 v59;
	v61 =	vpop (erf);
	v11 =	vadd.f32 v19, v58  }
0x76: {  	v27 =	vsel vm6, $0x3F800000, v0;
	v23 =	vpop (erf);
	v19 =	vmul.f32 v16, v22;
	(erf) = vpow2.f32 v21;
	v21 =	vld [tilespmem:$0x1B0]  }
0x77: {  	v32 =	vld [tilespmem:$0x230];
	v7 =	vmax.f32 v7, $-1.000000020e+30;
	v18 =	vmul.f32 $1.000000020e+30, v18;
	v62 =	vadd.f32 v11, v61  }
0x78: {  	v34 =	vld [tilespmem:$0x2B0];
	v6 =	vmax.f32 v7, v6;
	v11 =	vsub.f32 v51, v63;
	v16 =	vsub.f32 v16, v19  }
0x79: {  	v36 =	vld [tilespmem:$0x330];
	v10 =	vsub.f32 v10, v18;
	v31 =	vmul.f32 $1.000000020e+30, v12;
	v22 =	vmax.f32 v25, v26  }
0x7a: {  	v37 =	vld [tilespmem:$0x3B0];
	v6 =	vmax.f32 v6, v11;
	v22 =	vmax.f32 v22, v28;
	v14 =	vmul.f32 v16, v27  }
0x7b: {  	v6 =	vmax.f32 v6, v10;
	v10 =	vsub.f32 v15, v31;
	v39 =	vmax.f32 v22, v21  }
0x7c: {  	v33 =	vsub.f32 v16, v14;
	v38 =	vmul.f32 $1.000000020e+30, v14;
	v14 =	vmax.f32 v39, v32  }
0x7d: {  	(erf) = vpow2.f32 v24;
	v41 =	vmax.f32 v14, v34  }
0x7e: {  	v30 =	vmul.f32 $1.442695020e+00, v5;
	v6 =	vmax.f32 v6, v10;
	v10 =	vmax.f32 v41, v36  }
0x7f: {  	v19 =	vmul.f32 $1.000000020e+30, v19;
	v43 =	vmax.f32 v10, v37  }
0x80: {  	vm7 =	vge.f32 v5, $0.0e+00;
	(erf) = vpow2.f32 v30;
	v10 =	vsub.f32 v25, v43  }
0x81: {  	v35 =	vsel vm7, $0x3F800000, v0;
	v7 =	vadd.f32 v62, v23;
	v13 =	vsub.f32 v13, v19  }
0x82: {  	v29 =	vpop (erf);
	v12 =	vmul.f32 v33, v35;
	v45 =	vsub.f32 v26, v43;
	vm8 =	vge.f32 v10, $0.0e+00  }
0x83: {  	v7 =	vadd.f32 v7, v29;
	v6 =	vmax.f32 v6, v13;
	v47 =	vsel vm8, $0x3F800000, v0  }
0x84: {  	v40 =	vpop (erf);
	v12 =	vmul.f32 $1.000000020e+30, v12;
	vm9 =	vge.f32 v45, $0.0e+00;
	v48 =	vsub.f32 $1.000000000e+00, v47  }
0x85: {  	v8 =	vsub.f32 v8, v38;
	v7 =	vadd.f32 v7, v40;
	v49 =	vsel vm9, $0x3F800000, v0  }
0x86: {  	v42 =	vpop (erf);
	v51 =	vsub.f32 v28, v43;
	v5 =	vsub.f32 v5, v12;
	v50 =	vmul.f32 v48, v49  }
0x87: {  	v6 =	vmax.f32 v6, v8;
	v7 =	vadd.f32 v7, v42  }
0x88: {  	vm10 =	vge.f32 v51, $0.0e+00;
	v5 =	vmax.f32 v6, v5;
	v53 =	vsub.f32 v48, v50  }
0x89: {  	v57 =	vsub.f32 v21, v43;
	v44 =	vpop (erf);
	v54 =	vsel vm10, $0x3F800000, v0;
	v5 =	vmul.f32 $1.442695020e+00, v5  }
0x8a: {  	v46 =	vmul.f32 $1.442695020e+00, v10;
	v6 =	vadd.f32 v7, v44;
	v56 =	vmul.f32 v53, v54  }
0x8b: {  	v52 =	vmul.f32 $1.442695020e+00, v45;
	(erf) = vpow2.f32 v5  }
0x8c: {  	vm11 =	vge.f32 v57, $0.0e+00;
	(erf) = vrcp.f32 v6;
	v14 =	vsub.f32 v53, v56  }
0x8d: {  	v58 =	vsel vm11, $0x3F800000, v0;
	(erf) = vpow2.f32 v46  }
0x8e: {  	v11 =	vsub.f32 v32, v43;
	(erf) = vpow2.f32 v52;
	v17 =	vmul.f32 v14, v58;
	_ =	sdelay $0x1  }
0x8f: {  	v55 =	vmul.f32 $1.442695020e+00, v51;
	vm12 =	vge.f32 v11, $0.0e+00;
	v61 =	vsub.f32 v14, v17  }
0x90: {  	v16 =	vsub.f32 v34, v43;
	v20 =	vsub.f32 v36, v43;
	v32 =	vld [tilespmem:$0x40];
	v63 =	vsel vm12, $0x3F800000, v0  }
0x91: {  	v8 =	vsub.f32 v37, v43;
	v34 =	vld [tilespmem:$0xC0];
	(erf) = vpow2.f32 v55;
	v14 =	vmul.f32 v61, v63  }
0x92: {  	v37 =	vld [tilespmem:$0x140];
	v60 =	vmul.f32 $1.442695020e+00, v57;
	v62 =	vmul.f32 $1.442695020e+00, v11;
	vm13 =	vge.f32 v16, $0.0e+00  }
0x93: {  	v39 =	vld [tilespmem:$0x1C0];
	v28 =	vmul.f32 $1.442695020e+00, v16;
	v31 =	vmul.f32 $1.442695020e+00, v20;
	v6 =	vpop (erf);
	v26 =	vsub.f32 v61, v14  }
0x94: {  	v36 =	vmul.f32 $1.442695020e+00, v8;
	v29 =	vsel vm13, $0x3F800000, v0;
	v9 =	vmul.f32 $1.000000020e+30, v47;
	v5 =	vpop (erf)  }
0x95: {  	v41 =	vld [tilespmem:$0x240];
	vm14 =	vge.f32 v20, $0.0e+00;
	(erf) = vpow2.f32 v60;
	v59 =	vpop (erf);
	v30 =	vmul.f32 v26, v29  }
0x96: {  	v43 =	vld [tilespmem:$0x2C0];
	vm15 =	vge.f32 v8, $0.0e+00;
	v23 =	vmax.f32 v32, v34;
	v24 =	vpop (erf);
	(erf) = vpow2.f32 v62  }
0x97: {  	v9 =	vsub.f32 v10, v9;
	v23 =	vmax.f32 v23, v37;
	v10 =	vsub.f32 v26, v30  }
0x98: {  	v33 =	vsel vm14, $0x3F800000, v0;
	v42 =	vsel vm15, $0x3F800000, v0;
	v47 =	vmax.f32 v23, v39  }
0x99: {  	v12 =	vmul.f32 $1.000000020e+30, v50;
	v9 =	vmax.f32 v9, $-1.000000020e+30;
	v13 =	vmul.f32 v10, v33  }
0x9a: {  	v48 =	vmax.f32 v47, v41;
	v21 =	vadd.f32 $0.0e+00, v59;
	v27 =	vpop (erf);
	(erf) = vpow2.f32 v28  }
0x9b: {  	v49 =	vmax.f32 v48, v43;
	v7 =	vsub.f32 v45, v12;
	v10 =	vsub.f32 v10, v13  }
0x9c: {  	v44 =	vld [tilespmem:$0x340];
	v25 =	vmul.f32 $1.000000020e+30, v56;
	v21 =	vadd.f32 v21, v24;
	(erf) = vpow2.f32 v31  }
0x9d: {  	v46 =	vld [tilespmem:$0x3C0];
	v7 =	vmax.f32 v9, v7;
	v17 =	vmul.f32 $1.000000020e+30, v17;
	v10 =	vmul.f32 v10, v42  }
0x9e: {  	v9 =	vsub.f32 v51, v25;
	v38 =	vmul.f32 $1.000000020e+30, v14;
	v12 =	vadd.f32 v21, v27;
	v35 =	vpop (erf)  }
0x9f: {  	v17 =	vsub.f32 v57, v17;
	v40 =	vpop (erf);
	(erf) = vpow2.f32 v36;
	v10 =	vmul.f32 $1.000000020e+30, v10  }
0xa0: {  	v7 =	vmax.f32 v7, v9;
	v11 =	vsub.f32 v11, v38;
	v9 =	vadd.f32 v12, v35  }
0xa1: {  	v21 =	vmul.f32 $1.000000020e+30, v30;
	v8 =	vsub.f32 v8, v10;
	v10 =	vmax.f32 v49, v44  }
0xa2: {  	v45 =	vmul.f32 $1.000000020e+30, v13;
	v9 =	vadd.f32 v9, v40;
	v10 =	vmax.f32 v10, v46  }
0xa3: {  	v7 =	vmax.f32 v7, v17;
	v16 =	vsub.f32 v16, v21;
	v24 =	vpop (erf);
	v52 =	vsub.f32 v32, v10  }
0xa4: {  	v7 =	vmax.f32 v7, v11;
	v11 =	vsub.f32 v20, v45;
	v9 =	vadd.f32 v9, v24  }
0xa5: {  	v7 =	vmax.f32 v7, v16;
	v50 =	vpop (erf);
	v54 =	vsub.f32 v34, v10;
	vm4 =	vge.f32 v52, $0.0e+00  }
0xa6: {  	v7 =	vmax.f32 v7, v11;
	v9 =	vadd.f32 v9, v50;
	v55 =	vsel vm4, $0x3F800000, v0  }
0xa7: {  	v7 =	vmax.f32 v7, v8;
	vm5 =	vge.f32 v54, $0.0e+00;
	v56 =	vsub.f32 $1.000000000e+00, v55  }
0xa8: {  	v51 =	vpop (erf);
	v7 =	vmul.f32 $1.442695020e+00, v7;
	v58 =	vsel vm5, $0x3F800000, v0  }
0xa9: {  	v59 =	vsub.f32 v37, v10;
	v8 =	vadd.f32 v9, v51;
	v16 =	vmul.f32 v56, v58  }
0xaa: {  	v53 =	vmul.f32 $1.442695020e+00, v52;
	(erf) = vpow2.f32 v7  }
0xab: {  	vm6 =	vge.f32 v59, $0.0e+00;
	(erf) = vrcp.f32 v8;
	v61 =	vsub.f32 v56, v16  }
0xac: {  	v57 =	vmul.f32 $1.442695020e+00, v54;
	v62 =	vsel vm6, $0x3F800000, v0;
	(erf) = vpow2.f32 v53  }
0xad: {  	v14 =	vsub.f32 v39, v10;
	v63 =	vmul.f32 v61, v62  }
0xae: {  	v60 =	vmul.f32 $1.442695020e+00, v59;
	(erf) = vpow2.f32 v57  }
0xaf: {  	v19 =	vsub.f32 v41, v10;
	vm7 =	vge.f32 v14, $0.0e+00;
	v20 =	vsub.f32 v61, v63  }
0xb0: {  	v17 =	vsub.f32 v43, v10;
	v27 =	vsel vm7, $0x3F800000, v0;
	(erf) = vpow2.f32 v60  }
0xb1: {  	v12 =	vsub.f32 v44, v10;
	v10 =	vsub.f32 v46, v10;
	v22 =	vmul.f32 v20, v27  }
0xb2: {  	v25 =	vmul.f32 $1.442695020e+00, v14;
	v29 =	vmul.f32 $1.442695020e+00, v19;
	vm8 =	vge.f32 v19, $0.0e+00  }
0xb3: {  	vm9 =	vge.f32 v17, $0.0e+00;
	v16 =	vmul.f32 $1.000000020e+30, v16;
	v8 =	vpop (erf);
	v20 =	vsub.f32 v20, v22  }
0xb4: {  	v34 =	vmul.f32 $1.442695020e+00, v17;
	v30 =	vsel vm8, $0x3F800000, v0;
	v15 =	vmul.f32 $1.000000020e+30, v55;
	v7 =	vpop (erf)  }
0xb5: {  	v38 =	vld [tilespmem:$0x50];
	v9 =	vsub.f32 v54, v16;
	v26 =	vpop (erf);
	(erf) = vpow2.f32 v25;
	v16 =	vmul.f32 v20, v30  }
0xb6: {  	v39 =	vld [tilespmem:$0xD0];
	v37 =	vmul.f32 $1.442695020e+00, v12;
	v11 =	vsub.f32 v52, v15;
	v23 =	vadd.f32 $0.0e+00, v26  }
0xb7: {  	v41 =	vld [tilespmem:$0x150];
	vm10 =	vge.f32 v12, $0.0e+00;
	v35 =	vsel vm9, $0x3F800000, v0;
	v28 =	vpop (erf);
	v20 =	vsub.f32 v20, v16  }
0xb8: {  	v40 =	vsel vm10, $0x3F800000, v0;
	v11 =	vmax.f32 v11, $-1.000000020e+30;
	v25 =	vld [tilespmem:$0x1D0];
	v15 =	vadd.f32 v23, v28  }
0xb9: {  	v9 =	vmax.f32 v11, v9;
	v33 =	vmul.f32 $1.000000020e+30, v63;
	v31 =	vpop (erf);
	v23 =	vmul.f32 v20, v35  }
0xba: {  	v45 =	vld [tilespmem:$0x250];
	(erf) = vpow2.f32 v29;
	v22 =	vmul.f32 $1.000000020e+30, v22;
	v32 =	vadd.f32 v15, v31  }
0xbb: {  	v47 =	vld [tilespmem:$0x2D0];
	v26 =	vmax.f32 v38, v39;
	v15 =	vsub.f32 v59, v33;
	v20 =	vsub.f32 v20, v23  }
0xbc: {  	v49 =	vld [tilespmem:$0x350];
	v26 =	vmax.f32 v26, v41;
	v14 =	vsub.f32 v14, v22;
	v44 =	vmul.f32 $1.000000020e+30, v16  }
0xbd: {  	v50 =	vld [tilespmem:$0x3D0];
	v52 =	vmax.f32 v26, v25;
	v9 =	vmax.f32 v9, v15;
	v18 =	vmul.f32 v20, v40  }
0xbe: {  	v9 =	vmax.f32 v9, v14;
	v14 =	vsub.f32 v19, v44;
	v36 =	vpop (erf);
	(erf) = vpow2.f32 v34  }
0xbf: {  	v46 =	vsub.f32 v20, v18;
	v51 =	vmul.f32 $1.000000020e+30, v18;
	v18 =	vmax.f32 v52, v45  }
0xc0: {  	v43 =	vmul.f32 $1.442695020e+00, v10;
	v54 =	vmax.f32 v18, v47  }
0xc1: {  	(erf) = vpow2.f32 v37;
	v9 =	vmax.f32 v9, v14;
	v14 =	vmax.f32 v54, v49  }
0xc2: {  	v23 =	vmul.f32 $1.000000020e+30, v23;
	v56 =	vmax.f32 v14, v50  }
0xc3: {  	vm11 =	vge.f32 v10, $0.0e+00;
	(erf) = vpow2.f32 v43;
	v14 =	vsub.f32 v38, v56  }
0xc4: {  	v48 =	vsel vm11, $0x3F800000, v0;
	v11 =	vadd.f32 v32, v36;
	v17 =	vsub.f32 v17, v23  }
0xc5: {  	v42 =	vpop (erf);
	v16 =	vmul.f32 v46, v48;
	v58 =	vsub.f32 v39, v56;
	vm12 =	vge.f32 v14, $0.0e+00  }
0xc6: {  	v11 =	vadd.f32 v11, v42;
	v9 =	vmax.f32 v9, v17;
	v60 =	vsel vm12, $0x3F800000, v0  }
0xc7: {  	v16 =	vmul.f32 $1.000000020e+30, v16;
	vm13 =	vge.f32 v58, $0.0e+00;
	v61 =	vsub.f32 $1.000000000e+00, v60  }
0xc8: {  	v12 =	vsub.f32 v12, v51;
	v53 =	vpop (erf);
	v28 =	vsub.f32 v41, v56;
	v62 =	vsel vm13, $0x3F800000, v0  }
0xc9: {  	v11 =	vadd.f32 v11, v53;
	v10 =	vsub.f32 v10, v16;
	v63 =	vmul.f32 v61, v62  }
0xca: {  	v9 =	vmax.f32 v9, v12;
	v55 =	vpop (erf);
	vm14 =	vge.f32 v28, $0.0e+00  }
0xcb: {  	v11 =	vadd.f32 v11, v55;
	v9 =	vmax.f32 v9, v10;
	v30 =	vsub.f32 v61, v63  }
0xcc: {  	v34 =	vsub.f32 v25, v56;
	v57 =	vpop (erf);
	v31 =	vsel vm14, $0x3F800000, v0;
	v9 =	vmul.f32 $1.442695020e+00, v9  }
0xcd: {  	v59 =	vmul.f32 $1.442695020e+00, v14;
	v10 =	vadd.f32 v11, v57;
	v33 =	vmul.f32 v30, v31  }
0xce: {  	v29 =	vmul.f32 $1.442695020e+00, v58;
	(erf) = vpow2.f32 v9  }
0xcf: {  	vm15 =	vge.f32 v34, $0.0e+00;
	(erf) = vrcp.f32 v10;
	v18 =	vsub.f32 v30, v33  }
0xd0: {  	v35 =	vsel vm15, $0x3F800000, v0;
	(erf) = vpow2.f32 v59  }
0xd1: {  	v15 =	vsub.f32 v45, v56;
	(erf) = vpow2.f32 v29;
	v21 =	vmul.f32 v18, v35;
	_ =	sdelay $0x1  }
0xd2: {  	v32 =	vmul.f32 $1.442695020e+00, v28;
	vm4 =	vge.f32 v15, $0.0e+00;
	v38 =	vsub.f32 v18, v21  }
0xd3: {  	v20 =	vsub.f32 v47, v56;
	v24 =	vsub.f32 v49, v56;
	v40 =	vsel vm4, $0x3F800000, v0  }
0xd4: {  	v51 =	vld [tilespmem:$0xE0];
	v12 =	vsub.f32 v50, v56;
	(erf) = vpow2.f32 v32;
	v18 =	vmul.f32 v38, v40  }
0xd5: {  	v49 =	vld [tilespmem:$0x60];
	v37 =	vmul.f32 $1.442695020e+00, v34;
	v39 =	vmul.f32 $1.442695020e+00, v15;
	vm5 =	vge.f32 v20, $0.0e+00  }
0xd6: {  	v54 =	vld [tilespmem:$0x160];
	v45 =	vmul.f32 $1.442695020e+00, v20;
	v48 =	vmul.f32 $1.442695020e+00, v24;
	v10 =	vpop (erf);
	v43 =	vsub.f32 v38, v18  }
0xd7: {  	v53 =	vmul.f32 $1.442695020e+00, v12;
	v46 =	vsel vm5, $0x3F800000, v0;
	v13 =	vmul.f32 $1.000000020e+30, v60;
	v9 =	vpop (erf)  }
0xd8: {  	vm6 =	vge.f32 v24, $0.0e+00;
	(erf) = vpow2.f32 v37;
	v36 =	vpop (erf);
	v47 =	vmul.f32 v43, v46  }
0xd9: {  	v56 =	vld [tilespmem:$0x1E0];
	vm7 =	vge.f32 v12, $0.0e+00;
	v16 =	vmul.f32 $1.000000020e+30, v63;
	v41 =	vpop (erf);
	(erf) = vpow2.f32 v39  }
0xda: {  	v27 =	vmax.f32 v49, v51;
	v13 =	vsub.f32 v14, v13;
	v14 =	vsub.f32 v43, v47  }
0xdb: {  	v50 =	vsel vm6, $0x3F800000, v0;
	v27 =	vmax.f32 v27, v54;
	v11 =	vsub.f32 v58, v16;
	v58 =	vld [tilespmem:$0x260]  }
0xdc: {  	v13 =	vmax.f32 v13, $-1.000000020e+30;
	v59 =	vsel vm7, $0x3F800000, v0;
	v17 =	vmul.f32 v14, v50  }
0xdd: {  	v42 =	vmul.f32 $1.000000020e+30, v33;
	v25 =	vadd.f32 $0.0e+00, v36;
	v44 =	vpop (erf);
	(erf) = vpow2.f32 v45  }
0xde: {  	v60 =	vld [tilespmem:$0x2E0];
	v11 =	vmax.f32 v13, v11;
	v30 =	vmax.f32 v27, v56;
	v14 =	vsub.f32 v14, v17  }
0xdf: {  	v61 =	vld [tilespmem:$0x360];
	v13 =	vsub.f32 v28, v42;
	v25 =	vadd.f32 v25, v41;
	(erf) = vpow2.f32 v48  }
0xe0: {  	v63 =	vld [tilespmem:$0x3E0];
	v31 =	vmax.f32 v30, v58;
	v21 =	vmul.f32 $1.000000020e+30, v21;
	v14 =	vmul.f32 v14, v59  }
0xe1: {  	v11 =	vmax.f32 v11, v13;
	v55 =	vmul.f32 $1.000000020e+30, v18;
	v16 =	vadd.f32 v25, v44;
	v52 =	vpop (erf)  }
0xe2: {  	v21 =	vsub.f32 v34, v21;
	v57 =	vpop (erf);
	(erf) = vpow2.f32 v53;
	v14 =	vmul.f32 $1.000000020e+30, v14  }
0xe3: {  	v32 =	vmax.f32 v31, v60;
	v15 =	vsub.f32 v15, v55;
	v13 =	vadd.f32 v16, v52  }
0xe4: {  	v25 =	vmul.f32 $1.000000020e+30, v47;
	v12 =	vsub.f32 v12, v14;
	v14 =	vmax.f32 v32, v61  }
0xe5: {  	v62 =	vmul.f32 $1.000000020e+30, v17;
	v13 =	vadd.f32 v13, v57;
	v14 =	vmax.f32 v14, v63  }
0xe6: {  	v11 =	vmax.f32 v11, v21;
	v20 =	vsub.f32 v20, v25;
	v28 =	vpop (erf);
	v35 =	vsub.f32 v49, v14  }
0xe7: {  	v11 =	vmax.f32 v11, v15;
	v15 =	vsub.f32 v24, v62;
	v13 =	vadd.f32 v13, v28  }
0xe8: {  	v11 =	vmax.f32 v11, v20;
	v33 =	vpop (erf);
	v37 =	vsub.f32 v51, v14;
	vm8 =	vge.f32 v35, $0.0e+00  }
0xe9: {  	v11 =	vmax.f32 v11, v15;
	v13 =	vadd.f32 v13, v33;
	v38 =	vsel vm8, $0x3F800000, v0  }
0xea: {  	v11 =	vmax.f32 v11, v12;
	vm9 =	vge.f32 v37, $0.0e+00;
	v39 =	vsub.f32 $1.000000000e+00, v38  }
0xeb: {  	v34 =	vpop (erf);
	v11 =	vmul.f32 $1.442695020e+00, v11;
	v41 =	vsel vm9, $0x3F800000, v0  }
0xec: {  	v42 =	vsub.f32 v54, v14;
	v12 =	vadd.f32 v13, v34;
	v20 =	vmul.f32 v39, v41  }
0xed: {  	v36 =	vmul.f32 $1.442695020e+00, v35;
	(erf) = vpow2.f32 v11  }
0xee: {  	vm10 =	vge.f32 v42, $0.0e+00;
	(erf) = vrcp.f32 v12;
	v44 =	vsub.f32 v39, v20  }
0xef: {  	v40 =	vmul.f32 $1.442695020e+00, v37;
	v45 =	vsel vm10, $0x3F800000, v0;
	(erf) = vpow2.f32 v36  }
0xf0: {  	v18 =	vsub.f32 v56, v14;
	v46 =	vmul.f32 v44, v45  }
0xf1: {  	v43 =	vmul.f32 $1.442695020e+00, v42;
	(erf) = vpow2.f32 v40  }
0xf2: {  	v23 =	vsub.f32 v58, v14;
	vm11 =	vge.f32 v18, $0.0e+00;
	v24 =	vsub.f32 v44, v46  }
0xf3: {  	v21 =	vsub.f32 v60, v14;
	v49 =	vsel vm11, $0x3F800000, v0;
	(erf) = vpow2.f32 v43  }
0xf4: {  	v16 =	vsub.f32 v61, v14;
	v60 =	vld [tilespmem:$0x70];
	v14 =	vsub.f32 v63, v14;
	v26 =	vmul.f32 v24, v49  }
0xf5: {  	v61 =	vld [tilespmem:$0xF0];
	v47 =	vmul.f32 $1.442695020e+00, v18;
	v51 =	vmul.f32 $1.442695020e+00, v23;
	vm12 =	vge.f32 v23, $0.0e+00  }
0xf6: {  	vm13 =	vge.f32 v21, $0.0e+00;
	v20 =	vmul.f32 $1.000000020e+30, v20;
	v12 =	vpop (erf);
	v24 =	vsub.f32 v24, v26  }
0xf7: {  	v56 =	vmul.f32 $1.442695020e+00, v21;
	v52 =	vsel vm12, $0x3F800000, v0;
	v19 =	vmul.f32 $1.000000020e+30, v38;
	v11 =	vpop (erf)  }
0xf8: {  	v13 =	vsub.f32 v37, v20;
	v48 =	vpop (erf);
	(erf) = vpow2.f32 v47;
	v20 =	vmul.f32 v24, v52  }
0xf9: {  	vm14 =	vge.f32 v16, $0.0e+00;
	v15 =	vsub.f32 v35, v19;
	v27 =	vadd.f32 $0.0e+00, v48  }
0xfa: {  	v63 =	vld [tilespmem:$0x170];
	v57 =	vsel vm13, $0x3F800000, v0;
	v30 =	vmax.f32 v60, v61;
	v50 =	vpop (erf);
	v24 =	vsub.f32 v24, v20  }
0xfb: {  	v15 =	vmax.f32 v15, $-1.000000020e+30;
	v55 =	vmul.f32 $1.000000020e+30, v46;
	v19 =	vadd.f32 v27, v50  }
0xfc: {  	v29 =	vld [tilespmem:$0x1F0];
	v13 =	vmax.f32 v15, v13;
	v53 =	vpop (erf);
	v26 =	vmul.f32 $1.000000020e+30, v26;
	v27 =	vmul.f32 v24, v57  }
0xfd: {  	v35 =	vld [tilespmem:$0x270];
	(erf) = vpow2.f32 v51;
	v54 =	vadd.f32 v19, v53;
	v19 =	vsub.f32 v42, v55  }
0xfe: {  	v37 =	vld [tilespmem:$0x2F0];
	v18 =	vsub.f32 v18, v26;
	v34 =	vmul.f32 $1.000000020e+30, v20;
	v24 =	vsub.f32 v24, v27  }
0xff: {  	v28 =	vld [tilespmem:$0x370];
	v62 =	vsel vm14, $0x3F800000, v0;
	v30 =	vmax.f32 v30, v63;
	v13 =	vmax.f32 v13, v19  }
0x100: {  	v13 =	vmax.f32 v13, v18;
	v18 =	vsub.f32 v23, v34;
	v23 =	vld [tilespmem:$0x3F0];
	v22 =	vmul.f32 v24, v62  }
0x101: {  	v59 =	vmul.f32 $1.442695020e+00, v16;
	v40 =	vmax.f32 v30, v29;
	v58 =	vpop (erf);
	(erf) = vpow2.f32 v56  }
0x102: {  	v36 =	vsub.f32 v24, v22;
	v39 =	vmul.f32 $1.000000020e+30, v22;
	v22 =	vmax.f32 v40, v35  }
0x103: {  	v33 =	vmul.f32 $1.442695020e+00, v14;
	(erf) = vpow2.f32 v59;
	v42 =	vmax.f32 v22, v37  }
0x104: {  	vm15 =	vge.f32 v14, $0.0e+00;
	v13 =	vmax.f32 v13, v18;
	v18 =	vmax.f32 v42, v28  }
0x105: {  	v27 =	vmul.f32 $1.000000020e+30, v27;
	(erf) = vpow2.f32 v33;
	v44 =	vmax.f32 v18, v23  }
0x106: {  	v38 =	vsel vm15, $0x3F800000, v0;
	v15 =	vadd.f32 v54, v58;
	v18 =	vsub.f32 v60, v44  }
0x107: {  	v32 =	vpop (erf);
	v21 =	vsub.f32 v21, v27;
	v20 =	vmul.f32 v36, v38  }
0x108: {  	v15 =	vadd.f32 v15, v32;
	v46 =	vsub.f32 v61, v44;
	vm4 =	vge.f32 v18, $0.0e+00  }
0x109: {  	v13 =	vmax.f32 v13, v21;
	v20 =	vmul.f32 $1.000000020e+30, v20;
	v48 =	vsel vm4, $0x3F800000, v0  }
0x10a: {  	v16 =	vsub.f32 v16, v39;
	v41 =	vpop (erf);
	vm5 =	vge.f32 v46, $0.0e+00;
	v49 =	vsub.f32 $1.000000000e+00, v48  }
0x10b: {  	v15 =	vadd.f32 v15, v41;
	v14 =	vsub.f32 v14, v20;
	v50 =	vsel vm5, $0x3F800000, v0  }
0x10c: {  	v13 =	vmax.f32 v13, v16;
	v52 =	vsub.f32 v63, v44;
	v43 =	vpop (erf);
	v51 =	vmul.f32 v49, v50  }
0x10d: {  	v15 =	vadd.f32 v15, v43;
	v13 =	vmax.f32 v13, v14  }
0x10e: {  	v45 =	vpop (erf);
	vm6 =	vge.f32 v52, $0.0e+00;
	v13 =	vmul.f32 $1.442695020e+00, v13;
	v54 =	vsub.f32 v49, v51  }
0x10f: {  	v47 =	vmul.f32 $1.442695020e+00, v18;
	v55 =	vsel vm6, $0x3F800000, v0;
	v14 =	vadd.f32 v15, v45  }
0x110: {  	v58 =	vsub.f32 v29, v44;
	(erf) = vpow2.f32 v13;
	v57 =	vmul.f32 v54, v55  }
0x111: {  	v53 =	vmul.f32 $1.442695020e+00, v46;
	(erf) = vrcp.f32 v14  }
0x112: {  	vm7 =	vge.f32 v58, $0.0e+00;
	(erf) = vpow2.f32 v47;
	v22 =	vsub.f32 v54, v57  }
0x113: {  	v59 =	vsel vm7, $0x3F800000, v0;
	(erf) = vpow2.f32 v53  }
0x114: {  	v19 =	vsub.f32 v35, v44;
	v25 =	vmul.f32 v22, v59  }
0x115: {  	v24 =	vsub.f32 v37, v44;
	v28 =	vsub.f32 v28, v44  }
0x116: {  	v56 =	vmul.f32 $1.442695020e+00, v52;
	vm8 =	vge.f32 v19, $0.0e+00;
	v62 =	vsub.f32 v22, v25  }
0x117: {  	v61 =	vmul.f32 $1.442695020e+00, v58;
	v63 =	vmul.f32 $1.442695020e+00, v19;
	v33 =	vsel vm8, $0x3F800000, v0  }
0x118: {  	v16 =	vsub.f32 v23, v44;
	(erf) = vpow2.f32 v56;
	v22 =	vmul.f32 v62, v33  }
0x119: {  	v42 =	vld [tilespmem:$0x400];
	vm9 =	vge.f32 v24, $0.0e+00;
	v38 =	vmul.f32 $1.442695020e+00, v24;
	v41 =	vmul.f32 $1.442695020e+00, v28;
	v14 =	vpop (erf)  }
0x11a: {  	v44 =	vld [tilespmem:$0x480];
	vm10 =	vge.f32 v28, $0.0e+00;
	v17 =	vmul.f32 $1.000000020e+30, v48;
	v13 =	vpop (erf);
	v36 =	vsub.f32 v62, v22  }
0x11b: {  	v39 =	vsel vm9, $0x3F800000, v0;
	v20 =	vmul.f32 $1.000000020e+30, v51;
	(erf) = vpow2.f32 v61;
	v60 =	vpop (erf)  }
0x11c: {  	v17 =	vsub.f32 v18, v17;
	v47 =	vld [tilespmem:$0x500];
	v34 =	vpop (erf);
	(erf) = vpow2.f32 v63;
	v40 =	vmul.f32 v36, v39  }
0x11d: {  	vm11 =	vge.f32 v16, $0.0e+00;
	v43 =	vsel vm10, $0x3F800000, v0;
	v49 =	vld [tilespmem:$0x580];
	v15 =	vsub.f32 v46, v20  }
0x11e: {  	v17 =	vmax.f32 v17, $-1.000000020e+30;
	v35 =	vmul.f32 $1.000000020e+30, v57;
	v18 =	vsub.f32 v36, v40  }
0x11f: {  	v31 =	vmax.f32 v42, v44;
	v51 =	vld [tilespmem:$0x600];
	v46 =	vmul.f32 $1.442695020e+00, v16;
	v15 =	vmax.f32 v17, v15  }
0x120: {  	v17 =	vsub.f32 v52, v35;
	v52 =	vsel vm11, $0x3F800000, v0;
	v21 =	vmul.f32 v18, v43  }
0x121: {  	v53 =	vld [tilespmem:$0x680];
	v31 =	vmax.f32 v31, v47;
	v29 =	vadd.f32 $0.0e+00, v60;
	v37 =	vpop (erf);
	(erf) = vpow2.f32 v38  }
0x122: {  	v56 =	vmax.f32 v31, v49;
	v25 =	vmul.f32 $1.000000020e+30, v25;
	v18 =	vsub.f32 v18, v21  }
0x123: {  	v54 =	vld [tilespmem:$0x700];
	v15 =	vmax.f32 v15, v17;
	v29 =	vadd.f32 v29, v34;
	(erf) = vpow2.f32 v41  }
0x124: {  	v57 =	vmax.f32 v56, v51;
	v45 =	vpop (erf);
	v55 =	vmul.f32 $1.000000020e+30, v21;
	v21 =	vld [tilespmem:$0x780];
	v18 =	vmul.f32 v18, v52  }
0x125: {  	v25 =	vsub.f32 v58, v25;
	v20 =	vadd.f32 v29, v37;
	v50 =	vpop (erf);
	(erf) = vpow2.f32 v46  }
0x126: {  	v58 =	vmax.f32 v57, v53;
	v48 =	vmul.f32 $1.000000020e+30, v22;
	v18 =	vmul.f32 $1.000000020e+30, v18  }
0x127: {  	v15 =	vmax.f32 v15, v25;
	v29 =	vmul.f32 $1.000000020e+30, v40;
	v17 =	vadd.f32 v20, v45  }
0x128: {  	v19 =	vsub.f32 v19, v48;
	v16 =	vsub.f32 v16, v18;
	v18 =	vmax.f32 v58, v54  }
0x129: {  	v24 =	vsub.f32 v24, v29;
	v17 =	vadd.f32 v17, v50;
	v18 =	vmax.f32 v18, v21  }
0x12a: {  	v15 =	vmax.f32 v15, v19;
	v32 =	vpop (erf);
	v19 =	vsub.f32 v28, v55;
	v61 =	vsub.f32 v42, v18  }
0x12b: {  	v15 =	vmax.f32 v15, v24;
	v17 =	vadd.f32 v17, v32  }
0x12c: {  	v59 =	vpop (erf);
	v15 =	vmax.f32 v15, v19;
	v63 =	vsub.f32 v44, v18;
	vm12 =	vge.f32 v61, $0.0e+00  }
0x12d: {  	v17 =	vadd.f32 v17, v59;
	v15 =	vmax.f32 v15, v16;
	v33 =	vsel vm12, $0x3F800000, v0  }
0x12e: {  	v60 =	vpop (erf);
	v15 =	vmul.f32 $1.442695020e+00, v15;
	vm13 =	vge.f32 v63, $0.0e+00;
	v34 =	vsub.f32 $1.000000000e+00, v33  }
0x12f: {  	v16 =	vadd.f32 v17, v60;
	v62 =	vmul.f32 $1.442695020e+00, v61;
	v36 =	vsel vm13, $0x3F800000, v0  }
0x130: {  	v37 =	vsub.f32 v47, v18;
	(erf) = vpow2.f32 v15;
	v24 =	vmul.f32 v34, v36  }
0x131: {  	(erf) = vrcp.f32 v16  }
0x132: {  	vm14 =	vge.f32 v37, $0.0e+00;
	(erf) = vpow2.f32 v62;
	v39 =	vsub.f32 v34, v24  }
0x133: {  	v22 =	vsub.f32 v49, v18;
	v35 =	vmul.f32 $1.442695020e+00, v63;
	v40 =	vsel vm14, $0x3F800000, v0  }
0x134: {  	v27 =	vsub.f32 v51, v18;
	v25 =	vsub.f32 v53, v18;
	v41 =	vmul.f32 v39, v40  }
0x135: {  	v20 =	vsub.f32 v54, v18;
	v38 =	vmul.f32 $1.442695020e+00, v37;
	(erf) = vpow2.f32 v35  }
0x136: {  	v18 =	vsub.f32 v21, v18;
	vm15 =	vge.f32 v22, $0.0e+00;
	v28 =	vsub.f32 v39, v41  }
0x137: {  	v42 =	vmul.f32 $1.442695020e+00, v22;
	v44 =	vsel vm15, $0x3F800000, v0;
	(erf) = vpow2.f32 v38  }
0x138: {  	v46 =	vmul.f32 $1.442695020e+00, v27;
	vm4 =	vge.f32 v27, $0.0e+00;
	v30 =	vmul.f32 v28, v44  }
0x139: {  	v56 =	vld [tilespmem:$0x490];
	vm5 =	vge.f32 v25, $0.0e+00;
	v51 =	vmul.f32 $1.442695020e+00, v25;
	v54 =	vmul.f32 $1.442695020e+00, v20;
	v16 =	vpop (erf)  }
0x13a: {  	v55 =	vld [tilespmem:$0x410];
	vm6 =	vge.f32 v20, $0.0e+00;
	v24 =	vmul.f32 $1.000000020e+30, v24;
	v15 =	vpop (erf);
	v28 =	vsub.f32 v28, v30  }
0x13b: {  	v58 =	vld [tilespmem:$0x510];
	v47 =	vsel vm4, $0x3F800000, v0;
	v23 =	vmul.f32 $1.000000020e+30, v33;
	v43 =	vpop (erf);
	(erf) = vpow2.f32 v42  }
0x13c: {  	v60 =	vmul.f32 $1.442695020e+00, v18;
	v17 =	vsub.f32 v63, v24;
	v24 =	vmul.f32 v28, v47  }
0x13d: {  	vm7 =	vge.f32 v18, $0.0e+00;
	v19 =	vsub.f32 v61, v23;
	v31 =	vadd.f32 $0.0e+00, v43  }
0x13e: {  	v52 =	vsel vm5, $0x3F800000, v0;
	v57 =	vsel vm6, $0x3F800000, v0;
	v33 =	vld [tilespmem:$0x590];
	v45 =	vpop (erf);
	v28 =	vsub.f32 v28, v24  }
0x13f: {  	v19 =	vmax.f32 v19, $-1.000000020e+30;
	v34 =	vmax.f32 v55, v56;
	v23 =	vadd.f32 v31, v45  }
0x140: {  	v34 =	vmax.f32 v34, v58;
	v50 =	vmul.f32 $1.000000020e+30, v41;
	v48 =	vpop (erf);
	v31 =	vmul.f32 v28, v52  }
0x141: {  	v17 =	vmax.f32 v19, v17;
	v30 =	vmul.f32 $1.000000020e+30, v30;
	v49 =	vadd.f32 v23, v48  }
0x142: {  	v62 =	vld [tilespmem:$0x610];
	(erf) = vpow2.f32 v46;
	v23 =	vsub.f32 v37, v50;
	v28 =	vsub.f32 v28, v31  }
0x143: {  	v36 =	vld [tilespmem:$0x690];
	v39 =	vmax.f32 v34, v33;
	v22 =	vsub.f32 v22, v30;
	v61 =	vmul.f32 $1.000000020e+30, v24  }
0x144: {  	v32 =	vld [tilespmem:$0x710];
	v17 =	vmax.f32 v17, v23;
	v53 =	vpop (erf);
	(erf) = vpow2.f32 v51;
	v26 =	vmul.f32 v28, v57  }
0x145: {  	v17 =	vmax.f32 v17, v22;
	v22 =	vsub.f32 v27, v61;
	v27 =	vld [tilespmem:$0x790];
	v31 =	vmul.f32 $1.000000020e+30, v31  }
0x146: {  	v37 =	vsel vm7, $0x3F800000, v0;
	(erf) = vpow2.f32 v54;
	v38 =	vmul.f32 $1.000000020e+30, v26  }
0x147: {  	v25 =	vsub.f32 v25, v31;
	v63 =	vsub.f32 v28, v26;
	v26 =	vmax.f32 v39, v62  }
0x148: {  	v17 =	vmax.f32 v17, v22;
	v41 =	vmax.f32 v26, v36;
	v20 =	vsub.f32 v20, v38  }
0x149: {  	(erf) = vpow2.f32 v60;
	v17 =	vmax.f32 v17, v25;
	v22 =	vmax.f32 v41, v32  }
0x14a: {  	v19 =	vadd.f32 v49, v53;
	v17 =	vmax.f32 v17, v20;
	v20 =	vmax.f32 v22, v27  }
0x14b: {  	v59 =	vpop (erf);
	v24 =	vmul.f32 v63, v37;
	v22 =	vsub.f32 v55, v20  }
0x14c: {  	v19 =	vadd.f32 v19, v59  }
0x14d: {  	v40 =	vpop (erf);
	v24 =	vmul.f32 $1.000000020e+30, v24;
	v44 =	vsub.f32 v56, v20;
	vm8 =	vge.f32 v22, $0.0e+00  }
0x14e: {  	v19 =	vadd.f32 v19, v40;
	v46 =	vsel vm8, $0x3F800000, v0  }
0x14f: {  	v18 =	vsub.f32 v18, v24;
	vm9 =	vge.f32 v44, $0.0e+00;
	v47 =	vsub.f32 $1.000000000e+00, v46  }
0x150: {  	v42 =	vpop (erf);
	v50 =	vsub.f32 v58, v20;
	v48 =	vsel vm9, $0x3F800000, v0  }
0x151: {  	v19 =	vadd.f32 v19, v42;
	v17 =	vmax.f32 v17, v18;
	v49 =	vmul.f32 v47, v48  }
0x152: {  	v43 =	vpop (erf);
	v17 =	vmul.f32 $1.442695020e+00, v17  }
0x153: {  	vm10 =	vge.f32 v50, $0.0e+00;
	v18 =	vadd.f32 v19, v43;
	v52 =	vsub.f32 v47, v49  }
0x154: {  	v53 =	vsel vm10, $0x3F800000, v0;
	(erf) = vpow2.f32 v17  }
0x155: {  	v56 =	vsub.f32 v33, v20;
	(erf) = vrcp.f32 v18;
	v55 =	vmul.f32 v52, v53  }
0x156: {  	v45 =	vmul.f32 $1.442695020e+00, v22  }
0x157: {  	vm11 =	vge.f32 v56, $0.0e+00;
	v26 =	vsub.f32 v52, v55  }
0x158: {  	v51 =	vmul.f32 $1.442695020e+00, v44;
	v57 =	vsel vm11, $0x3F800000, v0;
	(erf) = vpow2.f32 v45  }
0x159: {  	v23 =	vsub.f32 v62, v20;
	v29 =	vmul.f32 v26, v57  }
0x15a: {  	v54 =	vmul.f32 $1.442695020e+00, v50;
	(erf) = vpow2.f32 v51  }
0x15b: {  	v28 =	vsub.f32 v36, v20;
	vm12 =	vge.f32 v23, $0.0e+00;
	v60 =	vsub.f32 v26, v29  }
0x15c: {  	v59 =	vmul.f32 $1.442695020e+00, v56;
	v62 =	vsel vm12, $0x3F800000, v0;
	(erf) = vpow2.f32 v54  }
0x15d: {  	v32 =	vsub.f32 v32, v20;
	v20 =	vsub.f32 v27, v20;
	v18 =	vpop (erf);
	v26 =	vmul.f32 v60, v62  }
0x15e: {  	v61 =	vmul.f32 $1.442695020e+00, v23;
	vm13 =	vge.f32 v28, $0.0e+00;
	v17 =	vpop (erf);
	(erf) = vpow2.f32 v59  }
0x15f: {  	v39 =	vmul.f32 $1.442695020e+00, v28;
	v21 =	vmul.f32 $1.000000020e+30, v46;
	v37 =	vsub.f32 v60, v26  }
0x160: {  	v42 =	vmul.f32 $1.442695020e+00, v32;
	v40 =	vsel vm13, $0x3F800000, v0;
	v24 =	vmul.f32 $1.000000020e+30, v49  }
0x161: {  	vm14 =	vge.f32 v32, $0.0e+00;
	v43 =	vld [tilespmem:$0x420];
	v21 =	vsub.f32 v22, v21;
	v58 =	vpop (erf);
	v41 =	vmul.f32 v37, v40  }
0x162: {  	vm15 =	vge.f32 v20, $0.0e+00;
	v45 =	vld [tilespmem:$0x4A0];
	v19 =	vsub.f32 v44, v24;
	v33 =	vadd.f32 $0.0e+00, v58  }
0x163: {  	v36 =	vmul.f32 $1.000000020e+30, v55;
	v63 =	vpop (erf);
	(erf) = vpow2.f32 v61;
	v22 =	vsub.f32 v37, v41  }
0x164: {  	v48 =	vld [tilespmem:$0x520];
	v21 =	vmax.f32 v21, $-1.000000020e+30;
	v44 =	vsel vm14, $0x3F800000, v0;
	v33 =	vadd.f32 v33, v63  }
0x165: {  	v19 =	vmax.f32 v21, v19;
	v21 =	vsub.f32 v50, v36;
	v50 =	vld [tilespmem:$0x5A0];
	v38 =	vpop (erf);
	v25 =	vmul.f32 v22, v44  }
0x166: {  	v47 =	vmul.f32 $1.442695020e+00, v20;
	v53 =	vsel vm15, $0x3F800000, v0;
	v52 =	vld [tilespmem:$0x620];
	v24 =	vadd.f32 v33, v38  }
0x167: {  	v54 =	vld [tilespmem:$0x6A0];
	v35 =	vmax.f32 v43, v45;
	v29 =	vmul.f32 $1.000000020e+30, v29;
	v46 =	vpop (erf);
	v22 =	vsub.f32 v22, v25  }
0x168: {  	v19 =	vmax.f32 v19, v21;
	(erf) = vpow2.f32 v39;
	v21 =	vadd.f32 v24, v46;
	v24 =	vld [tilespmem:$0x720]  }
0x169: {  	v35 =	vmax.f32 v35, v48;
	v55 =	vmul.f32 $1.000000020e+30, v25;
	v25 =	vld [tilespmem:$0x7A0];
	v22 =	vmul.f32 v22, v53  }
0x16a: {  	v29 =	vsub.f32 v56, v29;
	v56 =	vmax.f32 v35, v50;
	(erf) = vpow2.f32 v42  }
0x16b: {  	v57 =	vmax.f32 v56, v52;
	v22 =	vmul.f32 $1.000000020e+30, v22  }
0x16c: {  	v49 =	vmul.f32 $1.000000020e+30, v26;
	v58 =	vmax.f32 v57, v54;
	v51 =	vpop (erf);
	(erf) = vpow2.f32 v47  }
0x16d: {  	v20 =	vsub.f32 v20, v22;
	v22 =	vmax.f32 v58, v24  }
0x16e: {  	v23 =	vsub.f32 v23, v49;
	v33 =	vmul.f32 $1.000000020e+30, v41;
	v22 =	vmax.f32 v22, v25  }
0x16f: {  	v19 =	vmax.f32 v19, v29;
	v61 =	vsub.f32 v43, v22  }
0x170: {  	v19 =	vmax.f32 v19, v23;
	v28 =	vsub.f32 v28, v33;
	v21 =	vadd.f32 v21, v51  }
0x171: {  	v36 =	vpop (erf);
	v23 =	vsub.f32 v32, v55;
	v63 =	vsub.f32 v45, v22;
	vm4 =	vge.f32 v61, $0.0e+00  }
0x172: {  	v19 =	vmax.f32 v19, v28;
	v21 =	vadd.f32 v21, v36;
	v36 =	vsel vm4, $0x3F800000, v0  }
0x173: {  	v59 =	vpop (erf);
	v19 =	vmax.f32 v19, v23;
	vm5 =	vge.f32 v63, $0.0e+00;
	v37 =	vsub.f32 $1.000000000e+00, v36  }
0x174: {  	v21 =	vadd.f32 v21, v59;
	v19 =	vmax.f32 v19, v20;
	v39 =	vsel vm5, $0x3F800000, v0  }
0x175: {  	v60 =	vpop (erf);
	v40 =	vsub.f32 v48, v22;
	v19 =	vmul.f32 $1.442695020e+00, v19;
	v28 =	vmul.f32 v37, v39  }
0x176: {  	v20 =	vadd.f32 v21, v60;
	v62 =	vmul.f32 $1.442695020e+00, v61  }
0x177: {  	vm6 =	vge.f32 v40, $0.0e+00;
	(erf) = vpow2.f32 v19;
	v42 =	vsub.f32 v37, v28  }
0x178: {  	v38 =	vmul.f32 $1.442695020e+00, v63;
	v43 =	vsel vm6, $0x3F800000, v0;
	(erf) = vrcp.f32 v20  }
0x179: {  	v26 =	vsub.f32 v50, v22;
	(erf) = vpow2.f32 v62;
	v44 =	vmul.f32 v42, v43;
	_ =	sdelay $0x1  }
0x17a: {  	vm7 =	vge.f32 v26, $0.0e+00;
	(erf) = vpow2.f32 v38;
	v32 =	vsub.f32 v42, v44  }
0x17b: {  	v47 =	vsel vm7, $0x3F800000, v0  }
0x17c: {  	v31 =	vsub.f32 v52, v22;
	v34 =	vmul.f32 v32, v47  }
0x17d: {  	v29 =	vsub.f32 v54, v22;
	v41 =	vmul.f32 $1.442695020e+00, v40  }
0x17e: {  	vm8 =	vge.f32 v31, $0.0e+00;
	v28 =	vmul.f32 $1.000000020e+30, v28;
	v32 =	vsub.f32 v32, v34  }
0x17f: {  	v24 =	vsub.f32 v24, v22;
	v50 =	vsel vm8, $0x3F800000, v0;
	(erf) = vpow2.f32 v41;
	v20 =	vpop (erf)  }
0x180: {  	v59 =	vld [tilespmem:$0x4B0];
	v45 =	vmul.f32 $1.442695020e+00, v26;
	v21 =	vsub.f32 v63, v28;
	v19 =	vpop (erf);
	v28 =	vmul.f32 v32, v50  }
0x181: {  	v58 =	vld [tilespmem:$0x430];
	v22 =	vsub.f32 v25, v22;
	vm9 =	vge.f32 v29, $0.0e+00;
	v27 =	vmul.f32 $1.000000020e+30, v36;
	v46 =	vpop (erf)  }
0x182: {  	(erf) = vpow2.f32 v45;
	v35 =	vadd.f32 $0.0e+00, v46;
	v32 =	vsub.f32 v32, v28  }
0x183: {  	v49 =	vmul.f32 $1.442695020e+00, v31;
	v54 =	vmul.f32 $1.442695020e+00, v29;
	v55 =	vsel vm9, $0x3F800000, v0;
	v48 =	vpop (erf)  }
0x184: {  	v23 =	vsub.f32 v61, v27;
	v27 =	vadd.f32 v35, v48;
	v35 =	vmul.f32 v32, v55  }
0x185: {  	v57 =	vmul.f32 $1.442695020e+00, v24;
	vm10 =	vge.f32 v24, $0.0e+00;
	vm11 =	vge.f32 v22, $0.0e+00  }
0x186: {  	v60 =	vsel vm10, $0x3F800000, v0;
	v61 =	vld [tilespmem:$0x530];
	v38 =	vmax.f32 v58, v59;
	v32 =	vsub.f32 v32, v35  }
0x187: {  	v23 =	vmax.f32 v23, $-1.000000020e+30;
	v63 =	vmul.f32 $1.442695020e+00, v22;
	v53 =	vmul.f32 $1.000000020e+30, v44  }
0x188: {  	v37 =	vld [tilespmem:$0x5B0];
	v21 =	vmax.f32 v23, v21;
	v51 =	vpop (erf);
	v34 =	vmul.f32 $1.000000020e+30, v34;
	v30 =	vmul.f32 v32, v60  }
0x189: {  	v41 =	vld [tilespmem:$0x630];
	(erf) = vpow2.f32 v49;
	v52 =	vadd.f32 v27, v51;
	v27 =	vsub.f32 v40, v53  }
0x18a: {  	v26 =	vsub.f32 v26, v34;
	v40 =	vmul.f32 $1.000000020e+30, v28;
	v42 =	vsub.f32 v32, v30;
	v32 =	vld [tilespmem:$0x6B0]  }
0x18b: {  	v36 =	vld [tilespmem:$0x730];
	v38 =	vmax.f32 v38, v61;
	v21 =	vmax.f32 v21, v27;
	v56 =	vpop (erf);
	(erf) = vpow2.f32 v54  }
0x18c: {  	v21 =	vmax.f32 v21, v26;
	v26 =	vsub.f32 v31, v40;
	v31 =	vld [tilespmem:$0x7B0];
	v35 =	vmul.f32 $1.000000020e+30, v35  }
0x18d: {  	v45 =	vmax.f32 v38, v37;
	(erf) = vpow2.f32 v57;
	v44 =	vmul.f32 $1.000000020e+30, v30  }
0x18e: {  	v43 =	vsel vm11, $0x3F800000, v0;
	v29 =	vsub.f32 v29, v35;
	v30 =	vmax.f32 v45, v41  }
0x18f: {  	v21 =	vmax.f32 v21, v26;
	v24 =	vsub.f32 v24, v44;
	v47 =	vmax.f32 v30, v32  }
0x190: {  	(erf) = vpow2.f32 v63;
	v21 =	vmax.f32 v21, v29;
	v26 =	vmax.f32 v47, v36  }
0x191: {  	v23 =	vadd.f32 v52, v56;
	v21 =	vmax.f32 v21, v24;
	v24 =	vmax.f32 v26, v31  }
0x192: {  	v62 =	vpop (erf);
	v28 =	vmul.f32 v42, v43;
	v26 =	vsub.f32 v58, v24  }
0x193: {  	v23 =	vadd.f32 v23, v62  }
0x194: {  	v46 =	vpop (erf);
	v28 =	vmul.f32 $1.000000020e+30, v28;
	v50 =	vsub.f32 v59, v24;
	vm12 =	vge.f32 v26, $0.0e+00  }
0x195: {  	v23 =	vadd.f32 v23, v46;
	v52 =	vsel vm12, $0x3F800000, v0  }
0x196: {  	v48 =	vpop (erf);
	v22 =	vsub.f32 v22, v28;
	vm13 =	vge.f32 v50, $0.0e+00;
	v53 =	vsub.f32 $1.000000000e+00, v52  }
0x197: {  	v23 =	vadd.f32 v23, v48;
	v54 =	vsel vm13, $0x3F800000, v0  }
0x198: {  	v21 =	vmax.f32 v21, v22;
	v56 =	vsub.f32 v61, v24;
	v55 =	vmul.f32 v53, v54  }
0x199: {  	v49 =	vpop (erf);
	v21 =	vmul.f32 $1.442695020e+00, v21  }
0x19a: {  	v22 =	vadd.f32 v23, v49;
	vm14 =	vge.f32 v56, $0.0e+00;
	v58 =	vsub.f32 v53, v55  }
0x19b: {  	(erf) = vpow2.f32 v21;
	v59 =	vsel vm14, $0x3F800000, v0  }
0x19c: {  	v62 =	vsub.f32 v37, v24;
	(erf) = vrcp.f32 v22;
	v61 =	vmul.f32 v58, v59  }
0x19d: {  	v51 =	vmul.f32 $1.442695020e+00, v26  }
0x19e: {  	vm15 =	vge.f32 v62, $0.0e+00;
	v30 =	vsub.f32 v58, v61  }
0x19f: {  	v57 =	vmul.f32 $1.442695020e+00, v50;
	v63 =	vsel vm15, $0x3F800000, v0;
	(erf) = vpow2.f32 v51  }
0x1a0: {  	v27 =	vsub.f32 v41, v24;
	v33 =	vmul.f32 v30, v63  }
0x1a1: {  	v32 =	vsub.f32 v32, v24;
	v60 =	vmul.f32 $1.442695020e+00, v56;
	(erf) = vpow2.f32 v57  }
0x1a2: {  	v41 =	vmul.f32 $1.442695020e+00, v62;
	vm4 =	vge.f32 v27, $0.0e+00;
	v42 =	vsub.f32 v30, v33  }
0x1a3: {  	v43 =	vmul.f32 $1.442695020e+00, v27;
	v44 =	vsel vm4, $0x3F800000, v0;
	(erf) = vpow2.f32 v60  }
0x1a4: {  	v36 =	vsub.f32 v36, v24;
	v25 =	vmul.f32 $1.000000020e+30, v52;
	v22 =	vpop (erf);
	v30 =	vmul.f32 v42, v44  }
0x1a5: {  	v24 =	vsub.f32 v31, v24;
	v28 =	vmul.f32 $1.000000020e+30, v55;
	v21 =	vpop (erf);
	(erf) = vpow2.f32 v41  }
0x1a6: {  	vm5 =	vge.f32 v32, $0.0e+00;
	vm6 =	vge.f32 v36, $0.0e+00;
	v47 =	vsub.f32 v42, v30  }
0x1a7: {  	v25 =	vsub.f32 v26, v25;
	v23 =	vsub.f32 v50, v28;
	v50 =	vsel vm5, $0x3F800000, v0  }
0x1a8: {  	v49 =	vmul.f32 $1.442695020e+00, v32;
	v54 =	vsel vm6, $0x3F800000, v0;
	v53 =	vld [tilespmem:$0x440];
	v40 =	vpop (erf);
	v51 =	vmul.f32 v47, v50  }
0x1a9: {  	v25 =	vmax.f32 v25, $-1.000000020e+30;
	v55 =	vld [tilespmem:$0x4C0];
	v46 =	vmul.f32 $1.000000020e+30, v61;
	v37 =	vadd.f32 $0.0e+00, v40  }
0x1aa: {  	v45 =	vpop (erf);
	(erf) = vpow2.f32 v43;
	v33 =	vmul.f32 $1.000000020e+30, v33;
	v26 =	vsub.f32 v47, v51  }
0x1ab: {  	v23 =	vmax.f32 v25, v23;
	v58 =	vld [tilespmem:$0x540];
	v25 =	vsub.f32 v56, v46;
	v37 =	vadd.f32 v37, v45  }
0x1ac: {  	vm7 =	vge.f32 v24, $0.0e+00;
	v60 =	vld [tilespmem:$0x5C0];
	v48 =	vpop (erf);
	v33 =	vsub.f32 v62, v33;
	v29 =	vmul.f32 v26, v54  }
0x1ad: {  	v35 =	vld [tilespmem:$0x640];
	v52 =	vmul.f32 $1.442695020e+00, v36;
	v23 =	vmax.f32 v23, v25;
	v28 =	vadd.f32 v37, v48  }
0x1ae: {  	v39 =	vmax.f32 v53, v55;
	v23 =	vmax.f32 v23, v33;
	v33 =	vld [tilespmem:$0x6C0];
	v56 =	vpop (erf);
	v26 =	vsub.f32 v26, v29  }
0x1af: {  	(erf) = vpow2.f32 v49;
	v62 =	vsel vm7, $0x3F800000, v0;
	v25 =	vadd.f32 v28, v56;
	v28 =	vld [tilespmem:$0x740]  }
0x1b0: {  	v39 =	vmax.f32 v39, v58;
	v63 =	vmul.f32 $1.000000020e+30, v29;
	v29 =	vld [tilespmem:$0x7C0];
	v26 =	vmul.f32 v26, v62  }
0x1b1: {  	v57 =	vmul.f32 $1.442695020e+00, v24;
	(erf) = vpow2.f32 v52;
	v42 =	vmax.f32 v39, v60  }
0x1b2: {  	v43 =	vmax.f32 v42, v35;
	v26 =	vmul.f32 $1.000000020e+30, v26  }
0x1b3: {  	v59 =	vmul.f32 $1.000000020e+30, v30;
	v61 =	vpop (erf);
	(erf) = vpow2.f32 v57;
	v44 =	vmax.f32 v43, v33  }
0x1b4: {  	v24 =	vsub.f32 v24, v26;
	v26 =	vmax.f32 v44, v28  }
0x1b5: {  	v27 =	vsub.f32 v27, v59;
	v37 =	vmul.f32 $1.000000020e+30, v51;
	v26 =	vmax.f32 v26, v29  }
0x1b6: {  	v47 =	vsub.f32 v53, v26  }
0x1b7: {  	v23 =	vmax.f32 v23, v27;
	v25 =	vadd.f32 v25, v61;
	v32 =	vsub.f32 v32, v37  }
0x1b8: {  	v40 =	vpop (erf);
	v27 =	vsub.f32 v36, v63;
	v49 =	vsub.f32 v55, v26;
	vm8 =	vge.f32 v47, $0.0e+00  }
0x1b9: {  	v25 =	vadd.f32 v25, v40;
	v23 =	vmax.f32 v23, v32;
	v50 =	vsel vm8, $0x3F800000, v0  }
0x1ba: {  	v45 =	vpop (erf);
	v23 =	vmax.f32 v23, v27;
	vm9 =	vge.f32 v49, $0.0e+00;
	v51 =	vsub.f32 $1.000000000e+00, v50  }
0x1bb: {  	v25 =	vadd.f32 v25, v45;
	v23 =	vmax.f32 v23, v24;
	v53 =	vsel vm9, $0x3F800000, v0  }
0x1bc: {  	v46 =	vpop (erf);
	v54 =	vsub.f32 v58, v26;
	v23 =	vmul.f32 $1.442695020e+00, v23;
	v32 =	vmul.f32 v51, v53  }
0x1bd: {  	v24 =	vadd.f32 v25, v46;
	v48 =	vmul.f32 $1.442695020e+00, v47  }
0x1be: {  	vm10 =	vge.f32 v54, $0.0e+00;
	(erf) = vpow2.f32 v23;
	v56 =	vsub.f32 v51, v32  }
0x1bf: {  	v52 =	vmul.f32 $1.442695020e+00, v49;
	v57 =	vsel vm10, $0x3F800000, v0;
	(erf) = vrcp.f32 v24  }
0x1c0: {  	v30 =	vsub.f32 v60, v26;
	(erf) = vpow2.f32 v48;
	v58 =	vmul.f32 v56, v57;
	_ =	sdelay $0x1  }
0x1c1: {  	vm11 =	vge.f32 v30, $0.0e+00;
	(erf) = vpow2.f32 v52;
	v36 =	vsub.f32 v56, v58  }
0x1c2: {  	v55 =	vmul.f32 $1.442695020e+00, v54;
	v61 =	vsel vm11, $0x3F800000, v0  }
0x1c3: {  	v35 =	vsub.f32 v35, v26;
	v38 =	vmul.f32 v36, v61  }
0x1c4: {  	(erf) = vpow2.f32 v55  }
0x1c5: {  	vm12 =	vge.f32 v35, $0.0e+00;
	v32 =	vmul.f32 $1.000000020e+30, v32;
	v36 =	vsub.f32 v36, v38  }
0x1c6: {  	v33 =	vsub.f32 v33, v26;
	v28 =	vsub.f32 v28, v26;
	v43 =	vsel vm12, $0x3F800000, v0;
	v24 =	vpop (erf)  }
0x1c7: {  	v59 =	vmul.f32 $1.442695020e+00, v30;
	v25 =	vsub.f32 v49, v32;
	v23 =	vpop (erf);
	v32 =	vmul.f32 v36, v43  }
0x1c8: {  	v26 =	vsub.f32 v29, v26;
	vm13 =	vge.f32 v33, $0.0e+00;
	v31 =	vmul.f32 $1.000000020e+30, v50;
	v60 =	vpop (erf)  }
0x1c9: {  	(erf) = vpow2.f32 v59;
	v39 =	vadd.f32 $0.0e+00, v60;
	v36 =	vsub.f32 v36, v32  }
0x1ca: {  	v63 =	vmul.f32 $1.442695020e+00, v35;
	vm14 =	vge.f32 v28, $0.0e+00;
	v48 =	vsel vm13, $0x3F800000, v0;
	v62 =	vpop (erf)  }
0x1cb: {  	v27 =	vsub.f32 v47, v31;
	v31 =	vadd.f32 v39, v62;
	v39 =	vmul.f32 v36, v48  }
0x1cc: {  	vm15 =	vge.f32 v26, $0.0e+00;
	v50 =	vmul.f32 $1.442695020e+00, v28;
	v52 =	vld [tilespmem:$0x4D0];
	v46 =	vmul.f32 $1.000000020e+30, v58  }
0x1cd: {  	v53 =	vsel vm14, $0x3F800000, v0;
	v27 =	vmax.f32 v27, $-1.000000020e+30;
	v51 =	vld [tilespmem:$0x450];
	v44 =	vpop (erf);
	v36 =	vsub.f32 v36, v39  }
0x1ce: {  	v38 =	vmul.f32 $1.000000020e+30, v38;
	v45 =	vadd.f32 v31, v44;
	v31 =	vsub.f32 v54, v46;
	v54 =	vld [tilespmem:$0x550]  }
0x1cf: {  	v41 =	vld [tilespmem:$0x5D0];
	v47 =	vmul.f32 $1.442695020e+00, v33;
	v25 =	vmax.f32 v27, v25;
	v34 =	vmul.f32 v36, v53  }
0x1d0: {  	v56 =	vmul.f32 $1.442695020e+00, v26;
	v58 =	vld [tilespmem:$0x650];
	(erf) = vpow2.f32 v63;
	v30 =	vsub.f32 v30, v38  }
0x1d1: {  	v57 =	vmul.f32 $1.000000020e+30, v32;
	v25 =	vmax.f32 v25, v31;
	v59 =	vsub.f32 v36, v34;
	v36 =	vld [tilespmem:$0x6D0]  }
0x1d2: {  	v40 =	vld [tilespmem:$0x750];
	v42 =	vmax.f32 v51, v52;
	v25 =	vmax.f32 v25, v30;
	v49 =	vpop (erf);
	(erf) = vpow2.f32 v47  }
0x1d3: {  	v30 =	vsub.f32 v35, v57;
	v35 =	vld [tilespmem:$0x7D0];
	v39 =	vmul.f32 $1.000000020e+30, v39;
	v42 =	vmax.f32 v42, v54  }
0x1d4: {  	(erf) = vpow2.f32 v50;
	v62 =	vmax.f32 v42, v41;
	v61 =	vmul.f32 $1.000000020e+30, v34  }
0x1d5: {  	v25 =	vmax.f32 v25, v30;
	v33 =	vsub.f32 v33, v39;
	v34 =	vmax.f32 v62, v58  }
0x1d6: {  	(erf) = vpow2.f32 v56;
	v28 =	vsub.f32 v28, v61;
	v39 =	vmax.f32 v34, v36  }
0x1d7: {  	v60 =	vsel vm15, $0x3F800000, v0;
	v25 =	vmax.f32 v25, v33;
	v30 =	vmax.f32 v39, v40  }
0x1d8: {  	v27 =	vadd.f32 v45, v49;
	v25 =	vmax.f32 v25, v28;
	v28 =	vmax.f32 v30, v35  }
0x1d9: {  	v55 =	vpop (erf);
	v32 =	vmul.f32 v59, v60;
	v30 =	vsub.f32 v51, v28  }
0x1da: {  	v27 =	vadd.f32 v27, v55  }
0x1db: {  	v63 =	vpop (erf);
	v32 =	vmul.f32 $1.000000020e+30, v32;
	v44 =	vsub.f32 v52, v28;
	vm4 =	vge.f32 v30, $0.0e+00  }
0x1dc: {  	v27 =	vadd.f32 v27, v63;
	v46 =	vsel vm4, $0x3F800000, v0  }
0x1dd: {  	v42 =	vpop (erf);
	v26 =	vsub.f32 v26, v32;
	vm5 =	vge.f32 v44, $0.0e+00;
	v47 =	vsub.f32 $1.000000000e+00, v46  }
0x1de: {  	v27 =	vadd.f32 v27, v42;
	v48 =	vsel vm5, $0x3F800000, v0  }
0x1df: {  	v43 =	vpop (erf);
	v25 =	vmax.f32 v25, v26;
	v33 =	vsub.f32 v54, v28;
	v49 =	vmul.f32 v47, v48  }
0x1e0: {  	v25 =	vmul.f32 $1.442695020e+00, v25;
	v26 =	vadd.f32 v27, v43  }
0x1e1: {  	v45 =	vmul.f32 $1.442695020e+00, v30;
	vm6 =	vge.f32 v33, $0.0e+00;
	v51 =	vsub.f32 v47, v49  }
0x1e2: {  	v50 =	vmul.f32 $1.442695020e+00, v44;
	(erf) = vpow2.f32 v25;
	v52 =	vsel vm6, $0x3F800000, v0  }
0x1e3: {  	v55 =	vsub.f32 v41, v28;
	(erf) = vrcp.f32 v26;
	v54 =	vmul.f32 v51, v52  }
0x1e4: {  	v53 =	vmul.f32 $1.442695020e+00, v33;
	(erf) = vpow2.f32 v45  }
0x1e5: {  	vm7 =	vge.f32 v55, $0.0e+00;
	(erf) = vpow2.f32 v50;
	v34 =	vsub.f32 v51, v54  }
0x1e6: {  	v56 =	vsel vm7, $0x3F800000, v0  }
0x1e7: {  	v31 =	vsub.f32 v58, v28;
	(erf) = vpow2.f32 v53;
	v37 =	vmul.f32 v34, v56  }
0x1e8: {  	v36 =	vsub.f32 v36, v28  }
0x1e9: {  	v40 =	vsub.f32 v40, v28;
	vm8 =	vge.f32 v31, $0.0e+00;
	v59 =	vsub.f32 v34, v37  }
0x1ea: {  	v58 =	vmul.f32 $1.442695020e+00, v55;
	v60 =	vmul.f32 $1.442695020e+00, v31;
	v61 =	vsel vm8, $0x3F800000, v0  }
0x1eb: {  	v28 =	vsub.f32 v35, v28;
	v29 =	vmul.f32 $1.000000020e+30, v46;
	v26 =	vpop (erf);
	v34 =	vmul.f32 v59, v61  }
0x1ec: {  	vm9 =	vge.f32 v36, $0.0e+00;
	vm10 =	vge.f32 v40, $0.0e+00;
	v25 =	vpop (erf);
	(erf) = vpow2.f32 v58  }
0x1ed: {  	v29 =	vsub.f32 v30, v29;
	v32 =	vmul.f32 $1.000000020e+30, v49;
	v57 =	vpop (erf);
	v45 =	vsub.f32 v59, v34  }
0x1ee: {  	v48 =	vsel vm9, $0x3F800000, v0;
	v47 =	vmul.f32 $1.442695020e+00, v36;
	v62 =	vpop (erf);
	(erf) = vpow2.f32 v60  }
0x1ef: {  	v29 =	vmax.f32 v29, $-1.000000020e+30;
	v27 =	vsub.f32 v44, v32;
	v49 =	vmul.f32 v45, v48  }
0x1f0: {  	v53 =	vld [tilespmem:$0x4E0];
	v63 =	vmul.f32 $1.000000020e+30, v54;
	v41 =	vadd.f32 $0.0e+00, v57;
	v46 =	vpop (erf);
	(erf) = vpow2.f32 v47  }
0x1f1: {  	v52 =	vsel vm10, $0x3F800000, v0;
	v51 =	vld [tilespmem:$0x460];
	v37 =	vmul.f32 $1.000000020e+30, v37;
	v30 =	vsub.f32 v45, v49  }
0x1f2: {  	v27 =	vmax.f32 v29, v27;
	v29 =	vsub.f32 v33, v63;
	v56 =	vld [tilespmem:$0x560];
	v41 =	vadd.f32 v41, v62  }
0x1f3: {  	vm11 =	vge.f32 v28, $0.0e+00;
	v58 =	vld [tilespmem:$0x5E0];
	v37 =	vsub.f32 v55, v37;
	v33 =	vmul.f32 v30, v52  }
0x1f4: {  	v39 =	vld [tilespmem:$0x660];
	v50 =	vmul.f32 $1.442695020e+00, v40;
	v27 =	vmax.f32 v27, v29;
	v32 =	vadd.f32 v41, v46  }
0x1f5: {  	v60 =	vsel vm11, $0x3F800000, v0;
	v27 =	vmax.f32 v27, v37;
	v37 =	vld [tilespmem:$0x6E0];
	v54 =	vpop (erf);
	v30 =	vsub.f32 v30, v33  }
0x1f6: {  	(erf) = vpow2.f32 v50;
	v43 =	vmax.f32 v51, v53;
	v29 =	vadd.f32 v32, v54;
	v32 =	vld [tilespmem:$0x760]  }
0x1f7: {  	v43 =	vmax.f32 v43, v56;
	v59 =	vpop (erf);
	v61 =	vmul.f32 $1.000000020e+30, v33;
	v33 =	vld [tilespmem:$0x7E0];
	v30 =	vmul.f32 v30, v60  }
0x1f8: {  	v55 =	vmul.f32 $1.442695020e+00, v28;
	v62 =	vmax.f32 v43, v58;
	v29 =	vadd.f32 v29, v59  }
0x1f9: {  	v57 =	vmul.f32 $1.000000020e+30, v34;
	v63 =	vmax.f32 v62, v39;
	v44 =	vpop (erf);
	v30 =	vmul.f32 $1.000000020e+30, v30  }
0x1fa: {  	(erf) = vpow2.f32 v55;
	v29 =	vadd.f32 v29, v44;
	v44 =	vmax.f32 v63, v37  }
0x1fb: {  	v28 =	vsub.f32 v28, v30;
	v30 =	vmax.f32 v44, v32  }
0x1fc: {  	v31 =	vsub.f32 v31, v57;
	v41 =	vmul.f32 $1.000000020e+30, v49;
	v30 =	vmax.f32 v30, v33  }
0x1fd: {  	v47 =	vsub.f32 v51, v30  }
0x1fe: {  	v27 =	vmax.f32 v27, v31;
	v36 =	vsub.f32 v36, v41  }
0x1ff: {  	v31 =	vsub.f32 v40, v61;
	v49 =	vsub.f32 v53, v30;
	vm12 =	vge.f32 v47, $0.0e+00  }
0x200: {  	v27 =	vmax.f32 v27, v36;
	v50 =	vsel vm12, $0x3F800000, v0  }
0x201: {  	v45 =	vpop (erf);
	v27 =	vmax.f32 v27, v31;
	vm13 =	vge.f32 v49, $0.0e+00;
	v51 =	vsub.f32 $1.000000000e+00, v50  }
0x202: {  	v29 =	vadd.f32 v29, v45;
	v27 =	vmax.f32 v27, v28;
	v53 =	vsel vm13, $0x3F800000, v0  }
0x203: {  	v46 =	vpop (erf);
	v54 =	vsub.f32 v56, v30;
	v27 =	vmul.f32 $1.442695020e+00, v27;
	v36 =	vmul.f32 v51, v53  }
0x204: {  	v28 =	vadd.f32 v29, v46;
	v48 =	vmul.f32 $1.442695020e+00, v47  }
0x205: {  	vm14 =	vge.f32 v54, $0.0e+00;
	(erf) = vpow2.f32 v27;
	v56 =	vsub.f32 v51, v36  }
0x206: {  	v52 =	vmul.f32 $1.442695020e+00, v49;
	v57 =	vsel vm14, $0x3F800000, v0;
	(erf) = vrcp.f32 v28  }
0x207: {  	v34 =	vsub.f32 v58, v30;
	(erf) = vpow2.f32 v48;
	v58 =	vmul.f32 v56, v57;
	_ =	sdelay $0x1  }
0x208: {  	vm15 =	vge.f32 v34, $0.0e+00;
	(erf) = vpow2.f32 v52;
	v40 =	vsub.f32 v56, v58  }
0x209: {  	v55 =	vmul.f32 $1.442695020e+00, v54;
	v61 =	vsel vm15, $0x3F800000, v0  }
0x20a: {  	v39 =	vsub.f32 v39, v30;
	v37 =	vsub.f32 v37, v30;
	v42 =	vmul.f32 v40, v61  }
0x20b: {  	v32 =	vsub.f32 v32, v30;
	v30 =	vsub.f32 v33, v30;
	(erf) = vpow2.f32 v55  }
0x20c: {  	vm4 =	vge.f32 v39, $0.0e+00;
	v36 =	vmul.f32 $1.000000020e+30, v36;
	v40 =	vsub.f32 v40, v42  }
0x20d: {  	v59 =	vmul.f32 $1.442695020e+00, v34;
	v35 =	vmul.f32 $1.000000020e+30, v50;
	v48 =	vsel vm4, $0x3F800000, v0;
	v28 =	vpop (erf)  }
0x20e: {  	v63 =	vmul.f32 $1.442695020e+00, v39;
	v29 =	vsub.f32 v49, v36;
	v27 =	vpop (erf);
	v36 =	vmul.f32 v40, v48  }
0x20f: {  	vm5 =	vge.f32 v37, $0.0e+00;
	vm6 =	vge.f32 v32, $0.0e+00;
	v31 =	vsub.f32 v47, v35;
	v60 =	vpop (erf)  }
0x210: {  	(erf) = vpow2.f32 v59;
	v43 =	vadd.f32 $0.0e+00, v60;
	v40 =	vsub.f32 v40, v36  }
0x211: {  	v52 =	vmul.f32 $1.442695020e+00, v37;
	v53 =	vsel vm5, $0x3F800000, v0;
	v62 =	vpop (erf);
	(erf) = vpow2.f32 v63  }
0x212: {  	v57 =	vld [tilespmem:$0x4F0];
	v42 =	vmul.f32 $1.000000020e+30, v42;
	v35 =	vadd.f32 v43, v62;
	v43 =	vmul.f32 v40, v53  }
0x213: {  	vm7 =	vge.f32 v30, $0.0e+00;
	v55 =	vmul.f32 $1.442695020e+00, v32;
	v51 =	vmul.f32 $1.000000020e+30, v58;
	v56 =	vld [tilespmem:$0x470]  }
0x214: {  	v31 =	vmax.f32 v31, $-1.000000020e+30;
	v49 =	vpop (erf);
	v34 =	vsub.f32 v34, v42;
	v40 =	vsub.f32 v40, v43  }
0x215: {  	v58 =	vsel vm6, $0x3F800000, v0;
	v42 =	vld [tilespmem:$0x570];
	v50 =	vadd.f32 v35, v49;
	v35 =	vsub.f32 v54, v51  }
0x216: {  	v45 =	vld [tilespmem:$0x5F0];
	v29 =	vmax.f32 v31, v29;
	v60 =	vmul.f32 $1.442695020e+00, v30;
	v38 =	vmul.f32 v40, v58  }
0x217: {  	(erf) = vpow2.f32 v52;
	v61 =	vmul.f32 $1.000000020e+30, v36;
	v29 =	vmax.f32 v29, v35;
	v35 =	vld [tilespmem:$0x670]  }
0x218: {  	v63 =	vsel vm7, $0x3F800000, v0;
	v46 =	vmax.f32 v56, v57;
	v62 =	vsub.f32 v40, v38;
	v40 =	vld [tilespmem:$0x6F0]  }
0x219: {  	v44 =	vld [tilespmem:$0x770];
	v29 =	vmax.f32 v29, v34;
	v34 =	vsub.f32 v39, v61;
	v54 =	vpop (erf);
	(erf) = vpow2.f32 v55  }
0x21a: {  	v39 =	vld [tilespmem:$0x7F0];
	v46 =	vmax.f32 v46, v42;
	v31 =	vadd.f32 v50, v54;
	v43 =	vmul.f32 $1.000000020e+30, v43  }
0x21b: {  	v59 =	vpop (erf);
	(erf) = vpow2.f32 v60;
	v49 =	vmax.f32 v46, v45;
	v48 =	vmul.f32 $1.000000020e+30, v38  }
0x21c: {  	v29 =	vmax.f32 v29, v34;
	v37 =	vsub.f32 v37, v43;
	v38 =	vmax.f32 v49, v35  }
0x21d: {  	v36 =	vmul.f32 v62, v63;
	v32 =	vsub.f32 v32, v48;
	v51 =	vmax.f32 v38, v40  }
0x21e: {  	v31 =	vadd.f32 v31, v59;
	v29 =	vmax.f32 v29, v37;
	v34 =	vmax.f32 v51, v44  }
0x21f: {  	v36 =	vmul.f32 $1.000000020e+30, v36;
	v29 =	vmax.f32 v29, v32;
	v32 =	vmax.f32 v34, v39  }
0x220: {  	v50 =	vpop (erf);
	v53 =	vsub.f32 v56, v32  }
0x221: {  	v31 =	vadd.f32 v31, v50;
	v30 =	vsub.f32 v30, v36  }
0x222: {  	v52 =	vpop (erf);
	v33 =	vsub.f32 v57, v32;
	vm8 =	vge.f32 v53, $0.0e+00  }
0x223: {  	v31 =	vadd.f32 v31, v52;
	v29 =	vmax.f32 v29, v30;
	v56 =	vsel vm8, $0x3F800000, v0  }
0x224: {  	v54 =	vpop (erf);
	v29 =	vmul.f32 $1.442695020e+00, v29;
	vm9 =	vge.f32 v33, $0.0e+00;
	v57 =	vsub.f32 $1.000000000e+00, v56  }
0x225: {  	v31 =	vadd.f32 v31, v54;
	v58 =	vsel vm9, $0x3F800000, v0  }
0x226: {  	v59 =	vsub.f32 v42, v32;
	(erf) = vpow2.f32 v29;
	v29 =	vmul.f32 v57, v58;
	_ =	sdelay $0x1  }
0x227: {  	vm10 =	vge.f32 v59, $0.0e+00;
	(erf) = vrcp.f32 v31;
	v31 =	vsub.f32 v57, v29  }
0x228: {  	v2 =	vadd.f32 $1.000000000e+00, v2;
	v61 =	vsel vm10, $0x3F800000, v0  }
0x229: {  	v62 =	vsub.f32 v45, v32;
	v37 =	vmul.f32 v31, v61  }
0x22a: {  	v1 =	vmul.f32 v2, v1  }
0x22b: {  	v55 =	vmul.f32 $1.442695020e+00, v53;
	vm11 =	vge.f32 v62, $0.0e+00;
	v31 =	vsub.f32 v31, v37  }
0x22c: {  	v35 =	vsub.f32 v35, v32;
	v60 =	vmul.f32 $1.442695020e+00, v33;
	v63 =	vsel vm11, $0x3F800000, v0  }
0x22d: {  	(erf) = vpow2.f32 v55;
	v43 =	vmul.f32 v31, v63  }
0x22e: {  	v40 =	vsub.f32 v40, v32;
	v49 =	vmul.f32 $1.442695020e+00, v59;
	vm12 =	vge.f32 v35, $0.0e+00  }
0x22f: {  	v34 =	vmul.f32 $1.000000020e+30, v56;
	(erf) = vpow2.f32 v60;
	v31 =	vsub.f32 v31, v43  }
0x230: {  	v44 =	vsub.f32 v44, v32;
	v47 =	vmul.f32 $1.442695020e+00, v62;
	v50 =	vsel vm12, $0x3F800000, v0  }
0x231: {  	v30 =	vsub.f32 v53, v34;
	v41 =	vpop (erf);
	(erf) = vpow2.f32 v49;
	v34 =	vmul.f32 v31, v50  }
0x232: {  	v32 =	vsub.f32 v39, v32;
	vm13 =	vge.f32 v40, $0.0e+00;
	vm14 =	vge.f32 v44, $0.0e+00  }
0x233: {  	v55 =	vmul.f32 $1.442695020e+00, v40;
	v42 =	vpop (erf);
	(erf) = vpow2.f32 v47;
	v31 =	vsub.f32 v31, v34  }
0x234: {  	v54 =	vsel vm13, $0x3F800000, v0;
	v53 =	vmul.f32 $1.442695020e+00, v35;
	v29 =	vmul.f32 $1.000000020e+30, v29  }
0x235: {  	vm15 =	vge.f32 v32, $0.0e+00;
	v52 =	vmul.f32 $1.000000020e+30, v37;
	v46 =	vmul.f32 v31, v54  }
0x236: {  	v58 =	vmul.f32 $1.442695020e+00, v44;
	v29 =	vsub.f32 v33, v29;
	v48 =	vpop (erf);
	(erf) = vpow2.f32 v53  }
0x237: {  	v30 =	vmax.f32 v30, $-1.000000020e+30;
	v56 =	vsub.f32 v59, v52;
	v31 =	vsub.f32 v31, v46  }
0x238: {  	v59 =	vsel vm14, $0x3F800000, v0;
	v45 =	vadd.f32 $0.0e+00, v48;
	v51 =	vpop (erf);
	(erf) = vpow2.f32 v55  }
0x239: {  	v61 =	vmul.f32 $1.442695020e+00, v32;
	v29 =	vmax.f32 v30, v29;
	v37 =	vmul.f32 v31, v59  }
0x23a: {  	v60 =	vmul.f32 $1.000000020e+30, v43;
	v45 =	vadd.f32 v45, v51;
	v57 =	vpop (erf);
	(erf) = vpow2.f32 v58  }
0x23b: {  	v29 =	vmax.f32 v29, v56;
	v43 =	vsel vm15, $0x3F800000, v0;
	v31 =	vsub.f32 v31, v37  }
0x23c: {  	v39 =	vmul.f32 $1.000000020e+30, v34;
	v33 =	vadd.f32 v45, v57;
	v63 =	vpop (erf);
	(erf) = vpow2.f32 v61  }
0x23d: {  	v62 =	vsub.f32 v62, v60;
	v45 =	vmul.f32 $1.000000020e+30, v46;
	v31 =	vmul.f32 v31, v43  }
0x23e: {  	v30 =	vsub.f32 v35, v39;
	v33 =	vadd.f32 v33, v63;
	v46 =	vmul.f32 $1.000000020e+30, v37  }
0x23f: {  	v29 =	vmax.f32 v29, v62;
	v47 =	vpop (erf);
	v34 =	vsub.f32 v40, v45;
	v31 =	vmul.f32 $1.000000020e+30, v31  }
0x240: {  	v29 =	vmax.f32 v29, v30;
	v33 =	vadd.f32 v33, v47;
	v48 =	vsub.f32 v44, v46  }
0x241: {  	v6 =	vadd.f32 $1.000000000e+00, v6;
	v49 =	vpop (erf);
	v2 =	vmax.f32 v29, v34;
	v50 =	vsub.f32 v32, v31  }
0x242: {  	v4 =	vadd.f32 $1.000000000e+00, v4;
	v51 =	vadd.f32 v33, v49;
	v2 =	vmax.f32 v2, v48  }
0x243: {  	[tilespmem:$0x800] =	vst v1;
	v1 =	vmul.f32 v6, v5;
	v55 =	vadd.f32 $1.000000000e+00, v10;
	v52 =	vpop (erf);
	v2 =	vmax.f32 v2, v50  }
0x244: {  	v3 =	vmul.f32 v4, v3;
	v53 =	vadd.f32 v51, v52;
	v2 =	vmul.f32 $1.442695020e+00, v2  }
0x245: {  	[tilespmem:$0x820] =	vst v1;
	v8 =	vadd.f32 $1.000000000e+00, v8;
	v1 =	vmul.f32 v55, v9;
	v56 =	vpop (erf)  }
0x246: {  	[tilespmem:$0x810] =	vst v3;
	v3 =	vadd.f32 v53, v56;
	(erf) = vpow2.f32 v2;
	v2 =	vadd.f32 $1.000000000e+00, v12  }
0x247: {  	v54 =	vmul.f32 v8, v7;
	v57 =	vadd.f32 $1.000000000e+00, v14  }
0x248: {  	[tilespmem:$0x840] =	vst v1;
	(erf) = vrcp.f32 v3;
	v3 =	vadd.f32 $1.000000000e+00, v16;
	v2 =	vmul.f32 v2, v11  }
0x249: {  	v58 =	vadd.f32 $1.000000000e+00, v18;
	[tilespmem:$0x830] =	vst v54;
	v1 =	vmul.f32 v57, v13  }
0x24a: {  	[tilespmem:$0x850] =	vst v2;
	v2 =	vmul.f32 v3, v15;
	v3 =	vadd.f32 $1.000000000e+00, v20  }
0x24b: {  	[tilespmem:$0x860] =	vst v1;
	v1 =	vmul.f32 v58, v17;
	v59 =	vadd.f32 $1.000000000e+00, v22  }
0x24c: {  	[tilespmem:$0x870] =	vst v2;
	v2 =	vmul.f32 v3, v19;
	v3 =	vadd.f32 $1.000000000e+00, v24  }
0x24d: {  	v60 =	vadd.f32 $1.000000000e+00, v26;
	[tilespmem:$0x880] =	vst v1;
	v1 =	vmul.f32 v59, v21  }
0x24e: {  	[tilespmem:$0x890] =	vst v2;
	v2 =	vmul.f32 v3, v23;
	v3 =	vadd.f32 $1.000000000e+00, v28  }
0x24f: {  	v62 =	vadd.f32 $1.000000000e+00, v41;
	[tilespmem:$0x8A0] =	vst v1;
	v1 =	vmul.f32 v60, v25;
	v61 =	vpop (erf)  }
0x250: {  	[tilespmem:$0x8B0] =	vst v2;
	v2 =	vmul.f32 v3, v27;
	v3 =	vadd.f32 $1.000000000e+00, v61  }
0x251: {  	[tilespmem:$0x8C0] =	vst v1;
	v1 =	vmul.f32 v62, v42;
	v63 =	vpop (erf)  }
0x252: {  	[tilespmem:$0x8D0] =	vst v2;
	v2 =	vmul.f32 v3, v63  }
0x253: {  	p0 =	sne.s32 s5, $0x1;
	[tilespmem:$0x8E0] =	vst v1  }
.Ltmp0:
0x254: {  	[tilespmem:$0x8F0] =	vst v2;
	(pc) =	sbr.rel @p0 .LBB2_1-.Ltmp0, $4  }
0x255: {  	[hbm4b:s4+s2] =	stream.linear.scatter [tilespmem:s7], [sflag:$0x1], $0x100, $0x38;
	[tilespmem:$0x900] =	vst v63  }
0x256: {  	_ =	swait.ge [sflag:s6], $0x100  }
0x257: {  	[sflag:s6] =	ssyncset.done $0x0  }
0x258: {  	s5 =	sadd.s32 $0xFFFFFFFF, s5;
	[sflag:s6] =	ssyncadd.s32 $0xFFFFFF00  }
0x259: {  	_ =	sfence.sel $0x180000  }
0x25a: {  	[bflag:$0x0] =	sbarrier.arrive $0xFFFF  }
0x25b: {  	p0 =	sne.s32 s0, $0x0;
	_ =	strace $0x90000047  }
0x25c: {  	s0 =	sadd.s32 @!p0 $0x100000, s1;
	[bflag:$0x2] =	sbarrier.arrive $0xFFFF  }
0x25d: {  	[sflag:s0] =	ssyncadd.tile.s32 @!p0 $0x1;
	_ =	shalt  }
.Lfunc_end2:
_tile_overlayer_lowered:
.L_overlay_start_2:
0x25e: {  	(tag) =	ssettag $0x2  }
0x25f: {  	s0 =	rddreg [dreg:$0x0];
	s2 =	stileid.u32  }
0x260: {  	s1 =	rddreg [dreg:$0x1];
	p0 =	sne.s32 s2, $0x0  }
0x261: {  	s3 =	rddreg [dreg:$0x2];
	[bflag:$0x3] =	sbarrier.arrive $0xFFFF;
	s2 =	simm.s32 @!p0 $0x1C01  }
0x262: {  	[timem:s3], [sflag:s2] =	dma.local @!p0 [hbm:s0], s1  }
0x263: {  	s0 =	simm.s32 @!p0 $0x1  }
0x264: {  	_ =	swait.ge @!p0 [sflag:s0], s1  }
0x265: {  	s1 =	ssub.s32 @!p0 $0x0, s1;
	[sflag:s0] =	ssyncset.done @!p0 $0x0  }
0x266: {  	[sflag:s0] =	ssyncadd.s32 @!p0 s1  }
0x267: {  	[bflag:$0x3] =	sbarrier.arrive $0xFFFF  }
0x268: {  	_ =	shalt  }

</sc_bundles>
